<compile_context>
chip_gen: v7x
topology: tpu7x:2x2x1
jax: 0.10.2.dev20260603
libtpu: 0.0.44.dev20260713+nightly
codegen_flags: <defaults>
</compile_context>

<pallas_src>
import jax
import jax.numpy as jnp
from jax import lax
from jax.experimental import pallas as pl
from jax.experimental.pallas import tpu as pltpu, tpu_sc as plsc

BATCH = 16384
EMBED = 256
CTX = 4
NC = 2
NS = 16
NW = NC * NS
LANES = 16
B_PER_W = BATCH // NW
CHUNK = 16
N_CHUNKS = B_PER_W // CHUNK
NBUF = 4
IDX_W = 128
PID_ROWS = BATCH // IDX_W
CID_ROWS = BATCH * CTX // IDX_W


def _sc_body(para_idx_hbm, ctx_idx_hbm, para_tab_hbm, ctx_tab_hbm, out_hbm,
             pidx_v, cidx_v, cidx2_v, prows_v, crows_v, outbuf_v, accbuf_v,
             sem_p, sem_c):
    wid = lax.axis_index("s") * NC + lax.axis_index("c")

    lane_iota = lax.broadcasted_iota(jnp.int32, (LANES,), 0)

    stage_cps = [pltpu.async_copy(
        para_idx_hbm.at[pl.ds(wid * (B_PER_W // IDX_W), B_PER_W // IDX_W)],
        pidx_v, sem_p.at[0])]
    for k in range(CTX):
        stage_cps.append(pltpu.async_copy(
            ctx_idx_hbm.at[pl.ds(k * (BATCH // IDX_W) + wid * (B_PER_W // IDX_W),
                                 B_PER_W // IDX_W)],
            cidx_v.at[pl.ds(k * (B_PER_W // IDX_W), B_PER_W // IDX_W)],
            sem_c.at[0]))
    for cp in stage_cps:
        cp.wait()

    def perm_body(v, carry):
        i = v * LANES + lane_iota
        k = lax.bitwise_and(i, 3)
        bb = lax.shift_right_logical(i, 2)
        row = lax.shift_left(k, 2) + lax.shift_right_logical(bb, 7)
        col = lax.bitwise_and(bb, 127)
        vals = plsc.load_gather(cidx_v, [row, col])
        cidx2_v[v >> 3, pl.ds((v & 7) * LANES, LANES)] = vals
        return carry

    lax.fori_loop(0, B_PER_W * CTX // LANES, perm_body, 0)

    def issue_gather(c, b):
        pltpu.async_copy(
            para_tab_hbm.at[pidx_v.at[c // (IDX_W // CHUNK),
                                      pl.ds((c % (IDX_W // CHUNK)) * CHUNK, CHUNK)]],
            prows_v.at[b], sem_p.at[b])
        cw = IDX_W // (CHUNK * CTX)
        pltpu.async_copy(
            ctx_tab_hbm.at[cidx2_v.at[c // cw,
                                      pl.ds((c % cw) * CHUNK * CTX, CHUNK * CTX)]],
            crows_v.at[b], sem_c.at[b])

    def wait_gather(b):
        pltpu.make_async_copy(para_tab_hbm.at[pl.ds(0, CHUNK)],
                              prows_v.at[b], sem_p.at[b]).wait()
        pltpu.make_async_copy(ctx_tab_hbm.at[pl.ds(0, CHUNK * CTX)],
                              crows_v.at[b], sem_c.at[b]).wait()

    def compute(c, b):
        def group_body(g, _):
            def row_body(rr, carry):
                r = g * LANES + rr
                acc = jnp.zeros((LANES,), jnp.float32)
                for j in range(EMBED // LANES):
                    sl = pl.ds(j * LANES, LANES)
                    p = prows_v[b, r, sl]
                    s = ((crows_v[b, CTX * r, sl] + crows_v[b, CTX * r + 1, sl])
                         + (crows_v[b, CTX * r + 2, sl]
                            + crows_v[b, CTX * r + 3, sl]))
                    acc = acc + p * s
                accbuf_v[rr, :] = acc
                return carry

            lax.fori_loop(0, LANES, row_body, 0)
            vec = jnp.zeros((LANES,), jnp.float32)
            for k in range(LANES):
                col = jnp.full((LANES,), k, jnp.int32)
                vec = vec + plsc.load_gather(accbuf_v, [lane_iota, col])
            outbuf_v[pl.ds(c * CHUNK + g * LANES, LANES)] = vec * (1.0 / CTX)
            return 0

        lax.fori_loop(0, CHUNK // LANES, group_body, 0)

    for b in range(NBUF):
        issue_gather(b, b)

    n_groups = N_CHUNKS // NBUF
    assert n_groups * NBUF == N_CHUNKS

    def group_loop(p, carry):
        for b in range(NBUF):
            c = p * NBUF + b
            wait_gather(b)
            compute(c, b)
            nxt = c + NBUF
            @pl.when(nxt < N_CHUNKS)
            def _():
                issue_gather(nxt, b)
        return carry

    lax.fori_loop(0, n_groups, group_loop, 0)
    pltpu.sync_copy(outbuf_v, out_hbm.at[pl.ds(wid * B_PER_W, B_PER_W)])


@jax.jit
def _doc2vec_sc(para_idx, ctx_idx, para_tab, ctx_tab):
    mesh = plsc.VectorSubcoreMesh(core_axis_name="c", subcore_axis_name="s")
    f = pl.kernel(
        _sc_body,
        out_type=jax.ShapeDtypeStruct((BATCH,), jnp.float32),
        mesh=mesh,
        compiler_params=pltpu.CompilerParams(needs_layout_passes=False),
        scratch_types=[
            pltpu.VMEM((B_PER_W // IDX_W, IDX_W), jnp.int32),
            pltpu.VMEM((B_PER_W * CTX // IDX_W, IDX_W), jnp.int32),
            pltpu.VMEM((B_PER_W * CTX // IDX_W, IDX_W), jnp.int32),
            pltpu.VMEM((NBUF, CHUNK, EMBED), jnp.float32),
            pltpu.VMEM((NBUF, CHUNK * CTX, EMBED), jnp.float32),
            pltpu.VMEM((B_PER_W,), jnp.float32),
            pltpu.VMEM((LANES, LANES), jnp.float32),
            pltpu.SemaphoreType.DMA((NBUF,)),
            pltpu.SemaphoreType.DMA((NBUF,)),
        ],
    )
    return f(para_idx, ctx_idx, para_tab, ctx_tab)


def kernel(paragraph, context, paragraph_table, context_table):
    para_idx = paragraph.astype(jnp.int32).T.reshape(PID_ROWS, IDX_W)
    ctx_idx = context.astype(jnp.int32).T.reshape(CID_ROWS, IDX_W)
    return _doc2vec_sc(para_idx, ctx_idx, paragraph_table, context_table)

# --- scband reference (transcript-rebuilt; emitter-appended) ---
"""Pipeline reference for scband-doc2-vec-7739531067749 (READ-ONLY COPY).

The authoritative reference and input builder live on the scoring server;
editing this copy changes nothing except your own understanding.
"""

import jax, jax.numpy as jnp
import numpy as np

VOCAB = 1000000
EMBED = 256
BATCH = 16384
CTX = 4  # ngram_size - 1


def setup_inputs(seed: int = 0) -> dict:
    key = jax.random.key(seed)
    k1, k2, k3, k4 = jax.random.split(key, 4)
    paragraph = jax.random.randint(k1, (BATCH, 1), 0, VOCAB, dtype=jnp.int64 if jax.config.jax_enable_x64 else jnp.int32)
    context = jax.random.randint(k2, (BATCH, CTX), 0, VOCAB, dtype=jnp.int64 if jax.config.jax_enable_x64 else jnp.int32)
    paragraph_table = jax.random.normal(k3, (VOCAB, EMBED), dtype=jnp.float32) * 0.05
    context_table = jax.random.normal(k4, (VOCAB, EMBED), dtype=jnp.float32) * 0.05
    return {"paragraph": paragraph, "context": context, "paragraph_table": paragraph_table, "context_table": context_table}


def reference(paragraph, context, paragraph_table, context_table):
    # paragraph_embedding: [B, 1, 256]
    paragraph_embedding = jnp.take(paragraph_table, paragraph, axis=0)
    # context_embedding: [B, CTX, 256]
    context_embedding = jnp.take(context_table, context, axis=0)
    # mean over the context positions -> [B, 256]
    mean_context = jnp.mean(context_embedding, axis=1)
    # tf.squeeze removes the size-1 axis -> [B, 256]
    para_sq = jnp.squeeze(paragraph_embedding, axis=1)
    # elementwise multiply then sum over the embedding dim (dot product) -> [B]
    # (original tf code says axis=2, which is only valid pre-squeeze; the intended
    #  reduction is over the embedding dimension, i.e. the last axis)
    return jnp.sum(para_sq * mean_context, axis=-1)

if __name__ == "__main__":
    import jax
    _d = setup_inputs()
    print(jax.jit(kernel)(*tuple(_d.values())))

</pallas_src>

<mosaic_0001>
#map = affine_map<(d0, d1) -> (0, 0)>
#map1 = affine_map<(d0, d1) -> (0)>
module attributes {stable_mosaic.version = 14 : i64} {
  func.func @_sc_body(%arg0: i32, %arg1: i32, %arg2: memref<128x128xi32, #tpu.memory_space<hbm>>, %arg3: memref<512x128xi32, #tpu.memory_space<hbm>>, %arg4: memref<1000000x256xf32, #tpu.memory_space<hbm>>, %arg5: memref<1000000x256xf32, #tpu.memory_space<hbm>>, %arg6: memref<16384xf32, #tpu.memory_space<hbm>>, %arg7: memref<4x128xi32, #tpu.memory_space<vmem>>, %arg8: memref<16x128xi32, #tpu.memory_space<vmem>>, %arg9: memref<16x128xi32, #tpu.memory_space<vmem>>, %arg10: memref<4x16x256xf32, #tpu.memory_space<vmem>>, %arg11: memref<4x64x256xf32, #tpu.memory_space<vmem>>, %arg12: memref<512xf32, #tpu.memory_space<vmem>>, %arg13: memref<16x16xf32, #tpu.memory_space<vmem>>, %arg14: memref<4x!tpu.dma_semaphore, #tpu.memory_space<semaphore_mem>>, %arg15: memref<4x!tpu.dma_semaphore, #tpu.memory_space<semaphore_mem>>) attributes {dimension_semantics = [#tpu.dimension_semantics<core_parallel>, #tpu.dimension_semantics<subcore_parallel>], iteration_bounds = array<i64: 2, 16>, scalar_prefetch = 0 : i64, scratch_operands = 9 : i64, tpu.core_type = #tpu.core_type<sc_vector_subcore>, window_params = [{transform_indices = #map}, {transform_indices = #map}, {transform_indices = #map}, {transform_indices = #map}, {transform_indices = #map1}]} {
    %mul3A = arith.constant 2 : i32
    %mul3A_0 = arith.muli %arg1, %mul3A : i32
    %add3A = arith.addi %mul3A_0, %arg0 : i32
    %iota3A = tpu.iota {dimensions = array<i32: 0>} : vector<16xi32>
    %mul3A_1 = arith.constant 4 : i32
    %mul3A_2 = arith.muli %add3A, %mul3A_1 : i32
    %dma_start3A = arith.constant 0 : i32
    %dma_start3A_3 = arith.constant 0 : i32
    %dma_start3A_4 = tpu.memref_slice %arg2[%mul3A_2, %dma_start3A_3] : memref<128x128xi32, #tpu.memory_space<hbm>> -> memref<4x128xi32, #tpu.memory_space<hbm>>
    %dma_start3A_5 = tpu.memref_slice %arg14[%dma_start3A] : memref<4x!tpu.dma_semaphore, #tpu.memory_space<semaphore_mem>> -> memref<1x!tpu.dma_semaphore, #tpu.memory_space<semaphore_mem>>
    %dma_start3A_6 = tpu.memref_squeeze %dma_start3A_5 : memref<1x!tpu.dma_semaphore, #tpu.memory_space<semaphore_mem>> -> memref<!tpu.dma_semaphore, #tpu.memory_space<semaphore_mem>>
    %dma_start3A_7 = arith.constant 0 : i32
    %dma_start3A_8 = tpu.memref_slice %arg2[%mul3A_2, %dma_start3A_7] : memref<128x128xi32, #tpu.memory_space<hbm>> -> memref<4x128xi32, #tpu.memory_space<hbm>>
    tpu.enqueue_dma source(%dma_start3A_8 : memref<4x128xi32, #tpu.memory_space<hbm>>) target(%arg7 : memref<4x128xi32, #tpu.memory_space<vmem>>) target_semaphore(%dma_start3A_6 : memref<!tpu.dma_semaphore, #tpu.memory_space<semaphore_mem>>)
    %mul3A_9 = arith.constant 4 : i32
    %mul3A_10 = arith.muli %add3A, %mul3A_9 : i32
    %add3A_11 = arith.constant 0 : i32
    %add3A_12 = arith.addi %add3A_11, %mul3A_10 : i32
    %dma_start3A_13 = arith.constant 0 : i32
    %dma_start3A_14 = arith.constant 0 : i32
    %dma_start3A_15 = arith.constant 0 : i32
    %dma_start3A_16 = tpu.memref_slice %arg8[%dma_start3A_14, %dma_start3A_15] : memref<16x128xi32, #tpu.memory_space<vmem>> -> memref<4x128xi32, #tpu.memory_space<vmem>>
    %dma_start3A_17 = arith.constant 0 : i32
    %dma_start3A_18 = tpu.memref_slice %arg3[%add3A_12, %dma_start3A_17] : memref<512x128xi32, #tpu.memory_space<hbm>> -> memref<4x128xi32, #tpu.memory_space<hbm>>
    %dma_start3A_19 = tpu.memref_slice %arg15[%dma_start3A_13] : memref<4x!tpu.dma_semaphore, #tpu.memory_space<semaphore_mem>> -> memref<1x!tpu.dma_semaphore, #tpu.memory_space<semaphore_mem>>
    %dma_start3A_20 = tpu.memref_squeeze %dma_start3A_19 : memref<1x!tpu.dma_semaphore, #tpu.memory_space<semaphore_mem>> -> memref<!tpu.dma_semaphore, #tpu.memory_space<semaphore_mem>>
    %dma_start3A_21 = arith.constant 0 : i32
    %dma_start3A_22 = arith.constant 0 : i32
    %dma_start3A_23 = tpu.memref_slice %arg8[%dma_start3A_21, %dma_start3A_22] : memref<16x128xi32, #tpu.memory_space<vmem>> -> memref<4x128xi32, #tpu.memory_space<vmem>>
    %dma_start3A_24 = arith.constant 0 : i32
    %dma_start3A_25 = tpu.memref_slice %arg3[%add3A_12, %dma_start3A_24] : memref<512x128xi32, #tpu.memory_space<hbm>> -> memref<4x128xi32, #tpu.memory_space<hbm>>
    tpu.enqueue_dma source(%dma_start3A_25 : memref<4x128xi32, #tpu.memory_space<hbm>>) target(%dma_start3A_23 : memref<4x128xi32, #tpu.memory_space<vmem>>) target_semaphore(%dma_start3A_20 : memref<!tpu.dma_semaphore, #tpu.memory_space<semaphore_mem>>)
    %mul3A_26 = arith.constant 4 : i32
    %mul3A_27 = arith.muli %add3A, %mul3A_26 : i32
    %add3A_28 = arith.constant 128 : i32
    %add3A_29 = arith.addi %add3A_28, %mul3A_27 : i32
    %dma_start3A_30 = arith.constant 0 : i32
    %dma_start3A_31 = arith.constant 4 : i32
    %dma_start3A_32 = arith.constant 0 : i32
    %dma_start3A_33 = tpu.memref_slice %arg8[%dma_start3A_31, %dma_start3A_32] : memref<16x128xi32, #tpu.memory_space<vmem>> -> memref<4x128xi32, #tpu.memory_space<vmem>>
    %dma_start3A_34 = arith.constant 0 : i32
    %dma_start3A_35 = tpu.memref_slice %arg3[%add3A_29, %dma_start3A_34] : memref<512x128xi32, #tpu.memory_space<hbm>> -> memref<4x128xi32, #tpu.memory_space<hbm>>
    %dma_start3A_36 = tpu.memref_slice %arg15[%dma_start3A_30] : memref<4x!tpu.dma_semaphore, #tpu.memory_space<semaphore_mem>> -> memref<1x!tpu.dma_semaphore, #tpu.memory_space<semaphore_mem>>
    %dma_start3A_37 = tpu.memref_squeeze %dma_start3A_36 : memref<1x!tpu.dma_semaphore, #tpu.memory_space<semaphore_mem>> -> memref<!tpu.dma_semaphore, #tpu.memory_space<semaphore_mem>>
    %dma_start3A_38 = arith.constant 4 : i32
    %dma_start3A_39 = arith.constant 0 : i32
    %dma_start3A_40 = tpu.memref_slice %arg8[%dma_start3A_38, %dma_start3A_39] : memref<16x128xi32, #tpu.memory_space<vmem>> -> memref<4x128xi32, #tpu.memory_space<vmem>>
    %dma_start3A_41 = arith.constant 0 : i32
    %dma_start3A_42 = tpu.memref_slice %arg3[%add3A_29, %dma_start3A_41] : memref<512x128xi32, #tpu.memory_space<hbm>> -> memref<4x128xi32, #tpu.memory_space<hbm>>
    tpu.enqueue_dma source(%dma_start3A_42 : memref<4x128xi32, #tpu.memory_space<hbm>>) target(%dma_start3A_40 : memref<4x128xi32, #tpu.memory_space<vmem>>) target_semaphore(%dma_start3A_37 : memref<!tpu.dma_semaphore, #tpu.memory_space<semaphore_mem>>)
    %mul3A_43 = arith.constant 4 : i32
    %mul3A_44 = arith.muli %add3A, %mul3A_43 : i32
    %add3A_45 = arith.constant 256 : i32
    %add3A_46 = arith.addi %add3A_45, %mul3A_44 : i32
    %dma_start3A_47 = arith.constant 0 : i32
    %dma_start3A_48 = arith.constant 8 : i32
    %dma_start3A_49 = arith.constant 0 : i32
    %dma_start3A_50 = tpu.memref_slice %arg8[%dma_start3A_48, %dma_start3A_49] : memref<16x128xi32, #tpu.memory_space<vmem>> -> memref<4x128xi32, #tpu.memory_space<vmem>>
    %dma_start3A_51 = arith.constant 0 : i32
    %dma_start3A_52 = tpu.memref_slice %arg3[%add3A_46, %dma_start3A_51] : memref<512x128xi32, #tpu.memory_space<hbm>> -> memref<4x128xi32, #tpu.memory_space<hbm>>
    %dma_start3A_53 = tpu.memref_slice %arg15[%dma_start3A_47] : memref<4x!tpu.dma_semaphore, #tpu.memory_space<semaphore_mem>> -> memref<1x!tpu.dma_semaphore, #tpu.memory_space<semaphore_mem>>
    %dma_start3A_54 = tpu.memref_squeeze %dma_start3A_53 : memref<1x!tpu.dma_semaphore, #tpu.memory_space<semaphore_mem>> -> memref<!tpu.dma_semaphore, #tpu.memory_space<semaphore_mem>>
    %dma_start3A_55 = arith.constant 8 : i32
    %dma_start3A_56 = arith.constant 0 : i32
    %dma_start3A_57 = tpu.memref_slice %arg8[%dma_start3A_55, %dma_start3A_56] : memref<16x128xi32, #tpu.memory_space<vmem>> -> memref<4x128xi32, #tpu.memory_space<vmem>>
    %dma_start3A_58 = arith.constant 0 : i32
    %dma_start3A_59 = tpu.memref_slice %arg3[%add3A_46, %dma_start3A_58] : memref<512x128xi32, #tpu.memory_space<hbm>> -> memref<4x128xi32, #tpu.memory_space<hbm>>
    tpu.enqueue_dma source(%dma_start3A_59 : memref<4x128xi32, #tpu.memory_space<hbm>>) target(%dma_start3A_57 : memref<4x128xi32, #tpu.memory_space<vmem>>) target_semaphore(%dma_start3A_54 : memref<!tpu.dma_semaphore, #tpu.memory_space<semaphore_mem>>)
    %mul3A_60 = arith.constant 4 : i32
    %mul3A_61 = arith.muli %add3A, %mul3A_60 : i32
    %add3A_62 = arith.constant 384 : i32
    %add3A_63 = arith.addi %add3A_62, %mul3A_61 : i32
    %dma_start3A_64 = arith.constant 0 : i32
    %dma_start3A_65 = arith.constant 12 : i32
    %dma_start3A_66 = arith.constant 0 : i32
    %dma_start3A_67 = tpu.memref_slice %arg8[%dma_start3A_65, %dma_start3A_66] : memref<16x128xi32, #tpu.memory_space<vmem>> -> memref<4x128xi32, #tpu.memory_space<vmem>>
    %dma_start3A_68 = arith.constant 0 : i32
    %dma_start3A_69 = tpu.memref_slice %arg3[%add3A_63, %dma_start3A_68] : memref<512x128xi32, #tpu.memory_space<hbm>> -> memref<4x128xi32, #tpu.memory_space<hbm>>
    %dma_start3A_70 = tpu.memref_slice %arg15[%dma_start3A_64] : memref<4x!tpu.dma_semaphore, #tpu.memory_space<semaphore_mem>> -> memref<1x!tpu.dma_semaphore, #tpu.memory_space<semaphore_mem>>
    %dma_start3A_71 = tpu.memref_squeeze %dma_start3A_70 : memref<1x!tpu.dma_semaphore, #tpu.memory_space<semaphore_mem>> -> memref<!tpu.dma_semaphore, #tpu.memory_space<semaphore_mem>>
    %dma_start3A_72 = arith.constant 12 : i32
    %dma_start3A_73 = arith.constant 0 : i32
    %dma_start3A_74 = tpu.memref_slice %arg8[%dma_start3A_72, %dma_start3A_73] : memref<16x128xi32, #tpu.memory_space<vmem>> -> memref<4x128xi32, #tpu.memory_space<vmem>>
    %dma_start3A_75 = arith.constant 0 : i32
    %dma_start3A_76 = tpu.memref_slice %arg3[%add3A_63, %dma_start3A_75] : memref<512x128xi32, #tpu.memory_space<hbm>> -> memref<4x128xi32, #tpu.memory_space<hbm>>
    tpu.enqueue_dma source(%dma_start3A_76 : memref<4x128xi32, #tpu.memory_space<hbm>>) target(%dma_start3A_74 : memref<4x128xi32, #tpu.memory_space<vmem>>) target_semaphore(%dma_start3A_71 : memref<!tpu.dma_semaphore, #tpu.memory_space<semaphore_mem>>)
    %dma_wait3A = arith.constant 0 : i32
    %dma_wait3A_77 = arith.constant 0 : i32
    %dma_wait3A_78 = tpu.memref_slice %arg2[%mul3A_2, %dma_wait3A_77] : memref<128x128xi32, #tpu.memory_space<hbm>> -> memref<4x128xi32, #tpu.memory_space<hbm>>
    %dma_wait3A_79 = tpu.memref_slice %arg14[%dma_wait3A] : memref<4x!tpu.dma_semaphore, #tpu.memory_space<semaphore_mem>> -> memref<1x!tpu.dma_semaphore, #tpu.memory_space<semaphore_mem>>
    %dma_wait3A_80 = tpu.memref_squeeze %dma_wait3A_79 : memref<1x!tpu.dma_semaphore, #tpu.memory_space<semaphore_mem>> -> memref<!tpu.dma_semaphore, #tpu.memory_space<semaphore_mem>>
    %dma_wait3A_81 = arith.constant 0 : i32
    %dma_wait3A_82 = tpu.memref_slice %arg2[%mul3A_2, %dma_wait3A_81] : memref<128x128xi32, #tpu.memory_space<hbm>> -> memref<4x128xi32, #tpu.memory_space<hbm>>
    tpu.wait_dma2 semaphore(%dma_wait3A_80 : memref<!tpu.dma_semaphore, #tpu.memory_space<semaphore_mem>>) src(%dma_wait3A_82 : memref<4x128xi32, #tpu.memory_space<hbm>>) dst(%arg7 : memref<4x128xi32, #tpu.memory_space<vmem>>)
    %dma_wait3A_83 = arith.constant 0 : i32
    %dma_wait3A_84 = arith.constant 0 : i32
    %dma_wait3A_85 = arith.constant 0 : i32
    %dma_wait3A_86 = tpu.memref_slice %arg8[%dma_wait3A_84, %dma_wait3A_85] : memref<16x128xi32, #tpu.memory_space<vmem>> -> memref<4x128xi32, #tpu.memory_space<vmem>>
    %dma_wait3A_87 = arith.constant 0 : i32
    %dma_wait3A_88 = tpu.memref_slice %arg3[%add3A_12, %dma_wait3A_87] : memref<512x128xi32, #tpu.memory_space<hbm>> -> memref<4x128xi32, #tpu.memory_space<hbm>>
    %dma_wait3A_89 = tpu.memref_slice %arg15[%dma_wait3A_83] : memref<4x!tpu.dma_semaphore, #tpu.memory_space<semaphore_mem>> -> memref<1x!tpu.dma_semaphore, #tpu.memory_space<semaphore_mem>>
    %dma_wait3A_90 = tpu.memref_squeeze %dma_wait3A_89 : memref<1x!tpu.dma_semaphore, #tpu.memory_space<semaphore_mem>> -> memref<!tpu.dma_semaphore, #tpu.memory_space<semaphore_mem>>
    %dma_wait3A_91 = arith.constant 0 : i32
    %dma_wait3A_92 = arith.constant 0 : i32
    %dma_wait3A_93 = tpu.memref_slice %arg8[%dma_wait3A_91, %dma_wait3A_92] : memref<16x128xi32, #tpu.memory_space<vmem>> -> memref<4x128xi32, #tpu.memory_space<vmem>>
    %dma_wait3A_94 = arith.constant 0 : i32
    %dma_wait3A_95 = tpu.memref_slice %arg3[%add3A_12, %dma_wait3A_94] : memref<512x128xi32, #tpu.memory_space<hbm>> -> memref<4x128xi32, #tpu.memory_space<hbm>>
    tpu.wait_dma2 semaphore(%dma_wait3A_90 : memref<!tpu.dma_semaphore, #tpu.memory_space<semaphore_mem>>) src(%dma_wait3A_95 : memref<4x128xi32, #tpu.memory_space<hbm>>) dst(%dma_wait3A_93 : memref<4x128xi32, #tpu.memory_space<vmem>>)
    %dma_wait3A_96 = arith.constant 0 : i32
    %dma_wait3A_97 = arith.constant 4 : i32
    %dma_wait3A_98 = arith.constant 0 : i32
    %dma_wait3A_99 = tpu.memref_slice %arg8[%dma_wait3A_97, %dma_wait3A_98] : memref<16x128xi32, #tpu.memory_space<vmem>> -> memref<4x128xi32, #tpu.memory_space<vmem>>
    %dma_wait3A_100 = arith.constant 0 : i32
    %dma_wait3A_101 = tpu.memref_slice %arg3[%add3A_29, %dma_wait3A_100] : memref<512x128xi32, #tpu.memory_space<hbm>> -> memref<4x128xi32, #tpu.memory_space<hbm>>
    %dma_wait3A_102 = tpu.memref_slice %arg15[%dma_wait3A_96] : memref<4x!tpu.dma_semaphore, #tpu.memory_space<semaphore_mem>> -> memref<1x!tpu.dma_semaphore, #tpu.memory_space<semaphore_mem>>
    %dma_wait3A_103 = tpu.memref_squeeze %dma_wait3A_102 : memref<1x!tpu.dma_semaphore, #tpu.memory_space<semaphore_mem>> -> memref<!tpu.dma_semaphore, #tpu.memory_space<semaphore_mem>>
    %dma_wait3A_104 = arith.constant 4 : i32
    %dma_wait3A_105 = arith.constant 0 : i32
    %dma_wait3A_106 = tpu.memref_slice %arg8[%dma_wait3A_104, %dma_wait3A_105] : memref<16x128xi32, #tpu.memory_space<vmem>> -> memref<4x128xi32, #tpu.memory_space<vmem>>
    %dma_wait3A_107 = arith.constant 0 : i32
    %dma_wait3A_108 = tpu.memref_slice %arg3[%add3A_29, %dma_wait3A_107] : memref<512x128xi32, #tpu.memory_space<hbm>> -> memref<4x128xi32, #tpu.memory_space<hbm>>
    tpu.wait_dma2 semaphore(%dma_wait3A_103 : memref<!tpu.dma_semaphore, #tpu.memory_space<semaphore_mem>>) src(%dma_wait3A_108 : memref<4x128xi32, #tpu.memory_space<hbm>>) dst(%dma_wait3A_106 : memref<4x128xi32, #tpu.memory_space<vmem>>)
    %dma_wait3A_109 = arith.constant 0 : i32
    %dma_wait3A_110 = arith.constant 8 : i32
    %dma_wait3A_111 = arith.constant 0 : i32
    %dma_wait3A_112 = tpu.memref_slice %arg8[%dma_wait3A_110, %dma_wait3A_111] : memref<16x128xi32, #tpu.memory_space<vmem>> -> memref<4x128xi32, #tpu.memory_space<vmem>>
    %dma_wait3A_113 = arith.constant 0 : i32
    %dma_wait3A_114 = tpu.memref_slice %arg3[%add3A_46, %dma_wait3A_113] : memref<512x128xi32, #tpu.memory_space<hbm>> -> memref<4x128xi32, #tpu.memory_space<hbm>>
    %dma_wait3A_115 = tpu.memref_slice %arg15[%dma_wait3A_109] : memref<4x!tpu.dma_semaphore, #tpu.memory_space<semaphore_mem>> -> memref<1x!tpu.dma_semaphore, #tpu.memory_space<semaphore_mem>>
    %dma_wait3A_116 = tpu.memref_squeeze %dma_wait3A_115 : memref<1x!tpu.dma_semaphore, #tpu.memory_space<semaphore_mem>> -> memref<!tpu.dma_semaphore, #tpu.memory_space<semaphore_mem>>
    %dma_wait3A_117 = arith.constant 8 : i32
    %dma_wait3A_118 = arith.constant 0 : i32
    %dma_wait3A_119 = tpu.memref_slice %arg8[%dma_wait3A_117, %dma_wait3A_118] : memref<16x128xi32, #tpu.memory_space<vmem>> -> memref<4x128xi32, #tpu.memory_space<vmem>>
    %dma_wait3A_120 = arith.constant 0 : i32
    %dma_wait3A_121 = tpu.memref_slice %arg3[%add3A_46, %dma_wait3A_120] : memref<512x128xi32, #tpu.memory_space<hbm>> -> memref<4x128xi32, #tpu.memory_space<hbm>>
    tpu.wait_dma2 semaphore(%dma_wait3A_116 : memref<!tpu.dma_semaphore, #tpu.memory_space<semaphore_mem>>) src(%dma_wait3A_121 : memref<4x128xi32, #tpu.memory_space<hbm>>) dst(%dma_wait3A_119 : memref<4x128xi32, #tpu.memory_space<vmem>>)
    %dma_wait3A_122 = arith.constant 0 : i32
    %dma_wait3A_123 = arith.constant 12 : i32
    %dma_wait3A_124 = arith.constant 0 : i32
    %dma_wait3A_125 = tpu.memref_slice %arg8[%dma_wait3A_123, %dma_wait3A_124] : memref<16x128xi32, #tpu.memory_space<vmem>> -> memref<4x128xi32, #tpu.memory_space<vmem>>
    %dma_wait3A_126 = arith.constant 0 : i32
    %dma_wait3A_127 = tpu.memref_slice %arg3[%add3A_63, %dma_wait3A_126] : memref<512x128xi32, #tpu.memory_space<hbm>> -> memref<4x128xi32, #tpu.memory_space<hbm>>
    %dma_wait3A_128 = tpu.memref_slice %arg15[%dma_wait3A_122] : memref<4x!tpu.dma_semaphore, #tpu.memory_space<semaphore_mem>> -> memref<1x!tpu.dma_semaphore, #tpu.memory_space<semaphore_mem>>
    %dma_wait3A_129 = tpu.memref_squeeze %dma_wait3A_128 : memref<1x!tpu.dma_semaphore, #tpu.memory_space<semaphore_mem>> -> memref<!tpu.dma_semaphore, #tpu.memory_space<semaphore_mem>>
    %dma_wait3A_130 = arith.constant 12 : i32
    %dma_wait3A_131 = arith.constant 0 : i32
    %dma_wait3A_132 = tpu.memref_slice %arg8[%dma_wait3A_130, %dma_wait3A_131] : memref<16x128xi32, #tpu.memory_space<vmem>> -> memref<4x128xi32, #tpu.memory_space<vmem>>
    %dma_wait3A_133 = arith.constant 0 : i32
    %dma_wait3A_134 = tpu.memref_slice %arg3[%add3A_63, %dma_wait3A_133] : memref<512x128xi32, #tpu.memory_space<hbm>> -> memref<4x128xi32, #tpu.memory_space<hbm>>
    tpu.wait_dma2 semaphore(%dma_wait3A_129 : memref<!tpu.dma_semaphore, #tpu.memory_space<semaphore_mem>>) src(%dma_wait3A_134 : memref<4x128xi32, #tpu.memory_space<hbm>>) dst(%dma_wait3A_132 : memref<4x128xi32, #tpu.memory_space<vmem>>)
    %scan3A = arith.constant 0 : i32
    %scan3A_135 = arith.constant 0 : i32
    %scan3A_136 = arith.constant 128 : i32
    %scan3A_137 = arith.addi %scan3A_135, %scan3A_136 : i32
    %scan3A_138 = arith.constant 1 : i32
    scf.for %scan3A_268 = %scan3A_135 to %scan3A_137 step %scan3A_138  : i32 {
      %mul3A_269 = arith.constant 16 : i32
      %mul3A_270 = arith.muli %scan3A_268, %mul3A_269 : i32
      %add3A_271 = vector.broadcast %mul3A_270 : i32 to vector<16xi32>
      %add3A_272 = arith.addi %add3A_271, %iota3A : vector<16xi32>
      %and3A = arith.constant 3 : i32
      %and3A_273 = vector.broadcast %and3A : i32 to vector<16xi32>
      %and3A_274 = arith.andi %add3A_272, %and3A_273 : vector<16xi32>
      %shift_right_logical3A = arith.constant 2 : i32
      %shift_right_logical3A_275 = vector.broadcast %shift_right_logical3A : i32 to vector<16xi32>
      %shift_right_logical3A_276 = arith.shrui %add3A_272, %shift_right_logical3A_275 : vector<16xi32>
      %shift_left3A = arith.constant 2 : i32
      %shift_left3A_277 = vector.broadcast %shift_left3A : i32 to vector<16xi32>
      %shift_left3A_278 = arith.shli %and3A_274, %shift_left3A_277 : vector<16xi32>
      %shift_right_logical3A_279 = arith.constant 7 : i32
      %shift_right_logical3A_280 = vector.broadcast %shift_right_logical3A_279 : i32 to vector<16xi32>
      %shift_right_logical3A_281 = arith.shrui %shift_right_logical3A_276, %shift_right_logical3A_280 : vector<16xi32>
      %add3A_282 = arith.addi %shift_left3A_278, %shift_right_logical3A_281 : vector<16xi32>
      %and3A_283 = arith.constant 127 : i32
      %and3A_284 = vector.broadcast %and3A_283 : i32 to vector<16xi32>
      %and3A_285 = arith.andi %shift_right_logical3A_276, %and3A_284 : vector<16xi32>
      %gather3A = tpu.vector_load_idx %arg8[%add3A_282, %and3A_285] : memref<16x128xi32, #tpu.memory_space<vmem>>[vector<16xi32>, vector<16xi32>], vector<16xi32>,
      %shift_right_arithmetic3A = arith.constant 3 : i32
      %shift_right_arithmetic3A_286 = arith.shrsi %scan3A_268, %shift_right_arithmetic3A : i32
      %and3A_287 = arith.constant 7 : i32
      %and3A_288 = arith.andi %scan3A_268, %and3A_287 : i32
      %mul3A_289 = arith.constant 16 : i32
      %mul3A_290 = arith.muli %and3A_288, %mul3A_289 : i32
      %swap3A = arith.index_cast %shift_right_arithmetic3A_286 : i32 to index
      %swap3A_291 = arith.index_cast %mul3A_290 : i32 to index
      %swap3A_292 = tpu.vector_load %arg9[%swap3A, %swap3A_291] {strides = array<i32>} : memref<16x128xi32, #tpu.memory_space<vmem>>, vector<16xi32>,
      tpu.vector_store %arg9[%swap3A, %swap3A_291], %gather3A {strides = array<i32>} : memref<16x128xi32, #tpu.memory_space<vmem>>, vector<16xi32>,
    }
    %scan3A_139 = arith.constant 128 : i32
    %dma_start3A_140 = arith.constant 0 : i32
    %dma_start3A_141 = arith.constant 0 : i32
    %dma_start3A_142 = arith.constant 0 : i32
    %dma_start3A_143 = arith.constant 0 : i32
    %dma_start3A_144 = arith.constant 0 : i32
    %dma_start3A_145 = tpu.memref_slice %arg10[%dma_start3A_141, %dma_start3A_143, %dma_start3A_144] : memref<4x16x256xf32, #tpu.memory_space<vmem>> -> memref<1x16x256xf32, #tpu.memory_space<vmem>>
    %dma_start3A_146 = tpu.memref_squeeze %dma_start3A_145 : memref<1x16x256xf32, #tpu.memory_space<vmem>> -> memref<16x256xf32, #tpu.memory_space<vmem>>
    %dma_start3A_147 = arith.constant 0 : i32
    %dma_start3A_148 = tpu.memref_slice %arg7[%dma_start3A_140, %dma_start3A_147] : memref<4x128xi32, #tpu.memory_space<vmem>> -> memref<1x16xi32, #tpu.memory_space<vmem>>
    %dma_start3A_149 = tpu.memref_squeeze %dma_start3A_148 : memref<1x16xi32, #tpu.memory_space<vmem>> -> memref<16xi32, #tpu.memory_space<vmem>>
    %dma_start3A_150 = arith.constant 0 : i32
    %dma_start3A_151 = arith.constant 0 : i32
    %dma_start3A_152 = tpu.memref_slice %arg4[%dma_start3A_150, %dma_start3A_151] : memref<1000000x256xf32, #tpu.memory_space<hbm>> -> memref<1000000x256xf32, #tpu.memory_space<hbm>>
    %dma_start3A_153 = tpu.memref_slice %arg14[%dma_start3A_142] : memref<4x!tpu.dma_semaphore, #tpu.memory_space<semaphore_mem>> -> memref<1x!tpu.dma_semaphore, #tpu.memory_space<semaphore_mem>>
    %dma_start3A_154 = tpu.memref_squeeze %dma_start3A_153 : memref<1x!tpu.dma_semaphore, #tpu.memory_space<semaphore_mem>> -> memref<!tpu.dma_semaphore, #tpu.memory_space<semaphore_mem>>
    tpu.enqueue_indirect_dma source(%dma_start3A_152 : memref<1000000x256xf32, #tpu.memory_space<hbm>>) target(%dma_start3A_146 : memref<16x256xf32, #tpu.memory_space<vmem>>) offsets(%dma_start3A_149 : memref<16xi32, #tpu.memory_space<vmem>>) semaphore(%dma_start3A_154 : memref<!tpu.dma_semaphore, #tpu.memory_space<semaphore_mem>>)
    %dma_start3A_155 = arith.constant 0 : i32
    %dma_start3A_156 = arith.constant 0 : i32
    %dma_start3A_157 = arith.constant 0 : i32
    %dma_start3A_158 = arith.constant 0 : i32
    %dma_start3A_159 = arith.constant 0 : i32
    %dma_start3A_160 = tpu.memref_slice %arg11[%dma_start3A_156, %dma_start3A_158, %dma_start3A_159] : memref<4x64x256xf32, #tpu.memory_space<vmem>> -> memref<1x64x256xf32, #tpu.memory_space<vmem>>
    %dma_start3A_161 = tpu.memref_squeeze %dma_start3A_160 : memref<1x64x256xf32, #tpu.memory_space<vmem>> -> memref<64x256xf32, #tpu.memory_space<vmem>>
    %dma_start3A_162 = arith.constant 0 : i32
    %dma_start3A_163 = tpu.memref_slice %arg9[%dma_start3A_155, %dma_start3A_162] : memref<16x128xi32, #tpu.memory_space<vmem>> -> memref<1x64xi32, #tpu.memory_space<vmem>>
    %dma_start3A_164 = tpu.memref_squeeze %dma_start3A_163 : memref<1x64xi32, #tpu.memory_space<vmem>> -> memref<64xi32, #tpu.memory_space<vmem>>
    %dma_start3A_165 = arith.constant 0 : i32
    %dma_start3A_166 = arith.constant 0 : i32
    %dma_start3A_167 = tpu.memref_slice %arg5[%dma_start3A_165, %dma_start3A_166] : memref<1000000x256xf32, #tpu.memory_space<hbm>> -> memref<1000000x256xf32, #tpu.memory_space<hbm>>
    %dma_start3A_168 = tpu.memref_slice %arg15[%dma_start3A_157] : memref<4x!tpu.dma_semaphore, #tpu.memory_space<semaphore_mem>> -> memref<1x!tpu.dma_semaphore, #tpu.memory_space<semaphore_mem>>
    %dma_start3A_169 = tpu.memref_squeeze %dma_start3A_168 : memref<1x!tpu.dma_semaphore, #tpu.memory_space<semaphore_mem>> -> memref<!tpu.dma_semaphore, #tpu.memory_space<semaphore_mem>>
    tpu.enqueue_indirect_dma source(%dma_start3A_167 : memref<1000000x256xf32, #tpu.memory_space<hbm>>) target(%dma_start3A_161 : memref<64x256xf32, #tpu.memory_space<vmem>>) offsets(%dma_start3A_164 : memref<64xi32, #tpu.memory_space<vmem>>) semaphore(%dma_start3A_169 : memref<!tpu.dma_semaphore, #tpu.memory_space<semaphore_mem>>)
    %dma_start3A_170 = arith.constant 0 : i32
    %dma_start3A_171 = arith.constant 1 : i32
    %dma_start3A_172 = arith.constant 1 : i32
    %dma_start3A_173 = arith.constant 0 : i32
    %dma_start3A_174 = arith.constant 0 : i32
    %dma_start3A_175 = tpu.memref_slice %arg10[%dma_start3A_171, %dma_start3A_173, %dma_start3A_174] : memref<4x16x256xf32, #tpu.memory_space<vmem>> -> memref<1x16x256xf32, #tpu.memory_space<vmem>>
    %dma_start3A_176 = tpu.memref_squeeze %dma_start3A_175 : memref<1x16x256xf32, #tpu.memory_space<vmem>> -> memref<16x256xf32, #tpu.memory_space<vmem>>
    %dma_start3A_177 = arith.constant 16 : i32
    %dma_start3A_178 = tpu.memref_slice %arg7[%dma_start3A_170, %dma_start3A_177] : memref<4x128xi32, #tpu.memory_space<vmem>> -> memref<1x16xi32, #tpu.memory_space<vmem>>
    %dma_start3A_179 = tpu.memref_squeeze %dma_start3A_178 : memref<1x16xi32, #tpu.memory_space<vmem>> -> memref<16xi32, #tpu.memory_space<vmem>>
    %dma_start3A_180 = arith.constant 0 : i32
    %dma_start3A_181 = arith.constant 0 : i32
    %dma_start3A_182 = tpu.memref_slice %arg4[%dma_start3A_180, %dma_start3A_181] : memref<1000000x256xf32, #tpu.memory_space<hbm>> -> memref<1000000x256xf32, #tpu.memory_space<hbm>>
    %dma_start3A_183 = tpu.memref_slice %arg14[%dma_start3A_172] : memref<4x!tpu.dma_semaphore, #tpu.memory_space<semaphore_mem>> -> memref<1x!tpu.dma_semaphore, #tpu.memory_space<semaphore_mem>>
    %dma_start3A_184 = tpu.memref_squeeze %dma_start3A_183 : memref<1x!tpu.dma_semaphore, #tpu.memory_space<semaphore_mem>> -> memref<!tpu.dma_semaphore, #tpu.memory_space<semaphore_mem>>
    tpu.enqueue_indirect_dma source(%dma_start3A_182 : memref<1000000x256xf32, #tpu.memory_space<hbm>>) target(%dma_start3A_176 : memref<16x256xf32, #tpu.memory_space<vmem>>) offsets(%dma_start3A_179 : memref<16xi32, #tpu.memory_space<vmem>>) semaphore(%dma_start3A_184 : memref<!tpu.dma_semaphore, #tpu.memory_space<semaphore_mem>>)
    %dma_start3A_185 = arith.constant 0 : i32
    %dma_start3A_186 = arith.constant 1 : i32
    %dma_start3A_187 = arith.constant 1 : i32
    %dma_start3A_188 = arith.constant 0 : i32
    %dma_start3A_189 = arith.constant 0 : i32
    %dma_start3A_190 = tpu.memref_slice %arg11[%dma_start3A_186, %dma_start3A_188, %dma_start3A_189] : memref<4x64x256xf32, #tpu.memory_space<vmem>> -> memref<1x64x256xf32, #tpu.memory_space<vmem>>
    %dma_start3A_191 = tpu.memref_squeeze %dma_start3A_190 : memref<1x64x256xf32, #tpu.memory_space<vmem>> -> memref<64x256xf32, #tpu.memory_space<vmem>>
    %dma_start3A_192 = arith.constant 64 : i32
    %dma_start3A_193 = tpu.memref_slice %arg9[%dma_start3A_185, %dma_start3A_192] : memref<16x128xi32, #tpu.memory_space<vmem>> -> memref<1x64xi32, #tpu.memory_space<vmem>>
    %dma_start3A_194 = tpu.memref_squeeze %dma_start3A_193 : memref<1x64xi32, #tpu.memory_space<vmem>> -> memref<64xi32, #tpu.memory_space<vmem>>
    %dma_start3A_195 = arith.constant 0 : i32
    %dma_start3A_196 = arith.constant 0 : i32
    %dma_start3A_197 = tpu.memref_slice %arg5[%dma_start3A_195, %dma_start3A_196] : memref<1000000x256xf32, #tpu.memory_space<hbm>> -> memref<1000000x256xf32, #tpu.memory_space<hbm>>
    %dma_start3A_198 = tpu.memref_slice %arg15[%dma_start3A_187] : memref<4x!tpu.dma_semaphore, #tpu.memory_space<semaphore_mem>> -> memref<1x!tpu.dma_semaphore, #tpu.memory_space<semaphore_mem>>
    %dma_start3A_199 = tpu.memref_squeeze %dma_start3A_198 : memref<1x!tpu.dma_semaphore, #tpu.memory_space<semaphore_mem>> -> memref<!tpu.dma_semaphore, #tpu.memory_space<semaphore_mem>>
    tpu.enqueue_indirect_dma source(%dma_start3A_197 : memref<1000000x256xf32, #tpu.memory_space<hbm>>) target(%dma_start3A_191 : memref<64x256xf32, #tpu.memory_space<vmem>>) offsets(%dma_start3A_194 : memref<64xi32, #tpu.memory_space<vmem>>) semaphore(%dma_start3A_199 : memref<!tpu.dma_semaphore, #tpu.memory_space<semaphore_mem>>)
    %dma_start3A_200 = arith.constant 0 : i32
    %dma_start3A_201 = arith.constant 2 : i32
    %dma_start3A_202 = arith.constant 2 : i32
    %dma_start3A_203 = arith.constant 0 : i32
    %dma_start3A_204 = arith.constant 0 : i32
    %dma_start3A_205 = tpu.memref_slice %arg10[%dma_start3A_201, %dma_start3A_203, %dma_start3A_204] : memref<4x16x256xf32, #tpu.memory_space<vmem>> -> memref<1x16x256xf32, #tpu.memory_space<vmem>>
    %dma_start3A_206 = tpu.memref_squeeze %dma_start3A_205 : memref<1x16x256xf32, #tpu.memory_space<vmem>> -> memref<16x256xf32, #tpu.memory_space<vmem>>
    %dma_start3A_207 = arith.constant 32 : i32
    %dma_start3A_208 = tpu.memref_slice %arg7[%dma_start3A_200, %dma_start3A_207] : memref<4x128xi32, #tpu.memory_space<vmem>> -> memref<1x16xi32, #tpu.memory_space<vmem>>
    %dma_start3A_209 = tpu.memref_squeeze %dma_start3A_208 : memref<1x16xi32, #tpu.memory_space<vmem>> -> memref<16xi32, #tpu.memory_space<vmem>>
    %dma_start3A_210 = arith.constant 0 : i32
    %dma_start3A_211 = arith.constant 0 : i32
    %dma_start3A_212 = tpu.memref_slice %arg4[%dma_start3A_210, %dma_start3A_211] : memref<1000000x256xf32, #tpu.memory_space<hbm>> -> memref<1000000x256xf32, #tpu.memory_space<hbm>>
    %dma_start3A_213 = tpu.memref_slice %arg14[%dma_start3A_202] : memref<4x!tpu.dma_semaphore, #tpu.memory_space<semaphore_mem>> -> memref<1x!tpu.dma_semaphore, #tpu.memory_space<semaphore_mem>>
    %dma_start3A_214 = tpu.memref_squeeze %dma_start3A_213 : memref<1x!tpu.dma_semaphore, #tpu.memory_space<semaphore_mem>> -> memref<!tpu.dma_semaphore, #tpu.memory_space<semaphore_mem>>
    tpu.enqueue_indirect_dma source(%dma_start3A_212 : memref<1000000x256xf32, #tpu.memory_space<hbm>>) target(%dma_start3A_206 : memref<16x256xf32, #tpu.memory_space<vmem>>) offsets(%dma_start3A_209 : memref<16xi32, #tpu.memory_space<vmem>>) semaphore(%dma_start3A_214 : memref<!tpu.dma_semaphore, #tpu.memory_space<semaphore_mem>>)
    %dma_start3A_215 = arith.constant 1 : i32
    %dma_start3A_216 = arith.constant 2 : i32
    %dma_start3A_217 = arith.constant 2 : i32
    %dma_start3A_218 = arith.constant 0 : i32
    %dma_start3A_219 = arith.constant 0 : i32
    %dma_start3A_220 = tpu.memref_slice %arg11[%dma_start3A_216, %dma_start3A_218, %dma_start3A_219] : memref<4x64x256xf32, #tpu.memory_space<vmem>> -> memref<1x64x256xf32, #tpu.memory_space<vmem>>
    %dma_start3A_221 = tpu.memref_squeeze %dma_start3A_220 : memref<1x64x256xf32, #tpu.memory_space<vmem>> -> memref<64x256xf32, #tpu.memory_space<vmem>>
    %dma_start3A_222 = arith.constant 0 : i32
    %dma_start3A_223 = tpu.memref_slice %arg9[%dma_start3A_215, %dma_start3A_222] : memref<16x128xi32, #tpu.memory_space<vmem>> -> memref<1x64xi32, #tpu.memory_space<vmem>>
    %dma_start3A_224 = tpu.memref_squeeze %dma_start3A_223 : memref<1x64xi32, #tpu.memory_space<vmem>> -> memref<64xi32, #tpu.memory_space<vmem>>
    %dma_start3A_225 = arith.constant 0 : i32
    %dma_start3A_226 = arith.constant 0 : i32
    %dma_start3A_227 = tpu.memref_slice %arg5[%dma_start3A_225, %dma_start3A_226] : memref<1000000x256xf32, #tpu.memory_space<hbm>> -> memref<1000000x256xf32, #tpu.memory_space<hbm>>
    %dma_start3A_228 = tpu.memref_slice %arg15[%dma_start3A_217] : memref<4x!tpu.dma_semaphore, #tpu.memory_space<semaphore_mem>> -> memref<1x!tpu.dma_semaphore, #tpu.memory_space<semaphore_mem>>
    %dma_start3A_229 = tpu.memref_squeeze %dma_start3A_228 : memref<1x!tpu.dma_semaphore, #tpu.memory_space<semaphore_mem>> -> memref<!tpu.dma_semaphore, #tpu.memory_space<semaphore_mem>>
    tpu.enqueue_indirect_dma source(%dma_start3A_227 : memref<1000000x256xf32, #tpu.memory_space<hbm>>) target(%dma_start3A_221 : memref<64x256xf32, #tpu.memory_space<vmem>>) offsets(%dma_start3A_224 : memref<64xi32, #tpu.memory_space<vmem>>) semaphore(%dma_start3A_229 : memref<!tpu.dma_semaphore, #tpu.memory_space<semaphore_mem>>)
    %dma_start3A_230 = arith.constant 0 : i32
    %dma_start3A_231 = arith.constant 3 : i32
    %dma_start3A_232 = arith.constant 3 : i32
    %dma_start3A_233 = arith.constant 0 : i32
    %dma_start3A_234 = arith.constant 0 : i32
    %dma_start3A_235 = tpu.memref_slice %arg10[%dma_start3A_231, %dma_start3A_233, %dma_start3A_234] : memref<4x16x256xf32, #tpu.memory_space<vmem>> -> memref<1x16x256xf32, #tpu.memory_space<vmem>>
    %dma_start3A_236 = tpu.memref_squeeze %dma_start3A_235 : memref<1x16x256xf32, #tpu.memory_space<vmem>> -> memref<16x256xf32, #tpu.memory_space<vmem>>
    %dma_start3A_237 = arith.constant 48 : i32
    %dma_start3A_238 = tpu.memref_slice %arg7[%dma_start3A_230, %dma_start3A_237] : memref<4x128xi32, #tpu.memory_space<vmem>> -> memref<1x16xi32, #tpu.memory_space<vmem>>
    %dma_start3A_239 = tpu.memref_squeeze %dma_start3A_238 : memref<1x16xi32, #tpu.memory_space<vmem>> -> memref<16xi32, #tpu.memory_space<vmem>>
    %dma_start3A_240 = arith.constant 0 : i32
    %dma_start3A_241 = arith.constant 0 : i32
    %dma_start3A_242 = tpu.memref_slice %arg4[%dma_start3A_240, %dma_start3A_241] : memref<1000000x256xf32, #tpu.memory_space<hbm>> -> memref<1000000x256xf32, #tpu.memory_space<hbm>>
    %dma_start3A_243 = tpu.memref_slice %arg14[%dma_start3A_232] : memref<4x!tpu.dma_semaphore, #tpu.memory_space<semaphore_mem>> -> memref<1x!tpu.dma_semaphore, #tpu.memory_space<semaphore_mem>>
    %dma_start3A_244 = tpu.memref_squeeze %dma_start3A_243 : memref<1x!tpu.dma_semaphore, #tpu.memory_space<semaphore_mem>> -> memref<!tpu.dma_semaphore, #tpu.memory_space<semaphore_mem>>
    tpu.enqueue_indirect_dma source(%dma_start3A_242 : memref<1000000x256xf32, #tpu.memory_space<hbm>>) target(%dma_start3A_236 : memref<16x256xf32, #tpu.memory_space<vmem>>) offsets(%dma_start3A_239 : memref<16xi32, #tpu.memory_space<vmem>>) semaphore(%dma_start3A_244 : memref<!tpu.dma_semaphore, #tpu.memory_space<semaphore_mem>>)
    %dma_start3A_245 = arith.constant 1 : i32
    %dma_start3A_246 = arith.constant 3 : i32
    %dma_start3A_247 = arith.constant 3 : i32
    %dma_start3A_248 = arith.constant 0 : i32
    %dma_start3A_249 = arith.constant 0 : i32
    %dma_start3A_250 = tpu.memref_slice %arg11[%dma_start3A_246, %dma_start3A_248, %dma_start3A_249] : memref<4x64x256xf32, #tpu.memory_space<vmem>> -> memref<1x64x256xf32, #tpu.memory_space<vmem>>
    %dma_start3A_251 = tpu.memref_squeeze %dma_start3A_250 : memref<1x64x256xf32, #tpu.memory_space<vmem>> -> memref<64x256xf32, #tpu.memory_space<vmem>>
    %dma_start3A_252 = arith.constant 64 : i32
    %dma_start3A_253 = tpu.memref_slice %arg9[%dma_start3A_245, %dma_start3A_252] : memref<16x128xi32, #tpu.memory_space<vmem>> -> memref<1x64xi32, #tpu.memory_space<vmem>>
    %dma_start3A_254 = tpu.memref_squeeze %dma_start3A_253 : memref<1x64xi32, #tpu.memory_space<vmem>> -> memref<64xi32, #tpu.memory_space<vmem>>
    %dma_start3A_255 = arith.constant 0 : i32
    %dma_start3A_256 = arith.constant 0 : i32
    %dma_start3A_257 = tpu.memref_slice %arg5[%dma_start3A_255, %dma_start3A_256] : memref<1000000x256xf32, #tpu.memory_space<hbm>> -> memref<1000000x256xf32, #tpu.memory_space<hbm>>
    %dma_start3A_258 = tpu.memref_slice %arg15[%dma_start3A_247] : memref<4x!tpu.dma_semaphore, #tpu.memory_space<semaphore_mem>> -> memref<1x!tpu.dma_semaphore, #tpu.memory_space<semaphore_mem>>
    %dma_start3A_259 = tpu.memref_squeeze %dma_start3A_258 : memref<1x!tpu.dma_semaphore, #tpu.memory_space<semaphore_mem>> -> memref<!tpu.dma_semaphore, #tpu.memory_space<semaphore_mem>>
    tpu.enqueue_indirect_dma source(%dma_start3A_257 : memref<1000000x256xf32, #tpu.memory_space<hbm>>) target(%dma_start3A_251 : memref<64x256xf32, #tpu.memory_space<vmem>>) offsets(%dma_start3A_254 : memref<64xi32, #tpu.memory_space<vmem>>) semaphore(%dma_start3A_259 : memref<!tpu.dma_semaphore, #tpu.memory_space<semaphore_mem>>)
    %scan3A_260 = arith.constant 0 : i32
    %scan3A_261 = arith.constant 0 : i32
    %scan3A_262 = arith.constant 8 : i32
    %scan3A_263 = arith.addi %scan3A_261, %scan3A_262 : i32
    %scan3A_264 = arith.constant 1 : i32
    scf.for %scan3A_268 = %scan3A_261 to %scan3A_263 step %scan3A_264  : i32 {
      %mul3A_269 = arith.constant 4 : i32
      %mul3A_270 = arith.muli %scan3A_268, %mul3A_269 : i32
      %add3A_271 = arith.constant 0 : i32
      %add3A_272 = arith.addi %mul3A_270, %add3A_271 : i32
      %dma_wait3A_273 = arith.constant 0 : i32
      %dma_wait3A_274 = arith.constant 0 : i32
      %dma_wait3A_275 = arith.constant 0 : i32
      %dma_wait3A_276 = arith.constant 0 : i32
      %dma_wait3A_277 = tpu.memref_slice %arg10[%dma_wait3A_273, %dma_wait3A_275, %dma_wait3A_276] : memref<4x16x256xf32, #tpu.memory_space<vmem>> -> memref<1x16x256xf32, #tpu.memory_space<vmem>>
      %dma_wait3A_278 = tpu.memref_squeeze %dma_wait3A_277 : memref<1x16x256xf32, #tpu.memory_space<vmem>> -> memref<16x256xf32, #tpu.memory_space<vmem>>
      %dma_wait3A_279 = arith.constant 0 : i32
      %dma_wait3A_280 = arith.constant 0 : i32
      %dma_wait3A_281 = tpu.memref_slice %arg4[%dma_wait3A_279, %dma_wait3A_280] : memref<1000000x256xf32, #tpu.memory_space<hbm>> -> memref<16x256xf32, #tpu.memory_space<hbm>>
      %dma_wait3A_282 = tpu.memref_slice %arg14[%dma_wait3A_274] : memref<4x!tpu.dma_semaphore, #tpu.memory_space<semaphore_mem>> -> memref<1x!tpu.dma_semaphore, #tpu.memory_space<semaphore_mem>>
      %dma_wait3A_283 = tpu.memref_squeeze %dma_wait3A_282 : memref<1x!tpu.dma_semaphore, #tpu.memory_space<semaphore_mem>> -> memref<!tpu.dma_semaphore, #tpu.memory_space<semaphore_mem>>
      %dma_wait3A_284 = arith.constant 0 : i32
      %dma_wait3A_285 = arith.constant 0 : i32
      %dma_wait3A_286 = tpu.memref_slice %arg10[%dma_wait3A_273, %dma_wait3A_284, %dma_wait3A_285] : memref<4x16x256xf32, #tpu.memory_space<vmem>> -> memref<1x16x256xf32, #tpu.memory_space<vmem>>
      %dma_wait3A_287 = tpu.memref_squeeze %dma_wait3A_286 : memref<1x16x256xf32, #tpu.memory_space<vmem>> -> memref<16x256xf32, #tpu.memory_space<vmem>>
      %dma_wait3A_288 = arith.constant 0 : i32
      %dma_wait3A_289 = arith.constant 0 : i32
      %dma_wait3A_290 = tpu.memref_slice %arg4[%dma_wait3A_288, %dma_wait3A_289] : memref<1000000x256xf32, #tpu.memory_space<hbm>> -> memref<16x256xf32, #tpu.memory_space<hbm>>
      tpu.wait_dma2 semaphore(%dma_wait3A_283 : memref<!tpu.dma_semaphore, #tpu.memory_space<semaphore_mem>>) src(%dma_wait3A_290 : memref<16x256xf32, #tpu.memory_space<hbm>>) dst(%dma_wait3A_287 : memref<16x256xf32, #tpu.memory_space<vmem>>)
      %dma_wait3A_291 = arith.constant 0 : i32
      %dma_wait3A_292 = arith.constant 0 : i32
      %dma_wait3A_293 = arith.constant 0 : i32
      %dma_wait3A_294 = arith.constant 0 : i32
      %dma_wait3A_295 = tpu.memref_slice %arg11[%dma_wait3A_291, %dma_wait3A_293, %dma_wait3A_294] : memref<4x64x256xf32, #tpu.memory_space<vmem>> -> memref<1x64x256xf32, #tpu.memory_space<vmem>>
      %dma_wait3A_296 = tpu.memref_squeeze %dma_wait3A_295 : memref<1x64x256xf32, #tpu.memory_space<vmem>> -> memref<64x256xf32, #tpu.memory_space<vmem>>
      %dma_wait3A_297 = arith.constant 0 : i32
      %dma_wait3A_298 = arith.constant 0 : i32
      %dma_wait3A_299 = tpu.memref_slice %arg5[%dma_wait3A_297, %dma_wait3A_298] : memref<1000000x256xf32, #tpu.memory_space<hbm>> -> memref<64x256xf32, #tpu.memory_space<hbm>>
      %dma_wait3A_300 = tpu.memref_slice %arg15[%dma_wait3A_292] : memref<4x!tpu.dma_semaphore, #tpu.memory_space<semaphore_mem>> -> memref<1x!tpu.dma_semaphore, #tpu.memory_space<semaphore_mem>>
      %dma_wait3A_301 = tpu.memref_squeeze %dma_wait3A_300 : memref<1x!tpu.dma_semaphore, #tpu.memory_space<semaphore_mem>> -> memref<!tpu.dma_semaphore, #tpu.memory_space<semaphore_mem>>
      %dma_wait3A_302 = arith.constant 0 : i32
      %dma_wait3A_303 = arith.constant 0 : i32
      %dma_wait3A_304 = tpu.memref_slice %arg11[%dma_wait3A_291, %dma_wait3A_302, %dma_wait3A_303] : memref<4x64x256xf32, #tpu.memory_space<vmem>> -> memref<1x64x256xf32, #tpu.memory_space<vmem>>
      %dma_wait3A_305 = tpu.memref_squeeze %dma_wait3A_304 : memref<1x64x256xf32, #tpu.memory_space<vmem>> -> memref<64x256xf32, #tpu.memory_space<vmem>>
      %dma_wait3A_306 = arith.constant 0 : i32
      %dma_wait3A_307 = arith.constant 0 : i32
      %dma_wait3A_308 = tpu.memref_slice %arg5[%dma_wait3A_306, %dma_wait3A_307] : memref<1000000x256xf32, #tpu.memory_space<hbm>> -> memref<64x256xf32, #tpu.memory_space<hbm>>
      tpu.wait_dma2 semaphore(%dma_wait3A_301 : memref<!tpu.dma_semaphore, #tpu.memory_space<semaphore_mem>>) src(%dma_wait3A_308 : memref<64x256xf32, #tpu.memory_space<hbm>>) dst(%dma_wait3A_305 : memref<64x256xf32, #tpu.memory_space<vmem>>)
      %scan3A_309 = arith.constant 0 : i32
      %scan3A_310 = arith.constant 0 : i32
      %scan3A_311 = arith.constant 0 : i32
      %scan3A_312 = arith.constant 0 : i32
      %scan3A_313 = arith.constant 16 : i32
      %scan3A_314 = arith.addi %scan3A_312, %scan3A_313 : i32
      %scan3A_315 = arith.constant 1 : i32
      scf.for %scan3A_795 = %scan3A_312 to %scan3A_314 step %scan3A_315  : i32 {
        %mul3A_796 = arith.constant 16 : i32
        %mul3A_797 = arith.muli %scan3A_310, %mul3A_796 : i32
        %add3A_798 = arith.addi %mul3A_797, %scan3A_795 : i32
        %broadcast_in_dim3A_799 = arith.constant 0.000000e+00 : f32
        %broadcast_in_dim3A_800 = vector.broadcast %broadcast_in_dim3A_799 : f32 to vector<16xf32>
        %get3A = arith.constant 0 : i32
        %get3A_801 = arith.index_cast %get3A : i32 to index
        %get3A_802 = arith.index_cast %add3A_798 : i32 to index
        %get3A_803 = arith.constant 0 : index
        %get3A_804 = tpu.vector_load %arg10[%get3A_801, %get3A_802, %get3A_803] {strides = array<i32>} : memref<4x16x256xf32, #tpu.memory_space<vmem>>, vector<16xf32>,
        %mul3A_805 = arith.constant 4 : i32
        %mul3A_806 = arith.muli %mul3A_805, %add3A_798 : i32
        %get3A_807 = arith.constant 0 : i32
        %get3A_808 = arith.index_cast %get3A_807 : i32 to index
        %get3A_809 = arith.index_cast %mul3A_806 : i32 to index
        %get3A_810 = arith.constant 0 : index
        %get3A_811 = tpu.vector_load %arg11[%get3A_808, %get3A_809, %get3A_810] {strides = array<i32>} : memref<4x64x256xf32, #tpu.memory_space<vmem>>, vector<16xf32>,
        %mul3A_812 = arith.constant 4 : i32
        %mul3A_813 = arith.muli %mul3A_812, %add3A_798 : i32
        %add3A_814 = arith.constant 1 : i32
        %add3A_815 = arith.addi %mul3A_813, %add3A_814 : i32
        %get3A_816 = arith.constant 0 : i32
        %get3A_817 = arith.index_cast %get3A_816 : i32 to index
        %get3A_818 = arith.index_cast %add3A_815 : i32 to index
        %get3A_819 = arith.constant 0 : index
        %get3A_820 = tpu.vector_load %arg11[%get3A_817, %get3A_818, %get3A_819] {strides = array<i32>} : memref<4x64x256xf32, #tpu.memory_space<vmem>>, vector<16xf32>,
        %add3A_821 = arith.addf %get3A_811, %get3A_820 : vector<16xf32>
        %mul3A_822 = arith.constant 4 : i32
        %mul3A_823 = arith.muli %mul3A_822, %add3A_798 : i32
        %add3A_824 = arith.constant 2 : i32
        %add3A_825 = arith.addi %mul3A_823, %add3A_824 : i32
        %get3A_826 = arith.constant 0 : i32
        %get3A_827 = arith.index_cast %get3A_826 : i32 to index
        %get3A_828 = arith.index_cast %add3A_825 : i32 to index
        %get3A_829 = arith.constant 0 : index
        %get3A_830 = tpu.vector_load %arg11[%get3A_827, %get3A_828, %get3A_829] {strides = array<i32>} : memref<4x64x256xf32, #tpu.memory_space<vmem>>, vector<16xf32>,
        %mul3A_831 = arith.constant 4 : i32
        %mul3A_832 = arith.muli %mul3A_831, %add3A_798 : i32
        %add3A_833 = arith.constant 3 : i32
        %add3A_834 = arith.addi %mul3A_832, %add3A_833 : i32
        %get3A_835 = arith.constant 0 : i32
        %get3A_836 = arith.index_cast %get3A_835 : i32 to index
        %get3A_837 = arith.index_cast %add3A_834 : i32 to index
        %get3A_838 = arith.constant 0 : index
        %get3A_839 = tpu.vector_load %arg11[%get3A_836, %get3A_837, %get3A_838] {strides = array<i32>} : memref<4x64x256xf32, #tpu.memory_space<vmem>>, vector<16xf32>,
        %add3A_840 = arith.addf %get3A_830, %get3A_839 : vector<16xf32>
        %add3A_841 = arith.addf %add3A_821, %add3A_840 : vector<16xf32>
        %mul3A_842 = arith.mulf %get3A_804, %add3A_841 : vector<16xf32>
        %add3A_843 = arith.addf %broadcast_in_dim3A_800, %mul3A_842 : vector<16xf32>
        %get3A_844 = arith.constant 0 : i32
        %get3A_845 = arith.index_cast %get3A_844 : i32 to index
        %get3A_846 = arith.index_cast %add3A_798 : i32 to index
        %get3A_847 = arith.constant 16 : index
        %get3A_848 = tpu.vector_load %arg10[%get3A_845, %get3A_846, %get3A_847] {strides = array<i32>} : memref<4x16x256xf32, #tpu.memory_space<vmem>>, vector<16xf32>,
        %mul3A_849 = arith.constant 4 : i32
        %mul3A_850 = arith.muli %mul3A_849, %add3A_798 : i32
        %get3A_851 = arith.constant 0 : i32
        %get3A_852 = arith.index_cast %get3A_851 : i32 to index
        %get3A_853 = arith.index_cast %mul3A_850 : i32 to index
        %get3A_854 = arith.constant 16 : index
        %get3A_855 = tpu.vector_load %arg11[%get3A_852, %get3A_853, %get3A_854] {strides = array<i32>} : memref<4x64x256xf32, #tpu.memory_space<vmem>>, vector<16xf32>,
        %mul3A_856 = arith.constant 4 : i32
        %mul3A_857 = arith.muli %mul3A_856, %add3A_798 : i32
        %add3A_858 = arith.constant 1 : i32
        %add3A_859 = arith.addi %mul3A_857, %add3A_858 : i32
        %get3A_860 = arith.constant 0 : i32
        %get3A_861 = arith.index_cast %get3A_860 : i32 to index
        %get3A_862 = arith.index_cast %add3A_859 : i32 to index
        %get3A_863 = arith.constant 16 : index
        %get3A_864 = tpu.vector_load %arg11[%get3A_861, %get3A_862, %get3A_863] {strides = array<i32>} : memref<4x64x256xf32, #tpu.memory_space<vmem>>, vector<16xf32>,
        %add3A_865 = arith.addf %get3A_855, %get3A_864 : vector<16xf32>
        %mul3A_866 = arith.constant 4 : i32
        %mul3A_867 = arith.muli %mul3A_866, %add3A_798 : i32
        %add3A_868 = arith.constant 2 : i32
        %add3A_869 = arith.addi %mul3A_867, %add3A_868 : i32
        %get3A_870 = arith.constant 0 : i32
        %get3A_871 = arith.index_cast %get3A_870 : i32 to index
        %get3A_872 = arith.index_cast %add3A_869 : i32 to index
        %get3A_873 = arith.constant 16 : index
        %get3A_874 = tpu.vector_load %arg11[%get3A_871, %get3A_872, %get3A_873] {strides = array<i32>} : memref<4x64x256xf32, #tpu.memory_space<vmem>>, vector<16xf32>,
        %mul3A_875 = arith.constant 4 : i32
        %mul3A_876 = arith.muli %mul3A_875, %add3A_798 : i32
        %add3A_877 = arith.constant 3 : i32
        %add3A_878 = arith.addi %mul3A_876, %add3A_877 : i32
        %get3A_879 = arith.constant 0 : i32
        %get3A_880 = arith.index_cast %get3A_879 : i32 to index
        %get3A_881 = arith.index_cast %add3A_878 : i32 to index
        %get3A_882 = arith.constant 16 : index
        %get3A_883 = tpu.vector_load %arg11[%get3A_880, %get3A_881, %get3A_882] {strides = array<i32>} : memref<4x64x256xf32, #tpu.memory_space<vmem>>, vector<16xf32>,
        %add3A_884 = arith.addf %get3A_874, %get3A_883 : vector<16xf32>
        %add3A_885 = arith.addf %add3A_865, %add3A_884 : vector<16xf32>
        %mul3A_886 = arith.mulf %get3A_848, %add3A_885 : vector<16xf32>
        %add3A_887 = arith.addf %add3A_843, %mul3A_886 : vector<16xf32>
        %get3A_888 = arith.constant 0 : i32
        %get3A_889 = arith.index_cast %get3A_888 : i32 to index
        %get3A_890 = arith.index_cast %add3A_798 : i32 to index
        %get3A_891 = arith.constant 32 : index
        %get3A_892 = tpu.vector_load %arg10[%get3A_889, %get3A_890, %get3A_891] {strides = array<i32>} : memref<4x16x256xf32, #tpu.memory_space<vmem>>, vector<16xf32>,
        %mul3A_893 = arith.constant 4 : i32
        %mul3A_894 = arith.muli %mul3A_893, %add3A_798 : i32
        %get3A_895 = arith.constant 0 : i32
        %get3A_896 = arith.index_cast %get3A_895 : i32 to index
        %get3A_897 = arith.index_cast %mul3A_894 : i32 to index
        %get3A_898 = arith.constant 32 : index
        %get3A_899 = tpu.vector_load %arg11[%get3A_896, %get3A_897, %get3A_898] {strides = array<i32>} : memref<4x64x256xf32, #tpu.memory_space<vmem>>, vector<16xf32>,
        %mul3A_900 = arith.constant 4 : i32
        %mul3A_901 = arith.muli %mul3A_900, %add3A_798 : i32
        %add3A_902 = arith.constant 1 : i32
        %add3A_903 = arith.addi %mul3A_901, %add3A_902 : i32
        %get3A_904 = arith.constant 0 : i32
        %get3A_905 = arith.index_cast %get3A_904 : i32 to index
        %get3A_906 = arith.index_cast %add3A_903 : i32 to index
        %get3A_907 = arith.constant 32 : index
        %get3A_908 = tpu.vector_load %arg11[%get3A_905, %get3A_906, %get3A_907] {strides = array<i32>} : memref<4x64x256xf32, #tpu.memory_space<vmem>>, vector<16xf32>,
        %add3A_909 = arith.addf %get3A_899, %get3A_908 : vector<16xf32>
        %mul3A_910 = arith.constant 4 : i32
        %mul3A_911 = arith.muli %mul3A_910, %add3A_798 : i32
        %add3A_912 = arith.constant 2 : i32
        %add3A_913 = arith.addi %mul3A_911, %add3A_912 : i32
        %get3A_914 = arith.constant 0 : i32
        %get3A_915 = arith.index_cast %get3A_914 : i32 to index
        %get3A_916 = arith.index_cast %add3A_913 : i32 to index
        %get3A_917 = arith.constant 32 : index
        %get3A_918 = tpu.vector_load %arg11[%get3A_915, %get3A_916, %get3A_917] {strides = array<i32>} : memref<4x64x256xf32, #tpu.memory_space<vmem>>, vector<16xf32>,
        %mul3A_919 = arith.constant 4 : i32
        %mul3A_920 = arith.muli %mul3A_919, %add3A_798 : i32
        %add3A_921 = arith.constant 3 : i32
        %add3A_922 = arith.addi %mul3A_920, %add3A_921 : i32
        %get3A_923 = arith.constant 0 : i32
        %get3A_924 = arith.index_cast %get3A_923 : i32 to index
        %get3A_925 = arith.index_cast %add3A_922 : i32 to index
        %get3A_926 = arith.constant 32 : index
        %get3A_927 = tpu.vector_load %arg11[%get3A_924, %get3A_925, %get3A_926] {strides = array<i32>} : memref<4x64x256xf32, #tpu.memory_space<vmem>>, vector<16xf32>,
        %add3A_928 = arith.addf %get3A_918, %get3A_927 : vector<16xf32>
        %add3A_929 = arith.addf %add3A_909, %add3A_928 : vector<16xf32>
        %mul3A_930 = arith.mulf %get3A_892, %add3A_929 : vector<16xf32>
        %add3A_931 = arith.addf %add3A_887, %mul3A_930 : vector<16xf32>
        %get3A_932 = arith.constant 0 : i32
        %get3A_933 = arith.index_cast %get3A_932 : i32 to index
        %get3A_934 = arith.index_cast %add3A_798 : i32 to index
        %get3A_935 = arith.constant 48 : index
        %get3A_936 = tpu.vector_load %arg10[%get3A_933, %get3A_934, %get3A_935] {strides = array<i32>} : memref<4x16x256xf32, #tpu.memory_space<vmem>>, vector<16xf32>,
        %mul3A_937 = arith.constant 4 : i32
        %mul3A_938 = arith.muli %mul3A_937, %add3A_798 : i32
        %get3A_939 = arith.constant 0 : i32
        %get3A_940 = arith.index_cast %get3A_939 : i32 to index
        %get3A_941 = arith.index_cast %mul3A_938 : i32 to index
        %get3A_942 = arith.constant 48 : index
        %get3A_943 = tpu.vector_load %arg11[%get3A_940, %get3A_941, %get3A_942] {strides = array<i32>} : memref<4x64x256xf32, #tpu.memory_space<vmem>>, vector<16xf32>,
        %mul3A_944 = arith.constant 4 : i32
        %mul3A_945 = arith.muli %mul3A_944, %add3A_798 : i32
        %add3A_946 = arith.constant 1 : i32
        %add3A_947 = arith.addi %mul3A_945, %add3A_946 : i32
        %get3A_948 = arith.constant 0 : i32
        %get3A_949 = arith.index_cast %get3A_948 : i32 to index
        %get3A_950 = arith.index_cast %add3A_947 : i32 to index
        %get3A_951 = arith.constant 48 : index
        %get3A_952 = tpu.vector_load %arg11[%get3A_949, %get3A_950, %get3A_951] {strides = array<i32>} : memref<4x64x256xf32, #tpu.memory_space<vmem>>, vector<16xf32>,
        %add3A_953 = arith.addf %get3A_943, %get3A_952 : vector<16xf32>
        %mul3A_954 = arith.constant 4 : i32
        %mul3A_955 = arith.muli %mul3A_954, %add3A_798 : i32
        %add3A_956 = arith.constant 2 : i32
        %add3A_957 = arith.addi %mul3A_955, %add3A_956 : i32
        %get3A_958 = arith.constant 0 : i32
        %get3A_959 = arith.index_cast %get3A_958 : i32 to index
        %get3A_960 = arith.index_cast %add3A_957 : i32 to index
        %get3A_961 = arith.constant 48 : index
        %get3A_962 = tpu.vector_load %arg11[%get3A_959, %get3A_960, %get3A_961] {strides = array<i32>} : memref<4x64x256xf32, #tpu.memory_space<vmem>>, vector<16xf32>,
        %mul3A_963 = arith.constant 4 : i32
        %mul3A_964 = arith.muli %mul3A_963, %add3A_798 : i32
        %add3A_965 = arith.constant 3 : i32
        %add3A_966 = arith.addi %mul3A_964, %add3A_965 : i32
        %get3A_967 = arith.constant 0 : i32
        %get3A_968 = arith.index_cast %get3A_967 : i32 to index
        %get3A_969 = arith.index_cast %add3A_966 : i32 to index
        %get3A_970 = arith.constant 48 : index
        %get3A_971 = tpu.vector_load %arg11[%get3A_968, %get3A_969, %get3A_970] {strides = array<i32>} : memref<4x64x256xf32, #tpu.memory_space<vmem>>, vector<16xf32>,
        %add3A_972 = arith.addf %get3A_962, %get3A_971 : vector<16xf32>
        %add3A_973 = arith.addf %add3A_953, %add3A_972 : vector<16xf32>
        %mul3A_974 = arith.mulf %get3A_936, %add3A_973 : vector<16xf32>
        %add3A_975 = arith.addf %add3A_931, %mul3A_974 : vector<16xf32>
        %get3A_976 = arith.constant 0 : i32
        %get3A_977 = arith.index_cast %get3A_976 : i32 to index
        %get3A_978 = arith.index_cast %add3A_798 : i32 to index
        %get3A_979 = arith.constant 64 : index
        %get3A_980 = tpu.vector_load %arg10[%get3A_977, %get3A_978, %get3A_979] {strides = array<i32>} : memref<4x16x256xf32, #tpu.memory_space<vmem>>, vector<16xf32>,
        %mul3A_981 = arith.constant 4 : i32
        %mul3A_982 = arith.muli %mul3A_981, %add3A_798 : i32
        %get3A_983 = arith.constant 0 : i32
        %get3A_984 = arith.index_cast %get3A_983 : i32 to index
        %get3A_985 = arith.index_cast %mul3A_982 : i32 to index
        %get3A_986 = arith.constant 64 : index
        %get3A_987 = tpu.vector_load %arg11[%get3A_984, %get3A_985, %get3A_986] {strides = array<i32>} : memref<4x64x256xf32, #tpu.memory_space<vmem>>, vector<16xf32>,
        %mul3A_988 = arith.constant 4 : i32
        %mul3A_989 = arith.muli %mul3A_988, %add3A_798 : i32
        %add3A_990 = arith.constant 1 : i32
        %add3A_991 = arith.addi %mul3A_989, %add3A_990 : i32
        %get3A_992 = arith.constant 0 : i32
        %get3A_993 = arith.index_cast %get3A_992 : i32 to index
        %get3A_994 = arith.index_cast %add3A_991 : i32 to index
        %get3A_995 = arith.constant 64 : index
        %get3A_996 = tpu.vector_load %arg11[%get3A_993, %get3A_994, %get3A_995] {strides = array<i32>} : memref<4x64x256xf32, #tpu.memory_space<vmem>>, vector<16xf32>,
        %add3A_997 = arith.addf %get3A_987, %get3A_996 : vector<16xf32>
        %mul3A_998 = arith.constant 4 : i32
        %mul3A_999 = arith.muli %mul3A_998, %add3A_798 : i32
        %add3A_1000 = arith.constant 2 : i32
        %add3A_1001 = arith.addi %mul3A_999, %add3A_1000 : i32
        %get3A_1002 = arith.constant 0 : i32
        %get3A_1003 = arith.index_cast %get3A_1002 : i32 to index
        %get3A_1004 = arith.index_cast %add3A_1001 : i32 to index
        %get3A_1005 = arith.constant 64 : index
        %get3A_1006 = tpu.vector_load %arg11[%get3A_1003, %get3A_1004, %get3A_1005] {strides = array<i32>} : memref<4x64x256xf32, #tpu.memory_space<vmem>>, vector<16xf32>,
        %mul3A_1007 = arith.constant 4 : i32
        %mul3A_1008 = arith.muli %mul3A_1007, %add3A_798 : i32
        %add3A_1009 = arith.constant 3 : i32
        %add3A_1010 = arith.addi %mul3A_1008, %add3A_1009 : i32
        %get3A_1011 = arith.constant 0 : i32
        %get3A_1012 = arith.index_cast %get3A_1011 : i32 to index
        %get3A_1013 = arith.index_cast %add3A_1010 : i32 to index
        %get3A_1014 = arith.constant 64 : index
        %get3A_1015 = tpu.vector_load %arg11[%get3A_1012, %get3A_1013, %get3A_1014] {strides = array<i32>} : memref<4x64x256xf32, #tpu.memory_space<vmem>>, vector<16xf32>,
        %add3A_1016 = arith.addf %get3A_1006, %get3A_1015 : vector<16xf32>
        %add3A_1017 = arith.addf %add3A_997, %add3A_1016 : vector<16xf32>
        %mul3A_1018 = arith.mulf %get3A_980, %add3A_1017 : vector<16xf32>
        %add3A_1019 = arith.addf %add3A_975, %mul3A_1018 : vector<16xf32>
        %get3A_1020 = arith.constant 0 : i32
        %get3A_1021 = arith.index_cast %get3A_1020 : i32 to index
        %get3A_1022 = arith.index_cast %add3A_798 : i32 to index
        %get3A_1023 = arith.constant 80 : index
        %get3A_1024 = tpu.vector_load %arg10[%get3A_1021, %get3A_1022, %get3A_1023] {strides = array<i32>} : memref<4x16x256xf32, #tpu.memory_space<vmem>>, vector<16xf32>,
        %mul3A_1025 = arith.constant 4 : i32
        %mul3A_1026 = arith.muli %mul3A_1025, %add3A_798 : i32
        %get3A_1027 = arith.constant 0 : i32
        %get3A_1028 = arith.index_cast %get3A_1027 : i32 to index
        %get3A_1029 = arith.index_cast %mul3A_1026 : i32 to index
        %get3A_1030 = arith.constant 80 : index
        %get3A_1031 = tpu.vector_load %arg11[%get3A_1028, %get3A_1029, %get3A_1030] {strides = array<i32>} : memref<4x64x256xf32, #tpu.memory_space<vmem>>, vector<16xf32>,
        %mul3A_1032 = arith.constant 4 : i32
        %mul3A_1033 = arith.muli %mul3A_1032, %add3A_798 : i32
        %add3A_1034 = arith.constant 1 : i32
        %add3A_1035 = arith.addi %mul3A_1033, %add3A_1034 : i32
        %get3A_1036 = arith.constant 0 : i32
        %get3A_1037 = arith.index_cast %get3A_1036 : i32 to index
        %get3A_1038 = arith.index_cast %add3A_1035 : i32 to index
        %get3A_1039 = arith.constant 80 : index
        %get3A_1040 = tpu.vector_load %arg11[%get3A_1037, %get3A_1038, %get3A_1039] {strides = array<i32>} : memref<4x64x256xf32, #tpu.memory_space<vmem>>, vector<16xf32>,
        %add3A_1041 = arith.addf %get3A_1031, %get3A_1040 : vector<16xf32>
        %mul3A_1042 = arith.constant 4 : i32
        %mul3A_1043 = arith.muli %mul3A_1042, %add3A_798 : i32
        %add3A_1044 = arith.constant 2 : i32
        %add3A_1045 = arith.addi %mul3A_1043, %add3A_1044 : i32
        %get3A_1046 = arith.constant 0 : i32
        %get3A_1047 = arith.index_cast %get3A_1046 : i32 to index
        %get3A_1048 = arith.index_cast %add3A_1045 : i32 to index
        %get3A_1049 = arith.constant 80 : index
        %get3A_1050 = tpu.vector_load %arg11[%get3A_1047, %get3A_1048, %get3A_1049] {strides = array<i32>} : memref<4x64x256xf32, #tpu.memory_space<vmem>>, vector<16xf32>,
        %mul3A_1051 = arith.constant 4 : i32
        %mul3A_1052 = arith.muli %mul3A_1051, %add3A_798 : i32
        %add3A_1053 = arith.constant 3 : i32
        %add3A_1054 = arith.addi %mul3A_1052, %add3A_1053 : i32
        %get3A_1055 = arith.constant 0 : i32
        %get3A_1056 = arith.index_cast %get3A_1055 : i32 to index
        %get3A_1057 = arith.index_cast %add3A_1054 : i32 to index
        %get3A_1058 = arith.constant 80 : index
        %get3A_1059 = tpu.vector_load %arg11[%get3A_1056, %get3A_1057, %get3A_1058] {strides = array<i32>} : memref<4x64x256xf32, #tpu.memory_space<vmem>>, vector<16xf32>,
        %add3A_1060 = arith.addf %get3A_1050, %get3A_1059 : vector<16xf32>
        %add3A_1061 = arith.addf %add3A_1041, %add3A_1060 : vector<16xf32>
        %mul3A_1062 = arith.mulf %get3A_1024, %add3A_1061 : vector<16xf32>
        %add3A_1063 = arith.addf %add3A_1019, %mul3A_1062 : vector<16xf32>
        %get3A_1064 = arith.constant 0 : i32
        %get3A_1065 = arith.index_cast %get3A_1064 : i32 to index
        %get3A_1066 = arith.index_cast %add3A_798 : i32 to index
        %get3A_1067 = arith.constant 96 : index
        %get3A_1068 = tpu.vector_load %arg10[%get3A_1065, %get3A_1066, %get3A_1067] {strides = array<i32>} : memref<4x16x256xf32, #tpu.memory_space<vmem>>, vector<16xf32>,
        %mul3A_1069 = arith.constant 4 : i32
        %mul3A_1070 = arith.muli %mul3A_1069, %add3A_798 : i32
        %get3A_1071 = arith.constant 0 : i32
        %get3A_1072 = arith.index_cast %get3A_1071 : i32 to index
        %get3A_1073 = arith.index_cast %mul3A_1070 : i32 to index
        %get3A_1074 = arith.constant 96 : index
        %get3A_1075 = tpu.vector_load %arg11[%get3A_1072, %get3A_1073, %get3A_1074] {strides = array<i32>} : memref<4x64x256xf32, #tpu.memory_space<vmem>>, vector<16xf32>,
        %mul3A_1076 = arith.constant 4 : i32
        %mul3A_1077 = arith.muli %mul3A_1076, %add3A_798 : i32
        %add3A_1078 = arith.constant 1 : i32
        %add3A_1079 = arith.addi %mul3A_1077, %add3A_1078 : i32
        %get3A_1080 = arith.constant 0 : i32
        %get3A_1081 = arith.index_cast %get3A_1080 : i32 to index
        %get3A_1082 = arith.index_cast %add3A_1079 : i32 to index
        %get3A_1083 = arith.constant 96 : index
        %get3A_1084 = tpu.vector_load %arg11[%get3A_1081, %get3A_1082, %get3A_1083] {strides = array<i32>} : memref<4x64x256xf32, #tpu.memory_space<vmem>>, vector<16xf32>,
        %add3A_1085 = arith.addf %get3A_1075, %get3A_1084 : vector<16xf32>
        %mul3A_1086 = arith.constant 4 : i32
        %mul3A_1087 = arith.muli %mul3A_1086, %add3A_798 : i32
        %add3A_1088 = arith.constant 2 : i32
        %add3A_1089 = arith.addi %mul3A_1087, %add3A_1088 : i32
        %get3A_1090 = arith.constant 0 : i32
        %get3A_1091 = arith.index_cast %get3A_1090 : i32 to index
        %get3A_1092 = arith.index_cast %add3A_1089 : i32 to index
        %get3A_1093 = arith.constant 96 : index
        %get3A_1094 = tpu.vector_load %arg11[%get3A_1091, %get3A_1092, %get3A_1093] {strides = array<i32>} : memref<4x64x256xf32, #tpu.memory_space<vmem>>, vector<16xf32>,
        %mul3A_1095 = arith.constant 4 : i32
        %mul3A_1096 = arith.muli %mul3A_1095, %add3A_798 : i32
        %add3A_1097 = arith.constant 3 : i32
        %add3A_1098 = arith.addi %mul3A_1096, %add3A_1097 : i32
        %get3A_1099 = arith.constant 0 : i32
        %get3A_1100 = arith.index_cast %get3A_1099 : i32 to index
        %get3A_1101 = arith.index_cast %add3A_1098 : i32 to index
        %get3A_1102 = arith.constant 96 : index
        %get3A_1103 = tpu.vector_load %arg11[%get3A_1100, %get3A_1101, %get3A_1102] {strides = array<i32>} : memref<4x64x256xf32, #tpu.memory_space<vmem>>, vector<16xf32>,
        %add3A_1104 = arith.addf %get3A_1094, %get3A_1103 : vector<16xf32>
        %add3A_1105 = arith.addf %add3A_1085, %add3A_1104 : vector<16xf32>
        %mul3A_1106 = arith.mulf %get3A_1068, %add3A_1105 : vector<16xf32>
        %add3A_1107 = arith.addf %add3A_1063, %mul3A_1106 : vector<16xf32>
        %get3A_1108 = arith.constant 0 : i32
        %get3A_1109 = arith.index_cast %get3A_1108 : i32 to index
        %get3A_1110 = arith.index_cast %add3A_798 : i32 to index
        %get3A_1111 = arith.constant 112 : index
        %get3A_1112 = tpu.vector_load %arg10[%get3A_1109, %get3A_1110, %get3A_1111] {strides = array<i32>} : memref<4x16x256xf32, #tpu.memory_space<vmem>>, vector<16xf32>,
        %mul3A_1113 = arith.constant 4 : i32
        %mul3A_1114 = arith.muli %mul3A_1113, %add3A_798 : i32
        %get3A_1115 = arith.constant 0 : i32
        %get3A_1116 = arith.index_cast %get3A_1115 : i32 to index
        %get3A_1117 = arith.index_cast %mul3A_1114 : i32 to index
        %get3A_1118 = arith.constant 112 : index
        %get3A_1119 = tpu.vector_load %arg11[%get3A_1116, %get3A_1117, %get3A_1118] {strides = array<i32>} : memref<4x64x256xf32, #tpu.memory_space<vmem>>, vector<16xf32>,
        %mul3A_1120 = arith.constant 4 : i32
        %mul3A_1121 = arith.muli %mul3A_1120, %add3A_798 : i32
        %add3A_1122 = arith.constant 1 : i32
        %add3A_1123 = arith.addi %mul3A_1121, %add3A_1122 : i32
        %get3A_1124 = arith.constant 0 : i32
        %get3A_1125 = arith.index_cast %get3A_1124 : i32 to index
        %get3A_1126 = arith.index_cast %add3A_1123 : i32 to index
        %get3A_1127 = arith.constant 112 : index
        %get3A_1128 = tpu.vector_load %arg11[%get3A_1125, %get3A_1126, %get3A_1127] {strides = array<i32>} : memref<4x64x256xf32, #tpu.memory_space<vmem>>, vector<16xf32>,
        %add3A_1129 = arith.addf %get3A_1119, %get3A_1128 : vector<16xf32>
        %mul3A_1130 = arith.constant 4 : i32
        %mul3A_1131 = arith.muli %mul3A_1130, %add3A_798 : i32
        %add3A_1132 = arith.constant 2 : i32
        %add3A_1133 = arith.addi %mul3A_1131, %add3A_1132 : i32
        %get3A_1134 = arith.constant 0 : i32
        %get3A_1135 = arith.index_cast %get3A_1134 : i32 to index
        %get3A_1136 = arith.index_cast %add3A_1133 : i32 to index
        %get3A_1137 = arith.constant 112 : index
        %get3A_1138 = tpu.vector_load %arg11[%get3A_1135, %get3A_1136, %get3A_1137] {strides = array<i32>} : memref<4x64x256xf32, #tpu.memory_space<vmem>>, vector<16xf32>,
        %mul3A_1139 = arith.constant 4 : i32
        %mul3A_1140 = arith.muli %mul3A_1139, %add3A_798 : i32
        %add3A_1141 = arith.constant 3 : i32
        %add3A_1142 = arith.addi %mul3A_1140, %add3A_1141 : i32
        %get3A_1143 = arith.constant 0 : i32
        %get3A_1144 = arith.index_cast %get3A_1143 : i32 to index
        %get3A_1145 = arith.index_cast %add3A_1142 : i32 to index
        %get3A_1146 = arith.constant 112 : index
        %get3A_1147 = tpu.vector_load %arg11[%get3A_1144, %get3A_1145, %get3A_1146] {strides = array<i32>} : memref<4x64x256xf32, #tpu.memory_space<vmem>>, vector<16xf32>,
        %add3A_1148 = arith.addf %get3A_1138, %get3A_1147 : vector<16xf32>
        %add3A_1149 = arith.addf %add3A_1129, %add3A_1148 : vector<16xf32>
        %mul3A_1150 = arith.mulf %get3A_1112, %add3A_1149 : vector<16xf32>
        %add3A_1151 = arith.addf %add3A_1107, %mul3A_1150 : vector<16xf32>
        %get3A_1152 = arith.constant 0 : i32
        %get3A_1153 = arith.index_cast %get3A_1152 : i32 to index
        %get3A_1154 = arith.index_cast %add3A_798 : i32 to index
        %get3A_1155 = arith.constant 128 : index
        %get3A_1156 = tpu.vector_load %arg10[%get3A_1153, %get3A_1154, %get3A_1155] {strides = array<i32>} : memref<4x16x256xf32, #tpu.memory_space<vmem>>, vector<16xf32>,
        %mul3A_1157 = arith.constant 4 : i32
        %mul3A_1158 = arith.muli %mul3A_1157, %add3A_798 : i32
        %get3A_1159 = arith.constant 0 : i32
        %get3A_1160 = arith.index_cast %get3A_1159 : i32 to index
        %get3A_1161 = arith.index_cast %mul3A_1158 : i32 to index
        %get3A_1162 = arith.constant 128 : index
        %get3A_1163 = tpu.vector_load %arg11[%get3A_1160, %get3A_1161, %get3A_1162] {strides = array<i32>} : memref<4x64x256xf32, #tpu.memory_space<vmem>>, vector<16xf32>,
        %mul3A_1164 = arith.constant 4 : i32
        %mul3A_1165 = arith.muli %mul3A_1164, %add3A_798 : i32
        %add3A_1166 = arith.constant 1 : i32
        %add3A_1167 = arith.addi %mul3A_1165, %add3A_1166 : i32
        %get3A_1168 = arith.constant 0 : i32
        %get3A_1169 = arith.index_cast %get3A_1168 : i32 to index
        %get3A_1170 = arith.index_cast %add3A_1167 : i32 to index
        %get3A_1171 = arith.constant 128 : index
        %get3A_1172 = tpu.vector_load %arg11[%get3A_1169, %get3A_1170, %get3A_1171] {strides = array<i32>} : memref<4x64x256xf32, #tpu.memory_space<vmem>>, vector<16xf32>,
        %add3A_1173 = arith.addf %get3A_1163, %get3A_1172 : vector<16xf32>
        %mul3A_1174 = arith.constant 4 : i32
        %mul3A_1175 = arith.muli %mul3A_1174, %add3A_798 : i32
        %add3A_1176 = arith.constant 2 : i32
        %add3A_1177 = arith.addi %mul3A_1175, %add3A_1176 : i32
        %get3A_1178 = arith.constant 0 : i32
        %get3A_1179 = arith.index_cast %get3A_1178 : i32 to index
        %get3A_1180 = arith.index_cast %add3A_1177 : i32 to index
        %get3A_1181 = arith.constant 128 : index
        %get3A_1182 = tpu.vector_load %arg11[%get3A_1179, %get3A_1180, %get3A_1181] {strides = array<i32>} : memref<4x64x256xf32, #tpu.memory_space<vmem>>, vector<16xf32>,
        %mul3A_1183 = arith.constant 4 : i32
        %mul3A_1184 = arith.muli %mul3A_1183, %add3A_798 : i32
        %add3A_1185 = arith.constant 3 : i32
        %add3A_1186 = arith.addi %mul3A_1184, %add3A_1185 : i32
        %get3A_1187 = arith.constant 0 : i32
        %get3A_1188 = arith.index_cast %get3A_1187 : i32 to index
        %get3A_1189 = arith.index_cast %add3A_1186 : i32 to index
        %get3A_1190 = arith.constant 128 : index
        %get3A_1191 = tpu.vector_load %arg11[%get3A_1188, %get3A_1189, %get3A_1190] {strides = array<i32>} : memref<4x64x256xf32, #tpu.memory_space<vmem>>, vector<16xf32>,
        %add3A_1192 = arith.addf %get3A_1182, %get3A_1191 : vector<16xf32>
        %add3A_1193 = arith.addf %add3A_1173, %add3A_1192 : vector<16xf32>
        %mul3A_1194 = arith.mulf %get3A_1156, %add3A_1193 : vector<16xf32>
        %add3A_1195 = arith.addf %add3A_1151, %mul3A_1194 : vector<16xf32>
        %get3A_1196 = arith.constant 0 : i32
        %get3A_1197 = arith.index_cast %get3A_1196 : i32 to index
        %get3A_1198 = arith.index_cast %add3A_798 : i32 to index
        %get3A_1199 = arith.constant 144 : index
        %get3A_1200 = tpu.vector_load %arg10[%get3A_1197, %get3A_1198, %get3A_1199] {strides = array<i32>} : memref<4x16x256xf32, #tpu.memory_space<vmem>>, vector<16xf32>,
        %mul3A_1201 = arith.constant 4 : i32
        %mul3A_1202 = arith.muli %mul3A_1201, %add3A_798 : i32
        %get3A_1203 = arith.constant 0 : i32
        %get3A_1204 = arith.index_cast %get3A_1203 : i32 to index
        %get3A_1205 = arith.index_cast %mul3A_1202 : i32 to index
        %get3A_1206 = arith.constant 144 : index
        %get3A_1207 = tpu.vector_load %arg11[%get3A_1204, %get3A_1205, %get3A_1206] {strides = array<i32>} : memref<4x64x256xf32, #tpu.memory_space<vmem>>, vector<16xf32>,
        %mul3A_1208 = arith.constant 4 : i32
        %mul3A_1209 = arith.muli %mul3A_1208, %add3A_798 : i32
        %add3A_1210 = arith.constant 1 : i32
        %add3A_1211 = arith.addi %mul3A_1209, %add3A_1210 : i32
        %get3A_1212 = arith.constant 0 : i32
        %get3A_1213 = arith.index_cast %get3A_1212 : i32 to index
        %get3A_1214 = arith.index_cast %add3A_1211 : i32 to index
        %get3A_1215 = arith.constant 144 : index
        %get3A_1216 = tpu.vector_load %arg11[%get3A_1213, %get3A_1214, %get3A_1215] {strides = array<i32>} : memref<4x64x256xf32, #tpu.memory_space<vmem>>, vector<16xf32>,
        %add3A_1217 = arith.addf %get3A_1207, %get3A_1216 : vector<16xf32>
        %mul3A_1218 = arith.constant 4 : i32
        %mul3A_1219 = arith.muli %mul3A_1218, %add3A_798 : i32
        %add3A_1220 = arith.constant 2 : i32
        %add3A_1221 = arith.addi %mul3A_1219, %add3A_1220 : i32
        %get3A_1222 = arith.constant 0 : i32
        %get3A_1223 = arith.index_cast %get3A_1222 : i32 to index
        %get3A_1224 = arith.index_cast %add3A_1221 : i32 to index
        %get3A_1225 = arith.constant 144 : index
        %get3A_1226 = tpu.vector_load %arg11[%get3A_1223, %get3A_1224, %get3A_1225] {strides = array<i32>} : memref<4x64x256xf32, #tpu.memory_space<vmem>>, vector<16xf32>,
        %mul3A_1227 = arith.constant 4 : i32
        %mul3A_1228 = arith.muli %mul3A_1227, %add3A_798 : i32
        %add3A_1229 = arith.constant 3 : i32
        %add3A_1230 = arith.addi %mul3A_1228, %add3A_1229 : i32
        %get3A_1231 = arith.constant 0 : i32
        %get3A_1232 = arith.index_cast %get3A_1231 : i32 to index
        %get3A_1233 = arith.index_cast %add3A_1230 : i32 to index
        %get3A_1234 = arith.constant 144 : index
        %get3A_1235 = tpu.vector_load %arg11[%get3A_1232, %get3A_1233, %get3A_1234] {strides = array<i32>} : memref<4x64x256xf32, #tpu.memory_space<vmem>>, vector<16xf32>,
        %add3A_1236 = arith.addf %get3A_1226, %get3A_1235 : vector<16xf32>
        %add3A_1237 = arith.addf %add3A_1217, %add3A_1236 : vector<16xf32>
        %mul3A_1238 = arith.mulf %get3A_1200, %add3A_1237 : vector<16xf32>
        %add3A_1239 = arith.addf %add3A_1195, %mul3A_1238 : vector<16xf32>
        %get3A_1240 = arith.constant 0 : i32
        %get3A_1241 = arith.index_cast %get3A_1240 : i32 to index
        %get3A_1242 = arith.index_cast %add3A_798 : i32 to index
        %get3A_1243 = arith.constant 160 : index
        %get3A_1244 = tpu.vector_load %arg10[%get3A_1241, %get3A_1242, %get3A_1243] {strides = array<i32>} : memref<4x16x256xf32, #tpu.memory_space<vmem>>, vector<16xf32>,
        %mul3A_1245 = arith.constant 4 : i32
        %mul3A_1246 = arith.muli %mul3A_1245, %add3A_798 : i32
        %get3A_1247 = arith.constant 0 : i32
        %get3A_1248 = arith.index_cast %get3A_1247 : i32 to index
        %get3A_1249 = arith.index_cast %mul3A_1246 : i32 to index
        %get3A_1250 = arith.constant 160 : index
        %get3A_1251 = tpu.vector_load %arg11[%get3A_1248, %get3A_1249, %get3A_1250] {strides = array<i32>} : memref<4x64x256xf32, #tpu.memory_space<vmem>>, vector<16xf32>,
        %mul3A_1252 = arith.constant 4 : i32
        %mul3A_1253 = arith.muli %mul3A_1252, %add3A_798 : i32
        %add3A_1254 = arith.constant 1 : i32
        %add3A_1255 = arith.addi %mul3A_1253, %add3A_1254 : i32
        %get3A_1256 = arith.constant 0 : i32
        %get3A_1257 = arith.index_cast %get3A_1256 : i32 to index
        %get3A_1258 = arith.index_cast %add3A_1255 : i32 to index
        %get3A_1259 = arith.constant 160 : index
        %get3A_1260 = tpu.vector_load %arg11[%get3A_1257, %get3A_1258, %get3A_1259] {strides = array<i32>} : memref<4x64x256xf32, #tpu.memory_space<vmem>>, vector<16xf32>,
        %add3A_1261 = arith.addf %get3A_1251, %get3A_1260 : vector<16xf32>
        %mul3A_1262 = arith.constant 4 : i32
        %mul3A_1263 = arith.muli %mul3A_1262, %add3A_798 : i32
        %add3A_1264 = arith.constant 2 : i32
        %add3A_1265 = arith.addi %mul3A_1263, %add3A_1264 : i32
        %get3A_1266 = arith.constant 0 : i32
        %get3A_1267 = arith.index_cast %get3A_1266 : i32 to index
        %get3A_1268 = arith.index_cast %add3A_1265 : i32 to index
        %get3A_1269 = arith.constant 160 : index
        %get3A_1270 = tpu.vector_load %arg11[%get3A_1267, %get3A_1268, %get3A_1269] {strides = array<i32>} : memref<4x64x256xf32, #tpu.memory_space<vmem>>, vector<16xf32>,
        %mul3A_1271 = arith.constant 4 : i32
        %mul3A_1272 = arith.muli %mul3A_1271, %add3A_798 : i32
        %add3A_1273 = arith.constant 3 : i32
        %add3A_1274 = arith.addi %mul3A_1272, %add3A_1273 : i32
        %get3A_1275 = arith.constant 0 : i32
        %get3A_1276 = arith.index_cast %get3A_1275 : i32 to index
        %get3A_1277 = arith.index_cast %add3A_1274 : i32 to index
        %get3A_1278 = arith.constant 160 : index
        %get3A_1279 = tpu.vector_load %arg11[%get3A_1276, %get3A_1277, %get3A_1278] {strides = array<i32>} : memref<4x64x256xf32, #tpu.memory_space<vmem>>, vector<16xf32>,
        %add3A_1280 = arith.addf %get3A_1270, %get3A_1279 : vector<16xf32>
        %add3A_1281 = arith.addf %add3A_1261, %add3A_1280 : vector<16xf32>
        %mul3A_1282 = arith.mulf %get3A_1244, %add3A_1281 : vector<16xf32>
        %add3A_1283 = arith.addf %add3A_1239, %mul3A_1282 : vector<16xf32>
        %get3A_1284 = arith.constant 0 : i32
        %get3A_1285 = arith.index_cast %get3A_1284 : i32 to index
        %get3A_1286 = arith.index_cast %add3A_798 : i32 to index
        %get3A_1287 = arith.constant 176 : index
        %get3A_1288 = tpu.vector_load %arg10[%get3A_1285, %get3A_1286, %get3A_1287] {strides = array<i32>} : memref<4x16x256xf32, #tpu.memory_space<vmem>>, vector<16xf32>,
        %mul3A_1289 = arith.constant 4 : i32
        %mul3A_1290 = arith.muli %mul3A_1289, %add3A_798 : i32
        %get3A_1291 = arith.constant 0 : i32
        %get3A_1292 = arith.index_cast %get3A_1291 : i32 to index
        %get3A_1293 = arith.index_cast %mul3A_1290 : i32 to index
        %get3A_1294 = arith.constant 176 : index
        %get3A_1295 = tpu.vector_load %arg11[%get3A_1292, %get3A_1293, %get3A_1294] {strides = array<i32>} : memref<4x64x256xf32, #tpu.memory_space<vmem>>, vector<16xf32>,
        %mul3A_1296 = arith.constant 4 : i32
        %mul3A_1297 = arith.muli %mul3A_1296, %add3A_798 : i32
        %add3A_1298 = arith.constant 1 : i32
        %add3A_1299 = arith.addi %mul3A_1297, %add3A_1298 : i32
        %get3A_1300 = arith.constant 0 : i32
        %get3A_1301 = arith.index_cast %get3A_1300 : i32 to index
        %get3A_1302 = arith.index_cast %add3A_1299 : i32 to index
        %get3A_1303 = arith.constant 176 : index
        %get3A_1304 = tpu.vector_load %arg11[%get3A_1301, %get3A_1302, %get3A_1303] {strides = array<i32>} : memref<4x64x256xf32, #tpu.memory_space<vmem>>, vector<16xf32>,
        %add3A_1305 = arith.addf %get3A_1295, %get3A_1304 : vector<16xf32>
        %mul3A_1306 = arith.constant 4 : i32
        %mul3A_1307 = arith.muli %mul3A_1306, %add3A_798 : i32
        %add3A_1308 = arith.constant 2 : i32
        %add3A_1309 = arith.addi %mul3A_1307, %add3A_1308 : i32
        %get3A_1310 = arith.constant 0 : i32
        %get3A_1311 = arith.index_cast %get3A_1310 : i32 to index
        %get3A_1312 = arith.index_cast %add3A_1309 : i32 to index
        %get3A_1313 = arith.constant 176 : index
        %get3A_1314 = tpu.vector_load %arg11[%get3A_1311, %get3A_1312, %get3A_1313] {strides = array<i32>} : memref<4x64x256xf32, #tpu.memory_space<vmem>>, vector<16xf32>,
        %mul3A_1315 = arith.constant 4 : i32
        %mul3A_1316 = arith.muli %mul3A_1315, %add3A_798 : i32
        %add3A_1317 = arith.constant 3 : i32
        %add3A_1318 = arith.addi %mul3A_1316, %add3A_1317 : i32
        %get3A_1319 = arith.constant 0 : i32
        %get3A_1320 = arith.index_cast %get3A_1319 : i32 to index
        %get3A_1321 = arith.index_cast %add3A_1318 : i32 to index
        %get3A_1322 = arith.constant 176 : index
        %get3A_1323 = tpu.vector_load %arg11[%get3A_1320, %get3A_1321, %get3A_1322] {strides = array<i32>} : memref<4x64x256xf32, #tpu.memory_space<vmem>>, vector<16xf32>,
        %add3A_1324 = arith.addf %get3A_1314, %get3A_1323 : vector<16xf32>
        %add3A_1325 = arith.addf %add3A_1305, %add3A_1324 : vector<16xf32>
        %mul3A_1326 = arith.mulf %get3A_1288, %add3A_1325 : vector<16xf32>
        %add3A_1327 = arith.addf %add3A_1283, %mul3A_1326 : vector<16xf32>
        %get3A_1328 = arith.constant 0 : i32
        %get3A_1329 = arith.index_cast %get3A_1328 : i32 to index
        %get3A_1330 = arith.index_cast %add3A_798 : i32 to index
        %get3A_1331 = arith.constant 192 : index
        %get3A_1332 = tpu.vector_load %arg10[%get3A_1329, %get3A_1330, %get3A_1331] {strides = array<i32>} : memref<4x16x256xf32, #tpu.memory_space<vmem>>, vector<16xf32>,
        %mul3A_1333 = arith.constant 4 : i32
        %mul3A_1334 = arith.muli %mul3A_1333, %add3A_798 : i32
        %get3A_1335 = arith.constant 0 : i32
        %get3A_1336 = arith.index_cast %get3A_1335 : i32 to index
        %get3A_1337 = arith.index_cast %mul3A_1334 : i32 to index
        %get3A_1338 = arith.constant 192 : index
        %get3A_1339 = tpu.vector_load %arg11[%get3A_1336, %get3A_1337, %get3A_1338] {strides = array<i32>} : memref<4x64x256xf32, #tpu.memory_space<vmem>>, vector<16xf32>,
        %mul3A_1340 = arith.constant 4 : i32
        %mul3A_1341 = arith.muli %mul3A_1340, %add3A_798 : i32
        %add3A_1342 = arith.constant 1 : i32
        %add3A_1343 = arith.addi %mul3A_1341, %add3A_1342 : i32
        %get3A_1344 = arith.constant 0 : i32
        %get3A_1345 = arith.index_cast %get3A_1344 : i32 to index
        %get3A_1346 = arith.index_cast %add3A_1343 : i32 to index
        %get3A_1347 = arith.constant 192 : index
        %get3A_1348 = tpu.vector_load %arg11[%get3A_1345, %get3A_1346, %get3A_1347] {strides = array<i32>} : memref<4x64x256xf32, #tpu.memory_space<vmem>>, vector<16xf32>,
        %add3A_1349 = arith.addf %get3A_1339, %get3A_1348 : vector<16xf32>
        %mul3A_1350 = arith.constant 4 : i32
        %mul3A_1351 = arith.muli %mul3A_1350, %add3A_798 : i32
        %add3A_1352 = arith.constant 2 : i32
        %add3A_1353 = arith.addi %mul3A_1351, %add3A_1352 : i32
        %get3A_1354 = arith.constant 0 : i32
        %get3A_1355 = arith.index_cast %get3A_1354 : i32 to index
        %get3A_1356 = arith.index_cast %add3A_1353 : i32 to index
        %get3A_1357 = arith.constant 192 : index
        %get3A_1358 = tpu.vector_load %arg11[%get3A_1355, %get3A_1356, %get3A_1357] {strides = array<i32>} : memref<4x64x256xf32, #tpu.memory_space<vmem>>, vector<16xf32>,
        %mul3A_1359 = arith.constant 4 : i32
        %mul3A_1360 = arith.muli %mul3A_1359, %add3A_798 : i32
        %add3A_1361 = arith.constant 3 : i32
        %add3A_1362 = arith.addi %mul3A_1360, %add3A_1361 : i32
        %get3A_1363 = arith.constant 0 : i32
        %get3A_1364 = arith.index_cast %get3A_1363 : i32 to index
        %get3A_1365 = arith.index_cast %add3A_1362 : i32 to index
        %get3A_1366 = arith.constant 192 : index
        %get3A_1367 = tpu.vector_load %arg11[%get3A_1364, %get3A_1365, %get3A_1366] {strides = array<i32>} : memref<4x64x256xf32, #tpu.memory_space<vmem>>, vector<16xf32>,
        %add3A_1368 = arith.addf %get3A_1358, %get3A_1367 : vector<16xf32>
        %add3A_1369 = arith.addf %add3A_1349, %add3A_1368 : vector<16xf32>
        %mul3A_1370 = arith.mulf %get3A_1332, %add3A_1369 : vector<16xf32>
        %add3A_1371 = arith.addf %add3A_1327, %mul3A_1370 : vector<16xf32>
        %get3A_1372 = arith.constant 0 : i32
        %get3A_1373 = arith.index_cast %get3A_1372 : i32 to index
        %get3A_1374 = arith.index_cast %add3A_798 : i32 to index
        %get3A_1375 = arith.constant 208 : index
        %get3A_1376 = tpu.vector_load %arg10[%get3A_1373, %get3A_1374, %get3A_1375] {strides = array<i32>} : memref<4x16x256xf32, #tpu.memory_space<vmem>>, vector<16xf32>,
        %mul3A_1377 = arith.constant 4 : i32
        %mul3A_1378 = arith.muli %mul3A_1377, %add3A_798 : i32
        %get3A_1379 = arith.constant 0 : i32
        %get3A_1380 = arith.index_cast %get3A_1379 : i32 to index
        %get3A_1381 = arith.index_cast %mul3A_1378 : i32 to index
        %get3A_1382 = arith.constant 208 : index
        %get3A_1383 = tpu.vector_load %arg11[%get3A_1380, %get3A_1381, %get3A_1382] {strides = array<i32>} : memref<4x64x256xf32, #tpu.memory_space<vmem>>, vector<16xf32>,
        %mul3A_1384 = arith.constant 4 : i32
        %mul3A_1385 = arith.muli %mul3A_1384, %add3A_798 : i32
        %add3A_1386 = arith.constant 1 : i32
        %add3A_1387 = arith.addi %mul3A_1385, %add3A_1386 : i32
        %get3A_1388 = arith.constant 0 : i32
        %get3A_1389 = arith.index_cast %get3A_1388 : i32 to index
        %get3A_1390 = arith.index_cast %add3A_1387 : i32 to index
        %get3A_1391 = arith.constant 208 : index
        %get3A_1392 = tpu.vector_load %arg11[%get3A_1389, %get3A_1390, %get3A_1391] {strides = array<i32>} : memref<4x64x256xf32, #tpu.memory_space<vmem>>, vector<16xf32>,
        %add3A_1393 = arith.addf %get3A_1383, %get3A_1392 : vector<16xf32>
        %mul3A_1394 = arith.constant 4 : i32
        %mul3A_1395 = arith.muli %mul3A_1394, %add3A_798 : i32
        %add3A_1396 = arith.constant 2 : i32
        %add3A_1397 = arith.addi %mul3A_1395, %add3A_1396 : i32
        %get3A_1398 = arith.constant 0 : i32
        %get3A_1399 = arith.index_cast %get3A_1398 : i32 to index
        %get3A_1400 = arith.index_cast %add3A_1397 : i32 to index
        %get3A_1401 = arith.constant 208 : index
        %get3A_1402 = tpu.vector_load %arg11[%get3A_1399, %get3A_1400, %get3A_1401] {strides = array<i32>} : memref<4x64x256xf32, #tpu.memory_space<vmem>>, vector<16xf32>,
        %mul3A_1403 = arith.constant 4 : i32
        %mul3A_1404 = arith.muli %mul3A_1403, %add3A_798 : i32
        %add3A_1405 = arith.constant 3 : i32
        %add3A_1406 = arith.addi %mul3A_1404, %add3A_1405 : i32
        %get3A_1407 = arith.constant 0 : i32
        %get3A_1408 = arith.index_cast %get3A_1407 : i32 to index
        %get3A_1409 = arith.index_cast %add3A_1406 : i32 to index
        %get3A_1410 = arith.constant 208 : index
        %get3A_1411 = tpu.vector_load %arg11[%get3A_1408, %get3A_1409, %get3A_1410] {strides = array<i32>} : memref<4x64x256xf32, #tpu.memory_space<vmem>>, vector<16xf32>,
        %add3A_1412 = arith.addf %get3A_1402, %get3A_1411 : vector<16xf32>
        %add3A_1413 = arith.addf %add3A_1393, %add3A_1412 : vector<16xf32>
        %mul3A_1414 = arith.mulf %get3A_1376, %add3A_1413 : vector<16xf32>
        %add3A_1415 = arith.addf %add3A_1371, %mul3A_1414 : vector<16xf32>
        %get3A_1416 = arith.constant 0 : i32
        %get3A_1417 = arith.index_cast %get3A_1416 : i32 to index
        %get3A_1418 = arith.index_cast %add3A_798 : i32 to index
        %get3A_1419 = arith.constant 224 : index
        %get3A_1420 = tpu.vector_load %arg10[%get3A_1417, %get3A_1418, %get3A_1419] {strides = array<i32>} : memref<4x16x256xf32, #tpu.memory_space<vmem>>, vector<16xf32>,
        %mul3A_1421 = arith.constant 4 : i32
        %mul3A_1422 = arith.muli %mul3A_1421, %add3A_798 : i32
        %get3A_1423 = arith.constant 0 : i32
        %get3A_1424 = arith.index_cast %get3A_1423 : i32 to index
        %get3A_1425 = arith.index_cast %mul3A_1422 : i32 to index
        %get3A_1426 = arith.constant 224 : index
        %get3A_1427 = tpu.vector_load %arg11[%get3A_1424, %get3A_1425, %get3A_1426] {strides = array<i32>} : memref<4x64x256xf32, #tpu.memory_space<vmem>>, vector<16xf32>,
        %mul3A_1428 = arith.constant 4 : i32
        %mul3A_1429 = arith.muli %mul3A_1428, %add3A_798 : i32
        %add3A_1430 = arith.constant 1 : i32
        %add3A_1431 = arith.addi %mul3A_1429, %add3A_1430 : i32
        %get3A_1432 = arith.constant 0 : i32
        %get3A_1433 = arith.index_cast %get3A_1432 : i32 to index
        %get3A_1434 = arith.index_cast %add3A_1431 : i32 to index
        %get3A_1435 = arith.constant 224 : index
        %get3A_1436 = tpu.vector_load %arg11[%get3A_1433, %get3A_1434, %get3A_1435] {strides = array<i32>} : memref<4x64x256xf32, #tpu.memory_space<vmem>>, vector<16xf32>,
        %add3A_1437 = arith.addf %get3A_1427, %get3A_1436 : vector<16xf32>
        %mul3A_1438 = arith.constant 4 : i32
        %mul3A_1439 = arith.muli %mul3A_1438, %add3A_798 : i32
        %add3A_1440 = arith.constant 2 : i32
        %add3A_1441 = arith.addi %mul3A_1439, %add3A_1440 : i32
        %get3A_1442 = arith.constant 0 : i32
        %get3A_1443 = arith.index_cast %get3A_1442 : i32 to index
        %get3A_1444 = arith.index_cast %add3A_1441 : i32 to index
        %get3A_1445 = arith.constant 224 : index
        %get3A_1446 = tpu.vector_load %arg11[%get3A_1443, %get3A_1444, %get3A_1445] {strides = array<i32>} : memref<4x64x256xf32, #tpu.memory_space<vmem>>, vector<16xf32>,
        %mul3A_1447 = arith.constant 4 : i32
        %mul3A_1448 = arith.muli %mul3A_1447, %add3A_798 : i32
        %add3A_1449 = arith.constant 3 : i32
        %add3A_1450 = arith.addi %mul3A_1448, %add3A_1449 : i32
        %get3A_1451 = arith.constant 0 : i32
        %get3A_1452 = arith.index_cast %get3A_1451 : i32 to index
        %get3A_1453 = arith.index_cast %add3A_1450 : i32 to index
        %get3A_1454 = arith.constant 224 : index
        %get3A_1455 = tpu.vector_load %arg11[%get3A_1452, %get3A_1453, %get3A_1454] {strides = array<i32>} : memref<4x64x256xf32, #tpu.memory_space<vmem>>, vector<16xf32>,
        %add3A_1456 = arith.addf %get3A_1446, %get3A_1455 : vector<16xf32>
        %add3A_1457 = arith.addf %add3A_1437, %add3A_1456 : vector<16xf32>
        %mul3A_1458 = arith.mulf %get3A_1420, %add3A_1457 : vector<16xf32>
        %add3A_1459 = arith.addf %add3A_1415, %mul3A_1458 : vector<16xf32>
        %get3A_1460 = arith.constant 0 : i32
        %get3A_1461 = arith.index_cast %get3A_1460 : i32 to index
        %get3A_1462 = arith.index_cast %add3A_798 : i32 to index
        %get3A_1463 = arith.constant 240 : index
        %get3A_1464 = tpu.vector_load %arg10[%get3A_1461, %get3A_1462, %get3A_1463] {strides = array<i32>} : memref<4x16x256xf32, #tpu.memory_space<vmem>>, vector<16xf32>,
        %mul3A_1465 = arith.constant 4 : i32
        %mul3A_1466 = arith.muli %mul3A_1465, %add3A_798 : i32
        %get3A_1467 = arith.constant 0 : i32
        %get3A_1468 = arith.index_cast %get3A_1467 : i32 to index
        %get3A_1469 = arith.index_cast %mul3A_1466 : i32 to index
        %get3A_1470 = arith.constant 240 : index
        %get3A_1471 = tpu.vector_load %arg11[%get3A_1468, %get3A_1469, %get3A_1470] {strides = array<i32>} : memref<4x64x256xf32, #tpu.memory_space<vmem>>, vector<16xf32>,
        %mul3A_1472 = arith.constant 4 : i32
        %mul3A_1473 = arith.muli %mul3A_1472, %add3A_798 : i32
        %add3A_1474 = arith.constant 1 : i32
        %add3A_1475 = arith.addi %mul3A_1473, %add3A_1474 : i32
        %get3A_1476 = arith.constant 0 : i32
        %get3A_1477 = arith.index_cast %get3A_1476 : i32 to index
        %get3A_1478 = arith.index_cast %add3A_1475 : i32 to index
        %get3A_1479 = arith.constant 240 : index
        %get3A_1480 = tpu.vector_load %arg11[%get3A_1477, %get3A_1478, %get3A_1479] {strides = array<i32>} : memref<4x64x256xf32, #tpu.memory_space<vmem>>, vector<16xf32>,
        %add3A_1481 = arith.addf %get3A_1471, %get3A_1480 : vector<16xf32>
        %mul3A_1482 = arith.constant 4 : i32
        %mul3A_1483 = arith.muli %mul3A_1482, %add3A_798 : i32
        %add3A_1484 = arith.constant 2 : i32
        %add3A_1485 = arith.addi %mul3A_1483, %add3A_1484 : i32
        %get3A_1486 = arith.constant 0 : i32
        %get3A_1487 = arith.index_cast %get3A_1486 : i32 to index
        %get3A_1488 = arith.index_cast %add3A_1485 : i32 to index
        %get3A_1489 = arith.constant 240 : index
        %get3A_1490 = tpu.vector_load %arg11[%get3A_1487, %get3A_1488, %get3A_1489] {strides = array<i32>} : memref<4x64x256xf32, #tpu.memory_space<vmem>>, vector<16xf32>,
        %mul3A_1491 = arith.constant 4 : i32
        %mul3A_1492 = arith.muli %mul3A_1491, %add3A_798 : i32
        %add3A_1493 = arith.constant 3 : i32
        %add3A_1494 = arith.addi %mul3A_1492, %add3A_1493 : i32
        %get3A_1495 = arith.constant 0 : i32
        %get3A_1496 = arith.index_cast %get3A_1495 : i32 to index
        %get3A_1497 = arith.index_cast %add3A_1494 : i32 to index
        %get3A_1498 = arith.constant 240 : index
        %get3A_1499 = tpu.vector_load %arg11[%get3A_1496, %get3A_1497, %get3A_1498] {strides = array<i32>} : memref<4x64x256xf32, #tpu.memory_space<vmem>>, vector<16xf32>,
        %add3A_1500 = arith.addf %get3A_1490, %get3A_1499 : vector<16xf32>
        %add3A_1501 = arith.addf %add3A_1481, %add3A_1500 : vector<16xf32>
        %mul3A_1502 = arith.mulf %get3A_1464, %add3A_1501 : vector<16xf32>
        %add3A_1503 = arith.addf %add3A_1459, %mul3A_1502 : vector<16xf32>
        %swap3A_1504 = arith.index_cast %scan3A_795 : i32 to index
        %swap3A_1505 = arith.constant 0 : index
        %swap3A_1506 = tpu.vector_load %arg13[%swap3A_1504, %swap3A_1505] {strides = array<i32>} : memref<16x16xf32, #tpu.memory_space<vmem>>, vector<16xf32>,
        tpu.vector_store %arg13[%swap3A_1504, %swap3A_1505], %add3A_1503 {strides = array<i32>} : memref<16x16xf32, #tpu.memory_space<vmem>>, vector<16xf32>,
      }
      %scan3A_316 = arith.constant 16 : i32
      %broadcast_in_dim3A = arith.constant 0.000000e+00 : f32
      %broadcast_in_dim3A_317 = vector.broadcast %broadcast_in_dim3A : f32 to vector<16xf32>
      %broadcast_in_dim3A_318 = arith.constant 0 : i32
      %broadcast_in_dim3A_319 = vector.broadcast %broadcast_in_dim3A_318 : i32 to vector<16xi32>
      %gather3A = tpu.vector_load_idx %arg13[%iota3A, %broadcast_in_dim3A_319] : memref<16x16xf32, #tpu.memory_space<vmem>>[vector<16xi32>, vector<16xi32>], vector<16xf32>,
      %add3A_320 = arith.addf %broadcast_in_dim3A_317, %gather3A : vector<16xf32>
      %broadcast_in_dim3A_321 = arith.constant 1 : i32
      %broadcast_in_dim3A_322 = vector.broadcast %broadcast_in_dim3A_321 : i32 to vector<16xi32>
      %gather3A_323 = tpu.vector_load_idx %arg13[%iota3A, %broadcast_in_dim3A_322] : memref<16x16xf32, #tpu.memory_space<vmem>>[vector<16xi32>, vector<16xi32>], vector<16xf32>,
      %add3A_324 = arith.addf %add3A_320, %gather3A_323 : vector<16xf32>
      %broadcast_in_dim3A_325 = arith.constant 2 : i32
      %broadcast_in_dim3A_326 = vector.broadcast %broadcast_in_dim3A_325 : i32 to vector<16xi32>
      %gather3A_327 = tpu.vector_load_idx %arg13[%iota3A, %broadcast_in_dim3A_326] : memref<16x16xf32, #tpu.memory_space<vmem>>[vector<16xi32>, vector<16xi32>], vector<16xf32>,
      %add3A_328 = arith.addf %add3A_324, %gather3A_327 : vector<16xf32>
      %broadcast_in_dim3A_329 = arith.constant 3 : i32
      %broadcast_in_dim3A_330 = vector.broadcast %broadcast_in_dim3A_329 : i32 to vector<16xi32>
      %gather3A_331 = tpu.vector_load_idx %arg13[%iota3A, %broadcast_in_dim3A_330] : memref<16x16xf32, #tpu.memory_space<vmem>>[vector<16xi32>, vector<16xi32>], vector<16xf32>,
      %add3A_332 = arith.addf %add3A_328, %gather3A_331 : vector<16xf32>
      %broadcast_in_dim3A_333 = arith.constant 4 : i32
      %broadcast_in_dim3A_334 = vector.broadcast %broadcast_in_dim3A_333 : i32 to vector<16xi32>
      %gather3A_335 = tpu.vector_load_idx %arg13[%iota3A, %broadcast_in_dim3A_334] : memref<16x16xf32, #tpu.memory_space<vmem>>[vector<16xi32>, vector<16xi32>], vector<16xf32>,
      %add3A_336 = arith.addf %add3A_332, %gather3A_335 : vector<16xf32>
      %broadcast_in_dim3A_337 = arith.constant 5 : i32
      %broadcast_in_dim3A_338 = vector.broadcast %broadcast_in_dim3A_337 : i32 to vector<16xi32>
      %gather3A_339 = tpu.vector_load_idx %arg13[%iota3A, %broadcast_in_dim3A_338] : memref<16x16xf32, #tpu.memory_space<vmem>>[vector<16xi32>, vector<16xi32>], vector<16xf32>,
      %add3A_340 = arith.addf %add3A_336, %gather3A_339 : vector<16xf32>
      %broadcast_in_dim3A_341 = arith.constant 6 : i32
      %broadcast_in_dim3A_342 = vector.broadcast %broadcast_in_dim3A_341 : i32 to vector<16xi32>
      %gather3A_343 = tpu.vector_load_idx %arg13[%iota3A, %broadcast_in_dim3A_342] : memref<16x16xf32, #tpu.memory_space<vmem>>[vector<16xi32>, vector<16xi32>], vector<16xf32>,
      %add3A_344 = arith.addf %add3A_340, %gather3A_343 : vector<16xf32>
      %broadcast_in_dim3A_345 = arith.constant 7 : i32
      %broadcast_in_dim3A_346 = vector.broadcast %broadcast_in_dim3A_345 : i32 to vector<16xi32>
      %gather3A_347 = tpu.vector_load_idx %arg13[%iota3A, %broadcast_in_dim3A_346] : memref<16x16xf32, #tpu.memory_space<vmem>>[vector<16xi32>, vector<16xi32>], vector<16xf32>,
      %add3A_348 = arith.addf %add3A_344, %gather3A_347 : vector<16xf32>
      %broadcast_in_dim3A_349 = arith.constant 8 : i32
      %broadcast_in_dim3A_350 = vector.broadcast %broadcast_in_dim3A_349 : i32 to vector<16xi32>
      %gather3A_351 = tpu.vector_load_idx %arg13[%iota3A, %broadcast_in_dim3A_350] : memref<16x16xf32, #tpu.memory_space<vmem>>[vector<16xi32>, vector<16xi32>], vector<16xf32>,
      %add3A_352 = arith.addf %add3A_348, %gather3A_351 : vector<16xf32>
      %broadcast_in_dim3A_353 = arith.constant 9 : i32
      %broadcast_in_dim3A_354 = vector.broadcast %broadcast_in_dim3A_353 : i32 to vector<16xi32>
      %gather3A_355 = tpu.vector_load_idx %arg13[%iota3A, %broadcast_in_dim3A_354] : memref<16x16xf32, #tpu.memory_space<vmem>>[vector<16xi32>, vector<16xi32>], vector<16xf32>,
      %add3A_356 = arith.addf %add3A_352, %gather3A_355 : vector<16xf32>
      %broadcast_in_dim3A_357 = arith.constant 10 : i32
      %broadcast_in_dim3A_358 = vector.broadcast %broadcast_in_dim3A_357 : i32 to vector<16xi32>
      %gather3A_359 = tpu.vector_load_idx %arg13[%iota3A, %broadcast_in_dim3A_358] : memref<16x16xf32, #tpu.memory_space<vmem>>[vector<16xi32>, vector<16xi32>], vector<16xf32>,
      %add3A_360 = arith.addf %add3A_356, %gather3A_359 : vector<16xf32>
      %broadcast_in_dim3A_361 = arith.constant 11 : i32
      %broadcast_in_dim3A_362 = vector.broadcast %broadcast_in_dim3A_361 : i32 to vector<16xi32>
      %gather3A_363 = tpu.vector_load_idx %arg13[%iota3A, %broadcast_in_dim3A_362] : memref<16x16xf32, #tpu.memory_space<vmem>>[vector<16xi32>, vector<16xi32>], vector<16xf32>,
      %add3A_364 = arith.addf %add3A_360, %gather3A_363 : vector<16xf32>
      %broadcast_in_dim3A_365 = arith.constant 12 : i32
      %broadcast_in_dim3A_366 = vector.broadcast %broadcast_in_dim3A_365 : i32 to vector<16xi32>
      %gather3A_367 = tpu.vector_load_idx %arg13[%iota3A, %broadcast_in_dim3A_366] : memref<16x16xf32, #tpu.memory_space<vmem>>[vector<16xi32>, vector<16xi32>], vector<16xf32>,
      %add3A_368 = arith.addf %add3A_364, %gather3A_367 : vector<16xf32>
      %broadcast_in_dim3A_369 = arith.constant 13 : i32
      %broadcast_in_dim3A_370 = vector.broadcast %broadcast_in_dim3A_369 : i32 to vector<16xi32>
      %gather3A_371 = tpu.vector_load_idx %arg13[%iota3A, %broadcast_in_dim3A_370] : memref<16x16xf32, #tpu.memory_space<vmem>>[vector<16xi32>, vector<16xi32>], vector<16xf32>,
      %add3A_372 = arith.addf %add3A_368, %gather3A_371 : vector<16xf32>
      %broadcast_in_dim3A_373 = arith.constant 14 : i32
      %broadcast_in_dim3A_374 = vector.broadcast %broadcast_in_dim3A_373 : i32 to vector<16xi32>
      %gather3A_375 = tpu.vector_load_idx %arg13[%iota3A, %broadcast_in_dim3A_374] : memref<16x16xf32, #tpu.memory_space<vmem>>[vector<16xi32>, vector<16xi32>], vector<16xf32>,
      %add3A_376 = arith.addf %add3A_372, %gather3A_375 : vector<16xf32>
      %broadcast_in_dim3A_377 = arith.constant 15 : i32
      %broadcast_in_dim3A_378 = vector.broadcast %broadcast_in_dim3A_377 : i32 to vector<16xi32>
      %gather3A_379 = tpu.vector_load_idx %arg13[%iota3A, %broadcast_in_dim3A_378] : memref<16x16xf32, #tpu.memory_space<vmem>>[vector<16xi32>, vector<16xi32>], vector<16xf32>,
      %add3A_380 = arith.addf %add3A_376, %gather3A_379 : vector<16xf32>
      %mul3A_381 = arith.constant 2.500000e-01 : f32
      %mul3A_382 = vector.broadcast %mul3A_381 : f32 to vector<16xf32>
      %mul3A_383 = arith.mulf %add3A_380, %mul3A_382 : vector<16xf32>
      %mul3A_384 = arith.constant 16 : i32
      %mul3A_385 = arith.muli %add3A_272, %mul3A_384 : i32
      %mul3A_386 = arith.constant 16 : i32
      %mul3A_387 = arith.muli %scan3A_310, %mul3A_386 : i32
      %add3A_388 = arith.addi %mul3A_385, %mul3A_387 : i32
      %swap3A = arith.index_cast %add3A_388 : i32 to index
      %swap3A_389 = tpu.vector_load %arg12[%swap3A] {strides = array<i32>} : memref<512xf32, #tpu.memory_space<vmem>>, vector<16xf32>,
      tpu.vector_store %arg12[%swap3A], %mul3A_383 {strides = array<i32>} : memref<512xf32, #tpu.memory_space<vmem>>, vector<16xf32>,
      %scan3A_390 = arith.constant 0 : i32
      %scan3A_391 = arith.constant 1 : i32
      %add3A_392 = arith.constant 4 : i32
      %add3A_393 = arith.addi %add3A_272, %add3A_392 : i32
      %lt3A = arith.constant 32 : i32
      %lt3A_394 = arith.cmpi slt, %add3A_393, %lt3A : i32
      %convert_element_type3A = arith.extui %lt3A_394 : i1 to i32
      %cond3A = arith.constant 0 : i32
      %cond3A_395 = arith.cmpi ne, %convert_element_type3A, %cond3A : i32
      scf.if %cond3A_395 {
        %jit3A = arith.constant 8 : i32
        %div3A = arith.divsi %add3A_393, %jit3A : i32
        %sign3A = arith.constant 0 : i32
        %sign3A_795 = arith.cmpi sgt, %add3A_393, %sign3A : i32
        %sign3A_796 = arith.extui %sign3A_795 : i1 to i32
        %sign3A_797 = arith.constant 0 : i32
        %sign3A_798 = arith.cmpi slt, %add3A_393, %sign3A_797 : i32
        %sign3A_799 = arith.extui %sign3A_798 : i1 to i32
        %sign3A_800 = arith.subi %sign3A_796, %sign3A_799 : i32
        %sign3A_801 = arith.constant 0 : i32
        %sign3A_802 = arith.cmpi sgt, %jit3A, %sign3A_801 : i32
        %sign3A_803 = arith.extui %sign3A_802 : i1 to i32
        %sign3A_804 = arith.constant 0 : i32
        %sign3A_805 = arith.cmpi slt, %jit3A, %sign3A_804 : i32
        %sign3A_806 = arith.extui %sign3A_805 : i1 to i32
        %sign3A_807 = arith.subi %sign3A_803, %sign3A_806 : i32
        %ne3A = arith.cmpi ne, %sign3A_800, %sign3A_807 : i32
        %rem3A = arith.remsi %add3A_393, %jit3A : i32
        %ne3A_808 = arith.constant 0 : i32
        %ne3A_809 = arith.cmpi ne, %rem3A, %ne3A_808 : i32
        %and3A = arith.andi %ne3A, %ne3A_809 : i1
        %sub3A = arith.constant 1 : i32
        %sub3A_810 = arith.subi %div3A, %sub3A : i32
        %select_n3A = arith.select %and3A, %sub3A_810, %div3A : i32
        %jit3A_811 = arith.constant 8 : i32
        %eq3A = arith.constant 0 : i32
        %eq3A_812 = arith.cmpi eq, %jit3A_811, %eq3A : i32
        %jit3A_813 = arith.constant 1 : i32
        %select_n3A_814 = arith.select %eq3A_812, %jit3A_813, %jit3A_811 : i32
        %rem3A_815 = arith.remsi %add3A_393, %select_n3A_814 : i32
        %ne3A_816 = arith.constant 0 : i32
        %ne3A_817 = arith.cmpi ne, %rem3A_815, %ne3A_816 : i32
        %lt3A_818 = arith.constant 0 : i32
        %lt3A_819 = arith.cmpi slt, %rem3A_815, %lt3A_818 : i32
        %lt3A_820 = arith.constant 0 : i32
        %lt3A_821 = arith.cmpi slt, %select_n3A_814, %lt3A_820 : i32
        %ne3A_822 = arith.xori %lt3A_819, %lt3A_821 : i1
        %and3A_823 = arith.andi %ne3A_822, %ne3A_817 : i1
        %add3A_824 = arith.addi %rem3A_815, %select_n3A_814 : i32
        %select_n3A_825 = arith.select %and3A_823, %add3A_824, %rem3A_815 : i32
        %mul3A_826 = arith.constant 16 : i32
        %mul3A_827 = arith.muli %select_n3A_825, %mul3A_826 : i32
        %dma_start3A_828 = arith.constant 0 : i32
        %dma_start3A_829 = arith.constant 0 : i32
        %dma_start3A_830 = arith.constant 0 : i32
        %dma_start3A_831 = arith.constant 0 : i32
        %dma_start3A_832 = tpu.memref_slice %arg10[%dma_start3A_828, %dma_start3A_830, %dma_start3A_831] : memref<4x16x256xf32, #tpu.memory_space<vmem>> -> memref<1x16x256xf32, #tpu.memory_space<vmem>>
        %dma_start3A_833 = tpu.memref_squeeze %dma_start3A_832 : memref<1x16x256xf32, #tpu.memory_space<vmem>> -> memref<16x256xf32, #tpu.memory_space<vmem>>
        %dma_start3A_834 = tpu.memref_slice %arg7[%select_n3A, %mul3A_827] : memref<4x128xi32, #tpu.memory_space<vmem>> -> memref<1x16xi32, #tpu.memory_space<vmem>>
        %dma_start3A_835 = tpu.memref_squeeze %dma_start3A_834 : memref<1x16xi32, #tpu.memory_space<vmem>> -> memref<16xi32, #tpu.memory_space<vmem>>
        %dma_start3A_836 = arith.constant 0 : i32
        %dma_start3A_837 = arith.constant 0 : i32
        %dma_start3A_838 = tpu.memref_slice %arg4[%dma_start3A_836, %dma_start3A_837] : memref<1000000x256xf32, #tpu.memory_space<hbm>> -> memref<1000000x256xf32, #tpu.memory_space<hbm>>
        %dma_start3A_839 = tpu.memref_slice %arg14[%dma_start3A_829] : memref<4x!tpu.dma_semaphore, #tpu.memory_space<semaphore_mem>> -> memref<1x!tpu.dma_semaphore, #tpu.memory_space<semaphore_mem>>
        %dma_start3A_840 = tpu.memref_squeeze %dma_start3A_839 : memref<1x!tpu.dma_semaphore, #tpu.memory_space<semaphore_mem>> -> memref<!tpu.dma_semaphore, #tpu.memory_space<semaphore_mem>>
        tpu.enqueue_indirect_dma source(%dma_start3A_838 : memref<1000000x256xf32, #tpu.memory_space<hbm>>) target(%dma_start3A_833 : memref<16x256xf32, #tpu.memory_space<vmem>>) offsets(%dma_start3A_835 : memref<16xi32, #tpu.memory_space<vmem>>) semaphore(%dma_start3A_840 : memref<!tpu.dma_semaphore, #tpu.memory_space<semaphore_mem>>)
        %jit3A_841 = arith.constant 2 : i32
        %div3A_842 = arith.divsi %add3A_393, %jit3A_841 : i32
        %sign3A_843 = arith.constant 0 : i32
        %sign3A_844 = arith.cmpi sgt, %add3A_393, %sign3A_843 : i32
        %sign3A_845 = arith.extui %sign3A_844 : i1 to i32
        %sign3A_846 = arith.constant 0 : i32
        %sign3A_847 = arith.cmpi slt, %add3A_393, %sign3A_846 : i32
        %sign3A_848 = arith.extui %sign3A_847 : i1 to i32
        %sign3A_849 = arith.subi %sign3A_845, %sign3A_848 : i32
        %sign3A_850 = arith.constant 0 : i32
        %sign3A_851 = arith.cmpi sgt, %jit3A_841, %sign3A_850 : i32
        %sign3A_852 = arith.extui %sign3A_851 : i1 to i32
        %sign3A_853 = arith.constant 0 : i32
        %sign3A_854 = arith.cmpi slt, %jit3A_841, %sign3A_853 : i32
        %sign3A_855 = arith.extui %sign3A_854 : i1 to i32
        %sign3A_856 = arith.subi %sign3A_852, %sign3A_855 : i32
        %ne3A_857 = arith.cmpi ne, %sign3A_849, %sign3A_856 : i32
        %rem3A_858 = arith.remsi %add3A_393, %jit3A_841 : i32
        %ne3A_859 = arith.constant 0 : i32
        %ne3A_860 = arith.cmpi ne, %rem3A_858, %ne3A_859 : i32
        %and3A_861 = arith.andi %ne3A_857, %ne3A_860 : i1
        %sub3A_862 = arith.constant 1 : i32
        %sub3A_863 = arith.subi %div3A_842, %sub3A_862 : i32
        %select_n3A_864 = arith.select %and3A_861, %sub3A_863, %div3A_842 : i32
        %jit3A_865 = arith.constant 2 : i32
        %eq3A_866 = arith.constant 0 : i32
        %eq3A_867 = arith.cmpi eq, %jit3A_865, %eq3A_866 : i32
        %jit3A_868 = arith.constant 1 : i32
        %select_n3A_869 = arith.select %eq3A_867, %jit3A_868, %jit3A_865 : i32
        %rem3A_870 = arith.remsi %add3A_393, %select_n3A_869 : i32
        %ne3A_871 = arith.constant 0 : i32
        %ne3A_872 = arith.cmpi ne, %rem3A_870, %ne3A_871 : i32
        %lt3A_873 = arith.constant 0 : i32
        %lt3A_874 = arith.cmpi slt, %rem3A_870, %lt3A_873 : i32
        %lt3A_875 = arith.constant 0 : i32
        %lt3A_876 = arith.cmpi slt, %select_n3A_869, %lt3A_875 : i32
        %ne3A_877 = arith.xori %lt3A_874, %lt3A_876 : i1
        %and3A_878 = arith.andi %ne3A_877, %ne3A_872 : i1
        %add3A_879 = arith.addi %rem3A_870, %select_n3A_869 : i32
        %select_n3A_880 = arith.select %and3A_878, %add3A_879, %rem3A_870 : i32
        %mul3A_881 = arith.constant 16 : i32
        %mul3A_882 = arith.muli %select_n3A_880, %mul3A_881 : i32
        %mul3A_883 = arith.constant 4 : i32
        %mul3A_884 = arith.muli %mul3A_882, %mul3A_883 : i32
        %dma_start3A_885 = arith.constant 0 : i32
        %dma_start3A_886 = arith.constant 0 : i32
        %dma_start3A_887 = arith.constant 0 : i32
        %dma_start3A_888 = arith.constant 0 : i32
        %dma_start3A_889 = tpu.memref_slice %arg11[%dma_start3A_885, %dma_start3A_887, %dma_start3A_888] : memref<4x64x256xf32, #tpu.memory_space<vmem>> -> memref<1x64x256xf32, #tpu.memory_space<vmem>>
        %dma_start3A_890 = tpu.memref_squeeze %dma_start3A_889 : memref<1x64x256xf32, #tpu.memory_space<vmem>> -> memref<64x256xf32, #tpu.memory_space<vmem>>
        %dma_start3A_891 = tpu.memref_slice %arg9[%select_n3A_864, %mul3A_884] : memref<16x128xi32, #tpu.memory_space<vmem>> -> memref<1x64xi32, #tpu.memory_space<vmem>>
        %dma_start3A_892 = tpu.memref_squeeze %dma_start3A_891 : memref<1x64xi32, #tpu.memory_space<vmem>> -> memref<64xi32, #tpu.memory_space<vmem>>
        %dma_start3A_893 = arith.constant 0 : i32
        %dma_start3A_894 = arith.constant 0 : i32
        %dma_start3A_895 = tpu.memref_slice %arg5[%dma_start3A_893, %dma_start3A_894] : memref<1000000x256xf32, #tpu.memory_space<hbm>> -> memref<1000000x256xf32, #tpu.memory_space<hbm>>
        %dma_start3A_896 = tpu.memref_slice %arg15[%dma_start3A_886] : memref<4x!tpu.dma_semaphore, #tpu.memory_space<semaphore_mem>> -> memref<1x!tpu.dma_semaphore, #tpu.memory_space<semaphore_mem>>
        %dma_start3A_897 = tpu.memref_squeeze %dma_start3A_896 : memref<1x!tpu.dma_semaphore, #tpu.memory_space<semaphore_mem>> -> memref<!tpu.dma_semaphore, #tpu.memory_space<semaphore_mem>>
        tpu.enqueue_indirect_dma source(%dma_start3A_895 : memref<1000000x256xf32, #tpu.memory_space<hbm>>) target(%dma_start3A_890 : memref<64x256xf32, #tpu.memory_space<vmem>>) offsets(%dma_start3A_892 : memref<64xi32, #tpu.memory_space<vmem>>) semaphore(%dma_start3A_897 : memref<!tpu.dma_semaphore, #tpu.memory_space<semaphore_mem>>)
      } else {
      }
      %mul3A_396 = arith.constant 4 : i32
      %mul3A_397 = arith.muli %scan3A_268, %mul3A_396 : i32
      %add3A_398 = arith.constant 1 : i32
      %add3A_399 = arith.addi %mul3A_397, %add3A_398 : i32
      %dma_wait3A_400 = arith.constant 1 : i32
      %dma_wait3A_401 = arith.constant 1 : i32
      %dma_wait3A_402 = arith.constant 0 : i32
      %dma_wait3A_403 = arith.constant 0 : i32
      %dma_wait3A_404 = tpu.memref_slice %arg10[%dma_wait3A_400, %dma_wait3A_402, %dma_wait3A_403] : memref<4x16x256xf32, #tpu.memory_space<vmem>> -> memref<1x16x256xf32, #tpu.memory_space<vmem>>
      %dma_wait3A_405 = tpu.memref_squeeze %dma_wait3A_404 : memref<1x16x256xf32, #tpu.memory_space<vmem>> -> memref<16x256xf32, #tpu.memory_space<vmem>>
      %dma_wait3A_406 = arith.constant 0 : i32
      %dma_wait3A_407 = arith.constant 0 : i32
      %dma_wait3A_408 = tpu.memref_slice %arg4[%dma_wait3A_406, %dma_wait3A_407] : memref<1000000x256xf32, #tpu.memory_space<hbm>> -> memref<16x256xf32, #tpu.memory_space<hbm>>
      %dma_wait3A_409 = tpu.memref_slice %arg14[%dma_wait3A_401] : memref<4x!tpu.dma_semaphore, #tpu.memory_space<semaphore_mem>> -> memref<1x!tpu.dma_semaphore, #tpu.memory_space<semaphore_mem>>
      %dma_wait3A_410 = tpu.memref_squeeze %dma_wait3A_409 : memref<1x!tpu.dma_semaphore, #tpu.memory_space<semaphore_mem>> -> memref<!tpu.dma_semaphore, #tpu.memory_space<semaphore_mem>>
      %dma_wait3A_411 = arith.constant 0 : i32
      %dma_wait3A_412 = arith.constant 0 : i32
      %dma_wait3A_413 = tpu.memref_slice %arg10[%dma_wait3A_400, %dma_wait3A_411, %dma_wait3A_412] : memref<4x16x256xf32, #tpu.memory_space<vmem>> -> memref<1x16x256xf32, #tpu.memory_space<vmem>>
      %dma_wait3A_414 = tpu.memref_squeeze %dma_wait3A_413 : memref<1x16x256xf32, #tpu.memory_space<vmem>> -> memref<16x256xf32, #tpu.memory_space<vmem>>
      %dma_wait3A_415 = arith.constant 0 : i32
      %dma_wait3A_416 = arith.constant 0 : i32
      %dma_wait3A_417 = tpu.memref_slice %arg4[%dma_wait3A_415, %dma_wait3A_416] : memref<1000000x256xf32, #tpu.memory_space<hbm>> -> memref<16x256xf32, #tpu.memory_space<hbm>>
      tpu.wait_dma2 semaphore(%dma_wait3A_410 : memref<!tpu.dma_semaphore, #tpu.memory_space<semaphore_mem>>) src(%dma_wait3A_417 : memref<16x256xf32, #tpu.memory_space<hbm>>) dst(%dma_wait3A_414 : memref<16x256xf32, #tpu.memory_space<vmem>>)
      %dma_wait3A_418 = arith.constant 1 : i32
      %dma_wait3A_419 = arith.constant 1 : i32
      %dma_wait3A_420 = arith.constant 0 : i32
      %dma_wait3A_421 = arith.constant 0 : i32
      %dma_wait3A_422 = tpu.memref_slice %arg11[%dma_wait3A_418, %dma_wait3A_420, %dma_wait3A_421] : memref<4x64x256xf32, #tpu.memory_space<vmem>> -> memref<1x64x256xf32, #tpu.memory_space<vmem>>
      %dma_wait3A_423 = tpu.memref_squeeze %dma_wait3A_422 : memref<1x64x256xf32, #tpu.memory_space<vmem>> -> memref<64x256xf32, #tpu.memory_space<vmem>>
      %dma_wait3A_424 = arith.constant 0 : i32
      %dma_wait3A_425 = arith.constant 0 : i32
      %dma_wait3A_426 = tpu.memref_slice %arg5[%dma_wait3A_424, %dma_wait3A_425] : memref<1000000x256xf32, #tpu.memory_space<hbm>> -> memref<64x256xf32, #tpu.memory_space<hbm>>
      %dma_wait3A_427 = tpu.memref_slice %arg15[%dma_wait3A_419] : memref<4x!tpu.dma_semaphore, #tpu.memory_space<semaphore_mem>> -> memref<1x!tpu.dma_semaphore, #tpu.memory_space<semaphore_mem>>
      %dma_wait3A_428 = tpu.memref_squeeze %dma_wait3A_427 : memref<1x!tpu.dma_semaphore, #tpu.memory_space<semaphore_mem>> -> memref<!tpu.dma_semaphore, #tpu.memory_space<semaphore_mem>>
      %dma_wait3A_429 = arith.constant 0 : i32
      %dma_wait3A_430 = arith.constant 0 : i32
      %dma_wait3A_431 = tpu.memref_slice %arg11[%dma_wait3A_418, %dma_wait3A_429, %dma_wait3A_430] : memref<4x64x256xf32, #tpu.memory_space<vmem>> -> memref<1x64x256xf32, #tpu.memory_space<vmem>>
      %dma_wait3A_432 = tpu.memref_squeeze %dma_wait3A_431 : memref<1x64x256xf32, #tpu.memory_space<vmem>> -> memref<64x256xf32, #tpu.memory_space<vmem>>
      %dma_wait3A_433 = arith.constant 0 : i32
      %dma_wait3A_434 = arith.constant 0 : i32
      %dma_wait3A_435 = tpu.memref_slice %arg5[%dma_wait3A_433, %dma_wait3A_434] : memref<1000000x256xf32, #tpu.memory_space<hbm>> -> memref<64x256xf32, #tpu.memory_space<hbm>>
      tpu.wait_dma2 semaphore(%dma_wait3A_428 : memref<!tpu.dma_semaphore, #tpu.memory_space<semaphore_mem>>) src(%dma_wait3A_435 : memref<64x256xf32, #tpu.memory_space<hbm>>) dst(%dma_wait3A_432 : memref<64x256xf32, #tpu.memory_space<vmem>>)
      %scan3A_436 = arith.constant 0 : i32
      %scan3A_437 = arith.constant 0 : i32
      %scan3A_438 = arith.constant 0 : i32
      %scan3A_439 = arith.constant 0 : i32
      %scan3A_440 = arith.constant 16 : i32
      %scan3A_441 = arith.addi %scan3A_439, %scan3A_440 : i32
      %scan3A_442 = arith.constant 1 : i32
      scf.for %scan3A_795 = %scan3A_439 to %scan3A_441 step %scan3A_442  : i32 {
        %mul3A_796 = arith.constant 16 : i32
        %mul3A_797 = arith.muli %scan3A_437, %mul3A_796 : i32
        %add3A_798 = arith.addi %mul3A_797, %scan3A_795 : i32
        %broadcast_in_dim3A_799 = arith.constant 0.000000e+00 : f32
        %broadcast_in_dim3A_800 = vector.broadcast %broadcast_in_dim3A_799 : f32 to vector<16xf32>
        %get3A = arith.constant 1 : i32
        %get3A_801 = arith.index_cast %get3A : i32 to index
        %get3A_802 = arith.index_cast %add3A_798 : i32 to index
        %get3A_803 = arith.constant 0 : index
        %get3A_804 = tpu.vector_load %arg10[%get3A_801, %get3A_802, %get3A_803] {strides = array<i32>} : memref<4x16x256xf32, #tpu.memory_space<vmem>>, vector<16xf32>,
        %mul3A_805 = arith.constant 4 : i32
        %mul3A_806 = arith.muli %mul3A_805, %add3A_798 : i32
        %get3A_807 = arith.constant 1 : i32
        %get3A_808 = arith.index_cast %get3A_807 : i32 to index
        %get3A_809 = arith.index_cast %mul3A_806 : i32 to index
        %get3A_810 = arith.constant 0 : index
        %get3A_811 = tpu.vector_load %arg11[%get3A_808, %get3A_809, %get3A_810] {strides = array<i32>} : memref<4x64x256xf32, #tpu.memory_space<vmem>>, vector<16xf32>,
        %mul3A_812 = arith.constant 4 : i32
        %mul3A_813 = arith.muli %mul3A_812, %add3A_798 : i32
        %add3A_814 = arith.constant 1 : i32
        %add3A_815 = arith.addi %mul3A_813, %add3A_814 : i32
        %get3A_816 = arith.constant 1 : i32
        %get3A_817 = arith.index_cast %get3A_816 : i32 to index
        %get3A_818 = arith.index_cast %add3A_815 : i32 to index
        %get3A_819 = arith.constant 0 : index
        %get3A_820 = tpu.vector_load %arg11[%get3A_817, %get3A_818, %get3A_819] {strides = array<i32>} : memref<4x64x256xf32, #tpu.memory_space<vmem>>, vector<16xf32>,
        %add3A_821 = arith.addf %get3A_811, %get3A_820 : vector<16xf32>
        %mul3A_822 = arith.constant 4 : i32
        %mul3A_823 = arith.muli %mul3A_822, %add3A_798 : i32
        %add3A_824 = arith.constant 2 : i32
        %add3A_825 = arith.addi %mul3A_823, %add3A_824 : i32
        %get3A_826 = arith.constant 1 : i32
        %get3A_827 = arith.index_cast %get3A_826 : i32 to index
        %get3A_828 = arith.index_cast %add3A_825 : i32 to index
        %get3A_829 = arith.constant 0 : index
        %get3A_830 = tpu.vector_load %arg11[%get3A_827, %get3A_828, %get3A_829] {strides = array<i32>} : memref<4x64x256xf32, #tpu.memory_space<vmem>>, vector<16xf32>,
        %mul3A_831 = arith.constant 4 : i32
        %mul3A_832 = arith.muli %mul3A_831, %add3A_798 : i32
        %add3A_833 = arith.constant 3 : i32
        %add3A_834 = arith.addi %mul3A_832, %add3A_833 : i32
        %get3A_835 = arith.constant 1 : i32
        %get3A_836 = arith.index_cast %get3A_835 : i32 to index
        %get3A_837 = arith.index_cast %add3A_834 : i32 to index
        %get3A_838 = arith.constant 0 : index
        %get3A_839 = tpu.vector_load %arg11[%get3A_836, %get3A_837, %get3A_838] {strides = array<i32>} : memref<4x64x256xf32, #tpu.memory_space<vmem>>, vector<16xf32>,
        %add3A_840 = arith.addf %get3A_830, %get3A_839 : vector<16xf32>
        %add3A_841 = arith.addf %add3A_821, %add3A_840 : vector<16xf32>
        %mul3A_842 = arith.mulf %get3A_804, %add3A_841 : vector<16xf32>
        %add3A_843 = arith.addf %broadcast_in_dim3A_800, %mul3A_842 : vector<16xf32>
        %get3A_844 = arith.constant 1 : i32
        %get3A_845 = arith.index_cast %get3A_844 : i32 to index
        %get3A_846 = arith.index_cast %add3A_798 : i32 to index
        %get3A_847 = arith.constant 16 : index
        %get3A_848 = tpu.vector_load %arg10[%get3A_845, %get3A_846, %get3A_847] {strides = array<i32>} : memref<4x16x256xf32, #tpu.memory_space<vmem>>, vector<16xf32>,
        %mul3A_849 = arith.constant 4 : i32
        %mul3A_850 = arith.muli %mul3A_849, %add3A_798 : i32
        %get3A_851 = arith.constant 1 : i32
        %get3A_852 = arith.index_cast %get3A_851 : i32 to index
        %get3A_853 = arith.index_cast %mul3A_850 : i32 to index
        %get3A_854 = arith.constant 16 : index
        %get3A_855 = tpu.vector_load %arg11[%get3A_852, %get3A_853, %get3A_854] {strides = array<i32>} : memref<4x64x256xf32, #tpu.memory_space<vmem>>, vector<16xf32>,
        %mul3A_856 = arith.constant 4 : i32
        %mul3A_857 = arith.muli %mul3A_856, %add3A_798 : i32
        %add3A_858 = arith.constant 1 : i32
        %add3A_859 = arith.addi %mul3A_857, %add3A_858 : i32
        %get3A_860 = arith.constant 1 : i32
        %get3A_861 = arith.index_cast %get3A_860 : i32 to index
        %get3A_862 = arith.index_cast %add3A_859 : i32 to index
        %get3A_863 = arith.constant 16 : index
        %get3A_864 = tpu.vector_load %arg11[%get3A_861, %get3A_862, %get3A_863] {strides = array<i32>} : memref<4x64x256xf32, #tpu.memory_space<vmem>>, vector<16xf32>,
        %add3A_865 = arith.addf %get3A_855, %get3A_864 : vector<16xf32>
        %mul3A_866 = arith.constant 4 : i32
        %mul3A_867 = arith.muli %mul3A_866, %add3A_798 : i32
        %add3A_868 = arith.constant 2 : i32
        %add3A_869 = arith.addi %mul3A_867, %add3A_868 : i32
        %get3A_870 = arith.constant 1 : i32
        %get3A_871 = arith.index_cast %get3A_870 : i32 to index
        %get3A_872 = arith.index_cast %add3A_869 : i32 to index
        %get3A_873 = arith.constant 16 : index
        %get3A_874 = tpu.vector_load %arg11[%get3A_871, %get3A_872, %get3A_873] {strides = array<i32>} : memref<4x64x256xf32, #tpu.memory_space<vmem>>, vector<16xf32>,
        %mul3A_875 = arith.constant 4 : i32
        %mul3A_876 = arith.muli %mul3A_875, %add3A_798 : i32
        %add3A_877 = arith.constant 3 : i32
        %add3A_878 = arith.addi %mul3A_876, %add3A_877 : i32
        %get3A_879 = arith.constant 1 : i32
        %get3A_880 = arith.index_cast %get3A_879 : i32 to index
        %get3A_881 = arith.index_cast %add3A_878 : i32 to index
        %get3A_882 = arith.constant 16 : index
        %get3A_883 = tpu.vector_load %arg11[%get3A_880, %get3A_881, %get3A_882] {strides = array<i32>} : memref<4x64x256xf32, #tpu.memory_space<vmem>>, vector<16xf32>,
        %add3A_884 = arith.addf %get3A_874, %get3A_883 : vector<16xf32>
        %add3A_885 = arith.addf %add3A_865, %add3A_884 : vector<16xf32>
        %mul3A_886 = arith.mulf %get3A_848, %add3A_885 : vector<16xf32>
        %add3A_887 = arith.addf %add3A_843, %mul3A_886 : vector<16xf32>
        %get3A_888 = arith.constant 1 : i32
        %get3A_889 = arith.index_cast %get3A_888 : i32 to index
        %get3A_890 = arith.index_cast %add3A_798 : i32 to index
        %get3A_891 = arith.constant 32 : index
        %get3A_892 = tpu.vector_load %arg10[%get3A_889, %get3A_890, %get3A_891] {strides = array<i32>} : memref<4x16x256xf32, #tpu.memory_space<vmem>>, vector<16xf32>,
        %mul3A_893 = arith.constant 4 : i32
        %mul3A_894 = arith.muli %mul3A_893, %add3A_798 : i32
        %get3A_895 = arith.constant 1 : i32
        %get3A_896 = arith.index_cast %get3A_895 : i32 to index
        %get3A_897 = arith.index_cast %mul3A_894 : i32 to index
        %get3A_898 = arith.constant 32 : index
        %get3A_899 = tpu.vector_load %arg11[%get3A_896, %get3A_897, %get3A_898] {strides = array<i32>} : memref<4x64x256xf32, #tpu.memory_space<vmem>>, vector<16xf32>,
        %mul3A_900 = arith.constant 4 : i32
        %mul3A_901 = arith.muli %mul3A_900, %add3A_798 : i32
        %add3A_902 = arith.constant 1 : i32
        %add3A_903 = arith.addi %mul3A_901, %add3A_902 : i32
        %get3A_904 = arith.constant 1 : i32
        %get3A_905 = arith.index_cast %get3A_904 : i32 to index
        %get3A_906 = arith.index_cast %add3A_903 : i32 to index
        %get3A_907 = arith.constant 32 : index
        %get3A_908 = tpu.vector_load %arg11[%get3A_905, %get3A_906, %get3A_907] {strides = array<i32>} : memref<4x64x256xf32, #tpu.memory_space<vmem>>, vector<16xf32>,
        %add3A_909 = arith.addf %get3A_899, %get3A_908 : vector<16xf32>
        %mul3A_910 = arith.constant 4 : i32
        %mul3A_911 = arith.muli %mul3A_910, %add3A_798 : i32
        %add3A_912 = arith.constant 2 : i32
        %add3A_913 = arith.addi %mul3A_911, %add3A_912 : i32
        %get3A_914 = arith.constant 1 : i32
        %get3A_915 = arith.index_cast %get3A_914 : i32 to index
        %get3A_916 = arith.index_cast %add3A_913 : i32 to index
        %get3A_917 = arith.constant 32 : index
        %get3A_918 = tpu.vector_load %arg11[%get3A_915, %get3A_916, %get3A_917] {strides = array<i32>} : memref<4x64x256xf32, #tpu.memory_space<vmem>>, vector<16xf32>,
        %mul3A_919 = arith.constant 4 : i32
        %mul3A_920 = arith.muli %mul3A_919, %add3A_798 : i32
        %add3A_921 = arith.constant 3 : i32
        %add3A_922 = arith.addi %mul3A_920, %add3A_921 : i32
        %get3A_923 = arith.constant 1 : i32
        %get3A_924 = arith.index_cast %get3A_923 : i32 to index
        %get3A_925 = arith.index_cast %add3A_922 : i32 to index
        %get3A_926 = arith.constant 32 : index
        %get3A_927 = tpu.vector_load %arg11[%get3A_924, %get3A_925, %get3A_926] {strides = array<i32>} : memref<4x64x256xf32, #tpu.memory_space<vmem>>, vector<16xf32>,
        %add3A_928 = arith.addf %get3A_918, %get3A_927 : vector<16xf32>
        %add3A_929 = arith.addf %add3A_909, %add3A_928 : vector<16xf32>
        %mul3A_930 = arith.mulf %get3A_892, %add3A_929 : vector<16xf32>
        %add3A_931 = arith.addf %add3A_887, %mul3A_930 : vector<16xf32>
        %get3A_932 = arith.constant 1 : i32
        %get3A_933 = arith.index_cast %get3A_932 : i32 to index
        %get3A_934 = arith.index_cast %add3A_798 : i32 to index
        %get3A_935 = arith.constant 48 : index
        %get3A_936 = tpu.vector_load %arg10[%get3A_933, %get3A_934, %get3A_935] {strides = array<i32>} : memref<4x16x256xf32, #tpu.memory_space<vmem>>, vector<16xf32>,
        %mul3A_937 = arith.constant 4 : i32
        %mul3A_938 = arith.muli %mul3A_937, %add3A_798 : i32
        %get3A_939 = arith.constant 1 : i32
        %get3A_940 = arith.index_cast %get3A_939 : i32 to index
        %get3A_941 = arith.index_cast %mul3A_938 : i32 to index
        %get3A_942 = arith.constant 48 : index
        %get3A_943 = tpu.vector_load %arg11[%get3A_940, %get3A_941, %get3A_942] {strides = array<i32>} : memref<4x64x256xf32, #tpu.memory_space<vmem>>, vector<16xf32>,
        %mul3A_944 = arith.constant 4 : i32
        %mul3A_945 = arith.muli %mul3A_944, %add3A_798 : i32
        %add3A_946 = arith.constant 1 : i32
        %add3A_947 = arith.addi %mul3A_945, %add3A_946 : i32
        %get3A_948 = arith.constant 1 : i32
        %get3A_949 = arith.index_cast %get3A_948 : i32 to index
        %get3A_950 = arith.index_cast %add3A_947 : i32 to index
        %get3A_951 = arith.constant 48 : index
        %get3A_952 = tpu.vector_load %arg11[%get3A_949, %get3A_950, %get3A_951] {strides = array<i32>} : memref<4x64x256xf32, #tpu.memory_space<vmem>>, vector<16xf32>,
        %add3A_953 = arith.addf %get3A_943, %get3A_952 : vector<16xf32>
        %mul3A_954 = arith.constant 4 : i32
        %mul3A_955 = arith.muli %mul3A_954, %add3A_798 : i32
        %add3A_956 = arith.constant 2 : i32
        %add3A_957 = arith.addi %mul3A_955, %add3A_956 : i32
        %get3A_958 = arith.constant 1 : i32
        %get3A_959 = arith.index_cast %get3A_958 : i32 to index
        %get3A_960 = arith.index_cast %add3A_957 : i32 to index
        %get3A_961 = arith.constant 48 : index
        %get3A_962 = tpu.vector_load %arg11[%get3A_959, %get3A_960, %get3A_961] {strides = array<i32>} : memref<4x64x256xf32, #tpu.memory_space<vmem>>, vector<16xf32>,
        %mul3A_963 = arith.constant 4 : i32
        %mul3A_964 = arith.muli %mul3A_963, %add3A_798 : i32
        %add3A_965 = arith.constant 3 : i32
        %add3A_966 = arith.addi %mul3A_964, %add3A_965 : i32
        %get3A_967 = arith.constant 1 : i32
        %get3A_968 = arith.index_cast %get3A_967 : i32 to index
        %get3A_969 = arith.index_cast %add3A_966 : i32 to index
        %get3A_970 = arith.constant 48 : index
        %get3A_971 = tpu.vector_load %arg11[%get3A_968, %get3A_969, %get3A_970] {strides = array<i32>} : memref<4x64x256xf32, #tpu.memory_space<vmem>>, vector<16xf32>,
        %add3A_972 = arith.addf %get3A_962, %get3A_971 : vector<16xf32>
        %add3A_973 = arith.addf %add3A_953, %add3A_972 : vector<16xf32>
        %mul3A_974 = arith.mulf %get3A_936, %add3A_973 : vector<16xf32>
        %add3A_975 = arith.addf %add3A_931, %mul3A_974 : vector<16xf32>
        %get3A_976 = arith.constant 1 : i32
        %get3A_977 = arith.index_cast %get3A_976 : i32 to index
        %get3A_978 = arith.index_cast %add3A_798 : i32 to index
        %get3A_979 = arith.constant 64 : index
        %get3A_980 = tpu.vector_load %arg10[%get3A_977, %get3A_978, %get3A_979] {strides = array<i32>} : memref<4x16x256xf32, #tpu.memory_space<vmem>>, vector<16xf32>,
        %mul3A_981 = arith.constant 4 : i32
        %mul3A_982 = arith.muli %mul3A_981, %add3A_798 : i32
        %get3A_983 = arith.constant 1 : i32
        %get3A_984 = arith.index_cast %get3A_983 : i32 to index
        %get3A_985 = arith.index_cast %mul3A_982 : i32 to index
        %get3A_986 = arith.constant 64 : index
        %get3A_987 = tpu.vector_load %arg11[%get3A_984, %get3A_985, %get3A_986] {strides = array<i32>} : memref<4x64x256xf32, #tpu.memory_space<vmem>>, vector<16xf32>,
        %mul3A_988 = arith.constant 4 : i32
        %mul3A_989 = arith.muli %mul3A_988, %add3A_798 : i32
        %add3A_990 = arith.constant 1 : i32
        %add3A_991 = arith.addi %mul3A_989, %add3A_990 : i32
        %get3A_992 = arith.constant 1 : i32
        %get3A_993 = arith.index_cast %get3A_992 : i32 to index
        %get3A_994 = arith.index_cast %add3A_991 : i32 to index
        %get3A_995 = arith.constant 64 : index
        %get3A_996 = tpu.vector_load %arg11[%get3A_993, %get3A_994, %get3A_995] {strides = array<i32>} : memref<4x64x256xf32, #tpu.memory_space<vmem>>, vector<16xf32>,
        %add3A_997 = arith.addf %get3A_987, %get3A_996 : vector<16xf32>
        %mul3A_998 = arith.constant 4 : i32
        %mul3A_999 = arith.muli %mul3A_998, %add3A_798 : i32
        %add3A_1000 = arith.constant 2 : i32
        %add3A_1001 = arith.addi %mul3A_999, %add3A_1000 : i32
        %get3A_1002 = arith.constant 1 : i32
        %get3A_1003 = arith.index_cast %get3A_1002 : i32 to index
        %get3A_1004 = arith.index_cast %add3A_1001 : i32 to index
        %get3A_1005 = arith.constant 64 : index
        %get3A_1006 = tpu.vector_load %arg11[%get3A_1003, %get3A_1004, %get3A_1005] {strides = array<i32>} : memref<4x64x256xf32, #tpu.memory_space<vmem>>, vector<16xf32>,
        %mul3A_1007 = arith.constant 4 : i32
        %mul3A_1008 = arith.muli %mul3A_1007, %add3A_798 : i32
        %add3A_1009 = arith.constant 3 : i32
        %add3A_1010 = arith.addi %mul3A_1008, %add3A_1009 : i32
        %get3A_1011 = arith.constant 1 : i32
        %get3A_1012 = arith.index_cast %get3A_1011 : i32 to index
        %get3A_1013 = arith.index_cast %add3A_1010 : i32 to index
        %get3A_1014 = arith.constant 64 : index
        %get3A_1015 = tpu.vector_load %arg11[%get3A_1012, %get3A_1013, %get3A_1014] {strides = array<i32>} : memref<4x64x256xf32, #tpu.memory_space<vmem>>, vector<16xf32>,
        %add3A_1016 = arith.addf %get3A_1006, %get3A_1015 : vector<16xf32>
        %add3A_1017 = arith.addf %add3A_997, %add3A_1016 : vector<16xf32>
        %mul3A_1018 = arith.mulf %get3A_980, %add3A_1017 : vector<16xf32>
        %add3A_1019 = arith.addf %add3A_975, %mul3A_1018 : vector<16xf32>
        %get3A_1020 = arith.constant 1 : i32
        %get3A_1021 = arith.index_cast %get3A_1020 : i32 to index
        %get3A_1022 = arith.index_cast %add3A_798 : i32 to index
        %get3A_1023 = arith.constant 80 : index
        %get3A_1024 = tpu.vector_load %arg10[%get3A_1021, %get3A_1022, %get3A_1023] {strides = array<i32>} : memref<4x16x256xf32, #tpu.memory_space<vmem>>, vector<16xf32>,
        %mul3A_1025 = arith.constant 4 : i32
        %mul3A_1026 = arith.muli %mul3A_1025, %add3A_798 : i32
        %get3A_1027 = arith.constant 1 : i32
        %get3A_1028 = arith.index_cast %get3A_1027 : i32 to index
        %get3A_1029 = arith.index_cast %mul3A_1026 : i32 to index
        %get3A_1030 = arith.constant 80 : index
        %get3A_1031 = tpu.vector_load %arg11[%get3A_1028, %get3A_1029, %get3A_1030] {strides = array<i32>} : memref<4x64x256xf32, #tpu.memory_space<vmem>>, vector<16xf32>,
        %mul3A_1032 = arith.constant 4 : i32
        %mul3A_1033 = arith.muli %mul3A_1032, %add3A_798 : i32
        %add3A_1034 = arith.constant 1 : i32
        %add3A_1035 = arith.addi %mul3A_1033, %add3A_1034 : i32
        %get3A_1036 = arith.constant 1 : i32
        %get3A_1037 = arith.index_cast %get3A_1036 : i32 to index
        %get3A_1038 = arith.index_cast %add3A_1035 : i32 to index
        %get3A_1039 = arith.constant 80 : index
        %get3A_1040 = tpu.vector_load %arg11[%get3A_1037, %get3A_1038, %get3A_1039] {strides = array<i32>} : memref<4x64x256xf32, #tpu.memory_space<vmem>>, vector<16xf32>,
        %add3A_1041 = arith.addf %get3A_1031, %get3A_1040 : vector<16xf32>
        %mul3A_1042 = arith.constant 4 : i32
        %mul3A_1043 = arith.muli %mul3A_1042, %add3A_798 : i32
        %add3A_1044 = arith.constant 2 : i32
        %add3A_1045 = arith.addi %mul3A_1043, %add3A_1044 : i32
        %get3A_1046 = arith.constant 1 : i32
        %get3A_1047 = arith.index_cast %get3A_1046 : i32 to index
        %get3A_1048 = arith.index_cast %add3A_1045 : i32 to index
        %get3A_1049 = arith.constant 80 : index
        %get3A_1050 = tpu.vector_load %arg11[%get3A_1047, %get3A_1048, %get3A_1049] {strides = array<i32>} : memref<4x64x256xf32, #tpu.memory_space<vmem>>, vector<16xf32>,
        %mul3A_1051 = arith.constant 4 : i32
        %mul3A_1052 = arith.muli %mul3A_1051, %add3A_798 : i32
        %add3A_1053 = arith.constant 3 : i32
        %add3A_1054 = arith.addi %mul3A_1052, %add3A_1053 : i32
        %get3A_1055 = arith.constant 1 : i32
        %get3A_1056 = arith.index_cast %get3A_1055 : i32 to index
        %get3A_1057 = arith.index_cast %add3A_1054 : i32 to index
        %get3A_1058 = arith.constant 80 : index
        %get3A_1059 = tpu.vector_load %arg11[%get3A_1056, %get3A_1057, %get3A_1058] {strides = array<i32>} : memref<4x64x256xf32, #tpu.memory_space<vmem>>, vector<16xf32>,
        %add3A_1060 = arith.addf %get3A_1050, %get3A_1059 : vector<16xf32>
        %add3A_1061 = arith.addf %add3A_1041, %add3A_1060 : vector<16xf32>
        %mul3A_1062 = arith.mulf %get3A_1024, %add3A_1061 : vector<16xf32>
        %add3A_1063 = arith.addf %add3A_1019, %mul3A_1062 : vector<16xf32>
        %get3A_1064 = arith.constant 1 : i32
        %get3A_1065 = arith.index_cast %get3A_1064 : i32 to index
        %get3A_1066 = arith.index_cast %add3A_798 : i32 to index
        %get3A_1067 = arith.constant 96 : index
        %get3A_1068 = tpu.vector_load %arg10[%get3A_1065, %get3A_1066, %get3A_1067] {strides = array<i32>} : memref<4x16x256xf32, #tpu.memory_space<vmem>>, vector<16xf32>,
        %mul3A_1069 = arith.constant 4 : i32
        %mul3A_1070 = arith.muli %mul3A_1069, %add3A_798 : i32
        %get3A_1071 = arith.constant 1 : i32
        %get3A_1072 = arith.index_cast %get3A_1071 : i32 to index
        %get3A_1073 = arith.index_cast %mul3A_1070 : i32 to index
        %get3A_1074 = arith.constant 96 : index
        %get3A_1075 = tpu.vector_load %arg11[%get3A_1072, %get3A_1073, %get3A_1074] {strides = array<i32>} : memref<4x64x256xf32, #tpu.memory_space<vmem>>, vector<16xf32>,
        %mul3A_1076 = arith.constant 4 : i32
        %mul3A_1077 = arith.muli %mul3A_1076, %add3A_798 : i32
        %add3A_1078 = arith.constant 1 : i32
        %add3A_1079 = arith.addi %mul3A_1077, %add3A_1078 : i32
        %get3A_1080 = arith.constant 1 : i32
        %get3A_1081 = arith.index_cast %get3A_1080 : i32 to index
        %get3A_1082 = arith.index_cast %add3A_1079 : i32 to index
        %get3A_1083 = arith.constant 96 : index
        %get3A_1084 = tpu.vector_load %arg11[%get3A_1081, %get3A_1082, %get3A_1083] {strides = array<i32>} : memref<4x64x256xf32, #tpu.memory_space<vmem>>, vector<16xf32>,
        %add3A_1085 = arith.addf %get3A_1075, %get3A_1084 : vector<16xf32>
        %mul3A_1086 = arith.constant 4 : i32
        %mul3A_1087 = arith.muli %mul3A_1086, %add3A_798 : i32
        %add3A_1088 = arith.constant 2 : i32
        %add3A_1089 = arith.addi %mul3A_1087, %add3A_1088 : i32
        %get3A_1090 = arith.constant 1 : i32
        %get3A_1091 = arith.index_cast %get3A_1090 : i32 to index
        %get3A_1092 = arith.index_cast %add3A_1089 : i32 to index
        %get3A_1093 = arith.constant 96 : index
        %get3A_1094 = tpu.vector_load %arg11[%get3A_1091, %get3A_1092, %get3A_1093] {strides = array<i32>} : memref<4x64x256xf32, #tpu.memory_space<vmem>>, vector<16xf32>,
        %mul3A_1095 = arith.constant 4 : i32
        %mul3A_1096 = arith.muli %mul3A_1095, %add3A_798 : i32
        %add3A_1097 = arith.constant 3 : i32
        %add3A_1098 = arith.addi %mul3A_1096, %add3A_1097 : i32
        %get3A_1099 = arith.constant 1 : i32
        %get3A_1100 = arith.index_cast %get3A_1099 : i32 to index
        %get3A_1101 = arith.index_cast %add3A_1098 : i32 to index
        %get3A_1102 = arith.constant 96 : index
        %get3A_1103 = tpu.vector_load %arg11[%get3A_1100, %get3A_1101, %get3A_1102] {strides = array<i32>} : memref<4x64x256xf32, #tpu.memory_space<vmem>>, vector<16xf32>,
        %add3A_1104 = arith.addf %get3A_1094, %get3A_1103 : vector<16xf32>
        %add3A_1105 = arith.addf %add3A_1085, %add3A_1104 : vector<16xf32>
        %mul3A_1106 = arith.mulf %get3A_1068, %add3A_1105 : vector<16xf32>
        %add3A_1107 = arith.addf %add3A_1063, %mul3A_1106 : vector<16xf32>
        %get3A_1108 = arith.constant 1 : i32
        %get3A_1109 = arith.index_cast %get3A_1108 : i32 to index
        %get3A_1110 = arith.index_cast %add3A_798 : i32 to index
        %get3A_1111 = arith.constant 112 : index
        %get3A_1112 = tpu.vector_load %arg10[%get3A_1109, %get3A_1110, %get3A_1111] {strides = array<i32>} : memref<4x16x256xf32, #tpu.memory_space<vmem>>, vector<16xf32>,
        %mul3A_1113 = arith.constant 4 : i32
        %mul3A_1114 = arith.muli %mul3A_1113, %add3A_798 : i32
        %get3A_1115 = arith.constant 1 : i32
        %get3A_1116 = arith.index_cast %get3A_1115 : i32 to index
        %get3A_1117 = arith.index_cast %mul3A_1114 : i32 to index
        %get3A_1118 = arith.constant 112 : index
        %get3A_1119 = tpu.vector_load %arg11[%get3A_1116, %get3A_1117, %get3A_1118] {strides = array<i32>} : memref<4x64x256xf32, #tpu.memory_space<vmem>>, vector<16xf32>,
        %mul3A_1120 = arith.constant 4 : i32
        %mul3A_1121 = arith.muli %mul3A_1120, %add3A_798 : i32
        %add3A_1122 = arith.constant 1 : i32
        %add3A_1123 = arith.addi %mul3A_1121, %add3A_1122 : i32
        %get3A_1124 = arith.constant 1 : i32
        %get3A_1125 = arith.index_cast %get3A_1124 : i32 to index
        %get3A_1126 = arith.index_cast %add3A_1123 : i32 to index
        %get3A_1127 = arith.constant 112 : index
        %get3A_1128 = tpu.vector_load %arg11[%get3A_1125, %get3A_1126, %get3A_1127] {strides = array<i32>} : memref<4x64x256xf32, #tpu.memory_space<vmem>>, vector<16xf32>,
        %add3A_1129 = arith.addf %get3A_1119, %get3A_1128 : vector<16xf32>
        %mul3A_1130 = arith.constant 4 : i32
        %mul3A_1131 = arith.muli %mul3A_1130, %add3A_798 : i32
        %add3A_1132 = arith.constant 2 : i32
        %add3A_1133 = arith.addi %mul3A_1131, %add3A_1132 : i32
        %get3A_1134 = arith.constant 1 : i32
        %get3A_1135 = arith.index_cast %get3A_1134 : i32 to index
        %get3A_1136 = arith.index_cast %add3A_1133 : i32 to index
        %get3A_1137 = arith.constant 112 : index
        %get3A_1138 = tpu.vector_load %arg11[%get3A_1135, %get3A_1136, %get3A_1137] {strides = array<i32>} : memref<4x64x256xf32, #tpu.memory_space<vmem>>, vector<16xf32>,
        %mul3A_1139 = arith.constant 4 : i32
        %mul3A_1140 = arith.muli %mul3A_1139, %add3A_798 : i32
        %add3A_1141 = arith.constant 3 : i32
        %add3A_1142 = arith.addi %mul3A_1140, %add3A_1141 : i32
        %get3A_1143 = arith.constant 1 : i32
        %get3A_1144 = arith.index_cast %get3A_1143 : i32 to index
        %get3A_1145 = arith.index_cast %add3A_1142 : i32 to index
        %get3A_1146 = arith.constant 112 : index
        %get3A_1147 = tpu.vector_load %arg11[%get3A_1144, %get3A_1145, %get3A_1146] {strides = array<i32>} : memref<4x64x256xf32, #tpu.memory_space<vmem>>, vector<16xf32>,
        %add3A_1148 = arith.addf %get3A_1138, %get3A_1147 : vector<16xf32>
        %add3A_1149 = arith.addf %add3A_1129, %add3A_1148 : vector<16xf32>
        %mul3A_1150 = arith.mulf %get3A_1112, %add3A_1149 : vector<16xf32>
        %add3A_1151 = arith.addf %add3A_1107, %mul3A_1150 : vector<16xf32>
        %get3A_1152 = arith.constant 1 : i32
        %get3A_1153 = arith.index_cast %get3A_1152 : i32 to index
        %get3A_1154 = arith.index_cast %add3A_798 : i32 to index
        %get3A_1155 = arith.constant 128 : index
        %get3A_1156 = tpu.vector_load %arg10[%get3A_1153, %get3A_1154, %get3A_1155] {strides = array<i32>} : memref<4x16x256xf32, #tpu.memory_space<vmem>>, vector<16xf32>,
        %mul3A_1157 = arith.constant 4 : i32
        %mul3A_1158 = arith.muli %mul3A_1157, %add3A_798 : i32
        %get3A_1159 = arith.constant 1 : i32
        %get3A_1160 = arith.index_cast %get3A_1159 : i32 to index
        %get3A_1161 = arith.index_cast %mul3A_1158 : i32 to index
        %get3A_1162 = arith.constant 128 : index
        %get3A_1163 = tpu.vector_load %arg11[%get3A_1160, %get3A_1161, %get3A_1162] {strides = array<i32>} : memref<4x64x256xf32, #tpu.memory_space<vmem>>, vector<16xf32>,
        %mul3A_1164 = arith.constant 4 : i32
        %mul3A_1165 = arith.muli %mul3A_1164, %add3A_798 : i32
        %add3A_1166 = arith.constant 1 : i32
        %add3A_1167 = arith.addi %mul3A_1165, %add3A_1166 : i32
        %get3A_1168 = arith.constant 1 : i32
        %get3A_1169 = arith.index_cast %get3A_1168 : i32 to index
        %get3A_1170 = arith.index_cast %add3A_1167 : i32 to index
        %get3A_1171 = arith.constant 128 : index
        %get3A_1172 = tpu.vector_load %arg11[%get3A_1169, %get3A_1170, %get3A_1171] {strides = array<i32>} : memref<4x64x256xf32, #tpu.memory_space<vmem>>, vector<16xf32>,
        %add3A_1173 = arith.addf %get3A_1163, %get3A_1172 : vector<16xf32>
        %mul3A_1174 = arith.constant 4 : i32
        %mul3A_1175 = arith.muli %mul3A_1174, %add3A_798 : i32
        %add3A_1176 = arith.constant 2 : i32
        %add3A_1177 = arith.addi %mul3A_1175, %add3A_1176 : i32
        %get3A_1178 = arith.constant 1 : i32
        %get3A_1179 = arith.index_cast %get3A_1178 : i32 to index
        %get3A_1180 = arith.index_cast %add3A_1177 : i32 to index
        %get3A_1181 = arith.constant 128 : index
        %get3A_1182 = tpu.vector_load %arg11[%get3A_1179, %get3A_1180, %get3A_1181] {strides = array<i32>} : memref<4x64x256xf32, #tpu.memory_space<vmem>>, vector<16xf32>,
        %mul3A_1183 = arith.constant 4 : i32
        %mul3A_1184 = arith.muli %mul3A_1183, %add3A_798 : i32
        %add3A_1185 = arith.constant 3 : i32
        %add3A_1186 = arith.addi %mul3A_1184, %add3A_1185 : i32
        %get3A_1187 = arith.constant 1 : i32
        %get3A_1188 = arith.index_cast %get3A_1187 : i32 to index
        %get3A_1189 = arith.index_cast %add3A_1186 : i32 to index
        %get3A_1190 = arith.constant 128 : index
        %get3A_1191 = tpu.vector_load %arg11[%get3A_1188, %get3A_1189, %get3A_1190] {strides = array<i32>} : memref<4x64x256xf32, #tpu.memory_space<vmem>>, vector<16xf32>,
        %add3A_1192 = arith.addf %get3A_1182, %get3A_1191 : vector<16xf32>
        %add3A_1193 = arith.addf %add3A_1173, %add3A_1192 : vector<16xf32>
        %mul3A_1194 = arith.mulf %get3A_1156, %add3A_1193 : vector<16xf32>
        %add3A_1195 = arith.addf %add3A_1151, %mul3A_1194 : vector<16xf32>
        %get3A_1196 = arith.constant 1 : i32
        %get3A_1197 = arith.index_cast %get3A_1196 : i32 to index
        %get3A_1198 = arith.index_cast %add3A_798 : i32 to index
        %get3A_1199 = arith.constant 144 : index
        %get3A_1200 = tpu.vector_load %arg10[%get3A_1197, %get3A_1198, %get3A_1199] {strides = array<i32>} : memref<4x16x256xf32, #tpu.memory_space<vmem>>, vector<16xf32>,
        %mul3A_1201 = arith.constant 4 : i32
        %mul3A_1202 = arith.muli %mul3A_1201, %add3A_798 : i32
        %get3A_1203 = arith.constant 1 : i32
        %get3A_1204 = arith.index_cast %get3A_1203 : i32 to index
        %get3A_1205 = arith.index_cast %mul3A_1202 : i32 to index
        %get3A_1206 = arith.constant 144 : index
        %get3A_1207 = tpu.vector_load %arg11[%get3A_1204, %get3A_1205, %get3A_1206] {strides = array<i32>} : memref<4x64x256xf32, #tpu.memory_space<vmem>>, vector<16xf32>,
        %mul3A_1208 = arith.constant 4 : i32
        %mul3A_1209 = arith.muli %mul3A_1208, %add3A_798 : i32
        %add3A_1210 = arith.constant 1 : i32
        %add3A_1211 = arith.addi %mul3A_1209, %add3A_1210 : i32
        %get3A_1212 = arith.constant 1 : i32
        %get3A_1213 = arith.index_cast %get3A_1212 : i32 to index
        %get3A_1214 = arith.index_cast %add3A_1211 : i32 to index
        %get3A_1215 = arith.constant 144 : index
        %get3A_1216 = tpu.vector_load %arg11[%get3A_1213, %get3A_1214, %get3A_1215] {strides = array<i32>} : memref<4x64x256xf32, #tpu.memory_space<vmem>>, vector<16xf32>,
        %add3A_1217 = arith.addf %get3A_1207, %get3A_1216 : vector<16xf32>
        %mul3A_1218 = arith.constant 4 : i32
        %mul3A_1219 = arith.muli %mul3A_1218, %add3A_798 : i32
        %add3A_1220 = arith.constant 2 : i32
        %add3A_1221 = arith.addi %mul3A_1219, %add3A_1220 : i32
        %get3A_1222 = arith.constant 1 : i32
        %get3A_1223 = arith.index_cast %get3A_1222 : i32 to index
        %get3A_1224 = arith.index_cast %add3A_1221 : i32 to index
        %get3A_1225 = arith.constant 144 : index
        %get3A_1226 = tpu.vector_load %arg11[%get3A_1223, %get3A_1224, %get3A_1225] {strides = array<i32>} : memref<4x64x256xf32, #tpu.memory_space<vmem>>, vector<16xf32>,
        %mul3A_1227 = arith.constant 4 : i32
        %mul3A_1228 = arith.muli %mul3A_1227, %add3A_798 : i32
        %add3A_1229 = arith.constant 3 : i32
        %add3A_1230 = arith.addi %mul3A_1228, %add3A_1229 : i32
        %get3A_1231 = arith.constant 1 : i32
        %get3A_1232 = arith.index_cast %get3A_1231 : i32 to index
        %get3A_1233 = arith.index_cast %add3A_1230 : i32 to index
        %get3A_1234 = arith.constant 144 : index
        %get3A_1235 = tpu.vector_load %arg11[%get3A_1232, %get3A_1233, %get3A_1234] {strides = array<i32>} : memref<4x64x256xf32, #tpu.memory_space<vmem>>, vector<16xf32>,
        %add3A_1236 = arith.addf %get3A_1226, %get3A_1235 : vector<16xf32>
        %add3A_1237 = arith.addf %add3A_1217, %add3A_1236 : vector<16xf32>
        %mul3A_1238 = arith.mulf %get3A_1200, %add3A_1237 : vector<16xf32>
        %add3A_1239 = arith.addf %add3A_1195, %mul3A_1238 : vector<16xf32>
        %get3A_1240 = arith.constant 1 : i32
        %get3A_1241 = arith.index_cast %get3A_1240 : i32 to index
        %get3A_1242 = arith.index_cast %add3A_798 : i32 to index
        %get3A_1243 = arith.constant 160 : index
        %get3A_1244 = tpu.vector_load %arg10[%get3A_1241, %get3A_1242, %get3A_1243] {strides = array<i32>} : memref<4x16x256xf32, #tpu.memory_space<vmem>>, vector<16xf32>,
        %mul3A_1245 = arith.constant 4 : i32
        %mul3A_1246 = arith.muli %mul3A_1245, %add3A_798 : i32
        %get3A_1247 = arith.constant 1 : i32
        %get3A_1248 = arith.index_cast %get3A_1247 : i32 to index
        %get3A_1249 = arith.index_cast %mul3A_1246 : i32 to index
        %get3A_1250 = arith.constant 160 : index
        %get3A_1251 = tpu.vector_load %arg11[%get3A_1248, %get3A_1249, %get3A_1250] {strides = array<i32>} : memref<4x64x256xf32, #tpu.memory_space<vmem>>, vector<16xf32>,
        %mul3A_1252 = arith.constant 4 : i32
        %mul3A_1253 = arith.muli %mul3A_1252, %add3A_798 : i32
        %add3A_1254 = arith.constant 1 : i32
        %add3A_1255 = arith.addi %mul3A_1253, %add3A_1254 : i32
        %get3A_1256 = arith.constant 1 : i32
        %get3A_1257 = arith.index_cast %get3A_1256 : i32 to index
        %get3A_1258 = arith.index_cast %add3A_1255 : i32 to index
        %get3A_1259 = arith.constant 160 : index
        %get3A_1260 = tpu.vector_load %arg11[%get3A_1257, %get3A_1258, %get3A_1259] {strides = array<i32>} : memref<4x64x256xf32, #tpu.memory_space<vmem>>, vector<16xf32>,
        %add3A_1261 = arith.addf %get3A_1251, %get3A_1260 : vector<16xf32>
        %mul3A_1262 = arith.constant 4 : i32
        %mul3A_1263 = arith.muli %mul3A_1262, %add3A_798 : i32
        %add3A_1264 = arith.constant 2 : i32
        %add3A_1265 = arith.addi %mul3A_1263, %add3A_1264 : i32
        %get3A_1266 = arith.constant 1 : i32
        %get3A_1267 = arith.index_cast %get3A_1266 : i32 to index
        %get3A_1268 = arith.index_cast %add3A_1265 : i32 to index
        %get3A_1269 = arith.constant 160 : index
        %get3A_1270 = tpu.vector_load %arg11[%get3A_1267, %get3A_1268, %get3A_1269] {strides = array<i32>} : memref<4x64x256xf32, #tpu.memory_space<vmem>>, vector<16xf32>,
        %mul3A_1271 = arith.constant 4 : i32
        %mul3A_1272 = arith.muli %mul3A_1271, %add3A_798 : i32
        %add3A_1273 = arith.constant 3 : i32
        %add3A_1274 = arith.addi %mul3A_1272, %add3A_1273 : i32
        %get3A_1275 = arith.constant 1 : i32
        %get3A_1276 = arith.index_cast %get3A_1275 : i32 to index
        %get3A_1277 = arith.index_cast %add3A_1274 : i32 to index
        %get3A_1278 = arith.constant 160 : index
        %get3A_1279 = tpu.vector_load %arg11[%get3A_1276, %get3A_1277, %get3A_1278] {strides = array<i32>} : memref<4x64x256xf32, #tpu.memory_space<vmem>>, vector<16xf32>,
        %add3A_1280 = arith.addf %get3A_1270, %get3A_1279 : vector<16xf32>
        %add3A_1281 = arith.addf %add3A_1261, %add3A_1280 : vector<16xf32>
        %mul3A_1282 = arith.mulf %get3A_1244, %add3A_1281 : vector<16xf32>
        %add3A_1283 = arith.addf %add3A_1239, %mul3A_1282 : vector<16xf32>
        %get3A_1284 = arith.constant 1 : i32
        %get3A_1285 = arith.index_cast %get3A_1284 : i32 to index
        %get3A_1286 = arith.index_cast %add3A_798 : i32 to index
        %get3A_1287 = arith.constant 176 : index
        %get3A_1288 = tpu.vector_load %arg10[%get3A_1285, %get3A_1286, %get3A_1287] {strides = array<i32>} : memref<4x16x256xf32, #tpu.memory_space<vmem>>, vector<16xf32>,
        %mul3A_1289 = arith.constant 4 : i32
        %mul3A_1290 = arith.muli %mul3A_1289, %add3A_798 : i32
        %get3A_1291 = arith.constant 1 : i32
        %get3A_1292 = arith.index_cast %get3A_1291 : i32 to index
        %get3A_1293 = arith.index_cast %mul3A_1290 : i32 to index
        %get3A_1294 = arith.constant 176 : index
        %get3A_1295 = tpu.vector_load %arg11[%get3A_1292, %get3A_1293, %get3A_1294] {strides = array<i32>} : memref<4x64x256xf32, #tpu.memory_space<vmem>>, vector<16xf32>,
        %mul3A_1296 = arith.constant 4 : i32
        %mul3A_1297 = arith.muli %mul3A_1296, %add3A_798 : i32
        %add3A_1298 = arith.constant 1 : i32
        %add3A_1299 = arith.addi %mul3A_1297, %add3A_1298 : i32
        %get3A_1300 = arith.constant 1 : i32
        %get3A_1301 = arith.index_cast %get3A_1300 : i32 to index
        %get3A_1302 = arith.index_cast %add3A_1299 : i32 to index
        %get3A_1303 = arith.constant 176 : index
        %get3A_1304 = tpu.vector_load %arg11[%get3A_1301, %get3A_1302, %get3A_1303] {strides = array<i32>} : memref<4x64x256xf32, #tpu.memory_space<vmem>>, vector<16xf32>,
        %add3A_1305 = arith.addf %get3A_1295, %get3A_1304 : vector<16xf32>
        %mul3A_1306 = arith.constant 4 : i32
        %mul3A_1307 = arith.muli %mul3A_1306, %add3A_798 : i32
        %add3A_1308 = arith.constant 2 : i32
        %add3A_1309 = arith.addi %mul3A_1307, %add3A_1308 : i32
        %get3A_1310 = arith.constant 1 : i32
        %get3A_1311 = arith.index_cast %get3A_1310 : i32 to index
        %get3A_1312 = arith.index_cast %add3A_1309 : i32 to index
        %get3A_1313 = arith.constant 176 : index
        %get3A_1314 = tpu.vector_load %arg11[%get3A_1311, %get3A_1312, %get3A_1313] {strides = array<i32>} : memref<4x64x256xf32, #tpu.memory_space<vmem>>, vector<16xf32>,
        %mul3A_1315 = arith.constant 4 : i32
        %mul3A_1316 = arith.muli %mul3A_1315, %add3A_798 : i32
        %add3A_1317 = arith.constant 3 : i32
        %add3A_1318 = arith.addi %mul3A_1316, %add3A_1317 : i32
        %get3A_1319 = arith.constant 1 : i32
        %get3A_1320 = arith.index_cast %get3A_1319 : i32 to index
        %get3A_1321 = arith.index_cast %add3A_1318 : i32 to index
        %get3A_1322 = arith.constant 176 : index
        %get3A_1323 = tpu.vector_load %arg11[%get3A_1320, %get3A_1321, %get3A_1322] {strides = array<i32>} : memref<4x64x256xf32, #tpu.memory_space<vmem>>, vector<16xf32>,
        %add3A_1324 = arith.addf %get3A_1314, %get3A_1323 : vector<16xf32>
        %add3A_1325 = arith.addf %add3A_1305, %add3A_1324 : vector<16xf32>
        %mul3A_1326 = arith.mulf %get3A_1288, %add3A_1325 : vector<16xf32>
        %add3A_1327 = arith.addf %add3A_1283, %mul3A_1326 : vector<16xf32>
        %get3A_1328 = arith.constant 1 : i32
        %get3A_1329 = arith.index_cast %get3A_1328 : i32 to index
        %get3A_1330 = arith.index_cast %add3A_798 : i32 to index
        %get3A_1331 = arith.constant 192 : index
        %get3A_1332 = tpu.vector_load %arg10[%get3A_1329, %get3A_1330, %get3A_1331] {strides = array<i32>} : memref<4x16x256xf32, #tpu.memory_space<vmem>>, vector<16xf32>,
        %mul3A_1333 = arith.constant 4 : i32
        %mul3A_1334 = arith.muli %mul3A_1333, %add3A_798 : i32
        %get3A_1335 = arith.constant 1 : i32
        %get3A_1336 = arith.index_cast %get3A_1335 : i32 to index
        %get3A_1337 = arith.index_cast %mul3A_1334 : i32 to index
        %get3A_1338 = arith.constant 192 : index
        %get3A_1339 = tpu.vector_load %arg11[%get3A_1336, %get3A_1337, %get3A_1338] {strides = array<i32>} : memref<4x64x256xf32, #tpu.memory_space<vmem>>, vector<16xf32>,
        %mul3A_1340 = arith.constant 4 : i32
        %mul3A_1341 = arith.muli %mul3A_1340, %add3A_798 : i32
        %add3A_1342 = arith.constant 1 : i32
        %add3A_1343 = arith.addi %mul3A_1341, %add3A_1342 : i32
        %get3A_1344 = arith.constant 1 : i32
        %get3A_1345 = arith.index_cast %get3A_1344 : i32 to index
        %get3A_1346 = arith.index_cast %add3A_1343 : i32 to index
        %get3A_1347 = arith.constant 192 : index
        %get3A_1348 = tpu.vector_load %arg11[%get3A_1345, %get3A_1346, %get3A_1347] {strides = array<i32>} : memref<4x64x256xf32, #tpu.memory_space<vmem>>, vector<16xf32>,
        %add3A_1349 = arith.addf %get3A_1339, %get3A_1348 : vector<16xf32>
        %mul3A_1350 = arith.constant 4 : i32
        %mul3A_1351 = arith.muli %mul3A_1350, %add3A_798 : i32
        %add3A_1352 = arith.constant 2 : i32
        %add3A_1353 = arith.addi %mul3A_1351, %add3A_1352 : i32
        %get3A_1354 = arith.constant 1 : i32
        %get3A_1355 = arith.index_cast %get3A_1354 : i32 to index
        %get3A_1356 = arith.index_cast %add3A_1353 : i32 to index
        %get3A_1357 = arith.constant 192 : index
        %get3A_1358 = tpu.vector_load %arg11[%get3A_1355, %get3A_1356, %get3A_1357] {strides = array<i32>} : memref<4x64x256xf32, #tpu.memory_space<vmem>>, vector<16xf32>,
        %mul3A_1359 = arith.constant 4 : i32
        %mul3A_1360 = arith.muli %mul3A_1359, %add3A_798 : i32
        %add3A_1361 = arith.constant 3 : i32
        %add3A_1362 = arith.addi %mul3A_1360, %add3A_1361 : i32
        %get3A_1363 = arith.constant 1 : i32
        %get3A_1364 = arith.index_cast %get3A_1363 : i32 to index
        %get3A_1365 = arith.index_cast %add3A_1362 : i32 to index
        %get3A_1366 = arith.constant 192 : index
        %get3A_1367 = tpu.vector_load %arg11[%get3A_1364, %get3A_1365, %get3A_1366] {strides = array<i32>} : memref<4x64x256xf32, #tpu.memory_space<vmem>>, vector<16xf32>,
        %add3A_1368 = arith.addf %get3A_1358, %get3A_1367 : vector<16xf32>
        %add3A_1369 = arith.addf %add3A_1349, %add3A_1368 : vector<16xf32>
        %mul3A_1370 = arith.mulf %get3A_1332, %add3A_1369 : vector<16xf32>
        %add3A_1371 = arith.addf %add3A_1327, %mul3A_1370 : vector<16xf32>
        %get3A_1372 = arith.constant 1 : i32
        %get3A_1373 = arith.index_cast %get3A_1372 : i32 to index
        %get3A_1374 = arith.index_cast %add3A_798 : i32 to index
        %get3A_1375 = arith.constant 208 : index
        %get3A_1376 = tpu.vector_load %arg10[%get3A_1373, %get3A_1374, %get3A_1375] {strides = array<i32>} : memref<4x16x256xf32, #tpu.memory_space<vmem>>, vector<16xf32>,
        %mul3A_1377 = arith.constant 4 : i32
        %mul3A_1378 = arith.muli %mul3A_1377, %add3A_798 : i32
        %get3A_1379 = arith.constant 1 : i32
        %get3A_1380 = arith.index_cast %get3A_1379 : i32 to index
        %get3A_1381 = arith.index_cast %mul3A_1378 : i32 to index
        %get3A_1382 = arith.constant 208 : index
        %get3A_1383 = tpu.vector_load %arg11[%get3A_1380, %get3A_1381, %get3A_1382] {strides = array<i32>} : memref<4x64x256xf32, #tpu.memory_space<vmem>>, vector<16xf32>,
        %mul3A_1384 = arith.constant 4 : i32
        %mul3A_1385 = arith.muli %mul3A_1384, %add3A_798 : i32
        %add3A_1386 = arith.constant 1 : i32
        %add3A_1387 = arith.addi %mul3A_1385, %add3A_1386 : i32
        %get3A_1388 = arith.constant 1 : i32
        %get3A_1389 = arith.index_cast %get3A_1388 : i32 to index
        %get3A_1390 = arith.index_cast %add3A_1387 : i32 to index
        %get3A_1391 = arith.constant 208 : index
        %get3A_1392 = tpu.vector_load %arg11[%get3A_1389, %get3A_1390, %get3A_1391] {strides = array<i32>} : memref<4x64x256xf32, #tpu.memory_space<vmem>>, vector<16xf32>,
        %add3A_1393 = arith.addf %get3A_1383, %get3A_1392 : vector<16xf32>
        %mul3A_1394 = arith.constant 4 : i32
        %mul3A_1395 = arith.muli %mul3A_1394, %add3A_798 : i32
        %add3A_1396 = arith.constant 2 : i32
        %add3A_1397 = arith.addi %mul3A_1395, %add3A_1396 : i32
        %get3A_1398 = arith.constant 1 : i32
        %get3A_1399 = arith.index_cast %get3A_1398 : i32 to index
        %get3A_1400 = arith.index_cast %add3A_1397 : i32 to index
        %get3A_1401 = arith.constant 208 : index
        %get3A_1402 = tpu.vector_load %arg11[%get3A_1399, %get3A_1400, %get3A_1401] {strides = array<i32>} : memref<4x64x256xf32, #tpu.memory_space<vmem>>, vector<16xf32>,
        %mul3A_1403 = arith.constant 4 : i32
        %mul3A_1404 = arith.muli %mul3A_1403, %add3A_798 : i32
        %add3A_1405 = arith.constant 3 : i32
        %add3A_1406 = arith.addi %mul3A_1404, %add3A_1405 : i32
        %get3A_1407 = arith.constant 1 : i32
        %get3A_1408 = arith.index_cast %get3A_1407 : i32 to index
        %get3A_1409 = arith.index_cast %add3A_1406 : i32 to index
        %get3A_1410 = arith.constant 208 : index
        %get3A_1411 = tpu.vector_load %arg11[%get3A_1408, %get3A_1409, %get3A_1410] {strides = array<i32>} : memref<4x64x256xf32, #tpu.memory_space<vmem>>, vector<16xf32>,
        %add3A_1412 = arith.addf %get3A_1402, %get3A_1411 : vector<16xf32>
        %add3A_1413 = arith.addf %add3A_1393, %add3A_1412 : vector<16xf32>
        %mul3A_1414 = arith.mulf %get3A_1376, %add3A_1413 : vector<16xf32>
        %add3A_1415 = arith.addf %add3A_1371, %mul3A_1414 : vector<16xf32>
        %get3A_1416 = arith.constant 1 : i32
        %get3A_1417 = arith.index_cast %get3A_1416 : i32 to index
        %get3A_1418 = arith.index_cast %add3A_798 : i32 to index
        %get3A_1419 = arith.constant 224 : index
        %get3A_1420 = tpu.vector_load %arg10[%get3A_1417, %get3A_1418, %get3A_1419] {strides = array<i32>} : memref<4x16x256xf32, #tpu.memory_space<vmem>>, vector<16xf32>,
        %mul3A_1421 = arith.constant 4 : i32
        %mul3A_1422 = arith.muli %mul3A_1421, %add3A_798 : i32
        %get3A_1423 = arith.constant 1 : i32
        %get3A_1424 = arith.index_cast %get3A_1423 : i32 to index
        %get3A_1425 = arith.index_cast %mul3A_1422 : i32 to index
        %get3A_1426 = arith.constant 224 : index
        %get3A_1427 = tpu.vector_load %arg11[%get3A_1424, %get3A_1425, %get3A_1426] {strides = array<i32>} : memref<4x64x256xf32, #tpu.memory_space<vmem>>, vector<16xf32>,
        %mul3A_1428 = arith.constant 4 : i32
        %mul3A_1429 = arith.muli %mul3A_1428, %add3A_798 : i32
        %add3A_1430 = arith.constant 1 : i32
        %add3A_1431 = arith.addi %mul3A_1429, %add3A_1430 : i32
        %get3A_1432 = arith.constant 1 : i32
        %get3A_1433 = arith.index_cast %get3A_1432 : i32 to index
        %get3A_1434 = arith.index_cast %add3A_1431 : i32 to index
        %get3A_1435 = arith.constant 224 : index
        %get3A_1436 = tpu.vector_load %arg11[%get3A_1433, %get3A_1434, %get3A_1435] {strides = array<i32>} : memref<4x64x256xf32, #tpu.memory_space<vmem>>, vector<16xf32>,
        %add3A_1437 = arith.addf %get3A_1427, %get3A_1436 : vector<16xf32>
        %mul3A_1438 = arith.constant 4 : i32
        %mul3A_1439 = arith.muli %mul3A_1438, %add3A_798 : i32
        %add3A_1440 = arith.constant 2 : i32
        %add3A_1441 = arith.addi %mul3A_1439, %add3A_1440 : i32
        %get3A_1442 = arith.constant 1 : i32
        %get3A_1443 = arith.index_cast %get3A_1442 : i32 to index
        %get3A_1444 = arith.index_cast %add3A_1441 : i32 to index
        %get3A_1445 = arith.constant 224 : index
        %get3A_1446 = tpu.vector_load %arg11[%get3A_1443, %get3A_1444, %get3A_1445] {strides = array<i32>} : memref<4x64x256xf32, #tpu.memory_space<vmem>>, vector<16xf32>,
        %mul3A_1447 = arith.constant 4 : i32
        %mul3A_1448 = arith.muli %mul3A_1447, %add3A_798 : i32
        %add3A_1449 = arith.constant 3 : i32
        %add3A_1450 = arith.addi %mul3A_1448, %add3A_1449 : i32
        %get3A_1451 = arith.constant 1 : i32
        %get3A_1452 = arith.index_cast %get3A_1451 : i32 to index
        %get3A_1453 = arith.index_cast %add3A_1450 : i32 to index
        %get3A_1454 = arith.constant 224 : index
        %get3A_1455 = tpu.vector_load %arg11[%get3A_1452, %get3A_1453, %get3A_1454] {strides = array<i32>} : memref<4x64x256xf32, #tpu.memory_space<vmem>>, vector<16xf32>,
        %add3A_1456 = arith.addf %get3A_1446, %get3A_1455 : vector<16xf32>
        %add3A_1457 = arith.addf %add3A_1437, %add3A_1456 : vector<16xf32>
        %mul3A_1458 = arith.mulf %get3A_1420, %add3A_1457 : vector<16xf32>
        %add3A_1459 = arith.addf %add3A_1415, %mul3A_1458 : vector<16xf32>
        %get3A_1460 = arith.constant 1 : i32
        %get3A_1461 = arith.index_cast %get3A_1460 : i32 to index
        %get3A_1462 = arith.index_cast %add3A_798 : i32 to index
        %get3A_1463 = arith.constant 240 : index
        %get3A_1464 = tpu.vector_load %arg10[%get3A_1461, %get3A_1462, %get3A_1463] {strides = array<i32>} : memref<4x16x256xf32, #tpu.memory_space<vmem>>, vector<16xf32>,
        %mul3A_1465 = arith.constant 4 : i32
        %mul3A_1466 = arith.muli %mul3A_1465, %add3A_798 : i32
        %get3A_1467 = arith.constant 1 : i32
        %get3A_1468 = arith.index_cast %get3A_1467 : i32 to index
        %get3A_1469 = arith.index_cast %mul3A_1466 : i32 to index
        %get3A_1470 = arith.constant 240 : index
        %get3A_1471 = tpu.vector_load %arg11[%get3A_1468, %get3A_1469, %get3A_1470] {strides = array<i32>} : memref<4x64x256xf32, #tpu.memory_space<vmem>>, vector<16xf32>,
        %mul3A_1472 = arith.constant 4 : i32
        %mul3A_1473 = arith.muli %mul3A_1472, %add3A_798 : i32
        %add3A_1474 = arith.constant 1 : i32
        %add3A_1475 = arith.addi %mul3A_1473, %add3A_1474 : i32
        %get3A_1476 = arith.constant 1 : i32
        %get3A_1477 = arith.index_cast %get3A_1476 : i32 to index
        %get3A_1478 = arith.index_cast %add3A_1475 : i32 to index
        %get3A_1479 = arith.constant 240 : index
        %get3A_1480 = tpu.vector_load %arg11[%get3A_1477, %get3A_1478, %get3A_1479] {strides = array<i32>} : memref<4x64x256xf32, #tpu.memory_space<vmem>>, vector<16xf32>,
        %add3A_1481 = arith.addf %get3A_1471, %get3A_1480 : vector<16xf32>
        %mul3A_1482 = arith.constant 4 : i32
        %mul3A_1483 = arith.muli %mul3A_1482, %add3A_798 : i32
        %add3A_1484 = arith.constant 2 : i32
        %add3A_1485 = arith.addi %mul3A_1483, %add3A_1484 : i32
        %get3A_1486 = arith.constant 1 : i32
        %get3A_1487 = arith.index_cast %get3A_1486 : i32 to index
        %get3A_1488 = arith.index_cast %add3A_1485 : i32 to index
        %get3A_1489 = arith.constant 240 : index
        %get3A_1490 = tpu.vector_load %arg11[%get3A_1487, %get3A_1488, %get3A_1489] {strides = array<i32>} : memref<4x64x256xf32, #tpu.memory_space<vmem>>, vector<16xf32>,
        %mul3A_1491 = arith.constant 4 : i32
        %mul3A_1492 = arith.muli %mul3A_1491, %add3A_798 : i32
        %add3A_1493 = arith.constant 3 : i32
        %add3A_1494 = arith.addi %mul3A_1492, %add3A_1493 : i32
        %get3A_1495 = arith.constant 1 : i32
        %get3A_1496 = arith.index_cast %get3A_1495 : i32 to index
        %get3A_1497 = arith.index_cast %add3A_1494 : i32 to index
        %get3A_1498 = arith.constant 240 : index
        %get3A_1499 = tpu.vector_load %arg11[%get3A_1496, %get3A_1497, %get3A_1498] {strides = array<i32>} : memref<4x64x256xf32, #tpu.memory_space<vmem>>, vector<16xf32>,
        %add3A_1500 = arith.addf %get3A_1490, %get3A_1499 : vector<16xf32>
        %add3A_1501 = arith.addf %add3A_1481, %add3A_1500 : vector<16xf32>
        %mul3A_1502 = arith.mulf %get3A_1464, %add3A_1501 : vector<16xf32>
        %add3A_1503 = arith.addf %add3A_1459, %mul3A_1502 : vector<16xf32>
        %swap3A_1504 = arith.index_cast %scan3A_795 : i32 to index
        %swap3A_1505 = arith.constant 0 : index
        %swap3A_1506 = tpu.vector_load %arg13[%swap3A_1504, %swap3A_1505] {strides = array<i32>} : memref<16x16xf32, #tpu.memory_space<vmem>>, vector<16xf32>,
        tpu.vector_store %arg13[%swap3A_1504, %swap3A_1505], %add3A_1503 {strides = array<i32>} : memref<16x16xf32, #tpu.memory_space<vmem>>, vector<16xf32>,
      }
      %scan3A_443 = arith.constant 16 : i32
      %broadcast_in_dim3A_444 = arith.constant 0.000000e+00 : f32
      %broadcast_in_dim3A_445 = vector.broadcast %broadcast_in_dim3A_444 : f32 to vector<16xf32>
      %broadcast_in_dim3A_446 = arith.constant 0 : i32
      %broadcast_in_dim3A_447 = vector.broadcast %broadcast_in_dim3A_446 : i32 to vector<16xi32>
      %gather3A_448 = tpu.vector_load_idx %arg13[%iota3A, %broadcast_in_dim3A_447] : memref<16x16xf32, #tpu.memory_space<vmem>>[vector<16xi32>, vector<16xi32>], vector<16xf32>,
      %add3A_449 = arith.addf %broadcast_in_dim3A_445, %gather3A_448 : vector<16xf32>
      %broadcast_in_dim3A_450 = arith.constant 1 : i32
      %broadcast_in_dim3A_451 = vector.broadcast %broadcast_in_dim3A_450 : i32 to vector<16xi32>
      %gather3A_452 = tpu.vector_load_idx %arg13[%iota3A, %broadcast_in_dim3A_451] : memref<16x16xf32, #tpu.memory_space<vmem>>[vector<16xi32>, vector<16xi32>], vector<16xf32>,
      %add3A_453 = arith.addf %add3A_449, %gather3A_452 : vector<16xf32>
      %broadcast_in_dim3A_454 = arith.constant 2 : i32
      %broadcast_in_dim3A_455 = vector.broadcast %broadcast_in_dim3A_454 : i32 to vector<16xi32>
      %gather3A_456 = tpu.vector_load_idx %arg13[%iota3A, %broadcast_in_dim3A_455] : memref<16x16xf32, #tpu.memory_space<vmem>>[vector<16xi32>, vector<16xi32>], vector<16xf32>,
      %add3A_457 = arith.addf %add3A_453, %gather3A_456 : vector<16xf32>
      %broadcast_in_dim3A_458 = arith.constant 3 : i32
      %broadcast_in_dim3A_459 = vector.broadcast %broadcast_in_dim3A_458 : i32 to vector<16xi32>
      %gather3A_460 = tpu.vector_load_idx %arg13[%iota3A, %broadcast_in_dim3A_459] : memref<16x16xf32, #tpu.memory_space<vmem>>[vector<16xi32>, vector<16xi32>], vector<16xf32>,
      %add3A_461 = arith.addf %add3A_457, %gather3A_460 : vector<16xf32>
      %broadcast_in_dim3A_462 = arith.constant 4 : i32
      %broadcast_in_dim3A_463 = vector.broadcast %broadcast_in_dim3A_462 : i32 to vector<16xi32>
      %gather3A_464 = tpu.vector_load_idx %arg13[%iota3A, %broadcast_in_dim3A_463] : memref<16x16xf32, #tpu.memory_space<vmem>>[vector<16xi32>, vector<16xi32>], vector<16xf32>,
      %add3A_465 = arith.addf %add3A_461, %gather3A_464 : vector<16xf32>
      %broadcast_in_dim3A_466 = arith.constant 5 : i32
      %broadcast_in_dim3A_467 = vector.broadcast %broadcast_in_dim3A_466 : i32 to vector<16xi32>
      %gather3A_468 = tpu.vector_load_idx %arg13[%iota3A, %broadcast_in_dim3A_467] : memref<16x16xf32, #tpu.memory_space<vmem>>[vector<16xi32>, vector<16xi32>], vector<16xf32>,
      %add3A_469 = arith.addf %add3A_465, %gather3A_468 : vector<16xf32>
      %broadcast_in_dim3A_470 = arith.constant 6 : i32
      %broadcast_in_dim3A_471 = vector.broadcast %broadcast_in_dim3A_470 : i32 to vector<16xi32>
      %gather3A_472 = tpu.vector_load_idx %arg13[%iota3A, %broadcast_in_dim3A_471] : memref<16x16xf32, #tpu.memory_space<vmem>>[vector<16xi32>, vector<16xi32>], vector<16xf32>,
      %add3A_473 = arith.addf %add3A_469, %gather3A_472 : vector<16xf32>
      %broadcast_in_dim3A_474 = arith.constant 7 : i32
      %broadcast_in_dim3A_475 = vector.broadcast %broadcast_in_dim3A_474 : i32 to vector<16xi32>
      %gather3A_476 = tpu.vector_load_idx %arg13[%iota3A, %broadcast_in_dim3A_475] : memref<16x16xf32, #tpu.memory_space<vmem>>[vector<16xi32>, vector<16xi32>], vector<16xf32>,
      %add3A_477 = arith.addf %add3A_473, %gather3A_476 : vector<16xf32>
      %broadcast_in_dim3A_478 = arith.constant 8 : i32
      %broadcast_in_dim3A_479 = vector.broadcast %broadcast_in_dim3A_478 : i32 to vector<16xi32>
      %gather3A_480 = tpu.vector_load_idx %arg13[%iota3A, %broadcast_in_dim3A_479] : memref<16x16xf32, #tpu.memory_space<vmem>>[vector<16xi32>, vector<16xi32>], vector<16xf32>,
      %add3A_481 = arith.addf %add3A_477, %gather3A_480 : vector<16xf32>
      %broadcast_in_dim3A_482 = arith.constant 9 : i32
      %broadcast_in_dim3A_483 = vector.broadcast %broadcast_in_dim3A_482 : i32 to vector<16xi32>
      %gather3A_484 = tpu.vector_load_idx %arg13[%iota3A, %broadcast_in_dim3A_483] : memref<16x16xf32, #tpu.memory_space<vmem>>[vector<16xi32>, vector<16xi32>], vector<16xf32>,
      %add3A_485 = arith.addf %add3A_481, %gather3A_484 : vector<16xf32>
      %broadcast_in_dim3A_486 = arith.constant 10 : i32
      %broadcast_in_dim3A_487 = vector.broadcast %broadcast_in_dim3A_486 : i32 to vector<16xi32>
      %gather3A_488 = tpu.vector_load_idx %arg13[%iota3A, %broadcast_in_dim3A_487] : memref<16x16xf32, #tpu.memory_space<vmem>>[vector<16xi32>, vector<16xi32>], vector<16xf32>,
      %add3A_489 = arith.addf %add3A_485, %gather3A_488 : vector<16xf32>
      %broadcast_in_dim3A_490 = arith.constant 11 : i32
      %broadcast_in_dim3A_491 = vector.broadcast %broadcast_in_dim3A_490 : i32 to vector<16xi32>
      %gather3A_492 = tpu.vector_load_idx %arg13[%iota3A, %broadcast_in_dim3A_491] : memref<16x16xf32, #tpu.memory_space<vmem>>[vector<16xi32>, vector<16xi32>], vector<16xf32>,
      %add3A_493 = arith.addf %add3A_489, %gather3A_492 : vector<16xf32>
      %broadcast_in_dim3A_494 = arith.constant 12 : i32
      %broadcast_in_dim3A_495 = vector.broadcast %broadcast_in_dim3A_494 : i32 to vector<16xi32>
      %gather3A_496 = tpu.vector_load_idx %arg13[%iota3A, %broadcast_in_dim3A_495] : memref<16x16xf32, #tpu.memory_space<vmem>>[vector<16xi32>, vector<16xi32>], vector<16xf32>,
      %add3A_497 = arith.addf %add3A_493, %gather3A_496 : vector<16xf32>
      %broadcast_in_dim3A_498 = arith.constant 13 : i32
      %broadcast_in_dim3A_499 = vector.broadcast %broadcast_in_dim3A_498 : i32 to vector<16xi32>
      %gather3A_500 = tpu.vector_load_idx %arg13[%iota3A, %broadcast_in_dim3A_499] : memref<16x16xf32, #tpu.memory_space<vmem>>[vector<16xi32>, vector<16xi32>], vector<16xf32>,
      %add3A_501 = arith.addf %add3A_497, %gather3A_500 : vector<16xf32>
      %broadcast_in_dim3A_502 = arith.constant 14 : i32
      %broadcast_in_dim3A_503 = vector.broadcast %broadcast_in_dim3A_502 : i32 to vector<16xi32>
      %gather3A_504 = tpu.vector_load_idx %arg13[%iota3A, %broadcast_in_dim3A_503] : memref<16x16xf32, #tpu.memory_space<vmem>>[vector<16xi32>, vector<16xi32>], vector<16xf32>,
      %add3A_505 = arith.addf %add3A_501, %gather3A_504 : vector<16xf32>
      %broadcast_in_dim3A_506 = arith.constant 15 : i32
      %broadcast_in_dim3A_507 = vector.broadcast %broadcast_in_dim3A_506 : i32 to vector<16xi32>
      %gather3A_508 = tpu.vector_load_idx %arg13[%iota3A, %broadcast_in_dim3A_507] : memref<16x16xf32, #tpu.memory_space<vmem>>[vector<16xi32>, vector<16xi32>], vector<16xf32>,
      %add3A_509 = arith.addf %add3A_505, %gather3A_508 : vector<16xf32>
      %mul3A_510 = arith.constant 2.500000e-01 : f32
      %mul3A_511 = vector.broadcast %mul3A_510 : f32 to vector<16xf32>
      %mul3A_512 = arith.mulf %add3A_509, %mul3A_511 : vector<16xf32>
      %mul3A_513 = arith.constant 16 : i32
      %mul3A_514 = arith.muli %add3A_399, %mul3A_513 : i32
      %mul3A_515 = arith.constant 16 : i32
      %mul3A_516 = arith.muli %scan3A_437, %mul3A_515 : i32
      %add3A_517 = arith.addi %mul3A_514, %mul3A_516 : i32
      %swap3A_518 = arith.index_cast %add3A_517 : i32 to index
      %swap3A_519 = tpu.vector_load %arg12[%swap3A_518] {strides = array<i32>} : memref<512xf32, #tpu.memory_space<vmem>>, vector<16xf32>,
      tpu.vector_store %arg12[%swap3A_518], %mul3A_512 {strides = array<i32>} : memref<512xf32, #tpu.memory_space<vmem>>, vector<16xf32>,
      %scan3A_520 = arith.constant 0 : i32
      %scan3A_521 = arith.constant 1 : i32
      %add3A_522 = arith.constant 4 : i32
      %add3A_523 = arith.addi %add3A_399, %add3A_522 : i32
      %lt3A_524 = arith.constant 32 : i32
      %lt3A_525 = arith.cmpi slt, %add3A_523, %lt3A_524 : i32
      %convert_element_type3A_526 = arith.extui %lt3A_525 : i1 to i32
      %cond3A_527 = arith.constant 0 : i32
      %cond3A_528 = arith.cmpi ne, %convert_element_type3A_526, %cond3A_527 : i32
      scf.if %cond3A_528 {
        %jit3A = arith.constant 8 : i32
        %div3A = arith.divsi %add3A_523, %jit3A : i32
        %sign3A = arith.constant 0 : i32
        %sign3A_795 = arith.cmpi sgt, %add3A_523, %sign3A : i32
        %sign3A_796 = arith.extui %sign3A_795 : i1 to i32
        %sign3A_797 = arith.constant 0 : i32
        %sign3A_798 = arith.cmpi slt, %add3A_523, %sign3A_797 : i32
        %sign3A_799 = arith.extui %sign3A_798 : i1 to i32
        %sign3A_800 = arith.subi %sign3A_796, %sign3A_799 : i32
        %sign3A_801 = arith.constant 0 : i32
        %sign3A_802 = arith.cmpi sgt, %jit3A, %sign3A_801 : i32
        %sign3A_803 = arith.extui %sign3A_802 : i1 to i32
        %sign3A_804 = arith.constant 0 : i32
        %sign3A_805 = arith.cmpi slt, %jit3A, %sign3A_804 : i32
        %sign3A_806 = arith.extui %sign3A_805 : i1 to i32
        %sign3A_807 = arith.subi %sign3A_803, %sign3A_806 : i32
        %ne3A = arith.cmpi ne, %sign3A_800, %sign3A_807 : i32
        %rem3A = arith.remsi %add3A_523, %jit3A : i32
        %ne3A_808 = arith.constant 0 : i32
        %ne3A_809 = arith.cmpi ne, %rem3A, %ne3A_808 : i32
        %and3A = arith.andi %ne3A, %ne3A_809 : i1
        %sub3A = arith.constant 1 : i32
        %sub3A_810 = arith.subi %div3A, %sub3A : i32
        %select_n3A = arith.select %and3A, %sub3A_810, %div3A : i32
        %jit3A_811 = arith.constant 8 : i32
        %eq3A = arith.constant 0 : i32
        %eq3A_812 = arith.cmpi eq, %jit3A_811, %eq3A : i32
        %jit3A_813 = arith.constant 1 : i32
        %select_n3A_814 = arith.select %eq3A_812, %jit3A_813, %jit3A_811 : i32
        %rem3A_815 = arith.remsi %add3A_523, %select_n3A_814 : i32
        %ne3A_816 = arith.constant 0 : i32
        %ne3A_817 = arith.cmpi ne, %rem3A_815, %ne3A_816 : i32
        %lt3A_818 = arith.constant 0 : i32
        %lt3A_819 = arith.cmpi slt, %rem3A_815, %lt3A_818 : i32
        %lt3A_820 = arith.constant 0 : i32
        %lt3A_821 = arith.cmpi slt, %select_n3A_814, %lt3A_820 : i32
        %ne3A_822 = arith.xori %lt3A_819, %lt3A_821 : i1
        %and3A_823 = arith.andi %ne3A_822, %ne3A_817 : i1
        %add3A_824 = arith.addi %rem3A_815, %select_n3A_814 : i32
        %select_n3A_825 = arith.select %and3A_823, %add3A_824, %rem3A_815 : i32
        %mul3A_826 = arith.constant 16 : i32
        %mul3A_827 = arith.muli %select_n3A_825, %mul3A_826 : i32
        %dma_start3A_828 = arith.constant 1 : i32
        %dma_start3A_829 = arith.constant 1 : i32
        %dma_start3A_830 = arith.constant 0 : i32
        %dma_start3A_831 = arith.constant 0 : i32
        %dma_start3A_832 = tpu.memref_slice %arg10[%dma_start3A_828, %dma_start3A_830, %dma_start3A_831] : memref<4x16x256xf32, #tpu.memory_space<vmem>> -> memref<1x16x256xf32, #tpu.memory_space<vmem>>
        %dma_start3A_833 = tpu.memref_squeeze %dma_start3A_832 : memref<1x16x256xf32, #tpu.memory_space<vmem>> -> memref<16x256xf32, #tpu.memory_space<vmem>>
        %dma_start3A_834 = tpu.memref_slice %arg7[%select_n3A, %mul3A_827] : memref<4x128xi32, #tpu.memory_space<vmem>> -> memref<1x16xi32, #tpu.memory_space<vmem>>
        %dma_start3A_835 = tpu.memref_squeeze %dma_start3A_834 : memref<1x16xi32, #tpu.memory_space<vmem>> -> memref<16xi32, #tpu.memory_space<vmem>>
        %dma_start3A_836 = arith.constant 0 : i32
        %dma_start3A_837 = arith.constant 0 : i32
        %dma_start3A_838 = tpu.memref_slice %arg4[%dma_start3A_836, %dma_start3A_837] : memref<1000000x256xf32, #tpu.memory_space<hbm>> -> memref<1000000x256xf32, #tpu.memory_space<hbm>>
        %dma_start3A_839 = tpu.memref_slice %arg14[%dma_start3A_829] : memref<4x!tpu.dma_semaphore, #tpu.memory_space<semaphore_mem>> -> memref<1x!tpu.dma_semaphore, #tpu.memory_space<semaphore_mem>>
        %dma_start3A_840 = tpu.memref_squeeze %dma_start3A_839 : memref<1x!tpu.dma_semaphore, #tpu.memory_space<semaphore_mem>> -> memref<!tpu.dma_semaphore, #tpu.memory_space<semaphore_mem>>
        tpu.enqueue_indirect_dma source(%dma_start3A_838 : memref<1000000x256xf32, #tpu.memory_space<hbm>>) target(%dma_start3A_833 : memref<16x256xf32, #tpu.memory_space<vmem>>) offsets(%dma_start3A_835 : memref<16xi32, #tpu.memory_space<vmem>>) semaphore(%dma_start3A_840 : memref<!tpu.dma_semaphore, #tpu.memory_space<semaphore_mem>>)
        %jit3A_841 = arith.constant 2 : i32
        %div3A_842 = arith.divsi %add3A_523, %jit3A_841 : i32
        %sign3A_843 = arith.constant 0 : i32
        %sign3A_844 = arith.cmpi sgt, %add3A_523, %sign3A_843 : i32
        %sign3A_845 = arith.extui %sign3A_844 : i1 to i32
        %sign3A_846 = arith.constant 0 : i32
        %sign3A_847 = arith.cmpi slt, %add3A_523, %sign3A_846 : i32
        %sign3A_848 = arith.extui %sign3A_847 : i1 to i32
        %sign3A_849 = arith.subi %sign3A_845, %sign3A_848 : i32
        %sign3A_850 = arith.constant 0 : i32
        %sign3A_851 = arith.cmpi sgt, %jit3A_841, %sign3A_850 : i32
        %sign3A_852 = arith.extui %sign3A_851 : i1 to i32
        %sign3A_853 = arith.constant 0 : i32
        %sign3A_854 = arith.cmpi slt, %jit3A_841, %sign3A_853 : i32
        %sign3A_855 = arith.extui %sign3A_854 : i1 to i32
        %sign3A_856 = arith.subi %sign3A_852, %sign3A_855 : i32
        %ne3A_857 = arith.cmpi ne, %sign3A_849, %sign3A_856 : i32
        %rem3A_858 = arith.remsi %add3A_523, %jit3A_841 : i32
        %ne3A_859 = arith.constant 0 : i32
        %ne3A_860 = arith.cmpi ne, %rem3A_858, %ne3A_859 : i32
        %and3A_861 = arith.andi %ne3A_857, %ne3A_860 : i1
        %sub3A_862 = arith.constant 1 : i32
        %sub3A_863 = arith.subi %div3A_842, %sub3A_862 : i32
        %select_n3A_864 = arith.select %and3A_861, %sub3A_863, %div3A_842 : i32
        %jit3A_865 = arith.constant 2 : i32
        %eq3A_866 = arith.constant 0 : i32
        %eq3A_867 = arith.cmpi eq, %jit3A_865, %eq3A_866 : i32
        %jit3A_868 = arith.constant 1 : i32
        %select_n3A_869 = arith.select %eq3A_867, %jit3A_868, %jit3A_865 : i32
        %rem3A_870 = arith.remsi %add3A_523, %select_n3A_869 : i32
        %ne3A_871 = arith.constant 0 : i32
        %ne3A_872 = arith.cmpi ne, %rem3A_870, %ne3A_871 : i32
        %lt3A_873 = arith.constant 0 : i32
        %lt3A_874 = arith.cmpi slt, %rem3A_870, %lt3A_873 : i32
        %lt3A_875 = arith.constant 0 : i32
        %lt3A_876 = arith.cmpi slt, %select_n3A_869, %lt3A_875 : i32
        %ne3A_877 = arith.xori %lt3A_874, %lt3A_876 : i1
        %and3A_878 = arith.andi %ne3A_877, %ne3A_872 : i1
        %add3A_879 = arith.addi %rem3A_870, %select_n3A_869 : i32
        %select_n3A_880 = arith.select %and3A_878, %add3A_879, %rem3A_870 : i32
        %mul3A_881 = arith.constant 16 : i32
        %mul3A_882 = arith.muli %select_n3A_880, %mul3A_881 : i32
        %mul3A_883 = arith.constant 4 : i32
        %mul3A_884 = arith.muli %mul3A_882, %mul3A_883 : i32
        %dma_start3A_885 = arith.constant 1 : i32
        %dma_start3A_886 = arith.constant 1 : i32
        %dma_start3A_887 = arith.constant 0 : i32
        %dma_start3A_888 = arith.constant 0 : i32
        %dma_start3A_889 = tpu.memref_slice %arg11[%dma_start3A_885, %dma_start3A_887, %dma_start3A_888] : memref<4x64x256xf32, #tpu.memory_space<vmem>> -> memref<1x64x256xf32, #tpu.memory_space<vmem>>
        %dma_start3A_890 = tpu.memref_squeeze %dma_start3A_889 : memref<1x64x256xf32, #tpu.memory_space<vmem>> -> memref<64x256xf32, #tpu.memory_space<vmem>>
        %dma_start3A_891 = tpu.memref_slice %arg9[%select_n3A_864, %mul3A_884] : memref<16x128xi32, #tpu.memory_space<vmem>> -> memref<1x64xi32, #tpu.memory_space<vmem>>
        %dma_start3A_892 = tpu.memref_squeeze %dma_start3A_891 : memref<1x64xi32, #tpu.memory_space<vmem>> -> memref<64xi32, #tpu.memory_space<vmem>>
        %dma_start3A_893 = arith.constant 0 : i32
        %dma_start3A_894 = arith.constant 0 : i32
        %dma_start3A_895 = tpu.memref_slice %arg5[%dma_start3A_893, %dma_start3A_894] : memref<1000000x256xf32, #tpu.memory_space<hbm>> -> memref<1000000x256xf32, #tpu.memory_space<hbm>>
        %dma_start3A_896 = tpu.memref_slice %arg15[%dma_start3A_886] : memref<4x!tpu.dma_semaphore, #tpu.memory_space<semaphore_mem>> -> memref<1x!tpu.dma_semaphore, #tpu.memory_space<semaphore_mem>>
        %dma_start3A_897 = tpu.memref_squeeze %dma_start3A_896 : memref<1x!tpu.dma_semaphore, #tpu.memory_space<semaphore_mem>> -> memref<!tpu.dma_semaphore, #tpu.memory_space<semaphore_mem>>
        tpu.enqueue_indirect_dma source(%dma_start3A_895 : memref<1000000x256xf32, #tpu.memory_space<hbm>>) target(%dma_start3A_890 : memref<64x256xf32, #tpu.memory_space<vmem>>) offsets(%dma_start3A_892 : memref<64xi32, #tpu.memory_space<vmem>>) semaphore(%dma_start3A_897 : memref<!tpu.dma_semaphore, #tpu.memory_space<semaphore_mem>>)
      } else {
      }
      %mul3A_529 = arith.constant 4 : i32
      %mul3A_530 = arith.muli %scan3A_268, %mul3A_529 : i32
      %add3A_531 = arith.constant 2 : i32
      %add3A_532 = arith.addi %mul3A_530, %add3A_531 : i32
      %dma_wait3A_533 = arith.constant 2 : i32
      %dma_wait3A_534 = arith.constant 2 : i32
      %dma_wait3A_535 = arith.constant 0 : i32
      %dma_wait3A_536 = arith.constant 0 : i32
      %dma_wait3A_537 = tpu.memref_slice %arg10[%dma_wait3A_533, %dma_wait3A_535, %dma_wait3A_536] : memref<4x16x256xf32, #tpu.memory_space<vmem>> -> memref<1x16x256xf32, #tpu.memory_space<vmem>>
      %dma_wait3A_538 = tpu.memref_squeeze %dma_wait3A_537 : memref<1x16x256xf32, #tpu.memory_space<vmem>> -> memref<16x256xf32, #tpu.memory_space<vmem>>
      %dma_wait3A_539 = arith.constant 0 : i32
      %dma_wait3A_540 = arith.constant 0 : i32
      %dma_wait3A_541 = tpu.memref_slice %arg4[%dma_wait3A_539, %dma_wait3A_540] : memref<1000000x256xf32, #tpu.memory_space<hbm>> -> memref<16x256xf32, #tpu.memory_space<hbm>>
      %dma_wait3A_542 = tpu.memref_slice %arg14[%dma_wait3A_534] : memref<4x!tpu.dma_semaphore, #tpu.memory_space<semaphore_mem>> -> memref<1x!tpu.dma_semaphore, #tpu.memory_space<semaphore_mem>>
      %dma_wait3A_543 = tpu.memref_squeeze %dma_wait3A_542 : memref<1x!tpu.dma_semaphore, #tpu.memory_space<semaphore_mem>> -> memref<!tpu.dma_semaphore, #tpu.memory_space<semaphore_mem>>
      %dma_wait3A_544 = arith.constant 0 : i32
      %dma_wait3A_545 = arith.constant 0 : i32
      %dma_wait3A_546 = tpu.memref_slice %arg10[%dma_wait3A_533, %dma_wait3A_544, %dma_wait3A_545] : memref<4x16x256xf32, #tpu.memory_space<vmem>> -> memref<1x16x256xf32, #tpu.memory_space<vmem>>
      %dma_wait3A_547 = tpu.memref_squeeze %dma_wait3A_546 : memref<1x16x256xf32, #tpu.memory_space<vmem>> -> memref<16x256xf32, #tpu.memory_space<vmem>>
      %dma_wait3A_548 = arith.constant 0 : i32
      %dma_wait3A_549 = arith.constant 0 : i32
      %dma_wait3A_550 = tpu.memref_slice %arg4[%dma_wait3A_548, %dma_wait3A_549] : memref<1000000x256xf32, #tpu.memory_space<hbm>> -> memref<16x256xf32, #tpu.memory_space<hbm>>
      tpu.wait_dma2 semaphore(%dma_wait3A_543 : memref<!tpu.dma_semaphore, #tpu.memory_space<semaphore_mem>>) src(%dma_wait3A_550 : memref<16x256xf32, #tpu.memory_space<hbm>>) dst(%dma_wait3A_547 : memref<16x256xf32, #tpu.memory_space<vmem>>)
      %dma_wait3A_551 = arith.constant 2 : i32
      %dma_wait3A_552 = arith.constant 2 : i32
      %dma_wait3A_553 = arith.constant 0 : i32
      %dma_wait3A_554 = arith.constant 0 : i32
      %dma_wait3A_555 = tpu.memref_slice %arg11[%dma_wait3A_551, %dma_wait3A_553, %dma_wait3A_554] : memref<4x64x256xf32, #tpu.memory_space<vmem>> -> memref<1x64x256xf32, #tpu.memory_space<vmem>>
      %dma_wait3A_556 = tpu.memref_squeeze %dma_wait3A_555 : memref<1x64x256xf32, #tpu.memory_space<vmem>> -> memref<64x256xf32, #tpu.memory_space<vmem>>
      %dma_wait3A_557 = arith.constant 0 : i32
      %dma_wait3A_558 = arith.constant 0 : i32
      %dma_wait3A_559 = tpu.memref_slice %arg5[%dma_wait3A_557, %dma_wait3A_558] : memref<1000000x256xf32, #tpu.memory_space<hbm>> -> memref<64x256xf32, #tpu.memory_space<hbm>>
      %dma_wait3A_560 = tpu.memref_slice %arg15[%dma_wait3A_552] : memref<4x!tpu.dma_semaphore, #tpu.memory_space<semaphore_mem>> -> memref<1x!tpu.dma_semaphore, #tpu.memory_space<semaphore_mem>>
      %dma_wait3A_561 = tpu.memref_squeeze %dma_wait3A_560 : memref<1x!tpu.dma_semaphore, #tpu.memory_space<semaphore_mem>> -> memref<!tpu.dma_semaphore, #tpu.memory_space<semaphore_mem>>
      %dma_wait3A_562 = arith.constant 0 : i32
      %dma_wait3A_563 = arith.constant 0 : i32
      %dma_wait3A_564 = tpu.memref_slice %arg11[%dma_wait3A_551, %dma_wait3A_562, %dma_wait3A_563] : memref<4x64x256xf32, #tpu.memory_space<vmem>> -> memref<1x64x256xf32, #tpu.memory_space<vmem>>
      %dma_wait3A_565 = tpu.memref_squeeze %dma_wait3A_564 : memref<1x64x256xf32, #tpu.memory_space<vmem>> -> memref<64x256xf32, #tpu.memory_space<vmem>>
      %dma_wait3A_566 = arith.constant 0 : i32
      %dma_wait3A_567 = arith.constant 0 : i32
      %dma_wait3A_568 = tpu.memref_slice %arg5[%dma_wait3A_566, %dma_wait3A_567] : memref<1000000x256xf32, #tpu.memory_space<hbm>> -> memref<64x256xf32, #tpu.memory_space<hbm>>
      tpu.wait_dma2 semaphore(%dma_wait3A_561 : memref<!tpu.dma_semaphore, #tpu.memory_space<semaphore_mem>>) src(%dma_wait3A_568 : memref<64x256xf32, #tpu.memory_space<hbm>>) dst(%dma_wait3A_565 : memref<64x256xf32, #tpu.memory_space<vmem>>)
      %scan3A_569 = arith.constant 0 : i32
      %scan3A_570 = arith.constant 0 : i32
      %scan3A_571 = arith.constant 0 : i32
      %scan3A_572 = arith.constant 0 : i32
      %scan3A_573 = arith.constant 16 : i32
      %scan3A_574 = arith.addi %scan3A_572, %scan3A_573 : i32
      %scan3A_575 = arith.constant 1 : i32
      scf.for %scan3A_795 = %scan3A_572 to %scan3A_574 step %scan3A_575  : i32 {
        %mul3A_796 = arith.constant 16 : i32
        %mul3A_797 = arith.muli %scan3A_570, %mul3A_796 : i32
        %add3A_798 = arith.addi %mul3A_797, %scan3A_795 : i32
        %broadcast_in_dim3A_799 = arith.constant 0.000000e+00 : f32
        %broadcast_in_dim3A_800 = vector.broadcast %broadcast_in_dim3A_799 : f32 to vector<16xf32>
        %get3A = arith.constant 2 : i32
        %get3A_801 = arith.index_cast %get3A : i32 to index
        %get3A_802 = arith.index_cast %add3A_798 : i32 to index
        %get3A_803 = arith.constant 0 : index
        %get3A_804 = tpu.vector_load %arg10[%get3A_801, %get3A_802, %get3A_803] {strides = array<i32>} : memref<4x16x256xf32, #tpu.memory_space<vmem>>, vector<16xf32>,
        %mul3A_805 = arith.constant 4 : i32
        %mul3A_806 = arith.muli %mul3A_805, %add3A_798 : i32
        %get3A_807 = arith.constant 2 : i32
        %get3A_808 = arith.index_cast %get3A_807 : i32 to index
        %get3A_809 = arith.index_cast %mul3A_806 : i32 to index
        %get3A_810 = arith.constant 0 : index
        %get3A_811 = tpu.vector_load %arg11[%get3A_808, %get3A_809, %get3A_810] {strides = array<i32>} : memref<4x64x256xf32, #tpu.memory_space<vmem>>, vector<16xf32>,
        %mul3A_812 = arith.constant 4 : i32
        %mul3A_813 = arith.muli %mul3A_812, %add3A_798 : i32
        %add3A_814 = arith.constant 1 : i32
        %add3A_815 = arith.addi %mul3A_813, %add3A_814 : i32
        %get3A_816 = arith.constant 2 : i32
        %get3A_817 = arith.index_cast %get3A_816 : i32 to index
        %get3A_818 = arith.index_cast %add3A_815 : i32 to index
        %get3A_819 = arith.constant 0 : index
        %get3A_820 = tpu.vector_load %arg11[%get3A_817, %get3A_818, %get3A_819] {strides = array<i32>} : memref<4x64x256xf32, #tpu.memory_space<vmem>>, vector<16xf32>,
        %add3A_821 = arith.addf %get3A_811, %get3A_820 : vector<16xf32>
        %mul3A_822 = arith.constant 4 : i32
        %mul3A_823 = arith.muli %mul3A_822, %add3A_798 : i32
        %add3A_824 = arith.constant 2 : i32
        %add3A_825 = arith.addi %mul3A_823, %add3A_824 : i32
        %get3A_826 = arith.constant 2 : i32
        %get3A_827 = arith.index_cast %get3A_826 : i32 to index
        %get3A_828 = arith.index_cast %add3A_825 : i32 to index
        %get3A_829 = arith.constant 0 : index
        %get3A_830 = tpu.vector_load %arg11[%get3A_827, %get3A_828, %get3A_829] {strides = array<i32>} : memref<4x64x256xf32, #tpu.memory_space<vmem>>, vector<16xf32>,
        %mul3A_831 = arith.constant 4 : i32
        %mul3A_832 = arith.muli %mul3A_831, %add3A_798 : i32
        %add3A_833 = arith.constant 3 : i32
        %add3A_834 = arith.addi %mul3A_832, %add3A_833 : i32
        %get3A_835 = arith.constant 2 : i32
        %get3A_836 = arith.index_cast %get3A_835 : i32 to index
        %get3A_837 = arith.index_cast %add3A_834 : i32 to index
        %get3A_838 = arith.constant 0 : index
        %get3A_839 = tpu.vector_load %arg11[%get3A_836, %get3A_837, %get3A_838] {strides = array<i32>} : memref<4x64x256xf32, #tpu.memory_space<vmem>>, vector<16xf32>,
        %add3A_840 = arith.addf %get3A_830, %get3A_839 : vector<16xf32>
        %add3A_841 = arith.addf %add3A_821, %add3A_840 : vector<16xf32>
        %mul3A_842 = arith.mulf %get3A_804, %add3A_841 : vector<16xf32>
        %add3A_843 = arith.addf %broadcast_in_dim3A_800, %mul3A_842 : vector<16xf32>
        %get3A_844 = arith.constant 2 : i32
        %get3A_845 = arith.index_cast %get3A_844 : i32 to index
        %get3A_846 = arith.index_cast %add3A_798 : i32 to index
        %get3A_847 = arith.constant 16 : index
        %get3A_848 = tpu.vector_load %arg10[%get3A_845, %get3A_846, %get3A_847] {strides = array<i32>} : memref<4x16x256xf32, #tpu.memory_space<vmem>>, vector<16xf32>,
        %mul3A_849 = arith.constant 4 : i32
        %mul3A_850 = arith.muli %mul3A_849, %add3A_798 : i32
        %get3A_851 = arith.constant 2 : i32
        %get3A_852 = arith.index_cast %get3A_851 : i32 to index
        %get3A_853 = arith.index_cast %mul3A_850 : i32 to index
        %get3A_854 = arith.constant 16 : index
        %get3A_855 = tpu.vector_load %arg11[%get3A_852, %get3A_853, %get3A_854] {strides = array<i32>} : memref<4x64x256xf32, #tpu.memory_space<vmem>>, vector<16xf32>,
        %mul3A_856 = arith.constant 4 : i32
        %mul3A_857 = arith.muli %mul3A_856, %add3A_798 : i32
        %add3A_858 = arith.constant 1 : i32
        %add3A_859 = arith.addi %mul3A_857, %add3A_858 : i32
        %get3A_860 = arith.constant 2 : i32
        %get3A_861 = arith.index_cast %get3A_860 : i32 to index
        %get3A_862 = arith.index_cast %add3A_859 : i32 to index
        %get3A_863 = arith.constant 16 : index
        %get3A_864 = tpu.vector_load %arg11[%get3A_861, %get3A_862, %get3A_863] {strides = array<i32>} : memref<4x64x256xf32, #tpu.memory_space<vmem>>, vector<16xf32>,
        %add3A_865 = arith.addf %get3A_855, %get3A_864 : vector<16xf32>
        %mul3A_866 = arith.constant 4 : i32
        %mul3A_867 = arith.muli %mul3A_866, %add3A_798 : i32
        %add3A_868 = arith.constant 2 : i32
        %add3A_869 = arith.addi %mul3A_867, %add3A_868 : i32
        %get3A_870 = arith.constant 2 : i32
        %get3A_871 = arith.index_cast %get3A_870 : i32 to index
        %get3A_872 = arith.index_cast %add3A_869 : i32 to index
        %get3A_873 = arith.constant 16 : index
        %get3A_874 = tpu.vector_load %arg11[%get3A_871, %get3A_872, %get3A_873] {strides = array<i32>} : memref<4x64x256xf32, #tpu.memory_space<vmem>>, vector<16xf32>,
        %mul3A_875 = arith.constant 4 : i32
        %mul3A_876 = arith.muli %mul3A_875, %add3A_798 : i32
        %add3A_877 = arith.constant 3 : i32
        %add3A_878 = arith.addi %mul3A_876, %add3A_877 : i32
        %get3A_879 = arith.constant 2 : i32
        %get3A_880 = arith.index_cast %get3A_879 : i32 to index
        %get3A_881 = arith.index_cast %add3A_878 : i32 to index
        %get3A_882 = arith.constant 16 : index
        %get3A_883 = tpu.vector_load %arg11[%get3A_880, %get3A_881, %get3A_882] {strides = array<i32>} : memref<4x64x256xf32, #tpu.memory_space<vmem>>, vector<16xf32>,
        %add3A_884 = arith.addf %get3A_874, %get3A_883 : vector<16xf32>
        %add3A_885 = arith.addf %add3A_865, %add3A_884 : vector<16xf32>
        %mul3A_886 = arith.mulf %get3A_848, %add3A_885 : vector<16xf32>
        %add3A_887 = arith.addf %add3A_843, %mul3A_886 : vector<16xf32>
        %get3A_888 = arith.constant 2 : i32
        %get3A_889 = arith.index_cast %get3A_888 : i32 to index
        %get3A_890 = arith.index_cast %add3A_798 : i32 to index
        %get3A_891 = arith.constant 32 : index
        %get3A_892 = tpu.vector_load %arg10[%get3A_889, %get3A_890, %get3A_891] {strides = array<i32>} : memref<4x16x256xf32, #tpu.memory_space<vmem>>, vector<16xf32>,
        %mul3A_893 = arith.constant 4 : i32
        %mul3A_894 = arith.muli %mul3A_893, %add3A_798 : i32
        %get3A_895 = arith.constant 2 : i32
        %get3A_896 = arith.index_cast %get3A_895 : i32 to index
        %get3A_897 = arith.index_cast %mul3A_894 : i32 to index
        %get3A_898 = arith.constant 32 : index
        %get3A_899 = tpu.vector_load %arg11[%get3A_896, %get3A_897, %get3A_898] {strides = array<i32>} : memref<4x64x256xf32, #tpu.memory_space<vmem>>, vector<16xf32>,
        %mul3A_900 = arith.constant 4 : i32
        %mul3A_901 = arith.muli %mul3A_900, %add3A_798 : i32
        %add3A_902 = arith.constant 1 : i32
        %add3A_903 = arith.addi %mul3A_901, %add3A_902 : i32
        %get3A_904 = arith.constant 2 : i32
        %get3A_905 = arith.index_cast %get3A_904 : i32 to index
        %get3A_906 = arith.index_cast %add3A_903 : i32 to index
        %get3A_907 = arith.constant 32 : index
        %get3A_908 = tpu.vector_load %arg11[%get3A_905, %get3A_906, %get3A_907] {strides = array<i32>} : memref<4x64x256xf32, #tpu.memory_space<vmem>>, vector<16xf32>,
        %add3A_909 = arith.addf %get3A_899, %get3A_908 : vector<16xf32>
        %mul3A_910 = arith.constant 4 : i32
        %mul3A_911 = arith.muli %mul3A_910, %add3A_798 : i32
        %add3A_912 = arith.constant 2 : i32
        %add3A_913 = arith.addi %mul3A_911, %add3A_912 : i32
        %get3A_914 = arith.constant 2 : i32
        %get3A_915 = arith.index_cast %get3A_914 : i32 to index
        %get3A_916 = arith.index_cast %add3A_913 : i32 to index
        %get3A_917 = arith.constant 32 : index
        %get3A_918 = tpu.vector_load %arg11[%get3A_915, %get3A_916, %get3A_917] {strides = array<i32>} : memref<4x64x256xf32, #tpu.memory_space<vmem>>, vector<16xf32>,
        %mul3A_919 = arith.constant 4 : i32
        %mul3A_920 = arith.muli %mul3A_919, %add3A_798 : i32
        %add3A_921 = arith.constant 3 : i32
        %add3A_922 = arith.addi %mul3A_920, %add3A_921 : i32
        %get3A_923 = arith.constant 2 : i32
        %get3A_924 = arith.index_cast %get3A_923 : i32 to index
        %get3A_925 = arith.index_cast %add3A_922 : i32 to index
        %get3A_926 = arith.constant 32 : index
        %get3A_927 = tpu.vector_load %arg11[%get3A_924, %get3A_925, %get3A_926] {strides = array<i32>} : memref<4x64x256xf32, #tpu.memory_space<vmem>>, vector<16xf32>,
        %add3A_928 = arith.addf %get3A_918, %get3A_927 : vector<16xf32>
        %add3A_929 = arith.addf %add3A_909, %add3A_928 : vector<16xf32>
        %mul3A_930 = arith.mulf %get3A_892, %add3A_929 : vector<16xf32>
        %add3A_931 = arith.addf %add3A_887, %mul3A_930 : vector<16xf32>
        %get3A_932 = arith.constant 2 : i32
        %get3A_933 = arith.index_cast %get3A_932 : i32 to index
        %get3A_934 = arith.index_cast %add3A_798 : i32 to index
        %get3A_935 = arith.constant 48 : index
        %get3A_936 = tpu.vector_load %arg10[%get3A_933, %get3A_934, %get3A_935] {strides = array<i32>} : memref<4x16x256xf32, #tpu.memory_space<vmem>>, vector<16xf32>,
        %mul3A_937 = arith.constant 4 : i32
        %mul3A_938 = arith.muli %mul3A_937, %add3A_798 : i32
        %get3A_939 = arith.constant 2 : i32
        %get3A_940 = arith.index_cast %get3A_939 : i32 to index
        %get3A_941 = arith.index_cast %mul3A_938 : i32 to index
        %get3A_942 = arith.constant 48 : index
        %get3A_943 = tpu.vector_load %arg11[%get3A_940, %get3A_941, %get3A_942] {strides = array<i32>} : memref<4x64x256xf32, #tpu.memory_space<vmem>>, vector<16xf32>,
        %mul3A_944 = arith.constant 4 : i32
        %mul3A_945 = arith.muli %mul3A_944, %add3A_798 : i32
        %add3A_946 = arith.constant 1 : i32
        %add3A_947 = arith.addi %mul3A_945, %add3A_946 : i32
        %get3A_948 = arith.constant 2 : i32
        %get3A_949 = arith.index_cast %get3A_948 : i32 to index
        %get3A_950 = arith.index_cast %add3A_947 : i32 to index
        %get3A_951 = arith.constant 48 : index
        %get3A_952 = tpu.vector_load %arg11[%get3A_949, %get3A_950, %get3A_951] {strides = array<i32>} : memref<4x64x256xf32, #tpu.memory_space<vmem>>, vector<16xf32>,
        %add3A_953 = arith.addf %get3A_943, %get3A_952 : vector<16xf32>
        %mul3A_954 = arith.constant 4 : i32
        %mul3A_955 = arith.muli %mul3A_954, %add3A_798 : i32
        %add3A_956 = arith.constant 2 : i32
        %add3A_957 = arith.addi %mul3A_955, %add3A_956 : i32
        %get3A_958 = arith.constant 2 : i32
        %get3A_959 = arith.index_cast %get3A_958 : i32 to index
        %get3A_960 = arith.index_cast %add3A_957 : i32 to index
        %get3A_961 = arith.constant 48 : index
        %get3A_962 = tpu.vector_load %arg11[%get3A_959, %get3A_960, %get3A_961] {strides = array<i32>} : memref<4x64x256xf32, #tpu.memory_space<vmem>>, vector<16xf32>,
        %mul3A_963 = arith.constant 4 : i32
        %mul3A_964 = arith.muli %mul3A_963, %add3A_798 : i32
        %add3A_965 = arith.constant 3 : i32
        %add3A_966 = arith.addi %mul3A_964, %add3A_965 : i32
        %get3A_967 = arith.constant 2 : i32
        %get3A_968 = arith.index_cast %get3A_967 : i32 to index
        %get3A_969 = arith.index_cast %add3A_966 : i32 to index
        %get3A_970 = arith.constant 48 : index
        %get3A_971 = tpu.vector_load %arg11[%get3A_968, %get3A_969, %get3A_970] {strides = array<i32>} : memref<4x64x256xf32, #tpu.memory_space<vmem>>, vector<16xf32>,
        %add3A_972 = arith.addf %get3A_962, %get3A_971 : vector<16xf32>
        %add3A_973 = arith.addf %add3A_953, %add3A_972 : vector<16xf32>
        %mul3A_974 = arith.mulf %get3A_936, %add3A_973 : vector<16xf32>
        %add3A_975 = arith.addf %add3A_931, %mul3A_974 : vector<16xf32>
        %get3A_976 = arith.constant 2 : i32
        %get3A_977 = arith.index_cast %get3A_976 : i32 to index
        %get3A_978 = arith.index_cast %add3A_798 : i32 to index
        %get3A_979 = arith.constant 64 : index
        %get3A_980 = tpu.vector_load %arg10[%get3A_977, %get3A_978, %get3A_979] {strides = array<i32>} : memref<4x16x256xf32, #tpu.memory_space<vmem>>, vector<16xf32>,
        %mul3A_981 = arith.constant 4 : i32
        %mul3A_982 = arith.muli %mul3A_981, %add3A_798 : i32
        %get3A_983 = arith.constant 2 : i32
        %get3A_984 = arith.index_cast %get3A_983 : i32 to index
        %get3A_985 = arith.index_cast %mul3A_982 : i32 to index
        %get3A_986 = arith.constant 64 : index
        %get3A_987 = tpu.vector_load %arg11[%get3A_984, %get3A_985, %get3A_986] {strides = array<i32>} : memref<4x64x256xf32, #tpu.memory_space<vmem>>, vector<16xf32>,
        %mul3A_988 = arith.constant 4 : i32
        %mul3A_989 = arith.muli %mul3A_988, %add3A_798 : i32
        %add3A_990 = arith.constant 1 : i32
        %add3A_991 = arith.addi %mul3A_989, %add3A_990 : i32
        %get3A_992 = arith.constant 2 : i32
        %get3A_993 = arith.index_cast %get3A_992 : i32 to index
        %get3A_994 = arith.index_cast %add3A_991 : i32 to index
        %get3A_995 = arith.constant 64 : index
        %get3A_996 = tpu.vector_load %arg11[%get3A_993, %get3A_994, %get3A_995] {strides = array<i32>} : memref<4x64x256xf32, #tpu.memory_space<vmem>>, vector<16xf32>,
        %add3A_997 = arith.addf %get3A_987, %get3A_996 : vector<16xf32>
        %mul3A_998 = arith.constant 4 : i32
        %mul3A_999 = arith.muli %mul3A_998, %add3A_798 : i32
        %add3A_1000 = arith.constant 2 : i32
        %add3A_1001 = arith.addi %mul3A_999, %add3A_1000 : i32
        %get3A_1002 = arith.constant 2 : i32
        %get3A_1003 = arith.index_cast %get3A_1002 : i32 to index
        %get3A_1004 = arith.index_cast %add3A_1001 : i32 to index
        %get3A_1005 = arith.constant 64 : index
        %get3A_1006 = tpu.vector_load %arg11[%get3A_1003, %get3A_1004, %get3A_1005] {strides = array<i32>} : memref<4x64x256xf32, #tpu.memory_space<vmem>>, vector<16xf32>,
        %mul3A_1007 = arith.constant 4 : i32
        %mul3A_1008 = arith.muli %mul3A_1007, %add3A_798 : i32
        %add3A_1009 = arith.constant 3 : i32
        %add3A_1010 = arith.addi %mul3A_1008, %add3A_1009 : i32
        %get3A_1011 = arith.constant 2 : i32
        %get3A_1012 = arith.index_cast %get3A_1011 : i32 to index
        %get3A_1013 = arith.index_cast %add3A_1010 : i32 to index
        %get3A_1014 = arith.constant 64 : index
        %get3A_1015 = tpu.vector_load %arg11[%get3A_1012, %get3A_1013, %get3A_1014] {strides = array<i32>} : memref<4x64x256xf32, #tpu.memory_space<vmem>>, vector<16xf32>,
        %add3A_1016 = arith.addf %get3A_1006, %get3A_1015 : vector<16xf32>
        %add3A_1017 = arith.addf %add3A_997, %add3A_1016 : vector<16xf32>
        %mul3A_1018 = arith.mulf %get3A_980, %add3A_1017 : vector<16xf32>
        %add3A_1019 = arith.addf %add3A_975, %mul3A_1018 : vector<16xf32>
        %get3A_1020 = arith.constant 2 : i32
        %get3A_1021 = arith.index_cast %get3A_1020 : i32 to index
        %get3A_1022 = arith.index_cast %add3A_798 : i32 to index
        %get3A_1023 = arith.constant 80 : index
        %get3A_1024 = tpu.vector_load %arg10[%get3A_1021, %get3A_1022, %get3A_1023] {strides = array<i32>} : memref<4x16x256xf32, #tpu.memory_space<vmem>>, vector<16xf32>,
        %mul3A_1025 = arith.constant 4 : i32
        %mul3A_1026 = arith.muli %mul3A_1025, %add3A_798 : i32
        %get3A_1027 = arith.constant 2 : i32
        %get3A_1028 = arith.index_cast %get3A_1027 : i32 to index
        %get3A_1029 = arith.index_cast %mul3A_1026 : i32 to index
        %get3A_1030 = arith.constant 80 : index
        %get3A_1031 = tpu.vector_load %arg11[%get3A_1028, %get3A_1029, %get3A_1030] {strides = array<i32>} : memref<4x64x256xf32, #tpu.memory_space<vmem>>, vector<16xf32>,
        %mul3A_1032 = arith.constant 4 : i32
        %mul3A_1033 = arith.muli %mul3A_1032, %add3A_798 : i32
        %add3A_1034 = arith.constant 1 : i32
        %add3A_1035 = arith.addi %mul3A_1033, %add3A_1034 : i32
        %get3A_1036 = arith.constant 2 : i32
        %get3A_1037 = arith.index_cast %get3A_1036 : i32 to index
        %get3A_1038 = arith.index_cast %add3A_1035 : i32 to index
        %get3A_1039 = arith.constant 80 : index
        %get3A_1040 = tpu.vector_load %arg11[%get3A_1037, %get3A_1038, %get3A_1039] {strides = array<i32>} : memref<4x64x256xf32, #tpu.memory_space<vmem>>, vector<16xf32>,
        %add3A_1041 = arith.addf %get3A_1031, %get3A_1040 : vector<16xf32>
        %mul3A_1042 = arith.constant 4 : i32
        %mul3A_1043 = arith.muli %mul3A_1042, %add3A_798 : i32
        %add3A_1044 = arith.constant 2 : i32
        %add3A_1045 = arith.addi %mul3A_1043, %add3A_1044 : i32
        %get3A_1046 = arith.constant 2 : i32
        %get3A_1047 = arith.index_cast %get3A_1046 : i32 to index
        %get3A_1048 = arith.index_cast %add3A_1045 : i32 to index
        %get3A_1049 = arith.constant 80 : index
        %get3A_1050 = tpu.vector_load %arg11[%get3A_1047, %get3A_1048, %get3A_1049] {strides = array<i32>} : memref<4x64x256xf32, #tpu.memory_space<vmem>>, vector<16xf32>,
        %mul3A_1051 = arith.constant 4 : i32
        %mul3A_1052 = arith.muli %mul3A_1051, %add3A_798 : i32
        %add3A_1053 = arith.constant 3 : i32
        %add3A_1054 = arith.addi %mul3A_1052, %add3A_1053 : i32
        %get3A_1055 = arith.constant 2 : i32
        %get3A_1056 = arith.index_cast %get3A_1055 : i32 to index
        %get3A_1057 = arith.index_cast %add3A_1054 : i32 to index
        %get3A_1058 = arith.constant 80 : index
        %get3A_1059 = tpu.vector_load %arg11[%get3A_1056, %get3A_1057, %get3A_1058] {strides = array<i32>} : memref<4x64x256xf32, #tpu.memory_space<vmem>>, vector<16xf32>,
        %add3A_1060 = arith.addf %get3A_1050, %get3A_1059 : vector<16xf32>
        %add3A_1061 = arith.addf %add3A_1041, %add3A_1060 : vector<16xf32>
        %mul3A_1062 = arith.mulf %get3A_1024, %add3A_1061 : vector<16xf32>
        %add3A_1063 = arith.addf %add3A_1019, %mul3A_1062 : vector<16xf32>
        %get3A_1064 = arith.constant 2 : i32
        %get3A_1065 = arith.index_cast %get3A_1064 : i32 to index
        %get3A_1066 = arith.index_cast %add3A_798 : i32 to index
        %get3A_1067 = arith.constant 96 : index
        %get3A_1068 = tpu.vector_load %arg10[%get3A_1065, %get3A_1066, %get3A_1067] {strides = array<i32>} : memref<4x16x256xf32, #tpu.memory_space<vmem>>, vector<16xf32>,
        %mul3A_1069 = arith.constant 4 : i32
        %mul3A_1070 = arith.muli %mul3A_1069, %add3A_798 : i32
        %get3A_1071 = arith.constant 2 : i32
        %get3A_1072 = arith.index_cast %get3A_1071 : i32 to index
        %get3A_1073 = arith.index_cast %mul3A_1070 : i32 to index
        %get3A_1074 = arith.constant 96 : index
        %get3A_1075 = tpu.vector_load %arg11[%get3A_1072, %get3A_1073, %get3A_1074] {strides = array<i32>} : memref<4x64x256xf32, #tpu.memory_space<vmem>>, vector<16xf32>,
        %mul3A_1076 = arith.constant 4 : i32
        %mul3A_1077 = arith.muli %mul3A_1076, %add3A_798 : i32
        %add3A_1078 = arith.constant 1 : i32
        %add3A_1079 = arith.addi %mul3A_1077, %add3A_1078 : i32
        %get3A_1080 = arith.constant 2 : i32
        %get3A_1081 = arith.index_cast %get3A_1080 : i32 to index
        %get3A_1082 = arith.index_cast %add3A_1079 : i32 to index
        %get3A_1083 = arith.constant 96 : index
        %get3A_1084 = tpu.vector_load %arg11[%get3A_1081, %get3A_1082, %get3A_1083] {strides = array<i32>} : memref<4x64x256xf32, #tpu.memory_space<vmem>>, vector<16xf32>,
        %add3A_1085 = arith.addf %get3A_1075, %get3A_1084 : vector<16xf32>
        %mul3A_1086 = arith.constant 4 : i32
        %mul3A_1087 = arith.muli %mul3A_1086, %add3A_798 : i32
        %add3A_1088 = arith.constant 2 : i32
        %add3A_1089 = arith.addi %mul3A_1087, %add3A_1088 : i32
        %get3A_1090 = arith.constant 2 : i32
        %get3A_1091 = arith.index_cast %get3A_1090 : i32 to index
        %get3A_1092 = arith.index_cast %add3A_1089 : i32 to index
        %get3A_1093 = arith.constant 96 : index
        %get3A_1094 = tpu.vector_load %arg11[%get3A_1091, %get3A_1092, %get3A_1093] {strides = array<i32>} : memref<4x64x256xf32, #tpu.memory_space<vmem>>, vector<16xf32>,
        %mul3A_1095 = arith.constant 4 : i32
        %mul3A_1096 = arith.muli %mul3A_1095, %add3A_798 : i32
        %add3A_1097 = arith.constant 3 : i32
        %add3A_1098 = arith.addi %mul3A_1096, %add3A_1097 : i32
        %get3A_1099 = arith.constant 2 : i32
        %get3A_1100 = arith.index_cast %get3A_1099 : i32 to index
        %get3A_1101 = arith.index_cast %add3A_1098 : i32 to index
        %get3A_1102 = arith.constant 96 : index
        %get3A_1103 = tpu.vector_load %arg11[%get3A_1100, %get3A_1101, %get3A_1102] {strides = array<i32>} : memref<4x64x256xf32, #tpu.memory_space<vmem>>, vector<16xf32>,
        %add3A_1104 = arith.addf %get3A_1094, %get3A_1103 : vector<16xf32>
        %add3A_1105 = arith.addf %add3A_1085, %add3A_1104 : vector<16xf32>
        %mul3A_1106 = arith.mulf %get3A_1068, %add3A_1105 : vector<16xf32>
        %add3A_1107 = arith.addf %add3A_1063, %mul3A_1106 : vector<16xf32>
        %get3A_1108 = arith.constant 2 : i32
        %get3A_1109 = arith.index_cast %get3A_1108 : i32 to index
        %get3A_1110 = arith.index_cast %add3A_798 : i32 to index
        %get3A_1111 = arith.constant 112 : index
        %get3A_1112 = tpu.vector_load %arg10[%get3A_1109, %get3A_1110, %get3A_1111] {strides = array<i32>} : memref<4x16x256xf32, #tpu.memory_space<vmem>>, vector<16xf32>,
        %mul3A_1113 = arith.constant 4 : i32
        %mul3A_1114 = arith.muli %mul3A_1113, %add3A_798 : i32
        %get3A_1115 = arith.constant 2 : i32
        %get3A_1116 = arith.index_cast %get3A_1115 : i32 to index
        %get3A_1117 = arith.index_cast %mul3A_1114 : i32 to index
        %get3A_1118 = arith.constant 112 : index
        %get3A_1119 = tpu.vector_load %arg11[%get3A_1116, %get3A_1117, %get3A_1118] {strides = array<i32>} : memref<4x64x256xf32, #tpu.memory_space<vmem>>, vector<16xf32>,
        %mul3A_1120 = arith.constant 4 : i32
        %mul3A_1121 = arith.muli %mul3A_1120, %add3A_798 : i32
        %add3A_1122 = arith.constant 1 : i32
        %add3A_1123 = arith.addi %mul3A_1121, %add3A_1122 : i32
        %get3A_1124 = arith.constant 2 : i32
        %get3A_1125 = arith.index_cast %get3A_1124 : i32 to index
        %get3A_1126 = arith.index_cast %add3A_1123 : i32 to index
        %get3A_1127 = arith.constant 112 : index
        %get3A_1128 = tpu.vector_load %arg11[%get3A_1125, %get3A_1126, %get3A_1127] {strides = array<i32>} : memref<4x64x256xf32, #tpu.memory_space<vmem>>, vector<16xf32>,
        %add3A_1129 = arith.addf %get3A_1119, %get3A_1128 : vector<16xf32>
        %mul3A_1130 = arith.constant 4 : i32
        %mul3A_1131 = arith.muli %mul3A_1130, %add3A_798 : i32
        %add3A_1132 = arith.constant 2 : i32
        %add3A_1133 = arith.addi %mul3A_1131, %add3A_1132 : i32
        %get3A_1134 = arith.constant 2 : i32
        %get3A_1135 = arith.index_cast %get3A_1134 : i32 to index
        %get3A_1136 = arith.index_cast %add3A_1133 : i32 to index
        %get3A_1137 = arith.constant 112 : index
        %get3A_1138 = tpu.vector_load %arg11[%get3A_1135, %get3A_1136, %get3A_1137] {strides = array<i32>} : memref<4x64x256xf32, #tpu.memory_space<vmem>>, vector<16xf32>,
        %mul3A_1139 = arith.constant 4 : i32
        %mul3A_1140 = arith.muli %mul3A_1139, %add3A_798 : i32
        %add3A_1141 = arith.constant 3 : i32
        %add3A_1142 = arith.addi %mul3A_1140, %add3A_1141 : i32
        %get3A_1143 = arith.constant 2 : i32
        %get3A_1144 = arith.index_cast %get3A_1143 : i32 to index
        %get3A_1145 = arith.index_cast %add3A_1142 : i32 to index
        %get3A_1146 = arith.constant 112 : index
        %get3A_1147 = tpu.vector_load %arg11[%get3A_1144, %get3A_1145, %get3A_1146] {strides = array<i32>} : memref<4x64x256xf32, #tpu.memory_space<vmem>>, vector<16xf32>,
        %add3A_1148 = arith.addf %get3A_1138, %get3A_1147 : vector<16xf32>
        %add3A_1149 = arith.addf %add3A_1129, %add3A_1148 : vector<16xf32>
        %mul3A_1150 = arith.mulf %get3A_1112, %add3A_1149 : vector<16xf32>
        %add3A_1151 = arith.addf %add3A_1107, %mul3A_1150 : vector<16xf32>
        %get3A_1152 = arith.constant 2 : i32
        %get3A_1153 = arith.index_cast %get3A_1152 : i32 to index
        %get3A_1154 = arith.index_cast %add3A_798 : i32 to index
        %get3A_1155 = arith.constant 128 : index
        %get3A_1156 = tpu.vector_load %arg10[%get3A_1153, %get3A_1154, %get3A_1155] {strides = array<i32>} : memref<4x16x256xf32, #tpu.memory_space<vmem>>, vector<16xf32>,
        %mul3A_1157 = arith.constant 4 : i32
        %mul3A_1158 = arith.muli %mul3A_1157, %add3A_798 : i32
        %get3A_1159 = arith.constant 2 : i32
        %get3A_1160 = arith.index_cast %get3A_1159 : i32 to index
        %get3A_1161 = arith.index_cast %mul3A_1158 : i32 to index
        %get3A_1162 = arith.constant 128 : index
        %get3A_1163 = tpu.vector_load %arg11[%get3A_1160, %get3A_1161, %get3A_1162] {strides = array<i32>} : memref<4x64x256xf32, #tpu.memory_space<vmem>>, vector<16xf32>,
        %mul3A_1164 = arith.constant 4 : i32
        %mul3A_1165 = arith.muli %mul3A_1164, %add3A_798 : i32
        %add3A_1166 = arith.constant 1 : i32
        %add3A_1167 = arith.addi %mul3A_1165, %add3A_1166 : i32
        %get3A_1168 = arith.constant 2 : i32
        %get3A_1169 = arith.index_cast %get3A_1168 : i32 to index
        %get3A_1170 = arith.index_cast %add3A_1167 : i32 to index
        %get3A_1171 = arith.constant 128 : index
        %get3A_1172 = tpu.vector_load %arg11[%get3A_1169, %get3A_1170, %get3A_1171] {strides = array<i32>} : memref<4x64x256xf32, #tpu.memory_space<vmem>>, vector<16xf32>,
        %add3A_1173 = arith.addf %get3A_1163, %get3A_1172 : vector<16xf32>
        %mul3A_1174 = arith.constant 4 : i32
        %mul3A_1175 = arith.muli %mul3A_1174, %add3A_798 : i32
        %add3A_1176 = arith.constant 2 : i32
        %add3A_1177 = arith.addi %mul3A_1175, %add3A_1176 : i32
        %get3A_1178 = arith.constant 2 : i32
        %get3A_1179 = arith.index_cast %get3A_1178 : i32 to index
        %get3A_1180 = arith.index_cast %add3A_1177 : i32 to index
        %get3A_1181 = arith.constant 128 : index
        %get3A_1182 = tpu.vector_load %arg11[%get3A_1179, %get3A_1180, %get3A_1181] {strides = array<i32>} : memref<4x64x256xf32, #tpu.memory_space<vmem>>, vector<16xf32>,
        %mul3A_1183 = arith.constant 4 : i32
        %mul3A_1184 = arith.muli %mul3A_1183, %add3A_798 : i32
        %add3A_1185 = arith.constant 3 : i32
        %add3A_1186 = arith.addi %mul3A_1184, %add3A_1185 : i32
        %get3A_1187 = arith.constant 2 : i32
        %get3A_1188 = arith.index_cast %get3A_1187 : i32 to index
        %get3A_1189 = arith.index_cast %add3A_1186 : i32 to index
        %get3A_1190 = arith.constant 128 : index
        %get3A_1191 = tpu.vector_load %arg11[%get3A_1188, %get3A_1189, %get3A_1190] {strides = array<i32>} : memref<4x64x256xf32, #tpu.memory_space<vmem>>, vector<16xf32>,
        %add3A_1192 = arith.addf %get3A_1182, %get3A_1191 : vector<16xf32>
        %add3A_1193 = arith.addf %add3A_1173, %add3A_1192 : vector<16xf32>
        %mul3A_1194 = arith.mulf %get3A_1156, %add3A_1193 : vector<16xf32>
        %add3A_1195 = arith.addf %add3A_1151, %mul3A_1194 : vector<16xf32>
        %get3A_1196 = arith.constant 2 : i32
        %get3A_1197 = arith.index_cast %get3A_1196 : i32 to index
        %get3A_1198 = arith.index_cast %add3A_798 : i32 to index
        %get3A_1199 = arith.constant 144 : index
        %get3A_1200 = tpu.vector_load %arg10[%get3A_1197, %get3A_1198, %get3A_1199] {strides = array<i32>} : memref<4x16x256xf32, #tpu.memory_space<vmem>>, vector<16xf32>,
        %mul3A_1201 = arith.constant 4 : i32
        %mul3A_1202 = arith.muli %mul3A_1201, %add3A_798 : i32
        %get3A_1203 = arith.constant 2 : i32
        %get3A_1204 = arith.index_cast %get3A_1203 : i32 to index
        %get3A_1205 = arith.index_cast %mul3A_1202 : i32 to index
        %get3A_1206 = arith.constant 144 : index
        %get3A_1207 = tpu.vector_load %arg11[%get3A_1204, %get3A_1205, %get3A_1206] {strides = array<i32>} : memref<4x64x256xf32, #tpu.memory_space<vmem>>, vector<16xf32>,
        %mul3A_1208 = arith.constant 4 : i32
        %mul3A_1209 = arith.muli %mul3A_1208, %add3A_798 : i32
        %add3A_1210 = arith.constant 1 : i32
        %add3A_1211 = arith.addi %mul3A_1209, %add3A_1210 : i32
        %get3A_1212 = arith.constant 2 : i32
        %get3A_1213 = arith.index_cast %get3A_1212 : i32 to index
        %get3A_1214 = arith.index_cast %add3A_1211 : i32 to index
        %get3A_1215 = arith.constant 144 : index
        %get3A_1216 = tpu.vector_load %arg11[%get3A_1213, %get3A_1214, %get3A_1215] {strides = array<i32>} : memref<4x64x256xf32, #tpu.memory_space<vmem>>, vector<16xf32>,
        %add3A_1217 = arith.addf %get3A_1207, %get3A_1216 : vector<16xf32>
        %mul3A_1218 = arith.constant 4 : i32
        %mul3A_1219 = arith.muli %mul3A_1218, %add3A_798 : i32
        %add3A_1220 = arith.constant 2 : i32
        %add3A_1221 = arith.addi %mul3A_1219, %add3A_1220 : i32
        %get3A_1222 = arith.constant 2 : i32
        %get3A_1223 = arith.index_cast %get3A_1222 : i32 to index
        %get3A_1224 = arith.index_cast %add3A_1221 : i32 to index
        %get3A_1225 = arith.constant 144 : index
        %get3A_1226 = tpu.vector_load %arg11[%get3A_1223, %get3A_1224, %get3A_1225] {strides = array<i32>} : memref<4x64x256xf32, #tpu.memory_space<vmem>>, vector<16xf32>,
        %mul3A_1227 = arith.constant 4 : i32
        %mul3A_1228 = arith.muli %mul3A_1227, %add3A_798 : i32
        %add3A_1229 = arith.constant 3 : i32
        %add3A_1230 = arith.addi %mul3A_1228, %add3A_1229 : i32
        %get3A_1231 = arith.constant 2 : i32
        %get3A_1232 = arith.index_cast %get3A_1231 : i32 to index
        %get3A_1233 = arith.index_cast %add3A_1230 : i32 to index
        %get3A_1234 = arith.constant 144 : index
        %get3A_1235 = tpu.vector_load %arg11[%get3A_1232, %get3A_1233, %get3A_1234] {strides = array<i32>} : memref<4x64x256xf32, #tpu.memory_space<vmem>>, vector<16xf32>,
        %add3A_1236 = arith.addf %get3A_1226, %get3A_1235 : vector<16xf32>
        %add3A_1237 = arith.addf %add3A_1217, %add3A_1236 : vector<16xf32>
        %mul3A_1238 = arith.mulf %get3A_1200, %add3A_1237 : vector<16xf32>
        %add3A_1239 = arith.addf %add3A_1195, %mul3A_1238 : vector<16xf32>
        %get3A_1240 = arith.constant 2 : i32
        %get3A_1241 = arith.index_cast %get3A_1240 : i32 to index
        %get3A_1242 = arith.index_cast %add3A_798 : i32 to index
        %get3A_1243 = arith.constant 160 : index
        %get3A_1244 = tpu.vector_load %arg10[%get3A_1241, %get3A_1242, %get3A_1243] {strides = array<i32>} : memref<4x16x256xf32, #tpu.memory_space<vmem>>, vector<16xf32>,
        %mul3A_1245 = arith.constant 4 : i32
        %mul3A_1246 = arith.muli %mul3A_1245, %add3A_798 : i32
        %get3A_1247 = arith.constant 2 : i32
        %get3A_1248 = arith.index_cast %get3A_1247 : i32 to index
        %get3A_1249 = arith.index_cast %mul3A_1246 : i32 to index
        %get3A_1250 = arith.constant 160 : index
        %get3A_1251 = tpu.vector_load %arg11[%get3A_1248, %get3A_1249, %get3A_1250] {strides = array<i32>} : memref<4x64x256xf32, #tpu.memory_space<vmem>>, vector<16xf32>,
        %mul3A_1252 = arith.constant 4 : i32
        %mul3A_1253 = arith.muli %mul3A_1252, %add3A_798 : i32
        %add3A_1254 = arith.constant 1 : i32
        %add3A_1255 = arith.addi %mul3A_1253, %add3A_1254 : i32
        %get3A_1256 = arith.constant 2 : i32
        %get3A_1257 = arith.index_cast %get3A_1256 : i32 to index
        %get3A_1258 = arith.index_cast %add3A_1255 : i32 to index
        %get3A_1259 = arith.constant 160 : index
        %get3A_1260 = tpu.vector_load %arg11[%get3A_1257, %get3A_1258, %get3A_1259] {strides = array<i32>} : memref<4x64x256xf32, #tpu.memory_space<vmem>>, vector<16xf32>,
        %add3A_1261 = arith.addf %get3A_1251, %get3A_1260 : vector<16xf32>
        %mul3A_1262 = arith.constant 4 : i32
        %mul3A_1263 = arith.muli %mul3A_1262, %add3A_798 : i32
        %add3A_1264 = arith.constant 2 : i32
        %add3A_1265 = arith.addi %mul3A_1263, %add3A_1264 : i32
        %get3A_1266 = arith.constant 2 : i32
        %get3A_1267 = arith.index_cast %get3A_1266 : i32 to index
        %get3A_1268 = arith.index_cast %add3A_1265 : i32 to index
        %get3A_1269 = arith.constant 160 : index
        %get3A_1270 = tpu.vector_load %arg11[%get3A_1267, %get3A_1268, %get3A_1269] {strides = array<i32>} : memref<4x64x256xf32, #tpu.memory_space<vmem>>, vector<16xf32>,
        %mul3A_1271 = arith.constant 4 : i32
        %mul3A_1272 = arith.muli %mul3A_1271, %add3A_798 : i32
        %add3A_1273 = arith.constant 3 : i32
        %add3A_1274 = arith.addi %mul3A_1272, %add3A_1273 : i32
        %get3A_1275 = arith.constant 2 : i32
        %get3A_1276 = arith.index_cast %get3A_1275 : i32 to index
        %get3A_1277 = arith.index_cast %add3A_1274 : i32 to index
        %get3A_1278 = arith.constant 160 : index
        %get3A_1279 = tpu.vector_load %arg11[%get3A_1276, %get3A_1277, %get3A_1278] {strides = array<i32>} : memref<4x64x256xf32, #tpu.memory_space<vmem>>, vector<16xf32>,
        %add3A_1280 = arith.addf %get3A_1270, %get3A_1279 : vector<16xf32>
        %add3A_1281 = arith.addf %add3A_1261, %add3A_1280 : vector<16xf32>
        %mul3A_1282 = arith.mulf %get3A_1244, %add3A_1281 : vector<16xf32>
        %add3A_1283 = arith.addf %add3A_1239, %mul3A_1282 : vector<16xf32>
        %get3A_1284 = arith.constant 2 : i32
        %get3A_1285 = arith.index_cast %get3A_1284 : i32 to index
        %get3A_1286 = arith.index_cast %add3A_798 : i32 to index
        %get3A_1287 = arith.constant 176 : index
        %get3A_1288 = tpu.vector_load %arg10[%get3A_1285, %get3A_1286, %get3A_1287] {strides = array<i32>} : memref<4x16x256xf32, #tpu.memory_space<vmem>>, vector<16xf32>,
        %mul3A_1289 = arith.constant 4 : i32
        %mul3A_1290 = arith.muli %mul3A_1289, %add3A_798 : i32
        %get3A_1291 = arith.constant 2 : i32
        %get3A_1292 = arith.index_cast %get3A_1291 : i32 to index
        %get3A_1293 = arith.index_cast %mul3A_1290 : i32 to index
        %get3A_1294 = arith.constant 176 : index
        %get3A_1295 = tpu.vector_load %arg11[%get3A_1292, %get3A_1293, %get3A_1294] {strides = array<i32>} : memref<4x64x256xf32, #tpu.memory_space<vmem>>, vector<16xf32>,
        %mul3A_1296 = arith.constant 4 : i32
        %mul3A_1297 = arith.muli %mul3A_1296, %add3A_798 : i32
        %add3A_1298 = arith.constant 1 : i32
        %add3A_1299 = arith.addi %mul3A_1297, %add3A_1298 : i32
        %get3A_1300 = arith.constant 2 : i32
        %get3A_1301 = arith.index_cast %get3A_1300 : i32 to index
        %get3A_1302 = arith.index_cast %add3A_1299 : i32 to index
        %get3A_1303 = arith.constant 176 : index
        %get3A_1304 = tpu.vector_load %arg11[%get3A_1301, %get3A_1302, %get3A_1303] {strides = array<i32>} : memref<4x64x256xf32, #tpu.memory_space<vmem>>, vector<16xf32>,
        %add3A_1305 = arith.addf %get3A_1295, %get3A_1304 : vector<16xf32>
        %mul3A_1306 = arith.constant 4 : i32
        %mul3A_1307 = arith.muli %mul3A_1306, %add3A_798 : i32
        %add3A_1308 = arith.constant 2 : i32
        %add3A_1309 = arith.addi %mul3A_1307, %add3A_1308 : i32
        %get3A_1310 = arith.constant 2 : i32
        %get3A_1311 = arith.index_cast %get3A_1310 : i32 to index
        %get3A_1312 = arith.index_cast %add3A_1309 : i32 to index
        %get3A_1313 = arith.constant 176 : index
        %get3A_1314 = tpu.vector_load %arg11[%get3A_1311, %get3A_1312, %get3A_1313] {strides = array<i32>} : memref<4x64x256xf32, #tpu.memory_space<vmem>>, vector<16xf32>,
        %mul3A_1315 = arith.constant 4 : i32
        %mul3A_1316 = arith.muli %mul3A_1315, %add3A_798 : i32
        %add3A_1317 = arith.constant 3 : i32
        %add3A_1318 = arith.addi %mul3A_1316, %add3A_1317 : i32
        %get3A_1319 = arith.constant 2 : i32
        %get3A_1320 = arith.index_cast %get3A_1319 : i32 to index
        %get3A_1321 = arith.index_cast %add3A_1318 : i32 to index
        %get3A_1322 = arith.constant 176 : index
        %get3A_1323 = tpu.vector_load %arg11[%get3A_1320, %get3A_1321, %get3A_1322] {strides = array<i32>} : memref<4x64x256xf32, #tpu.memory_space<vmem>>, vector<16xf32>,
        %add3A_1324 = arith.addf %get3A_1314, %get3A_1323 : vector<16xf32>
        %add3A_1325 = arith.addf %add3A_1305, %add3A_1324 : vector<16xf32>
        %mul3A_1326 = arith.mulf %get3A_1288, %add3A_1325 : vector<16xf32>
        %add3A_1327 = arith.addf %add3A_1283, %mul3A_1326 : vector<16xf32>
        %get3A_1328 = arith.constant 2 : i32
        %get3A_1329 = arith.index_cast %get3A_1328 : i32 to index
        %get3A_1330 = arith.index_cast %add3A_798 : i32 to index
        %get3A_1331 = arith.constant 192 : index
        %get3A_1332 = tpu.vector_load %arg10[%get3A_1329, %get3A_1330, %get3A_1331] {strides = array<i32>} : memref<4x16x256xf32, #tpu.memory_space<vmem>>, vector<16xf32>,
        %mul3A_1333 = arith.constant 4 : i32
        %mul3A_1334 = arith.muli %mul3A_1333, %add3A_798 : i32
        %get3A_1335 = arith.constant 2 : i32
        %get3A_1336 = arith.index_cast %get3A_1335 : i32 to index
        %get3A_1337 = arith.index_cast %mul3A_1334 : i32 to index
        %get3A_1338 = arith.constant 192 : index
        %get3A_1339 = tpu.vector_load %arg11[%get3A_1336, %get3A_1337, %get3A_1338] {strides = array<i32>} : memref<4x64x256xf32, #tpu.memory_space<vmem>>, vector<16xf32>,
        %mul3A_1340 = arith.constant 4 : i32
        %mul3A_1341 = arith.muli %mul3A_1340, %add3A_798 : i32
        %add3A_1342 = arith.constant 1 : i32
        %add3A_1343 = arith.addi %mul3A_1341, %add3A_1342 : i32
        %get3A_1344 = arith.constant 2 : i32
        %get3A_1345 = arith.index_cast %get3A_1344 : i32 to index
        %get3A_1346 = arith.index_cast %add3A_1343 : i32 to index
        %get3A_1347 = arith.constant 192 : index
        %get3A_1348 = tpu.vector_load %arg11[%get3A_1345, %get3A_1346, %get3A_1347] {strides = array<i32>} : memref<4x64x256xf32, #tpu.memory_space<vmem>>, vector<16xf32>,
        %add3A_1349 = arith.addf %get3A_1339, %get3A_1348 : vector<16xf32>
        %mul3A_1350 = arith.constant 4 : i32
        %mul3A_1351 = arith.muli %mul3A_1350, %add3A_798 : i32
        %add3A_1352 = arith.constant 2 : i32
        %add3A_1353 = arith.addi %mul3A_1351, %add3A_1352 : i32
        %get3A_1354 = arith.constant 2 : i32
        %get3A_1355 = arith.index_cast %get3A_1354 : i32 to index
        %get3A_1356 = arith.index_cast %add3A_1353 : i32 to index
        %get3A_1357 = arith.constant 192 : index
        %get3A_1358 = tpu.vector_load %arg11[%get3A_1355, %get3A_1356, %get3A_1357] {strides = array<i32>} : memref<4x64x256xf32, #tpu.memory_space<vmem>>, vector<16xf32>,
        %mul3A_1359 = arith.constant 4 : i32
        %mul3A_1360 = arith.muli %mul3A_1359, %add3A_798 : i32
        %add3A_1361 = arith.constant 3 : i32
        %add3A_1362 = arith.addi %mul3A_1360, %add3A_1361 : i32
        %get3A_1363 = arith.constant 2 : i32
        %get3A_1364 = arith.index_cast %get3A_1363 : i32 to index
        %get3A_1365 = arith.index_cast %add3A_1362 : i32 to index
        %get3A_1366 = arith.constant 192 : index
        %get3A_1367 = tpu.vector_load %arg11[%get3A_1364, %get3A_1365, %get3A_1366] {strides = array<i32>} : memref<4x64x256xf32, #tpu.memory_space<vmem>>, vector<16xf32>,
        %add3A_1368 = arith.addf %get3A_1358, %get3A_1367 : vector<16xf32>
        %add3A_1369 = arith.addf %add3A_1349, %add3A_1368 : vector<16xf32>
        %mul3A_1370 = arith.mulf %get3A_1332, %add3A_1369 : vector<16xf32>
        %add3A_1371 = arith.addf %add3A_1327, %mul3A_1370 : vector<16xf32>
        %get3A_1372 = arith.constant 2 : i32
        %get3A_1373 = arith.index_cast %get3A_1372 : i32 to index
        %get3A_1374 = arith.index_cast %add3A_798 : i32 to index
        %get3A_1375 = arith.constant 208 : index
        %get3A_1376 = tpu.vector_load %arg10[%get3A_1373, %get3A_1374, %get3A_1375] {strides = array<i32>} : memref<4x16x256xf32, #tpu.memory_space<vmem>>, vector<16xf32>,
        %mul3A_1377 = arith.constant 4 : i32
        %mul3A_1378 = arith.muli %mul3A_1377, %add3A_798 : i32
        %get3A_1379 = arith.constant 2 : i32
        %get3A_1380 = arith.index_cast %get3A_1379 : i32 to index
        %get3A_1381 = arith.index_cast %mul3A_1378 : i32 to index
        %get3A_1382 = arith.constant 208 : index
        %get3A_1383 = tpu.vector_load %arg11[%get3A_1380, %get3A_1381, %get3A_1382] {strides = array<i32>} : memref<4x64x256xf32, #tpu.memory_space<vmem>>, vector<16xf32>,
        %mul3A_1384 = arith.constant 4 : i32
        %mul3A_1385 = arith.muli %mul3A_1384, %add3A_798 : i32
        %add3A_1386 = arith.constant 1 : i32
        %add3A_1387 = arith.addi %mul3A_1385, %add3A_1386 : i32
        %get3A_1388 = arith.constant 2 : i32
        %get3A_1389 = arith.index_cast %get3A_1388 : i32 to index
        %get3A_1390 = arith.index_cast %add3A_1387 : i32 to index
        %get3A_1391 = arith.constant 208 : index
        %get3A_1392 = tpu.vector_load %arg11[%get3A_1389, %get3A_1390, %get3A_1391] {strides = array<i32>} : memref<4x64x256xf32, #tpu.memory_space<vmem>>, vector<16xf32>,
        %add3A_1393 = arith.addf %get3A_1383, %get3A_1392 : vector<16xf32>
        %mul3A_1394 = arith.constant 4 : i32
        %mul3A_1395 = arith.muli %mul3A_1394, %add3A_798 : i32
        %add3A_1396 = arith.constant 2 : i32
        %add3A_1397 = arith.addi %mul3A_1395, %add3A_1396 : i32
        %get3A_1398 = arith.constant 2 : i32
        %get3A_1399 = arith.index_cast %get3A_1398 : i32 to index
        %get3A_1400 = arith.index_cast %add3A_1397 : i32 to index
        %get3A_1401 = arith.constant 208 : index
        %get3A_1402 = tpu.vector_load %arg11[%get3A_1399, %get3A_1400, %get3A_1401] {strides = array<i32>} : memref<4x64x256xf32, #tpu.memory_space<vmem>>, vector<16xf32>,
        %mul3A_1403 = arith.constant 4 : i32
        %mul3A_1404 = arith.muli %mul3A_1403, %add3A_798 : i32
        %add3A_1405 = arith.constant 3 : i32
        %add3A_1406 = arith.addi %mul3A_1404, %add3A_1405 : i32
        %get3A_1407 = arith.constant 2 : i32
        %get3A_1408 = arith.index_cast %get3A_1407 : i32 to index
        %get3A_1409 = arith.index_cast %add3A_1406 : i32 to index
        %get3A_1410 = arith.constant 208 : index
        %get3A_1411 = tpu.vector_load %arg11[%get3A_1408, %get3A_1409, %get3A_1410] {strides = array<i32>} : memref<4x64x256xf32, #tpu.memory_space<vmem>>, vector<16xf32>,
        %add3A_1412 = arith.addf %get3A_1402, %get3A_1411 : vector<16xf32>
        %add3A_1413 = arith.addf %add3A_1393, %add3A_1412 : vector<16xf32>
        %mul3A_1414 = arith.mulf %get3A_1376, %add3A_1413 : vector<16xf32>
        %add3A_1415 = arith.addf %add3A_1371, %mul3A_1414 : vector<16xf32>
        %get3A_1416 = arith.constant 2 : i32
        %get3A_1417 = arith.index_cast %get3A_1416 : i32 to index
        %get3A_1418 = arith.index_cast %add3A_798 : i32 to index
        %get3A_1419 = arith.constant 224 : index
        %get3A_1420 = tpu.vector_load %arg10[%get3A_1417, %get3A_1418, %get3A_1419] {strides = array<i32>} : memref<4x16x256xf32, #tpu.memory_space<vmem>>, vector<16xf32>,
        %mul3A_1421 = arith.constant 4 : i32
        %mul3A_1422 = arith.muli %mul3A_1421, %add3A_798 : i32
        %get3A_1423 = arith.constant 2 : i32
        %get3A_1424 = arith.index_cast %get3A_1423 : i32 to index
        %get3A_1425 = arith.index_cast %mul3A_1422 : i32 to index
        %get3A_1426 = arith.constant 224 : index
        %get3A_1427 = tpu.vector_load %arg11[%get3A_1424, %get3A_1425, %get3A_1426] {strides = array<i32>} : memref<4x64x256xf32, #tpu.memory_space<vmem>>, vector<16xf32>,
        %mul3A_1428 = arith.constant 4 : i32
        %mul3A_1429 = arith.muli %mul3A_1428, %add3A_798 : i32
        %add3A_1430 = arith.constant 1 : i32
        %add3A_1431 = arith.addi %mul3A_1429, %add3A_1430 : i32
        %get3A_1432 = arith.constant 2 : i32
        %get3A_1433 = arith.index_cast %get3A_1432 : i32 to index
        %get3A_1434 = arith.index_cast %add3A_1431 : i32 to index
        %get3A_1435 = arith.constant 224 : index
        %get3A_1436 = tpu.vector_load %arg11[%get3A_1433, %get3A_1434, %get3A_1435] {strides = array<i32>} : memref<4x64x256xf32, #tpu.memory_space<vmem>>, vector<16xf32>,
        %add3A_1437 = arith.addf %get3A_1427, %get3A_1436 : vector<16xf32>
        %mul3A_1438 = arith.constant 4 : i32
        %mul3A_1439 = arith.muli %mul3A_1438, %add3A_798 : i32
        %add3A_1440 = arith.constant 2 : i32
        %add3A_1441 = arith.addi %mul3A_1439, %add3A_1440 : i32
        %get3A_1442 = arith.constant 2 : i32
        %get3A_1443 = arith.index_cast %get3A_1442 : i32 to index
        %get3A_1444 = arith.index_cast %add3A_1441 : i32 to index
        %get3A_1445 = arith.constant 224 : index
        %get3A_1446 = tpu.vector_load %arg11[%get3A_1443, %get3A_1444, %get3A_1445] {strides = array<i32>} : memref<4x64x256xf32, #tpu.memory_space<vmem>>, vector<16xf32>,
        %mul3A_1447 = arith.constant 4 : i32
        %mul3A_1448 = arith.muli %mul3A_1447, %add3A_798 : i32
        %add3A_1449 = arith.constant 3 : i32
        %add3A_1450 = arith.addi %mul3A_1448, %add3A_1449 : i32
        %get3A_1451 = arith.constant 2 : i32
        %get3A_1452 = arith.index_cast %get3A_1451 : i32 to index
        %get3A_1453 = arith.index_cast %add3A_1450 : i32 to index
        %get3A_1454 = arith.constant 224 : index
        %get3A_1455 = tpu.vector_load %arg11[%get3A_1452, %get3A_1453, %get3A_1454] {strides = array<i32>} : memref<4x64x256xf32, #tpu.memory_space<vmem>>, vector<16xf32>,
        %add3A_1456 = arith.addf %get3A_1446, %get3A_1455 : vector<16xf32>
        %add3A_1457 = arith.addf %add3A_1437, %add3A_1456 : vector<16xf32>
        %mul3A_1458 = arith.mulf %get3A_1420, %add3A_1457 : vector<16xf32>
        %add3A_1459 = arith.addf %add3A_1415, %mul3A_1458 : vector<16xf32>
        %get3A_1460 = arith.constant 2 : i32
        %get3A_1461 = arith.index_cast %get3A_1460 : i32 to index
        %get3A_1462 = arith.index_cast %add3A_798 : i32 to index
        %get3A_1463 = arith.constant 240 : index
        %get3A_1464 = tpu.vector_load %arg10[%get3A_1461, %get3A_1462, %get3A_1463] {strides = array<i32>} : memref<4x16x256xf32, #tpu.memory_space<vmem>>, vector<16xf32>,
        %mul3A_1465 = arith.constant 4 : i32
        %mul3A_1466 = arith.muli %mul3A_1465, %add3A_798 : i32
        %get3A_1467 = arith.constant 2 : i32
        %get3A_1468 = arith.index_cast %get3A_1467 : i32 to index
        %get3A_1469 = arith.index_cast %mul3A_1466 : i32 to index
        %get3A_1470 = arith.constant 240 : index
        %get3A_1471 = tpu.vector_load %arg11[%get3A_1468, %get3A_1469, %get3A_1470] {strides = array<i32>} : memref<4x64x256xf32, #tpu.memory_space<vmem>>, vector<16xf32>,
        %mul3A_1472 = arith.constant 4 : i32
        %mul3A_1473 = arith.muli %mul3A_1472, %add3A_798 : i32
        %add3A_1474 = arith.constant 1 : i32
        %add3A_1475 = arith.addi %mul3A_1473, %add3A_1474 : i32
        %get3A_1476 = arith.constant 2 : i32
        %get3A_1477 = arith.index_cast %get3A_1476 : i32 to index
        %get3A_1478 = arith.index_cast %add3A_1475 : i32 to index
        %get3A_1479 = arith.constant 240 : index
        %get3A_1480 = tpu.vector_load %arg11[%get3A_1477, %get3A_1478, %get3A_1479] {strides = array<i32>} : memref<4x64x256xf32, #tpu.memory_space<vmem>>, vector<16xf32>,
        %add3A_1481 = arith.addf %get3A_1471, %get3A_1480 : vector<16xf32>
        %mul3A_1482 = arith.constant 4 : i32
        %mul3A_1483 = arith.muli %mul3A_1482, %add3A_798 : i32
        %add3A_1484 = arith.constant 2 : i32
        %add3A_1485 = arith.addi %mul3A_1483, %add3A_1484 : i32
        %get3A_1486 = arith.constant 2 : i32
        %get3A_1487 = arith.index_cast %get3A_1486 : i32 to index
        %get3A_1488 = arith.index_cast %add3A_1485 : i32 to index
        %get3A_1489 = arith.constant 240 : index
        %get3A_1490 = tpu.vector_load %arg11[%get3A_1487, %get3A_1488, %get3A_1489] {strides = array<i32>} : memref<4x64x256xf32, #tpu.memory_space<vmem>>, vector<16xf32>,
        %mul3A_1491 = arith.constant 4 : i32
        %mul3A_1492 = arith.muli %mul3A_1491, %add3A_798 : i32
        %add3A_1493 = arith.constant 3 : i32
        %add3A_1494 = arith.addi %mul3A_1492, %add3A_1493 : i32
        %get3A_1495 = arith.constant 2 : i32
        %get3A_1496 = arith.index_cast %get3A_1495 : i32 to index
        %get3A_1497 = arith.index_cast %add3A_1494 : i32 to index
        %get3A_1498 = arith.constant 240 : index
        %get3A_1499 = tpu.vector_load %arg11[%get3A_1496, %get3A_1497, %get3A_1498] {strides = array<i32>} : memref<4x64x256xf32, #tpu.memory_space<vmem>>, vector<16xf32>,
        %add3A_1500 = arith.addf %get3A_1490, %get3A_1499 : vector<16xf32>
        %add3A_1501 = arith.addf %add3A_1481, %add3A_1500 : vector<16xf32>
        %mul3A_1502 = arith.mulf %get3A_1464, %add3A_1501 : vector<16xf32>
        %add3A_1503 = arith.addf %add3A_1459, %mul3A_1502 : vector<16xf32>
        %swap3A_1504 = arith.index_cast %scan3A_795 : i32 to index
        %swap3A_1505 = arith.constant 0 : index
        %swap3A_1506 = tpu.vector_load %arg13[%swap3A_1504, %swap3A_1505] {strides = array<i32>} : memref<16x16xf32, #tpu.memory_space<vmem>>, vector<16xf32>,
        tpu.vector_store %arg13[%swap3A_1504, %swap3A_1505], %add3A_1503 {strides = array<i32>} : memref<16x16xf32, #tpu.memory_space<vmem>>, vector<16xf32>,
      }
      %scan3A_576 = arith.constant 16 : i32
      %broadcast_in_dim3A_577 = arith.constant 0.000000e+00 : f32
      %broadcast_in_dim3A_578 = vector.broadcast %broadcast_in_dim3A_577 : f32 to vector<16xf32>
      %broadcast_in_dim3A_579 = arith.constant 0 : i32
      %broadcast_in_dim3A_580 = vector.broadcast %broadcast_in_dim3A_579 : i32 to vector<16xi32>
      %gather3A_581 = tpu.vector_load_idx %arg13[%iota3A, %broadcast_in_dim3A_580] : memref<16x16xf32, #tpu.memory_space<vmem>>[vector<16xi32>, vector<16xi32>], vector<16xf32>,
      %add3A_582 = arith.addf %broadcast_in_dim3A_578, %gather3A_581 : vector<16xf32>
      %broadcast_in_dim3A_583 = arith.constant 1 : i32
      %broadcast_in_dim3A_584 = vector.broadcast %broadcast_in_dim3A_583 : i32 to vector<16xi32>
      %gather3A_585 = tpu.vector_load_idx %arg13[%iota3A, %broadcast_in_dim3A_584] : memref<16x16xf32, #tpu.memory_space<vmem>>[vector<16xi32>, vector<16xi32>], vector<16xf32>,
      %add3A_586 = arith.addf %add3A_582, %gather3A_585 : vector<16xf32>
      %broadcast_in_dim3A_587 = arith.constant 2 : i32
      %broadcast_in_dim3A_588 = vector.broadcast %broadcast_in_dim3A_587 : i32 to vector<16xi32>
      %gather3A_589 = tpu.vector_load_idx %arg13[%iota3A, %broadcast_in_dim3A_588] : memref<16x16xf32, #tpu.memory_space<vmem>>[vector<16xi32>, vector<16xi32>], vector<16xf32>,
      %add3A_590 = arith.addf %add3A_586, %gather3A_589 : vector<16xf32>
      %broadcast_in_dim3A_591 = arith.constant 3 : i32
      %broadcast_in_dim3A_592 = vector.broadcast %broadcast_in_dim3A_591 : i32 to vector<16xi32>
      %gather3A_593 = tpu.vector_load_idx %arg13[%iota3A, %broadcast_in_dim3A_592] : memref<16x16xf32, #tpu.memory_space<vmem>>[vector<16xi32>, vector<16xi32>], vector<16xf32>,
      %add3A_594 = arith.addf %add3A_590, %gather3A_593 : vector<16xf32>
      %broadcast_in_dim3A_595 = arith.constant 4 : i32
      %broadcast_in_dim3A_596 = vector.broadcast %broadcast_in_dim3A_595 : i32 to vector<16xi32>
      %gather3A_597 = tpu.vector_load_idx %arg13[%iota3A, %broadcast_in_dim3A_596] : memref<16x16xf32, #tpu.memory_space<vmem>>[vector<16xi32>, vector<16xi32>], vector<16xf32>,
      %add3A_598 = arith.addf %add3A_594, %gather3A_597 : vector<16xf32>
      %broadcast_in_dim3A_599 = arith.constant 5 : i32
      %broadcast_in_dim3A_600 = vector.broadcast %broadcast_in_dim3A_599 : i32 to vector<16xi32>
      %gather3A_601 = tpu.vector_load_idx %arg13[%iota3A, %broadcast_in_dim3A_600] : memref<16x16xf32, #tpu.memory_space<vmem>>[vector<16xi32>, vector<16xi32>], vector<16xf32>,
      %add3A_602 = arith.addf %add3A_598, %gather3A_601 : vector<16xf32>
      %broadcast_in_dim3A_603 = arith.constant 6 : i32
      %broadcast_in_dim3A_604 = vector.broadcast %broadcast_in_dim3A_603 : i32 to vector<16xi32>
      %gather3A_605 = tpu.vector_load_idx %arg13[%iota3A, %broadcast_in_dim3A_604] : memref<16x16xf32, #tpu.memory_space<vmem>>[vector<16xi32>, vector<16xi32>], vector<16xf32>,
      %add3A_606 = arith.addf %add3A_602, %gather3A_605 : vector<16xf32>
      %broadcast_in_dim3A_607 = arith.constant 7 : i32
      %broadcast_in_dim3A_608 = vector.broadcast %broadcast_in_dim3A_607 : i32 to vector<16xi32>
      %gather3A_609 = tpu.vector_load_idx %arg13[%iota3A, %broadcast_in_dim3A_608] : memref<16x16xf32, #tpu.memory_space<vmem>>[vector<16xi32>, vector<16xi32>], vector<16xf32>,
      %add3A_610 = arith.addf %add3A_606, %gather3A_609 : vector<16xf32>
      %broadcast_in_dim3A_611 = arith.constant 8 : i32
      %broadcast_in_dim3A_612 = vector.broadcast %broadcast_in_dim3A_611 : i32 to vector<16xi32>
      %gather3A_613 = tpu.vector_load_idx %arg13[%iota3A, %broadcast_in_dim3A_612] : memref<16x16xf32, #tpu.memory_space<vmem>>[vector<16xi32>, vector<16xi32>], vector<16xf32>,
      %add3A_614 = arith.addf %add3A_610, %gather3A_613 : vector<16xf32>
      %broadcast_in_dim3A_615 = arith.constant 9 : i32
      %broadcast_in_dim3A_616 = vector.broadcast %broadcast_in_dim3A_615 : i32 to vector<16xi32>
      %gather3A_617 = tpu.vector_load_idx %arg13[%iota3A, %broadcast_in_dim3A_616] : memref<16x16xf32, #tpu.memory_space<vmem>>[vector<16xi32>, vector<16xi32>], vector<16xf32>,
      %add3A_618 = arith.addf %add3A_614, %gather3A_617 : vector<16xf32>
      %broadcast_in_dim3A_619 = arith.constant 10 : i32
      %broadcast_in_dim3A_620 = vector.broadcast %broadcast_in_dim3A_619 : i32 to vector<16xi32>
      %gather3A_621 = tpu.vector_load_idx %arg13[%iota3A, %broadcast_in_dim3A_620] : memref<16x16xf32, #tpu.memory_space<vmem>>[vector<16xi32>, vector<16xi32>], vector<16xf32>,
      %add3A_622 = arith.addf %add3A_618, %gather3A_621 : vector<16xf32>
      %broadcast_in_dim3A_623 = arith.constant 11 : i32
      %broadcast_in_dim3A_624 = vector.broadcast %broadcast_in_dim3A_623 : i32 to vector<16xi32>
      %gather3A_625 = tpu.vector_load_idx %arg13[%iota3A, %broadcast_in_dim3A_624] : memref<16x16xf32, #tpu.memory_space<vmem>>[vector<16xi32>, vector<16xi32>], vector<16xf32>,
      %add3A_626 = arith.addf %add3A_622, %gather3A_625 : vector<16xf32>
      %broadcast_in_dim3A_627 = arith.constant 12 : i32
      %broadcast_in_dim3A_628 = vector.broadcast %broadcast_in_dim3A_627 : i32 to vector<16xi32>
      %gather3A_629 = tpu.vector_load_idx %arg13[%iota3A, %broadcast_in_dim3A_628] : memref<16x16xf32, #tpu.memory_space<vmem>>[vector<16xi32>, vector<16xi32>], vector<16xf32>,
      %add3A_630 = arith.addf %add3A_626, %gather3A_629 : vector<16xf32>
      %broadcast_in_dim3A_631 = arith.constant 13 : i32
      %broadcast_in_dim3A_632 = vector.broadcast %broadcast_in_dim3A_631 : i32 to vector<16xi32>
      %gather3A_633 = tpu.vector_load_idx %arg13[%iota3A, %broadcast_in_dim3A_632] : memref<16x16xf32, #tpu.memory_space<vmem>>[vector<16xi32>, vector<16xi32>], vector<16xf32>,
      %add3A_634 = arith.addf %add3A_630, %gather3A_633 : vector<16xf32>
      %broadcast_in_dim3A_635 = arith.constant 14 : i32
      %broadcast_in_dim3A_636 = vector.broadcast %broadcast_in_dim3A_635 : i32 to vector<16xi32>
      %gather3A_637 = tpu.vector_load_idx %arg13[%iota3A, %broadcast_in_dim3A_636] : memref<16x16xf32, #tpu.memory_space<vmem>>[vector<16xi32>, vector<16xi32>], vector<16xf32>,
      %add3A_638 = arith.addf %add3A_634, %gather3A_637 : vector<16xf32>
      %broadcast_in_dim3A_639 = arith.constant 15 : i32
      %broadcast_in_dim3A_640 = vector.broadcast %broadcast_in_dim3A_639 : i32 to vector<16xi32>
      %gather3A_641 = tpu.vector_load_idx %arg13[%iota3A, %broadcast_in_dim3A_640] : memref<16x16xf32, #tpu.memory_space<vmem>>[vector<16xi32>, vector<16xi32>], vector<16xf32>,
      %add3A_642 = arith.addf %add3A_638, %gather3A_641 : vector<16xf32>
      %mul3A_643 = arith.constant 2.500000e-01 : f32
      %mul3A_644 = vector.broadcast %mul3A_643 : f32 to vector<16xf32>
      %mul3A_645 = arith.mulf %add3A_642, %mul3A_644 : vector<16xf32>
      %mul3A_646 = arith.constant 16 : i32
      %mul3A_647 = arith.muli %add3A_532, %mul3A_646 : i32
      %mul3A_648 = arith.constant 16 : i32
      %mul3A_649 = arith.muli %scan3A_570, %mul3A_648 : i32
      %add3A_650 = arith.addi %mul3A_647, %mul3A_649 : i32
      %swap3A_651 = arith.index_cast %add3A_650 : i32 to index
      %swap3A_652 = tpu.vector_load %arg12[%swap3A_651] {strides = array<i32>} : memref<512xf32, #tpu.memory_space<vmem>>, vector<16xf32>,
      tpu.vector_store %arg12[%swap3A_651], %mul3A_645 {strides = array<i32>} : memref<512xf32, #tpu.memory_space<vmem>>, vector<16xf32>,
      %scan3A_653 = arith.constant 0 : i32
      %scan3A_654 = arith.constant 1 : i32
      %add3A_655 = arith.constant 4 : i32
      %add3A_656 = arith.addi %add3A_532, %add3A_655 : i32
      %lt3A_657 = arith.constant 32 : i32
      %lt3A_658 = arith.cmpi slt, %add3A_656, %lt3A_657 : i32
      %convert_element_type3A_659 = arith.extui %lt3A_658 : i1 to i32
      %cond3A_660 = arith.constant 0 : i32
      %cond3A_661 = arith.cmpi ne, %convert_element_type3A_659, %cond3A_660 : i32
      scf.if %cond3A_661 {
        %jit3A = arith.constant 8 : i32
        %div3A = arith.divsi %add3A_656, %jit3A : i32
        %sign3A = arith.constant 0 : i32
        %sign3A_795 = arith.cmpi sgt, %add3A_656, %sign3A : i32
        %sign3A_796 = arith.extui %sign3A_795 : i1 to i32
        %sign3A_797 = arith.constant 0 : i32
        %sign3A_798 = arith.cmpi slt, %add3A_656, %sign3A_797 : i32
        %sign3A_799 = arith.extui %sign3A_798 : i1 to i32
        %sign3A_800 = arith.subi %sign3A_796, %sign3A_799 : i32
        %sign3A_801 = arith.constant 0 : i32
        %sign3A_802 = arith.cmpi sgt, %jit3A, %sign3A_801 : i32
        %sign3A_803 = arith.extui %sign3A_802 : i1 to i32
        %sign3A_804 = arith.constant 0 : i32
        %sign3A_805 = arith.cmpi slt, %jit3A, %sign3A_804 : i32
        %sign3A_806 = arith.extui %sign3A_805 : i1 to i32
        %sign3A_807 = arith.subi %sign3A_803, %sign3A_806 : i32
        %ne3A = arith.cmpi ne, %sign3A_800, %sign3A_807 : i32
        %rem3A = arith.remsi %add3A_656, %jit3A : i32
        %ne3A_808 = arith.constant 0 : i32
        %ne3A_809 = arith.cmpi ne, %rem3A, %ne3A_808 : i32
        %and3A = arith.andi %ne3A, %ne3A_809 : i1
        %sub3A = arith.constant 1 : i32
        %sub3A_810 = arith.subi %div3A, %sub3A : i32
        %select_n3A = arith.select %and3A, %sub3A_810, %div3A : i32
        %jit3A_811 = arith.constant 8 : i32
        %eq3A = arith.constant 0 : i32
        %eq3A_812 = arith.cmpi eq, %jit3A_811, %eq3A : i32
        %jit3A_813 = arith.constant 1 : i32
        %select_n3A_814 = arith.select %eq3A_812, %jit3A_813, %jit3A_811 : i32
        %rem3A_815 = arith.remsi %add3A_656, %select_n3A_814 : i32
        %ne3A_816 = arith.constant 0 : i32
        %ne3A_817 = arith.cmpi ne, %rem3A_815, %ne3A_816 : i32
        %lt3A_818 = arith.constant 0 : i32
        %lt3A_819 = arith.cmpi slt, %rem3A_815, %lt3A_818 : i32
        %lt3A_820 = arith.constant 0 : i32
        %lt3A_821 = arith.cmpi slt, %select_n3A_814, %lt3A_820 : i32
        %ne3A_822 = arith.xori %lt3A_819, %lt3A_821 : i1
        %and3A_823 = arith.andi %ne3A_822, %ne3A_817 : i1
        %add3A_824 = arith.addi %rem3A_815, %select_n3A_814 : i32
        %select_n3A_825 = arith.select %and3A_823, %add3A_824, %rem3A_815 : i32
        %mul3A_826 = arith.constant 16 : i32
        %mul3A_827 = arith.muli %select_n3A_825, %mul3A_826 : i32
        %dma_start3A_828 = arith.constant 2 : i32
        %dma_start3A_829 = arith.constant 2 : i32
        %dma_start3A_830 = arith.constant 0 : i32
        %dma_start3A_831 = arith.constant 0 : i32
        %dma_start3A_832 = tpu.memref_slice %arg10[%dma_start3A_828, %dma_start3A_830, %dma_start3A_831] : memref<4x16x256xf32, #tpu.memory_space<vmem>> -> memref<1x16x256xf32, #tpu.memory_space<vmem>>
        %dma_start3A_833 = tpu.memref_squeeze %dma_start3A_832 : memref<1x16x256xf32, #tpu.memory_space<vmem>> -> memref<16x256xf32, #tpu.memory_space<vmem>>
        %dma_start3A_834 = tpu.memref_slice %arg7[%select_n3A, %mul3A_827] : memref<4x128xi32, #tpu.memory_space<vmem>> -> memref<1x16xi32, #tpu.memory_space<vmem>>
        %dma_start3A_835 = tpu.memref_squeeze %dma_start3A_834 : memref<1x16xi32, #tpu.memory_space<vmem>> -> memref<16xi32, #tpu.memory_space<vmem>>
        %dma_start3A_836 = arith.constant 0 : i32
        %dma_start3A_837 = arith.constant 0 : i32
        %dma_start3A_838 = tpu.memref_slice %arg4[%dma_start3A_836, %dma_start3A_837] : memref<1000000x256xf32, #tpu.memory_space<hbm>> -> memref<1000000x256xf32, #tpu.memory_space<hbm>>
        %dma_start3A_839 = tpu.memref_slice %arg14[%dma_start3A_829] : memref<4x!tpu.dma_semaphore, #tpu.memory_space<semaphore_mem>> -> memref<1x!tpu.dma_semaphore, #tpu.memory_space<semaphore_mem>>
        %dma_start3A_840 = tpu.memref_squeeze %dma_start3A_839 : memref<1x!tpu.dma_semaphore, #tpu.memory_space<semaphore_mem>> -> memref<!tpu.dma_semaphore, #tpu.memory_space<semaphore_mem>>
        tpu.enqueue_indirect_dma source(%dma_start3A_838 : memref<1000000x256xf32, #tpu.memory_space<hbm>>) target(%dma_start3A_833 : memref<16x256xf32, #tpu.memory_space<vmem>>) offsets(%dma_start3A_835 : memref<16xi32, #tpu.memory_space<vmem>>) semaphore(%dma_start3A_840 : memref<!tpu.dma_semaphore, #tpu.memory_space<semaphore_mem>>)
        %jit3A_841 = arith.constant 2 : i32
        %div3A_842 = arith.divsi %add3A_656, %jit3A_841 : i32
        %sign3A_843 = arith.constant 0 : i32
        %sign3A_844 = arith.cmpi sgt, %add3A_656, %sign3A_843 : i32
        %sign3A_845 = arith.extui %sign3A_844 : i1 to i32
        %sign3A_846 = arith.constant 0 : i32
        %sign3A_847 = arith.cmpi slt, %add3A_656, %sign3A_846 : i32
        %sign3A_848 = arith.extui %sign3A_847 : i1 to i32
        %sign3A_849 = arith.subi %sign3A_845, %sign3A_848 : i32
        %sign3A_850 = arith.constant 0 : i32
        %sign3A_851 = arith.cmpi sgt, %jit3A_841, %sign3A_850 : i32
        %sign3A_852 = arith.extui %sign3A_851 : i1 to i32
        %sign3A_853 = arith.constant 0 : i32
        %sign3A_854 = arith.cmpi slt, %jit3A_841, %sign3A_853 : i32
        %sign3A_855 = arith.extui %sign3A_854 : i1 to i32
        %sign3A_856 = arith.subi %sign3A_852, %sign3A_855 : i32
        %ne3A_857 = arith.cmpi ne, %sign3A_849, %sign3A_856 : i32
        %rem3A_858 = arith.remsi %add3A_656, %jit3A_841 : i32
        %ne3A_859 = arith.constant 0 : i32
        %ne3A_860 = arith.cmpi ne, %rem3A_858, %ne3A_859 : i32
        %and3A_861 = arith.andi %ne3A_857, %ne3A_860 : i1
        %sub3A_862 = arith.constant 1 : i32
        %sub3A_863 = arith.subi %div3A_842, %sub3A_862 : i32
        %select_n3A_864 = arith.select %and3A_861, %sub3A_863, %div3A_842 : i32
        %jit3A_865 = arith.constant 2 : i32
        %eq3A_866 = arith.constant 0 : i32
        %eq3A_867 = arith.cmpi eq, %jit3A_865, %eq3A_866 : i32
        %jit3A_868 = arith.constant 1 : i32
        %select_n3A_869 = arith.select %eq3A_867, %jit3A_868, %jit3A_865 : i32
        %rem3A_870 = arith.remsi %add3A_656, %select_n3A_869 : i32
        %ne3A_871 = arith.constant 0 : i32
        %ne3A_872 = arith.cmpi ne, %rem3A_870, %ne3A_871 : i32
        %lt3A_873 = arith.constant 0 : i32
        %lt3A_874 = arith.cmpi slt, %rem3A_870, %lt3A_873 : i32
        %lt3A_875 = arith.constant 0 : i32
        %lt3A_876 = arith.cmpi slt, %select_n3A_869, %lt3A_875 : i32
        %ne3A_877 = arith.xori %lt3A_874, %lt3A_876 : i1
        %and3A_878 = arith.andi %ne3A_877, %ne3A_872 : i1
        %add3A_879 = arith.addi %rem3A_870, %select_n3A_869 : i32
        %select_n3A_880 = arith.select %and3A_878, %add3A_879, %rem3A_870 : i32
        %mul3A_881 = arith.constant 16 : i32
        %mul3A_882 = arith.muli %select_n3A_880, %mul3A_881 : i32
        %mul3A_883 = arith.constant 4 : i32
        %mul3A_884 = arith.muli %mul3A_882, %mul3A_883 : i32
        %dma_start3A_885 = arith.constant 2 : i32
        %dma_start3A_886 = arith.constant 2 : i32
        %dma_start3A_887 = arith.constant 0 : i32
        %dma_start3A_888 = arith.constant 0 : i32
        %dma_start3A_889 = tpu.memref_slice %arg11[%dma_start3A_885, %dma_start3A_887, %dma_start3A_888] : memref<4x64x256xf32, #tpu.memory_space<vmem>> -> memref<1x64x256xf32, #tpu.memory_space<vmem>>
        %dma_start3A_890 = tpu.memref_squeeze %dma_start3A_889 : memref<1x64x256xf32, #tpu.memory_space<vmem>> -> memref<64x256xf32, #tpu.memory_space<vmem>>
        %dma_start3A_891 = tpu.memref_slice %arg9[%select_n3A_864, %mul3A_884] : memref<16x128xi32, #tpu.memory_space<vmem>> -> memref<1x64xi32, #tpu.memory_space<vmem>>
        %dma_start3A_892 = tpu.memref_squeeze %dma_start3A_891 : memref<1x64xi32, #tpu.memory_space<vmem>> -> memref<64xi32, #tpu.memory_space<vmem>>
        %dma_start3A_893 = arith.constant 0 : i32
        %dma_start3A_894 = arith.constant 0 : i32
        %dma_start3A_895 = tpu.memref_slice %arg5[%dma_start3A_893, %dma_start3A_894] : memref<1000000x256xf32, #tpu.memory_space<hbm>> -> memref<1000000x256xf32, #tpu.memory_space<hbm>>
        %dma_start3A_896 = tpu.memref_slice %arg15[%dma_start3A_886] : memref<4x!tpu.dma_semaphore, #tpu.memory_space<semaphore_mem>> -> memref<1x!tpu.dma_semaphore, #tpu.memory_space<semaphore_mem>>
        %dma_start3A_897 = tpu.memref_squeeze %dma_start3A_896 : memref<1x!tpu.dma_semaphore, #tpu.memory_space<semaphore_mem>> -> memref<!tpu.dma_semaphore, #tpu.memory_space<semaphore_mem>>
        tpu.enqueue_indirect_dma source(%dma_start3A_895 : memref<1000000x256xf32, #tpu.memory_space<hbm>>) target(%dma_start3A_890 : memref<64x256xf32, #tpu.memory_space<vmem>>) offsets(%dma_start3A_892 : memref<64xi32, #tpu.memory_space<vmem>>) semaphore(%dma_start3A_897 : memref<!tpu.dma_semaphore, #tpu.memory_space<semaphore_mem>>)
      } else {
      }
      %mul3A_662 = arith.constant 4 : i32
      %mul3A_663 = arith.muli %scan3A_268, %mul3A_662 : i32
      %add3A_664 = arith.constant 3 : i32
      %add3A_665 = arith.addi %mul3A_663, %add3A_664 : i32
      %dma_wait3A_666 = arith.constant 3 : i32
      %dma_wait3A_667 = arith.constant 3 : i32
      %dma_wait3A_668 = arith.constant 0 : i32
      %dma_wait3A_669 = arith.constant 0 : i32
      %dma_wait3A_670 = tpu.memref_slice %arg10[%dma_wait3A_666, %dma_wait3A_668, %dma_wait3A_669] : memref<4x16x256xf32, #tpu.memory_space<vmem>> -> memref<1x16x256xf32, #tpu.memory_space<vmem>>
      %dma_wait3A_671 = tpu.memref_squeeze %dma_wait3A_670 : memref<1x16x256xf32, #tpu.memory_space<vmem>> -> memref<16x256xf32, #tpu.memory_space<vmem>>
      %dma_wait3A_672 = arith.constant 0 : i32
      %dma_wait3A_673 = arith.constant 0 : i32
      %dma_wait3A_674 = tpu.memref_slice %arg4[%dma_wait3A_672, %dma_wait3A_673] : memref<1000000x256xf32, #tpu.memory_space<hbm>> -> memref<16x256xf32, #tpu.memory_space<hbm>>
      %dma_wait3A_675 = tpu.memref_slice %arg14[%dma_wait3A_667] : memref<4x!tpu.dma_semaphore, #tpu.memory_space<semaphore_mem>> -> memref<1x!tpu.dma_semaphore, #tpu.memory_space<semaphore_mem>>
      %dma_wait3A_676 = tpu.memref_squeeze %dma_wait3A_675 : memref<1x!tpu.dma_semaphore, #tpu.memory_space<semaphore_mem>> -> memref<!tpu.dma_semaphore, #tpu.memory_space<semaphore_mem>>
      %dma_wait3A_677 = arith.constant 0 : i32
      %dma_wait3A_678 = arith.constant 0 : i32
      %dma_wait3A_679 = tpu.memref_slice %arg10[%dma_wait3A_666, %dma_wait3A_677, %dma_wait3A_678] : memref<4x16x256xf32, #tpu.memory_space<vmem>> -> memref<1x16x256xf32, #tpu.memory_space<vmem>>
      %dma_wait3A_680 = tpu.memref_squeeze %dma_wait3A_679 : memref<1x16x256xf32, #tpu.memory_space<vmem>> -> memref<16x256xf32, #tpu.memory_space<vmem>>
      %dma_wait3A_681 = arith.constant 0 : i32
      %dma_wait3A_682 = arith.constant 0 : i32
      %dma_wait3A_683 = tpu.memref_slice %arg4[%dma_wait3A_681, %dma_wait3A_682] : memref<1000000x256xf32, #tpu.memory_space<hbm>> -> memref<16x256xf32, #tpu.memory_space<hbm>>
      tpu.wait_dma2 semaphore(%dma_wait3A_676 : memref<!tpu.dma_semaphore, #tpu.memory_space<semaphore_mem>>) src(%dma_wait3A_683 : memref<16x256xf32, #tpu.memory_space<hbm>>) dst(%dma_wait3A_680 : memref<16x256xf32, #tpu.memory_space<vmem>>)
      %dma_wait3A_684 = arith.constant 3 : i32
      %dma_wait3A_685 = arith.constant 3 : i32
      %dma_wait3A_686 = arith.constant 0 : i32
      %dma_wait3A_687 = arith.constant 0 : i32
      %dma_wait3A_688 = tpu.memref_slice %arg11[%dma_wait3A_684, %dma_wait3A_686, %dma_wait3A_687] : memref<4x64x256xf32, #tpu.memory_space<vmem>> -> memref<1x64x256xf32, #tpu.memory_space<vmem>>
      %dma_wait3A_689 = tpu.memref_squeeze %dma_wait3A_688 : memref<1x64x256xf32, #tpu.memory_space<vmem>> -> memref<64x256xf32, #tpu.memory_space<vmem>>
      %dma_wait3A_690 = arith.constant 0 : i32
      %dma_wait3A_691 = arith.constant 0 : i32
      %dma_wait3A_692 = tpu.memref_slice %arg5[%dma_wait3A_690, %dma_wait3A_691] : memref<1000000x256xf32, #tpu.memory_space<hbm>> -> memref<64x256xf32, #tpu.memory_space<hbm>>
      %dma_wait3A_693 = tpu.memref_slice %arg15[%dma_wait3A_685] : memref<4x!tpu.dma_semaphore, #tpu.memory_space<semaphore_mem>> -> memref<1x!tpu.dma_semaphore, #tpu.memory_space<semaphore_mem>>
      %dma_wait3A_694 = tpu.memref_squeeze %dma_wait3A_693 : memref<1x!tpu.dma_semaphore, #tpu.memory_space<semaphore_mem>> -> memref<!tpu.dma_semaphore, #tpu.memory_space<semaphore_mem>>
      %dma_wait3A_695 = arith.constant 0 : i32
      %dma_wait3A_696 = arith.constant 0 : i32
      %dma_wait3A_697 = tpu.memref_slice %arg11[%dma_wait3A_684, %dma_wait3A_695, %dma_wait3A_696] : memref<4x64x256xf32, #tpu.memory_space<vmem>> -> memref<1x64x256xf32, #tpu.memory_space<vmem>>
      %dma_wait3A_698 = tpu.memref_squeeze %dma_wait3A_697 : memref<1x64x256xf32, #tpu.memory_space<vmem>> -> memref<64x256xf32, #tpu.memory_space<vmem>>
      %dma_wait3A_699 = arith.constant 0 : i32
      %dma_wait3A_700 = arith.constant 0 : i32
      %dma_wait3A_701 = tpu.memref_slice %arg5[%dma_wait3A_699, %dma_wait3A_700] : memref<1000000x256xf32, #tpu.memory_space<hbm>> -> memref<64x256xf32, #tpu.memory_space<hbm>>
      tpu.wait_dma2 semaphore(%dma_wait3A_694 : memref<!tpu.dma_semaphore, #tpu.memory_space<semaphore_mem>>) src(%dma_wait3A_701 : memref<64x256xf32, #tpu.memory_space<hbm>>) dst(%dma_wait3A_698 : memref<64x256xf32, #tpu.memory_space<vmem>>)
      %scan3A_702 = arith.constant 0 : i32
      %scan3A_703 = arith.constant 0 : i32
      %scan3A_704 = arith.constant 0 : i32
      %scan3A_705 = arith.constant 0 : i32
      %scan3A_706 = arith.constant 16 : i32
      %scan3A_707 = arith.addi %scan3A_705, %scan3A_706 : i32
      %scan3A_708 = arith.constant 1 : i32
      scf.for %scan3A_795 = %scan3A_705 to %scan3A_707 step %scan3A_708  : i32 {
        %mul3A_796 = arith.constant 16 : i32
        %mul3A_797 = arith.muli %scan3A_703, %mul3A_796 : i32
        %add3A_798 = arith.addi %mul3A_797, %scan3A_795 : i32
        %broadcast_in_dim3A_799 = arith.constant 0.000000e+00 : f32
        %broadcast_in_dim3A_800 = vector.broadcast %broadcast_in_dim3A_799 : f32 to vector<16xf32>
        %get3A = arith.constant 3 : i32
        %get3A_801 = arith.index_cast %get3A : i32 to index
        %get3A_802 = arith.index_cast %add3A_798 : i32 to index
        %get3A_803 = arith.constant 0 : index
        %get3A_804 = tpu.vector_load %arg10[%get3A_801, %get3A_802, %get3A_803] {strides = array<i32>} : memref<4x16x256xf32, #tpu.memory_space<vmem>>, vector<16xf32>,
        %mul3A_805 = arith.constant 4 : i32
        %mul3A_806 = arith.muli %mul3A_805, %add3A_798 : i32
        %get3A_807 = arith.constant 3 : i32
        %get3A_808 = arith.index_cast %get3A_807 : i32 to index
        %get3A_809 = arith.index_cast %mul3A_806 : i32 to index
        %get3A_810 = arith.constant 0 : index
        %get3A_811 = tpu.vector_load %arg11[%get3A_808, %get3A_809, %get3A_810] {strides = array<i32>} : memref<4x64x256xf32, #tpu.memory_space<vmem>>, vector<16xf32>,
        %mul3A_812 = arith.constant 4 : i32
        %mul3A_813 = arith.muli %mul3A_812, %add3A_798 : i32
        %add3A_814 = arith.constant 1 : i32
        %add3A_815 = arith.addi %mul3A_813, %add3A_814 : i32
        %get3A_816 = arith.constant 3 : i32
        %get3A_817 = arith.index_cast %get3A_816 : i32 to index
        %get3A_818 = arith.index_cast %add3A_815 : i32 to index
        %get3A_819 = arith.constant 0 : index
        %get3A_820 = tpu.vector_load %arg11[%get3A_817, %get3A_818, %get3A_819] {strides = array<i32>} : memref<4x64x256xf32, #tpu.memory_space<vmem>>, vector<16xf32>,
        %add3A_821 = arith.addf %get3A_811, %get3A_820 : vector<16xf32>
        %mul3A_822 = arith.constant 4 : i32
        %mul3A_823 = arith.muli %mul3A_822, %add3A_798 : i32
        %add3A_824 = arith.constant 2 : i32
        %add3A_825 = arith.addi %mul3A_823, %add3A_824 : i32
        %get3A_826 = arith.constant 3 : i32
        %get3A_827 = arith.index_cast %get3A_826 : i32 to index
        %get3A_828 = arith.index_cast %add3A_825 : i32 to index
        %get3A_829 = arith.constant 0 : index
        %get3A_830 = tpu.vector_load %arg11[%get3A_827, %get3A_828, %get3A_829] {strides = array<i32>} : memref<4x64x256xf32, #tpu.memory_space<vmem>>, vector<16xf32>,
        %mul3A_831 = arith.constant 4 : i32
        %mul3A_832 = arith.muli %mul3A_831, %add3A_798 : i32
        %add3A_833 = arith.constant 3 : i32
        %add3A_834 = arith.addi %mul3A_832, %add3A_833 : i32
        %get3A_835 = arith.constant 3 : i32
        %get3A_836 = arith.index_cast %get3A_835 : i32 to index
        %get3A_837 = arith.index_cast %add3A_834 : i32 to index
        %get3A_838 = arith.constant 0 : index
        %get3A_839 = tpu.vector_load %arg11[%get3A_836, %get3A_837, %get3A_838] {strides = array<i32>} : memref<4x64x256xf32, #tpu.memory_space<vmem>>, vector<16xf32>,
        %add3A_840 = arith.addf %get3A_830, %get3A_839 : vector<16xf32>
        %add3A_841 = arith.addf %add3A_821, %add3A_840 : vector<16xf32>
        %mul3A_842 = arith.mulf %get3A_804, %add3A_841 : vector<16xf32>
        %add3A_843 = arith.addf %broadcast_in_dim3A_800, %mul3A_842 : vector<16xf32>
        %get3A_844 = arith.constant 3 : i32
        %get3A_845 = arith.index_cast %get3A_844 : i32 to index
        %get3A_846 = arith.index_cast %add3A_798 : i32 to index
        %get3A_847 = arith.constant 16 : index
        %get3A_848 = tpu.vector_load %arg10[%get3A_845, %get3A_846, %get3A_847] {strides = array<i32>} : memref<4x16x256xf32, #tpu.memory_space<vmem>>, vector<16xf32>,
        %mul3A_849 = arith.constant 4 : i32
        %mul3A_850 = arith.muli %mul3A_849, %add3A_798 : i32
        %get3A_851 = arith.constant 3 : i32
        %get3A_852 = arith.index_cast %get3A_851 : i32 to index
        %get3A_853 = arith.index_cast %mul3A_850 : i32 to index
        %get3A_854 = arith.constant 16 : index
        %get3A_855 = tpu.vector_load %arg11[%get3A_852, %get3A_853, %get3A_854] {strides = array<i32>} : memref<4x64x256xf32, #tpu.memory_space<vmem>>, vector<16xf32>,
        %mul3A_856 = arith.constant 4 : i32
        %mul3A_857 = arith.muli %mul3A_856, %add3A_798 : i32
        %add3A_858 = arith.constant 1 : i32
        %add3A_859 = arith.addi %mul3A_857, %add3A_858 : i32
        %get3A_860 = arith.constant 3 : i32
        %get3A_861 = arith.index_cast %get3A_860 : i32 to index
        %get3A_862 = arith.index_cast %add3A_859 : i32 to index
        %get3A_863 = arith.constant 16 : index
        %get3A_864 = tpu.vector_load %arg11[%get3A_861, %get3A_862, %get3A_863] {strides = array<i32>} : memref<4x64x256xf32, #tpu.memory_space<vmem>>, vector<16xf32>,
        %add3A_865 = arith.addf %get3A_855, %get3A_864 : vector<16xf32>
        %mul3A_866 = arith.constant 4 : i32
        %mul3A_867 = arith.muli %mul3A_866, %add3A_798 : i32
        %add3A_868 = arith.constant 2 : i32
        %add3A_869 = arith.addi %mul3A_867, %add3A_868 : i32
        %get3A_870 = arith.constant 3 : i32
        %get3A_871 = arith.index_cast %get3A_870 : i32 to index
        %get3A_872 = arith.index_cast %add3A_869 : i32 to index
        %get3A_873 = arith.constant 16 : index
        %get3A_874 = tpu.vector_load %arg11[%get3A_871, %get3A_872, %get3A_873] {strides = array<i32>} : memref<4x64x256xf32, #tpu.memory_space<vmem>>, vector<16xf32>,
        %mul3A_875 = arith.constant 4 : i32
        %mul3A_876 = arith.muli %mul3A_875, %add3A_798 : i32
        %add3A_877 = arith.constant 3 : i32
        %add3A_878 = arith.addi %mul3A_876, %add3A_877 : i32
        %get3A_879 = arith.constant 3 : i32
        %get3A_880 = arith.index_cast %get3A_879 : i32 to index
        %get3A_881 = arith.index_cast %add3A_878 : i32 to index
        %get3A_882 = arith.constant 16 : index
        %get3A_883 = tpu.vector_load %arg11[%get3A_880, %get3A_881, %get3A_882] {strides = array<i32>} : memref<4x64x256xf32, #tpu.memory_space<vmem>>, vector<16xf32>,
        %add3A_884 = arith.addf %get3A_874, %get3A_883 : vector<16xf32>
        %add3A_885 = arith.addf %add3A_865, %add3A_884 : vector<16xf32>
        %mul3A_886 = arith.mulf %get3A_848, %add3A_885 : vector<16xf32>
        %add3A_887 = arith.addf %add3A_843, %mul3A_886 : vector<16xf32>
        %get3A_888 = arith.constant 3 : i32
        %get3A_889 = arith.index_cast %get3A_888 : i32 to index
        %get3A_890 = arith.index_cast %add3A_798 : i32 to index
        %get3A_891 = arith.constant 32 : index
        %get3A_892 = tpu.vector_load %arg10[%get3A_889, %get3A_890, %get3A_891] {strides = array<i32>} : memref<4x16x256xf32, #tpu.memory_space<vmem>>, vector<16xf32>,
        %mul3A_893 = arith.constant 4 : i32
        %mul3A_894 = arith.muli %mul3A_893, %add3A_798 : i32
        %get3A_895 = arith.constant 3 : i32
        %get3A_896 = arith.index_cast %get3A_895 : i32 to index
        %get3A_897 = arith.index_cast %mul3A_894 : i32 to index
        %get3A_898 = arith.constant 32 : index
        %get3A_899 = tpu.vector_load %arg11[%get3A_896, %get3A_897, %get3A_898] {strides = array<i32>} : memref<4x64x256xf32, #tpu.memory_space<vmem>>, vector<16xf32>,
        %mul3A_900 = arith.constant 4 : i32
        %mul3A_901 = arith.muli %mul3A_900, %add3A_798 : i32
        %add3A_902 = arith.constant 1 : i32
        %add3A_903 = arith.addi %mul3A_901, %add3A_902 : i32
        %get3A_904 = arith.constant 3 : i32
        %get3A_905 = arith.index_cast %get3A_904 : i32 to index
        %get3A_906 = arith.index_cast %add3A_903 : i32 to index
        %get3A_907 = arith.constant 32 : index
        %get3A_908 = tpu.vector_load %arg11[%get3A_905, %get3A_906, %get3A_907] {strides = array<i32>} : memref<4x64x256xf32, #tpu.memory_space<vmem>>, vector<16xf32>,
        %add3A_909 = arith.addf %get3A_899, %get3A_908 : vector<16xf32>
        %mul3A_910 = arith.constant 4 : i32
        %mul3A_911 = arith.muli %mul3A_910, %add3A_798 : i32
        %add3A_912 = arith.constant 2 : i32
        %add3A_913 = arith.addi %mul3A_911, %add3A_912 : i32
        %get3A_914 = arith.constant 3 : i32
        %get3A_915 = arith.index_cast %get3A_914 : i32 to index
        %get3A_916 = arith.index_cast %add3A_913 : i32 to index
        %get3A_917 = arith.constant 32 : index
        %get3A_918 = tpu.vector_load %arg11[%get3A_915, %get3A_916, %get3A_917] {strides = array<i32>} : memref<4x64x256xf32, #tpu.memory_space<vmem>>, vector<16xf32>,
        %mul3A_919 = arith.constant 4 : i32
        %mul3A_920 = arith.muli %mul3A_919, %add3A_798 : i32
        %add3A_921 = arith.constant 3 : i32
        %add3A_922 = arith.addi %mul3A_920, %add3A_921 : i32
        %get3A_923 = arith.constant 3 : i32
        %get3A_924 = arith.index_cast %get3A_923 : i32 to index
        %get3A_925 = arith.index_cast %add3A_922 : i32 to index
        %get3A_926 = arith.constant 32 : index
        %get3A_927 = tpu.vector_load %arg11[%get3A_924, %get3A_925, %get3A_926] {strides = array<i32>} : memref<4x64x256xf32, #tpu.memory_space<vmem>>, vector<16xf32>,
        %add3A_928 = arith.addf %get3A_918, %get3A_927 : vector<16xf32>
        %add3A_929 = arith.addf %add3A_909, %add3A_928 : vector<16xf32>
        %mul3A_930 = arith.mulf %get3A_892, %add3A_929 : vector<16xf32>
        %add3A_931 = arith.addf %add3A_887, %mul3A_930 : vector<16xf32>
        %get3A_932 = arith.constant 3 : i32
        %get3A_933 = arith.index_cast %get3A_932 : i32 to index
        %get3A_934 = arith.index_cast %add3A_798 : i32 to index
        %get3A_935 = arith.constant 48 : index
        %get3A_936 = tpu.vector_load %arg10[%get3A_933, %get3A_934, %get3A_935] {strides = array<i32>} : memref<4x16x256xf32, #tpu.memory_space<vmem>>, vector<16xf32>,
        %mul3A_937 = arith.constant 4 : i32
        %mul3A_938 = arith.muli %mul3A_937, %add3A_798 : i32
        %get3A_939 = arith.constant 3 : i32
        %get3A_940 = arith.index_cast %get3A_939 : i32 to index
        %get3A_941 = arith.index_cast %mul3A_938 : i32 to index
        %get3A_942 = arith.constant 48 : index
        %get3A_943 = tpu.vector_load %arg11[%get3A_940, %get3A_941, %get3A_942] {strides = array<i32>} : memref<4x64x256xf32, #tpu.memory_space<vmem>>, vector<16xf32>,
        %mul3A_944 = arith.constant 4 : i32
        %mul3A_945 = arith.muli %mul3A_944, %add3A_798 : i32
        %add3A_946 = arith.constant 1 : i32
        %add3A_947 = arith.addi %mul3A_945, %add3A_946 : i32
        %get3A_948 = arith.constant 3 : i32
        %get3A_949 = arith.index_cast %get3A_948 : i32 to index
        %get3A_950 = arith.index_cast %add3A_947 : i32 to index
        %get3A_951 = arith.constant 48 : index
        %get3A_952 = tpu.vector_load %arg11[%get3A_949, %get3A_950, %get3A_951] {strides = array<i32>} : memref<4x64x256xf32, #tpu.memory_space<vmem>>, vector<16xf32>,
        %add3A_953 = arith.addf %get3A_943, %get3A_952 : vector<16xf32>
        %mul3A_954 = arith.constant 4 : i32
        %mul3A_955 = arith.muli %mul3A_954, %add3A_798 : i32
        %add3A_956 = arith.constant 2 : i32
        %add3A_957 = arith.addi %mul3A_955, %add3A_956 : i32
        %get3A_958 = arith.constant 3 : i32
        %get3A_959 = arith.index_cast %get3A_958 : i32 to index
        %get3A_960 = arith.index_cast %add3A_957 : i32 to index
        %get3A_961 = arith.constant 48 : index
        %get3A_962 = tpu.vector_load %arg11[%get3A_959, %get3A_960, %get3A_961] {strides = array<i32>} : memref<4x64x256xf32, #tpu.memory_space<vmem>>, vector<16xf32>,
        %mul3A_963 = arith.constant 4 : i32
        %mul3A_964 = arith.muli %mul3A_963, %add3A_798 : i32
        %add3A_965 = arith.constant 3 : i32
        %add3A_966 = arith.addi %mul3A_964, %add3A_965 : i32
        %get3A_967 = arith.constant 3 : i32
        %get3A_968 = arith.index_cast %get3A_967 : i32 to index
        %get3A_969 = arith.index_cast %add3A_966 : i32 to index
        %get3A_970 = arith.constant 48 : index
        %get3A_971 = tpu.vector_load %arg11[%get3A_968, %get3A_969, %get3A_970] {strides = array<i32>} : memref<4x64x256xf32, #tpu.memory_space<vmem>>, vector<16xf32>,
        %add3A_972 = arith.addf %get3A_962, %get3A_971 : vector<16xf32>
        %add3A_973 = arith.addf %add3A_953, %add3A_972 : vector<16xf32>
        %mul3A_974 = arith.mulf %get3A_936, %add3A_973 : vector<16xf32>
        %add3A_975 = arith.addf %add3A_931, %mul3A_974 : vector<16xf32>
        %get3A_976 = arith.constant 3 : i32
        %get3A_977 = arith.index_cast %get3A_976 : i32 to index
        %get3A_978 = arith.index_cast %add3A_798 : i32 to index
        %get3A_979 = arith.constant 64 : index
        %get3A_980 = tpu.vector_load %arg10[%get3A_977, %get3A_978, %get3A_979] {strides = array<i32>} : memref<4x16x256xf32, #tpu.memory_space<vmem>>, vector<16xf32>,
        %mul3A_981 = arith.constant 4 : i32
        %mul3A_982 = arith.muli %mul3A_981, %add3A_798 : i32
        %get3A_983 = arith.constant 3 : i32
        %get3A_984 = arith.index_cast %get3A_983 : i32 to index
        %get3A_985 = arith.index_cast %mul3A_982 : i32 to index
        %get3A_986 = arith.constant 64 : index
        %get3A_987 = tpu.vector_load %arg11[%get3A_984, %get3A_985, %get3A_986] {strides = array<i32>} : memref<4x64x256xf32, #tpu.memory_space<vmem>>, vector<16xf32>,
        %mul3A_988 = arith.constant 4 : i32
        %mul3A_989 = arith.muli %mul3A_988, %add3A_798 : i32
        %add3A_990 = arith.constant 1 : i32
        %add3A_991 = arith.addi %mul3A_989, %add3A_990 : i32
        %get3A_992 = arith.constant 3 : i32
        %get3A_993 = arith.index_cast %get3A_992 : i32 to index
        %get3A_994 = arith.index_cast %add3A_991 : i32 to index
        %get3A_995 = arith.constant 64 : index
        %get3A_996 = tpu.vector_load %arg11[%get3A_993, %get3A_994, %get3A_995] {strides = array<i32>} : memref<4x64x256xf32, #tpu.memory_space<vmem>>, vector<16xf32>,
        %add3A_997 = arith.addf %get3A_987, %get3A_996 : vector<16xf32>
        %mul3A_998 = arith.constant 4 : i32
        %mul3A_999 = arith.muli %mul3A_998, %add3A_798 : i32
        %add3A_1000 = arith.constant 2 : i32
        %add3A_1001 = arith.addi %mul3A_999, %add3A_1000 : i32
        %get3A_1002 = arith.constant 3 : i32
        %get3A_1003 = arith.index_cast %get3A_1002 : i32 to index
        %get3A_1004 = arith.index_cast %add3A_1001 : i32 to index
        %get3A_1005 = arith.constant 64 : index
        %get3A_1006 = tpu.vector_load %arg11[%get3A_1003, %get3A_1004, %get3A_1005] {strides = array<i32>} : memref<4x64x256xf32, #tpu.memory_space<vmem>>, vector<16xf32>,
        %mul3A_1007 = arith.constant 4 : i32
        %mul3A_1008 = arith.muli %mul3A_1007, %add3A_798 : i32
        %add3A_1009 = arith.constant 3 : i32
        %add3A_1010 = arith.addi %mul3A_1008, %add3A_1009 : i32
        %get3A_1011 = arith.constant 3 : i32
        %get3A_1012 = arith.index_cast %get3A_1011 : i32 to index
        %get3A_1013 = arith.index_cast %add3A_1010 : i32 to index
        %get3A_1014 = arith.constant 64 : index
        %get3A_1015 = tpu.vector_load %arg11[%get3A_1012, %get3A_1013, %get3A_1014] {strides = array<i32>} : memref<4x64x256xf32, #tpu.memory_space<vmem>>, vector<16xf32>,
        %add3A_1016 = arith.addf %get3A_1006, %get3A_1015 : vector<16xf32>
        %add3A_1017 = arith.addf %add3A_997, %add3A_1016 : vector<16xf32>
        %mul3A_1018 = arith.mulf %get3A_980, %add3A_1017 : vector<16xf32>
        %add3A_1019 = arith.addf %add3A_975, %mul3A_1018 : vector<16xf32>
        %get3A_1020 = arith.constant 3 : i32
        %get3A_1021 = arith.index_cast %get3A_1020 : i32 to index
        %get3A_1022 = arith.index_cast %add3A_798 : i32 to index
        %get3A_1023 = arith.constant 80 : index
        %get3A_1024 = tpu.vector_load %arg10[%get3A_1021, %get3A_1022, %get3A_1023] {strides = array<i32>} : memref<4x16x256xf32, #tpu.memory_space<vmem>>, vector<16xf32>,
        %mul3A_1025 = arith.constant 4 : i32
        %mul3A_1026 = arith.muli %mul3A_1025, %add3A_798 : i32
        %get3A_1027 = arith.constant 3 : i32
        %get3A_1028 = arith.index_cast %get3A_1027 : i32 to index
        %get3A_1029 = arith.index_cast %mul3A_1026 : i32 to index
        %get3A_1030 = arith.constant 80 : index
        %get3A_1031 = tpu.vector_load %arg11[%get3A_1028, %get3A_1029, %get3A_1030] {strides = array<i32>} : memref<4x64x256xf32, #tpu.memory_space<vmem>>, vector<16xf32>,
        %mul3A_1032 = arith.constant 4 : i32
        %mul3A_1033 = arith.muli %mul3A_1032, %add3A_798 : i32
        %add3A_1034 = arith.constant 1 : i32
        %add3A_1035 = arith.addi %mul3A_1033, %add3A_1034 : i32
        %get3A_1036 = arith.constant 3 : i32
        %get3A_1037 = arith.index_cast %get3A_1036 : i32 to index
        %get3A_1038 = arith.index_cast %add3A_1035 : i32 to index
        %get3A_1039 = arith.constant 80 : index
        %get3A_1040 = tpu.vector_load %arg11[%get3A_1037, %get3A_1038, %get3A_1039] {strides = array<i32>} : memref<4x64x256xf32, #tpu.memory_space<vmem>>, vector<16xf32>,
        %add3A_1041 = arith.addf %get3A_1031, %get3A_1040 : vector<16xf32>
        %mul3A_1042 = arith.constant 4 : i32
        %mul3A_1043 = arith.muli %mul3A_1042, %add3A_798 : i32
        %add3A_1044 = arith.constant 2 : i32
        %add3A_1045 = arith.addi %mul3A_1043, %add3A_1044 : i32
        %get3A_1046 = arith.constant 3 : i32
        %get3A_1047 = arith.index_cast %get3A_1046 : i32 to index
        %get3A_1048 = arith.index_cast %add3A_1045 : i32 to index
        %get3A_1049 = arith.constant 80 : index
        %get3A_1050 = tpu.vector_load %arg11[%get3A_1047, %get3A_1048, %get3A_1049] {strides = array<i32>} : memref<4x64x256xf32, #tpu.memory_space<vmem>>, vector<16xf32>,
        %mul3A_1051 = arith.constant 4 : i32
        %mul3A_1052 = arith.muli %mul3A_1051, %add3A_798 : i32
        %add3A_1053 = arith.constant 3 : i32
        %add3A_1054 = arith.addi %mul3A_1052, %add3A_1053 : i32
        %get3A_1055 = arith.constant 3 : i32
        %get3A_1056 = arith.index_cast %get3A_1055 : i32 to index
        %get3A_1057 = arith.index_cast %add3A_1054 : i32 to index
        %get3A_1058 = arith.constant 80 : index
        %get3A_1059 = tpu.vector_load %arg11[%get3A_1056, %get3A_1057, %get3A_1058] {strides = array<i32>} : memref<4x64x256xf32, #tpu.memory_space<vmem>>, vector<16xf32>,
        %add3A_1060 = arith.addf %get3A_1050, %get3A_1059 : vector<16xf32>
        %add3A_1061 = arith.addf %add3A_1041, %add3A_1060 : vector<16xf32>
        %mul3A_1062 = arith.mulf %get3A_1024, %add3A_1061 : vector<16xf32>
        %add3A_1063 = arith.addf %add3A_1019, %mul3A_1062 : vector<16xf32>
        %get3A_1064 = arith.constant 3 : i32
        %get3A_1065 = arith.index_cast %get3A_1064 : i32 to index
        %get3A_1066 = arith.index_cast %add3A_798 : i32 to index
        %get3A_1067 = arith.constant 96 : index
        %get3A_1068 = tpu.vector_load %arg10[%get3A_1065, %get3A_1066, %get3A_1067] {strides = array<i32>} : memref<4x16x256xf32, #tpu.memory_space<vmem>>, vector<16xf32>,
        %mul3A_1069 = arith.constant 4 : i32
        %mul3A_1070 = arith.muli %mul3A_1069, %add3A_798 : i32
        %get3A_1071 = arith.constant 3 : i32
        %get3A_1072 = arith.index_cast %get3A_1071 : i32 to index
        %get3A_1073 = arith.index_cast %mul3A_1070 : i32 to index
        %get3A_1074 = arith.constant 96 : index
        %get3A_1075 = tpu.vector_load %arg11[%get3A_1072, %get3A_1073, %get3A_1074] {strides = array<i32>} : memref<4x64x256xf32, #tpu.memory_space<vmem>>, vector<16xf32>,
        %mul3A_1076 = arith.constant 4 : i32
        %mul3A_1077 = arith.muli %mul3A_1076, %add3A_798 : i32
        %add3A_1078 = arith.constant 1 : i32
        %add3A_1079 = arith.addi %mul3A_1077, %add3A_1078 : i32
        %get3A_1080 = arith.constant 3 : i32
        %get3A_1081 = arith.index_cast %get3A_1080 : i32 to index
        %get3A_1082 = arith.index_cast %add3A_1079 : i32 to index
        %get3A_1083 = arith.constant 96 : index
        %get3A_1084 = tpu.vector_load %arg11[%get3A_1081, %get3A_1082, %get3A_1083] {strides = array<i32>} : memref<4x64x256xf32, #tpu.memory_space<vmem>>, vector<16xf32>,
        %add3A_1085 = arith.addf %get3A_1075, %get3A_1084 : vector<16xf32>
        %mul3A_1086 = arith.constant 4 : i32
        %mul3A_1087 = arith.muli %mul3A_1086, %add3A_798 : i32
        %add3A_1088 = arith.constant 2 : i32
        %add3A_1089 = arith.addi %mul3A_1087, %add3A_1088 : i32
        %get3A_1090 = arith.constant 3 : i32
        %get3A_1091 = arith.index_cast %get3A_1090 : i32 to index
        %get3A_1092 = arith.index_cast %add3A_1089 : i32 to index
        %get3A_1093 = arith.constant 96 : index
        %get3A_1094 = tpu.vector_load %arg11[%get3A_1091, %get3A_1092, %get3A_1093] {strides = array<i32>} : memref<4x64x256xf32, #tpu.memory_space<vmem>>, vector<16xf32>,
        %mul3A_1095 = arith.constant 4 : i32
        %mul3A_1096 = arith.muli %mul3A_1095, %add3A_798 : i32
        %add3A_1097 = arith.constant 3 : i32
        %add3A_1098 = arith.addi %mul3A_1096, %add3A_1097 : i32
        %get3A_1099 = arith.constant 3 : i32
        %get3A_1100 = arith.index_cast %get3A_1099 : i32 to index
        %get3A_1101 = arith.index_cast %add3A_1098 : i32 to index
        %get3A_1102 = arith.constant 96 : index
        %get3A_1103 = tpu.vector_load %arg11[%get3A_1100, %get3A_1101, %get3A_1102] {strides = array<i32>} : memref<4x64x256xf32, #tpu.memory_space<vmem>>, vector<16xf32>,
        %add3A_1104 = arith.addf %get3A_1094, %get3A_1103 : vector<16xf32>
        %add3A_1105 = arith.addf %add3A_1085, %add3A_1104 : vector<16xf32>
        %mul3A_1106 = arith.mulf %get3A_1068, %add3A_1105 : vector<16xf32>
        %add3A_1107 = arith.addf %add3A_1063, %mul3A_1106 : vector<16xf32>
        %get3A_1108 = arith.constant 3 : i32
        %get3A_1109 = arith.index_cast %get3A_1108 : i32 to index
        %get3A_1110 = arith.index_cast %add3A_798 : i32 to index
        %get3A_1111 = arith.constant 112 : index
        %get3A_1112 = tpu.vector_load %arg10[%get3A_1109, %get3A_1110, %get3A_1111] {strides = array<i32>} : memref<4x16x256xf32, #tpu.memory_space<vmem>>, vector<16xf32>,
        %mul3A_1113 = arith.constant 4 : i32
        %mul3A_1114 = arith.muli %mul3A_1113, %add3A_798 : i32
        %get3A_1115 = arith.constant 3 : i32
        %get3A_1116 = arith.index_cast %get3A_1115 : i32 to index
        %get3A_1117 = arith.index_cast %mul3A_1114 : i32 to index
        %get3A_1118 = arith.constant 112 : index
        %get3A_1119 = tpu.vector_load %arg11[%get3A_1116, %get3A_1117, %get3A_1118] {strides = array<i32>} : memref<4x64x256xf32, #tpu.memory_space<vmem>>, vector<16xf32>,
        %mul3A_1120 = arith.constant 4 : i32
        %mul3A_1121 = arith.muli %mul3A_1120, %add3A_798 : i32
        %add3A_1122 = arith.constant 1 : i32
        %add3A_1123 = arith.addi %mul3A_1121, %add3A_1122 : i32
        %get3A_1124 = arith.constant 3 : i32
        %get3A_1125 = arith.index_cast %get3A_1124 : i32 to index
        %get3A_1126 = arith.index_cast %add3A_1123 : i32 to index
        %get3A_1127 = arith.constant 112 : index
        %get3A_1128 = tpu.vector_load %arg11[%get3A_1125, %get3A_1126, %get3A_1127] {strides = array<i32>} : memref<4x64x256xf32, #tpu.memory_space<vmem>>, vector<16xf32>,
        %add3A_1129 = arith.addf %get3A_1119, %get3A_1128 : vector<16xf32>
        %mul3A_1130 = arith.constant 4 : i32
        %mul3A_1131 = arith.muli %mul3A_1130, %add3A_798 : i32
        %add3A_1132 = arith.constant 2 : i32
        %add3A_1133 = arith.addi %mul3A_1131, %add3A_1132 : i32
        %get3A_1134 = arith.constant 3 : i32
        %get3A_1135 = arith.index_cast %get3A_1134 : i32 to index
        %get3A_1136 = arith.index_cast %add3A_1133 : i32 to index
        %get3A_1137 = arith.constant 112 : index
        %get3A_1138 = tpu.vector_load %arg11[%get3A_1135, %get3A_1136, %get3A_1137] {strides = array<i32>} : memref<4x64x256xf32, #tpu.memory_space<vmem>>, vector<16xf32>,
        %mul3A_1139 = arith.constant 4 : i32
        %mul3A_1140 = arith.muli %mul3A_1139, %add3A_798 : i32
        %add3A_1141 = arith.constant 3 : i32
        %add3A_1142 = arith.addi %mul3A_1140, %add3A_1141 : i32
        %get3A_1143 = arith.constant 3 : i32
        %get3A_1144 = arith.index_cast %get3A_1143 : i32 to index
        %get3A_1145 = arith.index_cast %add3A_1142 : i32 to index
        %get3A_1146 = arith.constant 112 : index
        %get3A_1147 = tpu.vector_load %arg11[%get3A_1144, %get3A_1145, %get3A_1146] {strides = array<i32>} : memref<4x64x256xf32, #tpu.memory_space<vmem>>, vector<16xf32>,
        %add3A_1148 = arith.addf %get3A_1138, %get3A_1147 : vector<16xf32>
        %add3A_1149 = arith.addf %add3A_1129, %add3A_1148 : vector<16xf32>
        %mul3A_1150 = arith.mulf %get3A_1112, %add3A_1149 : vector<16xf32>
        %add3A_1151 = arith.addf %add3A_1107, %mul3A_1150 : vector<16xf32>
        %get3A_1152 = arith.constant 3 : i32
        %get3A_1153 = arith.index_cast %get3A_1152 : i32 to index
        %get3A_1154 = arith.index_cast %add3A_798 : i32 to index
        %get3A_1155 = arith.constant 128 : index
        %get3A_1156 = tpu.vector_load %arg10[%get3A_1153, %get3A_1154, %get3A_1155] {strides = array<i32>} : memref<4x16x256xf32, #tpu.memory_space<vmem>>, vector<16xf32>,
        %mul3A_1157 = arith.constant 4 : i32
        %mul3A_1158 = arith.muli %mul3A_1157, %add3A_798 : i32
        %get3A_1159 = arith.constant 3 : i32
        %get3A_1160 = arith.index_cast %get3A_1159 : i32 to index
        %get3A_1161 = arith.index_cast %mul3A_1158 : i32 to index
        %get3A_1162 = arith.constant 128 : index
        %get3A_1163 = tpu.vector_load %arg11[%get3A_1160, %get3A_1161, %get3A_1162] {strides = array<i32>} : memref<4x64x256xf32, #tpu.memory_space<vmem>>, vector<16xf32>,
        %mul3A_1164 = arith.constant 4 : i32
        %mul3A_1165 = arith.muli %mul3A_1164, %add3A_798 : i32
        %add3A_1166 = arith.constant 1 : i32
        %add3A_1167 = arith.addi %mul3A_1165, %add3A_1166 : i32
        %get3A_1168 = arith.constant 3 : i32
        %get3A_1169 = arith.index_cast %get3A_1168 : i32 to index
        %get3A_1170 = arith.index_cast %add3A_1167 : i32 to index
        %get3A_1171 = arith.constant 128 : index
        %get3A_1172 = tpu.vector_load %arg11[%get3A_1169, %get3A_1170, %get3A_1171] {strides = array<i32>} : memref<4x64x256xf32, #tpu.memory_space<vmem>>, vector<16xf32>,
        %add3A_1173 = arith.addf %get3A_1163, %get3A_1172 : vector<16xf32>
        %mul3A_1174 = arith.constant 4 : i32
        %mul3A_1175 = arith.muli %mul3A_1174, %add3A_798 : i32
        %add3A_1176 = arith.constant 2 : i32
        %add3A_1177 = arith.addi %mul3A_1175, %add3A_1176 : i32
        %get3A_1178 = arith.constant 3 : i32
        %get3A_1179 = arith.index_cast %get3A_1178 : i32 to index
        %get3A_1180 = arith.index_cast %add3A_1177 : i32 to index
        %get3A_1181 = arith.constant 128 : index
        %get3A_1182 = tpu.vector_load %arg11[%get3A_1179, %get3A_1180, %get3A_1181] {strides = array<i32>} : memref<4x64x256xf32, #tpu.memory_space<vmem>>, vector<16xf32>,
        %mul3A_1183 = arith.constant 4 : i32
        %mul3A_1184 = arith.muli %mul3A_1183, %add3A_798 : i32
        %add3A_1185 = arith.constant 3 : i32
        %add3A_1186 = arith.addi %mul3A_1184, %add3A_1185 : i32
        %get3A_1187 = arith.constant 3 : i32
        %get3A_1188 = arith.index_cast %get3A_1187 : i32 to index
        %get3A_1189 = arith.index_cast %add3A_1186 : i32 to index
        %get3A_1190 = arith.constant 128 : index
        %get3A_1191 = tpu.vector_load %arg11[%get3A_1188, %get3A_1189, %get3A_1190] {strides = array<i32>} : memref<4x64x256xf32, #tpu.memory_space<vmem>>, vector<16xf32>,
        %add3A_1192 = arith.addf %get3A_1182, %get3A_1191 : vector<16xf32>
        %add3A_1193 = arith.addf %add3A_1173, %add3A_1192 : vector<16xf32>
        %mul3A_1194 = arith.mulf %get3A_1156, %add3A_1193 : vector<16xf32>
        %add3A_1195 = arith.addf %add3A_1151, %mul3A_1194 : vector<16xf32>
        %get3A_1196 = arith.constant 3 : i32
        %get3A_1197 = arith.index_cast %get3A_1196 : i32 to index
        %get3A_1198 = arith.index_cast %add3A_798 : i32 to index
        %get3A_1199 = arith.constant 144 : index
        %get3A_1200 = tpu.vector_load %arg10[%get3A_1197, %get3A_1198, %get3A_1199] {strides = array<i32>} : memref<4x16x256xf32, #tpu.memory_space<vmem>>, vector<16xf32>,
        %mul3A_1201 = arith.constant 4 : i32
        %mul3A_1202 = arith.muli %mul3A_1201, %add3A_798 : i32
        %get3A_1203 = arith.constant 3 : i32
        %get3A_1204 = arith.index_cast %get3A_1203 : i32 to index
        %get3A_1205 = arith.index_cast %mul3A_1202 : i32 to index
        %get3A_1206 = arith.constant 144 : index
        %get3A_1207 = tpu.vector_load %arg11[%get3A_1204, %get3A_1205, %get3A_1206] {strides = array<i32>} : memref<4x64x256xf32, #tpu.memory_space<vmem>>, vector<16xf32>,
        %mul3A_1208 = arith.constant 4 : i32
        %mul3A_1209 = arith.muli %mul3A_1208, %add3A_798 : i32
        %add3A_1210 = arith.constant 1 : i32
        %add3A_1211 = arith.addi %mul3A_1209, %add3A_1210 : i32
        %get3A_1212 = arith.constant 3 : i32
        %get3A_1213 = arith.index_cast %get3A_1212 : i32 to index
        %get3A_1214 = arith.index_cast %add3A_1211 : i32 to index
        %get3A_1215 = arith.constant 144 : index
        %get3A_1216 = tpu.vector_load %arg11[%get3A_1213, %get3A_1214, %get3A_1215] {strides = array<i32>} : memref<4x64x256xf32, #tpu.memory_space<vmem>>, vector<16xf32>,
        %add3A_1217 = arith.addf %get3A_1207, %get3A_1216 : vector<16xf32>
        %mul3A_1218 = arith.constant 4 : i32
        %mul3A_1219 = arith.muli %mul3A_1218, %add3A_798 : i32
        %add3A_1220 = arith.constant 2 : i32
        %add3A_1221 = arith.addi %mul3A_1219, %add3A_1220 : i32
        %get3A_1222 = arith.constant 3 : i32
        %get3A_1223 = arith.index_cast %get3A_1222 : i32 to index
        %get3A_1224 = arith.index_cast %add3A_1221 : i32 to index
        %get3A_1225 = arith.constant 144 : index
        %get3A_1226 = tpu.vector_load %arg11[%get3A_1223, %get3A_1224, %get3A_1225] {strides = array<i32>} : memref<4x64x256xf32, #tpu.memory_space<vmem>>, vector<16xf32>,
        %mul3A_1227 = arith.constant 4 : i32
        %mul3A_1228 = arith.muli %mul3A_1227, %add3A_798 : i32
        %add3A_1229 = arith.constant 3 : i32
        %add3A_1230 = arith.addi %mul3A_1228, %add3A_1229 : i32
        %get3A_1231 = arith.constant 3 : i32
        %get3A_1232 = arith.index_cast %get3A_1231 : i32 to index
        %get3A_1233 = arith.index_cast %add3A_1230 : i32 to index
        %get3A_1234 = arith.constant 144 : index
        %get3A_1235 = tpu.vector_load %arg11[%get3A_1232, %get3A_1233, %get3A_1234] {strides = array<i32>} : memref<4x64x256xf32, #tpu.memory_space<vmem>>, vector<16xf32>,
        %add3A_1236 = arith.addf %get3A_1226, %get3A_1235 : vector<16xf32>
        %add3A_1237 = arith.addf %add3A_1217, %add3A_1236 : vector<16xf32>
        %mul3A_1238 = arith.mulf %get3A_1200, %add3A_1237 : vector<16xf32>
        %add3A_1239 = arith.addf %add3A_1195, %mul3A_1238 : vector<16xf32>
        %get3A_1240 = arith.constant 3 : i32
        %get3A_1241 = arith.index_cast %get3A_1240 : i32 to index
        %get3A_1242 = arith.index_cast %add3A_798 : i32 to index
        %get3A_1243 = arith.constant 160 : index
        %get3A_1244 = tpu.vector_load %arg10[%get3A_1241, %get3A_1242, %get3A_1243] {strides = array<i32>} : memref<4x16x256xf32, #tpu.memory_space<vmem>>, vector<16xf32>,
        %mul3A_1245 = arith.constant 4 : i32
        %mul3A_1246 = arith.muli %mul3A_1245, %add3A_798 : i32
        %get3A_1247 = arith.constant 3 : i32
        %get3A_1248 = arith.index_cast %get3A_1247 : i32 to index
        %get3A_1249 = arith.index_cast %mul3A_1246 : i32 to index
        %get3A_1250 = arith.constant 160 : index
        %get3A_1251 = tpu.vector_load %arg11[%get3A_1248, %get3A_1249, %get3A_1250] {strides = array<i32>} : memref<4x64x256xf32, #tpu.memory_space<vmem>>, vector<16xf32>,
        %mul3A_1252 = arith.constant 4 : i32
        %mul3A_1253 = arith.muli %mul3A_1252, %add3A_798 : i32
        %add3A_1254 = arith.constant 1 : i32
        %add3A_1255 = arith.addi %mul3A_1253, %add3A_1254 : i32
        %get3A_1256 = arith.constant 3 : i32
        %get3A_1257 = arith.index_cast %get3A_1256 : i32 to index
        %get3A_1258 = arith.index_cast %add3A_1255 : i32 to index
        %get3A_1259 = arith.constant 160 : index
        %get3A_1260 = tpu.vector_load %arg11[%get3A_1257, %get3A_1258, %get3A_1259] {strides = array<i32>} : memref<4x64x256xf32, #tpu.memory_space<vmem>>, vector<16xf32>,
        %add3A_1261 = arith.addf %get3A_1251, %get3A_1260 : vector<16xf32>
        %mul3A_1262 = arith.constant 4 : i32
        %mul3A_1263 = arith.muli %mul3A_1262, %add3A_798 : i32
        %add3A_1264 = arith.constant 2 : i32
        %add3A_1265 = arith.addi %mul3A_1263, %add3A_1264 : i32
        %get3A_1266 = arith.constant 3 : i32
        %get3A_1267 = arith.index_cast %get3A_1266 : i32 to index
        %get3A_1268 = arith.index_cast %add3A_1265 : i32 to index
        %get3A_1269 = arith.constant 160 : index
        %get3A_1270 = tpu.vector_load %arg11[%get3A_1267, %get3A_1268, %get3A_1269] {strides = array<i32>} : memref<4x64x256xf32, #tpu.memory_space<vmem>>, vector<16xf32>,
        %mul3A_1271 = arith.constant 4 : i32
        %mul3A_1272 = arith.muli %mul3A_1271, %add3A_798 : i32
        %add3A_1273 = arith.constant 3 : i32
        %add3A_1274 = arith.addi %mul3A_1272, %add3A_1273 : i32
        %get3A_1275 = arith.constant 3 : i32
        %get3A_1276 = arith.index_cast %get3A_1275 : i32 to index
        %get3A_1277 = arith.index_cast %add3A_1274 : i32 to index
        %get3A_1278 = arith.constant 160 : index
        %get3A_1279 = tpu.vector_load %arg11[%get3A_1276, %get3A_1277, %get3A_1278] {strides = array<i32>} : memref<4x64x256xf32, #tpu.memory_space<vmem>>, vector<16xf32>,
        %add3A_1280 = arith.addf %get3A_1270, %get3A_1279 : vector<16xf32>
        %add3A_1281 = arith.addf %add3A_1261, %add3A_1280 : vector<16xf32>
        %mul3A_1282 = arith.mulf %get3A_1244, %add3A_1281 : vector<16xf32>
        %add3A_1283 = arith.addf %add3A_1239, %mul3A_1282 : vector<16xf32>
        %get3A_1284 = arith.constant 3 : i32
        %get3A_1285 = arith.index_cast %get3A_1284 : i32 to index
        %get3A_1286 = arith.index_cast %add3A_798 : i32 to index
        %get3A_1287 = arith.constant 176 : index
        %get3A_1288 = tpu.vector_load %arg10[%get3A_1285, %get3A_1286, %get3A_1287] {strides = array<i32>} : memref<4x16x256xf32, #tpu.memory_space<vmem>>, vector<16xf32>,
        %mul3A_1289 = arith.constant 4 : i32
        %mul3A_1290 = arith.muli %mul3A_1289, %add3A_798 : i32
        %get3A_1291 = arith.constant 3 : i32
        %get3A_1292 = arith.index_cast %get3A_1291 : i32 to index
        %get3A_1293 = arith.index_cast %mul3A_1290 : i32 to index
        %get3A_1294 = arith.constant 176 : index
        %get3A_1295 = tpu.vector_load %arg11[%get3A_1292, %get3A_1293, %get3A_1294] {strides = array<i32>} : memref<4x64x256xf32, #tpu.memory_space<vmem>>, vector<16xf32>,
        %mul3A_1296 = arith.constant 4 : i32
        %mul3A_1297 = arith.muli %mul3A_1296, %add3A_798 : i32
        %add3A_1298 = arith.constant 1 : i32
        %add3A_1299 = arith.addi %mul3A_1297, %add3A_1298 : i32
        %get3A_1300 = arith.constant 3 : i32
        %get3A_1301 = arith.index_cast %get3A_1300 : i32 to index
        %get3A_1302 = arith.index_cast %add3A_1299 : i32 to index
        %get3A_1303 = arith.constant 176 : index
        %get3A_1304 = tpu.vector_load %arg11[%get3A_1301, %get3A_1302, %get3A_1303] {strides = array<i32>} : memref<4x64x256xf32, #tpu.memory_space<vmem>>, vector<16xf32>,
        %add3A_1305 = arith.addf %get3A_1295, %get3A_1304 : vector<16xf32>
        %mul3A_1306 = arith.constant 4 : i32
        %mul3A_1307 = arith.muli %mul3A_1306, %add3A_798 : i32
        %add3A_1308 = arith.constant 2 : i32
        %add3A_1309 = arith.addi %mul3A_1307, %add3A_1308 : i32
        %get3A_1310 = arith.constant 3 : i32
        %get3A_1311 = arith.index_cast %get3A_1310 : i32 to index
        %get3A_1312 = arith.index_cast %add3A_1309 : i32 to index
        %get3A_1313 = arith.constant 176 : index
        %get3A_1314 = tpu.vector_load %arg11[%get3A_1311, %get3A_1312, %get3A_1313] {strides = array<i32>} : memref<4x64x256xf32, #tpu.memory_space<vmem>>, vector<16xf32>,
        %mul3A_1315 = arith.constant 4 : i32
        %mul3A_1316 = arith.muli %mul3A_1315, %add3A_798 : i32
        %add3A_1317 = arith.constant 3 : i32
        %add3A_1318 = arith.addi %mul3A_1316, %add3A_1317 : i32
        %get3A_1319 = arith.constant 3 : i32
        %get3A_1320 = arith.index_cast %get3A_1319 : i32 to index
        %get3A_1321 = arith.index_cast %add3A_1318 : i32 to index
        %get3A_1322 = arith.constant 176 : index
        %get3A_1323 = tpu.vector_load %arg11[%get3A_1320, %get3A_1321, %get3A_1322] {strides = array<i32>} : memref<4x64x256xf32, #tpu.memory_space<vmem>>, vector<16xf32>,
        %add3A_1324 = arith.addf %get3A_1314, %get3A_1323 : vector<16xf32>
        %add3A_1325 = arith.addf %add3A_1305, %add3A_1324 : vector<16xf32>
        %mul3A_1326 = arith.mulf %get3A_1288, %add3A_1325 : vector<16xf32>
        %add3A_1327 = arith.addf %add3A_1283, %mul3A_1326 : vector<16xf32>
        %get3A_1328 = arith.constant 3 : i32
        %get3A_1329 = arith.index_cast %get3A_1328 : i32 to index
        %get3A_1330 = arith.index_cast %add3A_798 : i32 to index
        %get3A_1331 = arith.constant 192 : index
        %get3A_1332 = tpu.vector_load %arg10[%get3A_1329, %get3A_1330, %get3A_1331] {strides = array<i32>} : memref<4x16x256xf32, #tpu.memory_space<vmem>>, vector<16xf32>,
        %mul3A_1333 = arith.constant 4 : i32
        %mul3A_1334 = arith.muli %mul3A_1333, %add3A_798 : i32
        %get3A_1335 = arith.constant 3 : i32
        %get3A_1336 = arith.index_cast %get3A_1335 : i32 to index
        %get3A_1337 = arith.index_cast %mul3A_1334 : i32 to index
        %get3A_1338 = arith.constant 192 : index
        %get3A_1339 = tpu.vector_load %arg11[%get3A_1336, %get3A_1337, %get3A_1338] {strides = array<i32>} : memref<4x64x256xf32, #tpu.memory_space<vmem>>, vector<16xf32>,
        %mul3A_1340 = arith.constant 4 : i32
        %mul3A_1341 = arith.muli %mul3A_1340, %add3A_798 : i32
        %add3A_1342 = arith.constant 1 : i32
        %add3A_1343 = arith.addi %mul3A_1341, %add3A_1342 : i32
        %get3A_1344 = arith.constant 3 : i32
        %get3A_1345 = arith.index_cast %get3A_1344 : i32 to index
        %get3A_1346 = arith.index_cast %add3A_1343 : i32 to index
        %get3A_1347 = arith.constant 192 : index
        %get3A_1348 = tpu.vector_load %arg11[%get3A_1345, %get3A_1346, %get3A_1347] {strides = array<i32>} : memref<4x64x256xf32, #tpu.memory_space<vmem>>, vector<16xf32>,
        %add3A_1349 = arith.addf %get3A_1339, %get3A_1348 : vector<16xf32>
        %mul3A_1350 = arith.constant 4 : i32
        %mul3A_1351 = arith.muli %mul3A_1350, %add3A_798 : i32
        %add3A_1352 = arith.constant 2 : i32
        %add3A_1353 = arith.addi %mul3A_1351, %add3A_1352 : i32
        %get3A_1354 = arith.constant 3 : i32
        %get3A_1355 = arith.index_cast %get3A_1354 : i32 to index
        %get3A_1356 = arith.index_cast %add3A_1353 : i32 to index
        %get3A_1357 = arith.constant 192 : index
        %get3A_1358 = tpu.vector_load %arg11[%get3A_1355, %get3A_1356, %get3A_1357] {strides = array<i32>} : memref<4x64x256xf32, #tpu.memory_space<vmem>>, vector<16xf32>,
        %mul3A_1359 = arith.constant 4 : i32
        %mul3A_1360 = arith.muli %mul3A_1359, %add3A_798 : i32
        %add3A_1361 = arith.constant 3 : i32
        %add3A_1362 = arith.addi %mul3A_1360, %add3A_1361 : i32
        %get3A_1363 = arith.constant 3 : i32
        %get3A_1364 = arith.index_cast %get3A_1363 : i32 to index
        %get3A_1365 = arith.index_cast %add3A_1362 : i32 to index
        %get3A_1366 = arith.constant 192 : index
        %get3A_1367 = tpu.vector_load %arg11[%get3A_1364, %get3A_1365, %get3A_1366] {strides = array<i32>} : memref<4x64x256xf32, #tpu.memory_space<vmem>>, vector<16xf32>,
        %add3A_1368 = arith.addf %get3A_1358, %get3A_1367 : vector<16xf32>
        %add3A_1369 = arith.addf %add3A_1349, %add3A_1368 : vector<16xf32>
        %mul3A_1370 = arith.mulf %get3A_1332, %add3A_1369 : vector<16xf32>
        %add3A_1371 = arith.addf %add3A_1327, %mul3A_1370 : vector<16xf32>
        %get3A_1372 = arith.constant 3 : i32
        %get3A_1373 = arith.index_cast %get3A_1372 : i32 to index
        %get3A_1374 = arith.index_cast %add3A_798 : i32 to index
        %get3A_1375 = arith.constant 208 : index
        %get3A_1376 = tpu.vector_load %arg10[%get3A_1373, %get3A_1374, %get3A_1375] {strides = array<i32>} : memref<4x16x256xf32, #tpu.memory_space<vmem>>, vector<16xf32>,
        %mul3A_1377 = arith.constant 4 : i32
        %mul3A_1378 = arith.muli %mul3A_1377, %add3A_798 : i32
        %get3A_1379 = arith.constant 3 : i32
        %get3A_1380 = arith.index_cast %get3A_1379 : i32 to index
        %get3A_1381 = arith.index_cast %mul3A_1378 : i32 to index
        %get3A_1382 = arith.constant 208 : index
        %get3A_1383 = tpu.vector_load %arg11[%get3A_1380, %get3A_1381, %get3A_1382] {strides = array<i32>} : memref<4x64x256xf32, #tpu.memory_space<vmem>>, vector<16xf32>,
        %mul3A_1384 = arith.constant 4 : i32
        %mul3A_1385 = arith.muli %mul3A_1384, %add3A_798 : i32
        %add3A_1386 = arith.constant 1 : i32
        %add3A_1387 = arith.addi %mul3A_1385, %add3A_1386 : i32
        %get3A_1388 = arith.constant 3 : i32
        %get3A_1389 = arith.index_cast %get3A_1388 : i32 to index
        %get3A_1390 = arith.index_cast %add3A_1387 : i32 to index
        %get3A_1391 = arith.constant 208 : index
        %get3A_1392 = tpu.vector_load %arg11[%get3A_1389, %get3A_1390, %get3A_1391] {strides = array<i32>} : memref<4x64x256xf32, #tpu.memory_space<vmem>>, vector<16xf32>,
        %add3A_1393 = arith.addf %get3A_1383, %get3A_1392 : vector<16xf32>
        %mul3A_1394 = arith.constant 4 : i32
        %mul3A_1395 = arith.muli %mul3A_1394, %add3A_798 : i32
        %add3A_1396 = arith.constant 2 : i32
        %add3A_1397 = arith.addi %mul3A_1395, %add3A_1396 : i32
        %get3A_1398 = arith.constant 3 : i32
        %get3A_1399 = arith.index_cast %get3A_1398 : i32 to index
        %get3A_1400 = arith.index_cast %add3A_1397 : i32 to index
        %get3A_1401 = arith.constant 208 : index
        %get3A_1402 = tpu.vector_load %arg11[%get3A_1399, %get3A_1400, %get3A_1401] {strides = array<i32>} : memref<4x64x256xf32, #tpu.memory_space<vmem>>, vector<16xf32>,
        %mul3A_1403 = arith.constant 4 : i32
        %mul3A_1404 = arith.muli %mul3A_1403, %add3A_798 : i32
        %add3A_1405 = arith.constant 3 : i32
        %add3A_1406 = arith.addi %mul3A_1404, %add3A_1405 : i32
        %get3A_1407 = arith.constant 3 : i32
        %get3A_1408 = arith.index_cast %get3A_1407 : i32 to index
        %get3A_1409 = arith.index_cast %add3A_1406 : i32 to index
        %get3A_1410 = arith.constant 208 : index
        %get3A_1411 = tpu.vector_load %arg11[%get3A_1408, %get3A_1409, %get3A_1410] {strides = array<i32>} : memref<4x64x256xf32, #tpu.memory_space<vmem>>, vector<16xf32>,
        %add3A_1412 = arith.addf %get3A_1402, %get3A_1411 : vector<16xf32>
        %add3A_1413 = arith.addf %add3A_1393, %add3A_1412 : vector<16xf32>
        %mul3A_1414 = arith.mulf %get3A_1376, %add3A_1413 : vector<16xf32>
        %add3A_1415 = arith.addf %add3A_1371, %mul3A_1414 : vector<16xf32>
        %get3A_1416 = arith.constant 3 : i32
        %get3A_1417 = arith.index_cast %get3A_1416 : i32 to index
        %get3A_1418 = arith.index_cast %add3A_798 : i32 to index
        %get3A_1419 = arith.constant 224 : index
        %get3A_1420 = tpu.vector_load %arg10[%get3A_1417, %get3A_1418, %get3A_1419] {strides = array<i32>} : memref<4x16x256xf32, #tpu.memory_space<vmem>>, vector<16xf32>,
        %mul3A_1421 = arith.constant 4 : i32
        %mul3A_1422 = arith.muli %mul3A_1421, %add3A_798 : i32
        %get3A_1423 = arith.constant 3 : i32
        %get3A_1424 = arith.index_cast %get3A_1423 : i32 to index
        %get3A_1425 = arith.index_cast %mul3A_1422 : i32 to index
        %get3A_1426 = arith.constant 224 : index
        %get3A_1427 = tpu.vector_load %arg11[%get3A_1424, %get3A_1425, %get3A_1426] {strides = array<i32>} : memref<4x64x256xf32, #tpu.memory_space<vmem>>, vector<16xf32>,
        %mul3A_1428 = arith.constant 4 : i32
        %mul3A_1429 = arith.muli %mul3A_1428, %add3A_798 : i32
        %add3A_1430 = arith.constant 1 : i32
        %add3A_1431 = arith.addi %mul3A_1429, %add3A_1430 : i32
        %get3A_1432 = arith.constant 3 : i32
        %get3A_1433 = arith.index_cast %get3A_1432 : i32 to index
        %get3A_1434 = arith.index_cast %add3A_1431 : i32 to index
        %get3A_1435 = arith.constant 224 : index
        %get3A_1436 = tpu.vector_load %arg11[%get3A_1433, %get3A_1434, %get3A_1435] {strides = array<i32>} : memref<4x64x256xf32, #tpu.memory_space<vmem>>, vector<16xf32>,
        %add3A_1437 = arith.addf %get3A_1427, %get3A_1436 : vector<16xf32>
        %mul3A_1438 = arith.constant 4 : i32
        %mul3A_1439 = arith.muli %mul3A_1438, %add3A_798 : i32
        %add3A_1440 = arith.constant 2 : i32
        %add3A_1441 = arith.addi %mul3A_1439, %add3A_1440 : i32
        %get3A_1442 = arith.constant 3 : i32
        %get3A_1443 = arith.index_cast %get3A_1442 : i32 to index
        %get3A_1444 = arith.index_cast %add3A_1441 : i32 to index
        %get3A_1445 = arith.constant 224 : index
        %get3A_1446 = tpu.vector_load %arg11[%get3A_1443, %get3A_1444, %get3A_1445] {strides = array<i32>} : memref<4x64x256xf32, #tpu.memory_space<vmem>>, vector<16xf32>,
        %mul3A_1447 = arith.constant 4 : i32
        %mul3A_1448 = arith.muli %mul3A_1447, %add3A_798 : i32
        %add3A_1449 = arith.constant 3 : i32
        %add3A_1450 = arith.addi %mul3A_1448, %add3A_1449 : i32
        %get3A_1451 = arith.constant 3 : i32
        %get3A_1452 = arith.index_cast %get3A_1451 : i32 to index
        %get3A_1453 = arith.index_cast %add3A_1450 : i32 to index
        %get3A_1454 = arith.constant 224 : index
        %get3A_1455 = tpu.vector_load %arg11[%get3A_1452, %get3A_1453, %get3A_1454] {strides = array<i32>} : memref<4x64x256xf32, #tpu.memory_space<vmem>>, vector<16xf32>,
        %add3A_1456 = arith.addf %get3A_1446, %get3A_1455 : vector<16xf32>
        %add3A_1457 = arith.addf %add3A_1437, %add3A_1456 : vector<16xf32>
        %mul3A_1458 = arith.mulf %get3A_1420, %add3A_1457 : vector<16xf32>
        %add3A_1459 = arith.addf %add3A_1415, %mul3A_1458 : vector<16xf32>
        %get3A_1460 = arith.constant 3 : i32
        %get3A_1461 = arith.index_cast %get3A_1460 : i32 to index
        %get3A_1462 = arith.index_cast %add3A_798 : i32 to index
        %get3A_1463 = arith.constant 240 : index
        %get3A_1464 = tpu.vector_load %arg10[%get3A_1461, %get3A_1462, %get3A_1463] {strides = array<i32>} : memref<4x16x256xf32, #tpu.memory_space<vmem>>, vector<16xf32>,
        %mul3A_1465 = arith.constant 4 : i32
        %mul3A_1466 = arith.muli %mul3A_1465, %add3A_798 : i32
        %get3A_1467 = arith.constant 3 : i32
        %get3A_1468 = arith.index_cast %get3A_1467 : i32 to index
        %get3A_1469 = arith.index_cast %mul3A_1466 : i32 to index
        %get3A_1470 = arith.constant 240 : index
        %get3A_1471 = tpu.vector_load %arg11[%get3A_1468, %get3A_1469, %get3A_1470] {strides = array<i32>} : memref<4x64x256xf32, #tpu.memory_space<vmem>>, vector<16xf32>,
        %mul3A_1472 = arith.constant 4 : i32
        %mul3A_1473 = arith.muli %mul3A_1472, %add3A_798 : i32
        %add3A_1474 = arith.constant 1 : i32
        %add3A_1475 = arith.addi %mul3A_1473, %add3A_1474 : i32
        %get3A_1476 = arith.constant 3 : i32
        %get3A_1477 = arith.index_cast %get3A_1476 : i32 to index
        %get3A_1478 = arith.index_cast %add3A_1475 : i32 to index
        %get3A_1479 = arith.constant 240 : index
        %get3A_1480 = tpu.vector_load %arg11[%get3A_1477, %get3A_1478, %get3A_1479] {strides = array<i32>} : memref<4x64x256xf32, #tpu.memory_space<vmem>>, vector<16xf32>,
        %add3A_1481 = arith.addf %get3A_1471, %get3A_1480 : vector<16xf32>
        %mul3A_1482 = arith.constant 4 : i32
        %mul3A_1483 = arith.muli %mul3A_1482, %add3A_798 : i32
        %add3A_1484 = arith.constant 2 : i32
        %add3A_1485 = arith.addi %mul3A_1483, %add3A_1484 : i32
        %get3A_1486 = arith.constant 3 : i32
        %get3A_1487 = arith.index_cast %get3A_1486 : i32 to index
        %get3A_1488 = arith.index_cast %add3A_1485 : i32 to index
        %get3A_1489 = arith.constant 240 : index
        %get3A_1490 = tpu.vector_load %arg11[%get3A_1487, %get3A_1488, %get3A_1489] {strides = array<i32>} : memref<4x64x256xf32, #tpu.memory_space<vmem>>, vector<16xf32>,
        %mul3A_1491 = arith.constant 4 : i32
        %mul3A_1492 = arith.muli %mul3A_1491, %add3A_798 : i32
        %add3A_1493 = arith.constant 3 : i32
        %add3A_1494 = arith.addi %mul3A_1492, %add3A_1493 : i32
        %get3A_1495 = arith.constant 3 : i32
        %get3A_1496 = arith.index_cast %get3A_1495 : i32 to index
        %get3A_1497 = arith.index_cast %add3A_1494 : i32 to index
        %get3A_1498 = arith.constant 240 : index
        %get3A_1499 = tpu.vector_load %arg11[%get3A_1496, %get3A_1497, %get3A_1498] {strides = array<i32>} : memref<4x64x256xf32, #tpu.memory_space<vmem>>, vector<16xf32>,
        %add3A_1500 = arith.addf %get3A_1490, %get3A_1499 : vector<16xf32>
        %add3A_1501 = arith.addf %add3A_1481, %add3A_1500 : vector<16xf32>
        %mul3A_1502 = arith.mulf %get3A_1464, %add3A_1501 : vector<16xf32>
        %add3A_1503 = arith.addf %add3A_1459, %mul3A_1502 : vector<16xf32>
        %swap3A_1504 = arith.index_cast %scan3A_795 : i32 to index
        %swap3A_1505 = arith.constant 0 : index
        %swap3A_1506 = tpu.vector_load %arg13[%swap3A_1504, %swap3A_1505] {strides = array<i32>} : memref<16x16xf32, #tpu.memory_space<vmem>>, vector<16xf32>,
        tpu.vector_store %arg13[%swap3A_1504, %swap3A_1505], %add3A_1503 {strides = array<i32>} : memref<16x16xf32, #tpu.memory_space<vmem>>, vector<16xf32>,
      }
      %scan3A_709 = arith.constant 16 : i32
      %broadcast_in_dim3A_710 = arith.constant 0.000000e+00 : f32
      %broadcast_in_dim3A_711 = vector.broadcast %broadcast_in_dim3A_710 : f32 to vector<16xf32>
      %broadcast_in_dim3A_712 = arith.constant 0 : i32
      %broadcast_in_dim3A_713 = vector.broadcast %broadcast_in_dim3A_712 : i32 to vector<16xi32>
      %gather3A_714 = tpu.vector_load_idx %arg13[%iota3A, %broadcast_in_dim3A_713] : memref<16x16xf32, #tpu.memory_space<vmem>>[vector<16xi32>, vector<16xi32>], vector<16xf32>,
      %add3A_715 = arith.addf %broadcast_in_dim3A_711, %gather3A_714 : vector<16xf32>
      %broadcast_in_dim3A_716 = arith.constant 1 : i32
      %broadcast_in_dim3A_717 = vector.broadcast %broadcast_in_dim3A_716 : i32 to vector<16xi32>
      %gather3A_718 = tpu.vector_load_idx %arg13[%iota3A, %broadcast_in_dim3A_717] : memref<16x16xf32, #tpu.memory_space<vmem>>[vector<16xi32>, vector<16xi32>], vector<16xf32>,
      %add3A_719 = arith.addf %add3A_715, %gather3A_718 : vector<16xf32>
      %broadcast_in_dim3A_720 = arith.constant 2 : i32
      %broadcast_in_dim3A_721 = vector.broadcast %broadcast_in_dim3A_720 : i32 to vector<16xi32>
      %gather3A_722 = tpu.vector_load_idx %arg13[%iota3A, %broadcast_in_dim3A_721] : memref<16x16xf32, #tpu.memory_space<vmem>>[vector<16xi32>, vector<16xi32>], vector<16xf32>,
      %add3A_723 = arith.addf %add3A_719, %gather3A_722 : vector<16xf32>
      %broadcast_in_dim3A_724 = arith.constant 3 : i32
      %broadcast_in_dim3A_725 = vector.broadcast %broadcast_in_dim3A_724 : i32 to vector<16xi32>
      %gather3A_726 = tpu.vector_load_idx %arg13[%iota3A, %broadcast_in_dim3A_725] : memref<16x16xf32, #tpu.memory_space<vmem>>[vector<16xi32>, vector<16xi32>], vector<16xf32>,
      %add3A_727 = arith.addf %add3A_723, %gather3A_726 : vector<16xf32>
      %broadcast_in_dim3A_728 = arith.constant 4 : i32
      %broadcast_in_dim3A_729 = vector.broadcast %broadcast_in_dim3A_728 : i32 to vector<16xi32>
      %gather3A_730 = tpu.vector_load_idx %arg13[%iota3A, %broadcast_in_dim3A_729] : memref<16x16xf32, #tpu.memory_space<vmem>>[vector<16xi32>, vector<16xi32>], vector<16xf32>,
      %add3A_731 = arith.addf %add3A_727, %gather3A_730 : vector<16xf32>
      %broadcast_in_dim3A_732 = arith.constant 5 : i32
      %broadcast_in_dim3A_733 = vector.broadcast %broadcast_in_dim3A_732 : i32 to vector<16xi32>
      %gather3A_734 = tpu.vector_load_idx %arg13[%iota3A, %broadcast_in_dim3A_733] : memref<16x16xf32, #tpu.memory_space<vmem>>[vector<16xi32>, vector<16xi32>], vector<16xf32>,
      %add3A_735 = arith.addf %add3A_731, %gather3A_734 : vector<16xf32>
      %broadcast_in_dim3A_736 = arith.constant 6 : i32
      %broadcast_in_dim3A_737 = vector.broadcast %broadcast_in_dim3A_736 : i32 to vector<16xi32>
      %gather3A_738 = tpu.vector_load_idx %arg13[%iota3A, %broadcast_in_dim3A_737] : memref<16x16xf32, #tpu.memory_space<vmem>>[vector<16xi32>, vector<16xi32>], vector<16xf32>,
      %add3A_739 = arith.addf %add3A_735, %gather3A_738 : vector<16xf32>
      %broadcast_in_dim3A_740 = arith.constant 7 : i32
      %broadcast_in_dim3A_741 = vector.broadcast %broadcast_in_dim3A_740 : i32 to vector<16xi32>
      %gather3A_742 = tpu.vector_load_idx %arg13[%iota3A, %broadcast_in_dim3A_741] : memref<16x16xf32, #tpu.memory_space<vmem>>[vector<16xi32>, vector<16xi32>], vector<16xf32>,
      %add3A_743 = arith.addf %add3A_739, %gather3A_742 : vector<16xf32>
      %broadcast_in_dim3A_744 = arith.constant 8 : i32
      %broadcast_in_dim3A_745 = vector.broadcast %broadcast_in_dim3A_744 : i32 to vector<16xi32>
      %gather3A_746 = tpu.vector_load_idx %arg13[%iota3A, %broadcast_in_dim3A_745] : memref<16x16xf32, #tpu.memory_space<vmem>>[vector<16xi32>, vector<16xi32>], vector<16xf32>,
      %add3A_747 = arith.addf %add3A_743, %gather3A_746 : vector<16xf32>
      %broadcast_in_dim3A_748 = arith.constant 9 : i32
      %broadcast_in_dim3A_749 = vector.broadcast %broadcast_in_dim3A_748 : i32 to vector<16xi32>
      %gather3A_750 = tpu.vector_load_idx %arg13[%iota3A, %broadcast_in_dim3A_749] : memref<16x16xf32, #tpu.memory_space<vmem>>[vector<16xi32>, vector<16xi32>], vector<16xf32>,
      %add3A_751 = arith.addf %add3A_747, %gather3A_750 : vector<16xf32>
      %broadcast_in_dim3A_752 = arith.constant 10 : i32
      %broadcast_in_dim3A_753 = vector.broadcast %broadcast_in_dim3A_752 : i32 to vector<16xi32>
      %gather3A_754 = tpu.vector_load_idx %arg13[%iota3A, %broadcast_in_dim3A_753] : memref<16x16xf32, #tpu.memory_space<vmem>>[vector<16xi32>, vector<16xi32>], vector<16xf32>,
      %add3A_755 = arith.addf %add3A_751, %gather3A_754 : vector<16xf32>
      %broadcast_in_dim3A_756 = arith.constant 11 : i32
      %broadcast_in_dim3A_757 = vector.broadcast %broadcast_in_dim3A_756 : i32 to vector<16xi32>
      %gather3A_758 = tpu.vector_load_idx %arg13[%iota3A, %broadcast_in_dim3A_757] : memref<16x16xf32, #tpu.memory_space<vmem>>[vector<16xi32>, vector<16xi32>], vector<16xf32>,
      %add3A_759 = arith.addf %add3A_755, %gather3A_758 : vector<16xf32>
      %broadcast_in_dim3A_760 = arith.constant 12 : i32
      %broadcast_in_dim3A_761 = vector.broadcast %broadcast_in_dim3A_760 : i32 to vector<16xi32>
      %gather3A_762 = tpu.vector_load_idx %arg13[%iota3A, %broadcast_in_dim3A_761] : memref<16x16xf32, #tpu.memory_space<vmem>>[vector<16xi32>, vector<16xi32>], vector<16xf32>,
      %add3A_763 = arith.addf %add3A_759, %gather3A_762 : vector<16xf32>
      %broadcast_in_dim3A_764 = arith.constant 13 : i32
      %broadcast_in_dim3A_765 = vector.broadcast %broadcast_in_dim3A_764 : i32 to vector<16xi32>
      %gather3A_766 = tpu.vector_load_idx %arg13[%iota3A, %broadcast_in_dim3A_765] : memref<16x16xf32, #tpu.memory_space<vmem>>[vector<16xi32>, vector<16xi32>], vector<16xf32>,
      %add3A_767 = arith.addf %add3A_763, %gather3A_766 : vector<16xf32>
      %broadcast_in_dim3A_768 = arith.constant 14 : i32
      %broadcast_in_dim3A_769 = vector.broadcast %broadcast_in_dim3A_768 : i32 to vector<16xi32>
      %gather3A_770 = tpu.vector_load_idx %arg13[%iota3A, %broadcast_in_dim3A_769] : memref<16x16xf32, #tpu.memory_space<vmem>>[vector<16xi32>, vector<16xi32>], vector<16xf32>,
      %add3A_771 = arith.addf %add3A_767, %gather3A_770 : vector<16xf32>
      %broadcast_in_dim3A_772 = arith.constant 15 : i32
      %broadcast_in_dim3A_773 = vector.broadcast %broadcast_in_dim3A_772 : i32 to vector<16xi32>
      %gather3A_774 = tpu.vector_load_idx %arg13[%iota3A, %broadcast_in_dim3A_773] : memref<16x16xf32, #tpu.memory_space<vmem>>[vector<16xi32>, vector<16xi32>], vector<16xf32>,
      %add3A_775 = arith.addf %add3A_771, %gather3A_774 : vector<16xf32>
      %mul3A_776 = arith.constant 2.500000e-01 : f32
      %mul3A_777 = vector.broadcast %mul3A_776 : f32 to vector<16xf32>
      %mul3A_778 = arith.mulf %add3A_775, %mul3A_777 : vector<16xf32>
      %mul3A_779 = arith.constant 16 : i32
      %mul3A_780 = arith.muli %add3A_665, %mul3A_779 : i32
      %mul3A_781 = arith.constant 16 : i32
      %mul3A_782 = arith.muli %scan3A_703, %mul3A_781 : i32
      %add3A_783 = arith.addi %mul3A_780, %mul3A_782 : i32
      %swap3A_784 = arith.index_cast %add3A_783 : i32 to index
      %swap3A_785 = tpu.vector_load %arg12[%swap3A_784] {strides = array<i32>} : memref<512xf32, #tpu.memory_space<vmem>>, vector<16xf32>,
      tpu.vector_store %arg12[%swap3A_784], %mul3A_778 {strides = array<i32>} : memref<512xf32, #tpu.memory_space<vmem>>, vector<16xf32>,
      %scan3A_786 = arith.constant 0 : i32
      %scan3A_787 = arith.constant 1 : i32
      %add3A_788 = arith.constant 4 : i32
      %add3A_789 = arith.addi %add3A_665, %add3A_788 : i32
      %lt3A_790 = arith.constant 32 : i32
      %lt3A_791 = arith.cmpi slt, %add3A_789, %lt3A_790 : i32
      %convert_element_type3A_792 = arith.extui %lt3A_791 : i1 to i32
      %cond3A_793 = arith.constant 0 : i32
      %cond3A_794 = arith.cmpi ne, %convert_element_type3A_792, %cond3A_793 : i32
      scf.if %cond3A_794 {
        %jit3A = arith.constant 8 : i32
        %div3A = arith.divsi %add3A_789, %jit3A : i32
        %sign3A = arith.constant 0 : i32
        %sign3A_795 = arith.cmpi sgt, %add3A_789, %sign3A : i32
        %sign3A_796 = arith.extui %sign3A_795 : i1 to i32
        %sign3A_797 = arith.constant 0 : i32
        %sign3A_798 = arith.cmpi slt, %add3A_789, %sign3A_797 : i32
        %sign3A_799 = arith.extui %sign3A_798 : i1 to i32
        %sign3A_800 = arith.subi %sign3A_796, %sign3A_799 : i32
        %sign3A_801 = arith.constant 0 : i32
        %sign3A_802 = arith.cmpi sgt, %jit3A, %sign3A_801 : i32
        %sign3A_803 = arith.extui %sign3A_802 : i1 to i32
        %sign3A_804 = arith.constant 0 : i32
        %sign3A_805 = arith.cmpi slt, %jit3A, %sign3A_804 : i32
        %sign3A_806 = arith.extui %sign3A_805 : i1 to i32
        %sign3A_807 = arith.subi %sign3A_803, %sign3A_806 : i32
        %ne3A = arith.cmpi ne, %sign3A_800, %sign3A_807 : i32
        %rem3A = arith.remsi %add3A_789, %jit3A : i32
        %ne3A_808 = arith.constant 0 : i32
        %ne3A_809 = arith.cmpi ne, %rem3A, %ne3A_808 : i32
        %and3A = arith.andi %ne3A, %ne3A_809 : i1
        %sub3A = arith.constant 1 : i32
        %sub3A_810 = arith.subi %div3A, %sub3A : i32
        %select_n3A = arith.select %and3A, %sub3A_810, %div3A : i32
        %jit3A_811 = arith.constant 8 : i32
        %eq3A = arith.constant 0 : i32
        %eq3A_812 = arith.cmpi eq, %jit3A_811, %eq3A : i32
        %jit3A_813 = arith.constant 1 : i32
        %select_n3A_814 = arith.select %eq3A_812, %jit3A_813, %jit3A_811 : i32
        %rem3A_815 = arith.remsi %add3A_789, %select_n3A_814 : i32
        %ne3A_816 = arith.constant 0 : i32
        %ne3A_817 = arith.cmpi ne, %rem3A_815, %ne3A_816 : i32
        %lt3A_818 = arith.constant 0 : i32
        %lt3A_819 = arith.cmpi slt, %rem3A_815, %lt3A_818 : i32
        %lt3A_820 = arith.constant 0 : i32
        %lt3A_821 = arith.cmpi slt, %select_n3A_814, %lt3A_820 : i32
        %ne3A_822 = arith.xori %lt3A_819, %lt3A_821 : i1
        %and3A_823 = arith.andi %ne3A_822, %ne3A_817 : i1
        %add3A_824 = arith.addi %rem3A_815, %select_n3A_814 : i32
        %select_n3A_825 = arith.select %and3A_823, %add3A_824, %rem3A_815 : i32
        %mul3A_826 = arith.constant 16 : i32
        %mul3A_827 = arith.muli %select_n3A_825, %mul3A_826 : i32
        %dma_start3A_828 = arith.constant 3 : i32
        %dma_start3A_829 = arith.constant 3 : i32
        %dma_start3A_830 = arith.constant 0 : i32
        %dma_start3A_831 = arith.constant 0 : i32
        %dma_start3A_832 = tpu.memref_slice %arg10[%dma_start3A_828, %dma_start3A_830, %dma_start3A_831] : memref<4x16x256xf32, #tpu.memory_space<vmem>> -> memref<1x16x256xf32, #tpu.memory_space<vmem>>
        %dma_start3A_833 = tpu.memref_squeeze %dma_start3A_832 : memref<1x16x256xf32, #tpu.memory_space<vmem>> -> memref<16x256xf32, #tpu.memory_space<vmem>>
        %dma_start3A_834 = tpu.memref_slice %arg7[%select_n3A, %mul3A_827] : memref<4x128xi32, #tpu.memory_space<vmem>> -> memref<1x16xi32, #tpu.memory_space<vmem>>
        %dma_start3A_835 = tpu.memref_squeeze %dma_start3A_834 : memref<1x16xi32, #tpu.memory_space<vmem>> -> memref<16xi32, #tpu.memory_space<vmem>>
        %dma_start3A_836 = arith.constant 0 : i32
        %dma_start3A_837 = arith.constant 0 : i32
        %dma_start3A_838 = tpu.memref_slice %arg4[%dma_start3A_836, %dma_start3A_837] : memref<1000000x256xf32, #tpu.memory_space<hbm>> -> memref<1000000x256xf32, #tpu.memory_space<hbm>>
        %dma_start3A_839 = tpu.memref_slice %arg14[%dma_start3A_829] : memref<4x!tpu.dma_semaphore, #tpu.memory_space<semaphore_mem>> -> memref<1x!tpu.dma_semaphore, #tpu.memory_space<semaphore_mem>>
        %dma_start3A_840 = tpu.memref_squeeze %dma_start3A_839 : memref<1x!tpu.dma_semaphore, #tpu.memory_space<semaphore_mem>> -> memref<!tpu.dma_semaphore, #tpu.memory_space<semaphore_mem>>
        tpu.enqueue_indirect_dma source(%dma_start3A_838 : memref<1000000x256xf32, #tpu.memory_space<hbm>>) target(%dma_start3A_833 : memref<16x256xf32, #tpu.memory_space<vmem>>) offsets(%dma_start3A_835 : memref<16xi32, #tpu.memory_space<vmem>>) semaphore(%dma_start3A_840 : memref<!tpu.dma_semaphore, #tpu.memory_space<semaphore_mem>>)
        %jit3A_841 = arith.constant 2 : i32
        %div3A_842 = arith.divsi %add3A_789, %jit3A_841 : i32
        %sign3A_843 = arith.constant 0 : i32
        %sign3A_844 = arith.cmpi sgt, %add3A_789, %sign3A_843 : i32
        %sign3A_845 = arith.extui %sign3A_844 : i1 to i32
        %sign3A_846 = arith.constant 0 : i32
        %sign3A_847 = arith.cmpi slt, %add3A_789, %sign3A_846 : i32
        %sign3A_848 = arith.extui %sign3A_847 : i1 to i32
        %sign3A_849 = arith.subi %sign3A_845, %sign3A_848 : i32
        %sign3A_850 = arith.constant 0 : i32
        %sign3A_851 = arith.cmpi sgt, %jit3A_841, %sign3A_850 : i32
        %sign3A_852 = arith.extui %sign3A_851 : i1 to i32
        %sign3A_853 = arith.constant 0 : i32
        %sign3A_854 = arith.cmpi slt, %jit3A_841, %sign3A_853 : i32
        %sign3A_855 = arith.extui %sign3A_854 : i1 to i32
        %sign3A_856 = arith.subi %sign3A_852, %sign3A_855 : i32
        %ne3A_857 = arith.cmpi ne, %sign3A_849, %sign3A_856 : i32
        %rem3A_858 = arith.remsi %add3A_789, %jit3A_841 : i32
        %ne3A_859 = arith.constant 0 : i32
        %ne3A_860 = arith.cmpi ne, %rem3A_858, %ne3A_859 : i32
        %and3A_861 = arith.andi %ne3A_857, %ne3A_860 : i1
        %sub3A_862 = arith.constant 1 : i32
        %sub3A_863 = arith.subi %div3A_842, %sub3A_862 : i32
        %select_n3A_864 = arith.select %and3A_861, %sub3A_863, %div3A_842 : i32
        %jit3A_865 = arith.constant 2 : i32
        %eq3A_866 = arith.constant 0 : i32
        %eq3A_867 = arith.cmpi eq, %jit3A_865, %eq3A_866 : i32
        %jit3A_868 = arith.constant 1 : i32
        %select_n3A_869 = arith.select %eq3A_867, %jit3A_868, %jit3A_865 : i32
        %rem3A_870 = arith.remsi %add3A_789, %select_n3A_869 : i32
        %ne3A_871 = arith.constant 0 : i32
        %ne3A_872 = arith.cmpi ne, %rem3A_870, %ne3A_871 : i32
        %lt3A_873 = arith.constant 0 : i32
        %lt3A_874 = arith.cmpi slt, %rem3A_870, %lt3A_873 : i32
        %lt3A_875 = arith.constant 0 : i32
        %lt3A_876 = arith.cmpi slt, %select_n3A_869, %lt3A_875 : i32
        %ne3A_877 = arith.xori %lt3A_874, %lt3A_876 : i1
        %and3A_878 = arith.andi %ne3A_877, %ne3A_872 : i1
        %add3A_879 = arith.addi %rem3A_870, %select_n3A_869 : i32
        %select_n3A_880 = arith.select %and3A_878, %add3A_879, %rem3A_870 : i32
        %mul3A_881 = arith.constant 16 : i32
        %mul3A_882 = arith.muli %select_n3A_880, %mul3A_881 : i32
        %mul3A_883 = arith.constant 4 : i32
        %mul3A_884 = arith.muli %mul3A_882, %mul3A_883 : i32
        %dma_start3A_885 = arith.constant 3 : i32
        %dma_start3A_886 = arith.constant 3 : i32
        %dma_start3A_887 = arith.constant 0 : i32
        %dma_start3A_888 = arith.constant 0 : i32
        %dma_start3A_889 = tpu.memref_slice %arg11[%dma_start3A_885, %dma_start3A_887, %dma_start3A_888] : memref<4x64x256xf32, #tpu.memory_space<vmem>> -> memref<1x64x256xf32, #tpu.memory_space<vmem>>
        %dma_start3A_890 = tpu.memref_squeeze %dma_start3A_889 : memref<1x64x256xf32, #tpu.memory_space<vmem>> -> memref<64x256xf32, #tpu.memory_space<vmem>>
        %dma_start3A_891 = tpu.memref_slice %arg9[%select_n3A_864, %mul3A_884] : memref<16x128xi32, #tpu.memory_space<vmem>> -> memref<1x64xi32, #tpu.memory_space<vmem>>
        %dma_start3A_892 = tpu.memref_squeeze %dma_start3A_891 : memref<1x64xi32, #tpu.memory_space<vmem>> -> memref<64xi32, #tpu.memory_space<vmem>>
        %dma_start3A_893 = arith.constant 0 : i32
        %dma_start3A_894 = arith.constant 0 : i32
        %dma_start3A_895 = tpu.memref_slice %arg5[%dma_start3A_893, %dma_start3A_894] : memref<1000000x256xf32, #tpu.memory_space<hbm>> -> memref<1000000x256xf32, #tpu.memory_space<hbm>>
        %dma_start3A_896 = tpu.memref_slice %arg15[%dma_start3A_886] : memref<4x!tpu.dma_semaphore, #tpu.memory_space<semaphore_mem>> -> memref<1x!tpu.dma_semaphore, #tpu.memory_space<semaphore_mem>>
        %dma_start3A_897 = tpu.memref_squeeze %dma_start3A_896 : memref<1x!tpu.dma_semaphore, #tpu.memory_space<semaphore_mem>> -> memref<!tpu.dma_semaphore, #tpu.memory_space<semaphore_mem>>
        tpu.enqueue_indirect_dma source(%dma_start3A_895 : memref<1000000x256xf32, #tpu.memory_space<hbm>>) target(%dma_start3A_890 : memref<64x256xf32, #tpu.memory_space<vmem>>) offsets(%dma_start3A_892 : memref<64xi32, #tpu.memory_space<vmem>>) semaphore(%dma_start3A_897 : memref<!tpu.dma_semaphore, #tpu.memory_space<semaphore_mem>>)
      } else {
      }
    }
    %scan3A_265 = arith.constant 8 : i32
    %mul3A_266 = arith.constant 512 : i32
    %mul3A_267 = arith.muli %add3A, %mul3A_266 : i32
    "tpu.region"() ({
      %run_scoped3A = tpu.sem_alloc : memref<!tpu.dma_semaphore, #tpu.memory_space<semaphore_mem>>
      %dma_start3A_268 = tpu.memref_slice %arg6[%mul3A_267] : memref<16384xf32, #tpu.memory_space<hbm>> -> memref<512xf32, #tpu.memory_space<hbm>>
      %dma_start3A_269 = tpu.memref_slice %arg6[%mul3A_267] : memref<16384xf32, #tpu.memory_space<hbm>> -> memref<512xf32, #tpu.memory_space<hbm>>
      tpu.enqueue_dma source(%arg12 : memref<512xf32, #tpu.memory_space<vmem>>) target(%dma_start3A_269 : memref<512xf32, #tpu.memory_space<hbm>>) target_semaphore(%run_scoped3A : memref<!tpu.dma_semaphore, #tpu.memory_space<semaphore_mem>>)
      %dma_wait3A_270 = tpu.memref_slice %arg6[%mul3A_267] : memref<16384xf32, #tpu.memory_space<hbm>> -> memref<512xf32, #tpu.memory_space<hbm>>
      %dma_wait3A_271 = tpu.memref_slice %arg6[%mul3A_267] : memref<16384xf32, #tpu.memory_space<hbm>> -> memref<512xf32, #tpu.memory_space<hbm>>
      tpu.wait_dma2 semaphore(%run_scoped3A : memref<!tpu.dma_semaphore, #tpu.memory_space<semaphore_mem>>) src(%arg12 : memref<512xf32, #tpu.memory_space<vmem>>) dst(%dma_wait3A_271 : memref<512xf32, #tpu.memory_space<hbm>>)
      tpu.yield
    }) : () -> ()
    return
  }
}

</mosaic_0001>

<sc_bundles>
// kernel: _doc2vec_sc.3.cloned.1.call-start
scs
__scs_entry_jumppad:
0x0: {  	(pc) =	sbr.rel $0x88, $3  }
0x1: {  	(tag) =	ssettag $0x0;
	lr =	simm.s32 $0x1  }
0x2: {  	[smem:$0x3F9D] =	sst lr;
	_ =	strace $0xD0000000  }
0x3: {  	_ = 	snop  }
0x4: {  	_ = 	snop  }
0x5: {  	_ = 	snop  }
0x6: {  	_ = 	snop  }
0x7: {  	_ = 	snop  }
__scs_overlays_trampoline_lowered:
0x8: {  	[smem:$0x3FAC] =	sst s0  }
0x9: {  	[smem:$0x3FAD] =	sst s1  }
0xa: {  	[smem:$0x3FAE] =	sst s2  }
0xb: {  	[smem:$0x3FAF] =	sst s3  }
0xc: {  	[smem:$0x3FB0] =	sst s4  }
0xd: {  	[smem:$0x3FB1] =	sst s5  }
0xe: {  	[smem:$0x3FB2] =	sst s6  }
0xf: {  	[smem:$0x3FB3] =	sst s7  }
0x10: {  	[smem:$0x3FB4] =	sst s8  }
0x11: {  	[smem:$0x3FB5] =	sst s9;
	s0 =	simm.s32 @!p0 $0x0  }
0x12: {  	s1 =	sld [smem:$0x3F9B];
	s0 =	simm.s32 @p0 $0x1  }
0x13: {  	[smem:$0x3FB6] =	sst s0;
	s0 =	simm.s32 @!p1 $0x0  }
0x14: {  	s2 =	sld [smem:$0x3F9A];
	s0 =	simm.s32 @p1 $0x1  }
0x15: {  	[smem:$0x3FB7] =	sst s0;
	s0 =	simm.s32 @!p2 $0x0  }
0x16: {  	s3 =	sld [smem:$0x3FDB];
	s0 =	simm.s32 @p2 $0x1  }
0x17: {  	s4 =	simm.s32 $0x1BF5;
	[smem:$0x3FB9] =	sst s0  }
0x18: {  	s0 =	sld [smem:$0x3F9C];
	_ =	swait.ge [sflag:s4], $0x0  }
0x19: {  	s7 =	sld [smem:$0x3F9D]  }
0x1a: {  	s8 =	sadd.s32 $0xFFFFE003, lr  }
0x1b: {  	s9 =	sadd.s32 $0xFFFFFEF7, lr;
	s5 =	simm.s32 $0xFFFFFFFF;
	p2 =	slt.u32 s8, $0xFFFFF086  }
0x1c: {  	p1 =	slt.u32 s9, $0xF7A;
	s5 =	simm.s32 @!p2 $0x0  }
0x1d: {  	s5 =	simm.s32 @p1 $0x1;
	p0 =	seq.s32 s7, s2  }
0x1e: {  	s7 =	smul.u32 @!p0 $0xF7A, s2;
	p2 =	seq.s32 @!p0 s5, $0x0  }
0x1f: {  	s9 =	smul.u32 $0xF7A, s1;
	s8 =	simm.s32 @!p0 $0x1BF5;
	p2 =	por !p2, p0  }
0x20: {  	[sflag:s8] =	ssyncset.s32 @!p0 $0xFFFFF086;
	s6 =	sadd.s32 @!p0 s3, s7;
	s7 =	simm.s32 @!p0 $0x108  }
0x21: {  	s3 =	sadd.s32 s3, s9;
	s6 =	sadd.s32 @!p0 $0x88, s6;
	s7 =	simm.s32 @p2 $0x1082  }
0x22: {  	[simem:s7], [sflag:s8] =	dma.local @!p0 [hbm:s6], $0xF7A  }
0x23: {  	s9 =	sor.u32 $0xD0000000, s2;
	s6 =	simm.s32 $0x108;
	_ =	swait.ge @!p0 [sflag:s8], $0x0  }
0x24: {  	s3 =	sadd.s32 $0x88, s3;
	s6 =	simm.s32 @!p1 $0x1082;
	[sflag:s4] =	ssyncset.s32 $0xFFFFF086  }
0x25: {  	[simem:s6], [sflag:s4] =	dma.local [hbm:s3], $0xF7A  }
0x26: {  	[smem:$0x3F9D] =	sst s1;
	(tag) =	ssettag s2;
	_ =	strace s9  }
0x27: {  	s1 =	sld [smem:$0x3FAD]  }
0x28: {  	s2 =	sld [smem:$0x3FAE]  }
0x29: {  	s4 =	sld [smem:$0x3FB0]  }
0x2a: {  	p0 =	seq.s32 s5, $0x0;
	s5 =	sld [smem:$0x3FB1]  }
0x2b: {  	s6 =	sld [smem:$0x3FB2]  }
0x2c: {  	s7 =	sld [smem:$0x3FB3]  }
0x2d: {  	s3 =	simm.s32 $0x108;
	s8 =	sld [smem:$0x3FB4]  }
0x2e: {  	s3 =	simm.s32 @!p0 $0x1082;
	s9 =	sld [smem:$0x3FB5]  }
0x2f: {  	lr =	sadd.s32 s0, s3;
	s0 =	sld [smem:$0x3FAC]  }
0x30: {  	s3 =	sld [smem:$0x3FAF]  }
0x31: {  	[smem:$0x3FB8] =	sst s10  }
0x32: {  	s10 =	sld [smem:$0x3FB6];
	_ =	sdelay $0x3  }
0x33: {  	p0 =	seq.s32 s10, $0x1;
	s10 =	sld [smem:$0x3FB8];
	_ =	sdelay $0x3  }
0x34: {  	[smem:$0x3FB8] =	sst s10  }
0x35: {  	s10 =	sld [smem:$0x3FB7];
	_ =	sdelay $0x3  }
0x36: {  	p1 =	seq.s32 s10, $0x1;
	s10 =	sld [smem:$0x3FB8];
	_ =	sdelay $0x3  }
0x37: {  	[smem:$0x3FB8] =	sst s10  }
0x38: {  	s10 =	sld [smem:$0x3FB9]  }
0x39: {  	_ = 	snop;
	(pc) =	sbr.ind lr, $3  }
0x3a: {  	_ = 	snop  }
0x3b: {  	_ = 	snop  }
0x3c: {  	p2 =	seq.s32 s10, $0x1;
	s10 =	sld [smem:$0x3FB8]  }
0x3d: {  	_ =	shalt  }
0x3e: {  	_ =	shalt  }
0x3f: {  	_ =	shalt  }
0x40: {  	_ =	shalt  }
0x41: {  	_ =	shalt  }
0x42: {  	_ =	shalt  }
0x43: {  	_ =	shalt  }
0x44: {  	_ =	shalt  }
0x45: {  	_ =	shalt  }
0x46: {  	_ =	shalt  }
0x47: {  	_ =	shalt  }
0x48: {  	_ =	shalt  }
0x49: {  	_ =	shalt  }
0x4a: {  	_ =	shalt  }
0x4b: {  	_ =	shalt  }
0x4c: {  	_ =	shalt  }
0x4d: {  	_ =	shalt  }
0x4e: {  	_ =	shalt  }
0x4f: {  	_ =	shalt  }
0x50: {  	_ =	shalt  }
0x51: {  	_ =	shalt  }
0x52: {  	_ =	shalt  }
0x53: {  	_ =	shalt  }
0x54: {  	_ =	shalt  }
0x55: {  	_ =	shalt  }
0x56: {  	_ =	shalt  }
0x57: {  	_ =	shalt  }
0x58: {  	_ =	shalt  }
0x59: {  	_ =	shalt  }
0x5a: {  	_ =	shalt  }
0x5b: {  	_ =	shalt  }
0x5c: {  	_ =	shalt  }
0x5d: {  	_ =	shalt  }
0x5e: {  	_ =	shalt  }
0x5f: {  	_ =	shalt  }
0x60: {  	_ =	shalt  }
0x61: {  	_ =	shalt  }
0x62: {  	_ =	shalt  }
0x63: {  	_ =	shalt  }
0x64: {  	_ =	shalt  }
0x65: {  	_ =	shalt  }
0x66: {  	_ =	shalt  }
0x67: {  	_ =	shalt  }
0x68: {  	_ =	shalt  }
0x69: {  	_ =	shalt  }
0x6a: {  	_ =	shalt  }
0x6b: {  	_ =	shalt  }
0x6c: {  	_ =	shalt  }
0x6d: {  	_ =	shalt  }
0x6e: {  	_ =	shalt  }
0x6f: {  	_ =	shalt  }
0x70: {  	_ =	shalt  }
0x71: {  	_ =	shalt  }
0x72: {  	_ =	shalt  }
0x73: {  	_ =	shalt  }
0x74: {  	_ =	shalt  }
0x75: {  	_ =	shalt  }
0x76: {  	_ =	shalt  }
0x77: {  	_ =	shalt  }
0x78: {  	_ =	shalt  }
0x79: {  	_ =	shalt  }
0x7a: {  	_ =	shalt  }
0x7b: {  	_ =	shalt  }
0x7c: {  	_ =	shalt  }
0x7d: {  	_ =	shalt  }
0x7e: {  	_ =	shalt  }
0x7f: {  	_ =	shalt  }
0x80: {  	_ =	shalt  }
0x81: {  	_ =	shalt  }
0x82: {  	_ =	shalt  }
0x83: {  	_ =	shalt  }
0x84: {  	_ =	shalt  }
0x85: {  	_ =	shalt  }
0x86: {  	_ =	shalt  }
0x87: {  	_ =	shalt  }
.Lfunc_end0:
.L_simem_size_0:
called_computation_lowered:
.L_overlay_start_0:
0x88: {  	s2 =	sld [smem:$0x3FD9]  }
0x89: {  	s3 =	sld [smem:$0x3FFE];
	_ =	sdelay $0x1  }
0x8a: {  	s1 =	srdreg.scid  }
0x8b: {  	s0 =	sand.u32 $0x1, s1  }
0x8c: {  	s18 =	sshll.u32 s0, $0xA;
	s2 =	sadd.s32 s3, s2  }
0x8d: {  	s2 =	sadd.s32 s2, s18  }
0x8e: {  	[smem:$0x3FC4] =	sst s2  }
0x8f: {  	_ = 	snop  }
0x90: {  	s2 =	sld [smem:$0x3FC9]  }
0x91: {  	s19 =	sld [smem:$0x3FC8]  }
0x92: {  	s4 =	sld [smem:$0x3FC7]  }
0x93: {  	s5 =	sld [smem:$0x3FC6]  }
0x94: {  	s6 =	sld [smem:$0x3FD0];
	(tm) =	ssettm $0x1  }
0x95: {  	s7 =	sld [smem:$0x3FFB];
	_ =	sdelay $0x3  }
0x96: {  	_ =	strace s7  }
0x97: {  	s7 =	sld [smem:$0x3FFC];
	_ =	sdelay $0x3  }
0x98: {  	_ =	strace s7  }
0x99: {  	s7 =	sld [smem:$0x3FFD];
	_ =	sdelay $0x3  }
0x9a: {  	_ =	strace s7  }
0x9b: {  	_ =	strace $0x8FFFFFFF  }
0x9c: {  	s20 =	sld [smem:$0x3FDB];
	_ =	sdelay $0x1  }
0x9d: {  	s8 =	simm.s32 $_scs_section_size  }
0x9e: {  	s9 =	simm.s32 $_size__tile_overlayer_lowered;
	s10 =	simm.s32 $_tile_overlayer_lowered  }
0x9f: {  	s23 =	simm.s32 $0x1BFF;
	s22 =	sshll.u32 s10, $0x1;
	s7 =	sadd.s32 s8, s20  }
0xa0: {  	s11 =	simm.s32 $0x0;
	s21 =	sshll.u32 s9, $0x1;
	s9 =	sadd.s32 s22, s7  }
0xa1: {  	[timem:s11], [sflag:s23] =	dma.local [hbm:s9], s21  }
0xa2: {  	_ =	swait.ge [sflag:s23], s21  }
0xa3: {  	s8 =	ssub.s32 $0x0, s21;
	[sflag:s23] =	ssyncset.done $0x0  }
0xa4: {  	[sflag:s23] =	ssyncadd.s32 s8;
	_ =	sdelay $0x1  }
0xa5: {  	s24 =	simm.s32 $0x1B8B  }
0xa6: {  	_ =	swait.ge [sflag:s24], $0x1  }
0xa7: {  	[sflag:s24] =	ssyncset.done $0x0  }
0xa8: {  	s25 =	simm.s32 $0x1B8E;
	[sflag:s24] =	ssyncadd.s32 $0xFFFFFFFF  }
0xa9: {  	s26 =	simm.s32 $execute0_lowered;
	[smem:$0x3FD2] =	sst s25  }
0xaa: {  	s8 =	sshll.u32 s26, $0x1;
	_ =	strace $0x80000046;
	[dreg:$0x1] =	wrdreg $0xFFFFFFFF  }
0xab: {  	s28 =	simm.s32 $_size_execute0_lowered;
	s7 =	sadd.s32 s7, s8;
	[dreg:$0x0] =	wrdreg $0x0  }
0xac: {  	s8 =	sshll.u32 s28, $0x1;
	[dreg:$0x2] =	wrdreg s7  }
0xad: {  	[dreg:$0x3] =	wrdreg s8  }
0xae: {  	[dreg:$0x4] =	wrdreg $0xC0  }
0xaf: {  	_ =	task [dreg:s11], $0x5FFFF  }
0xb0: {  	[dreg:$0x1] =	wrdreg $0xFFFFFFFF  }
0xb1: {  	[dreg:$0x0] =	wrdreg $0x60  }
0xb2: {  	[dreg:$0x2] =	wrdreg s2  }
0xb3: {  	[dreg:$0x3] =	wrdreg s19  }
0xb4: {  	[dreg:$0x4] =	wrdreg s4  }
0xb5: {  	[dreg:$0x5] =	wrdreg s5  }
0xb6: {  	[dreg:$0x6] =	wrdreg s6  }
0xb7: {  	[dreg:$0x7] =	wrdreg $0x9  }
0xb8: {  	_ =	task.clear_ibuf [dreg:s11], $0x8FFFF;
	_ =	strace $0x90000046  }
0xb9: {  	s29 =	simm.s32 $0x9;
	_ =	strace $0x80000048  }
0xba: {  	_ =	swait.ge [sflag:s29], $0x1  }
0xbb: {  	[sflag:s29] =	ssyncadd.s32 $0xFFFFFFFF  }
0xbc: {  	_ =	strace $0x90000048  }
0xbd: {  	_ =	sfence  }
0xbe: {  	s30 =	sld [smem:$0x0];
	_ =	sdelay $0x2  }
0xbf: {  	s31 =	sshll.u32 s1, $0xD;
	s1 =	sshrl.u32 s1, $0x2  }
0xc0: {  	s3 =	sand.u32 $0x4000, s31;
	s1 =	sadd.s32 s1, s30  }
0xc1: {  	s0 =	sor.u32 s3, s0;
	s1 =	sshll.u32 s1, $0x11  }
0xc2: {  	s0 =	sor.u32 s1, s0  }
0xc3: {  	s0 =	sadd.s32 $0x8F2B, s0  }
0xc4: {  	[sflag:s0] =	ssyncadd.remote.s32 $0x1  }
0xc5: {  	_ =	sfence.sel $0xFFFF  }
0xc6: {  	[dreg:$0x0] =	wrdreg $0xFFFFFFFF;
	(pc) =	sbr.abs _section_cstart, $3  }
0xc7: {  	[dreg:$0x1] =	wrdreg $0xFFFFFFFF  }
0xc8: {  	_ =	task.clear_ibuf [dreg:s11], $0x2FFFF;
	_ =	strace $0x9FFFFFFF  }
0xc9: {  	(tm) =	ssettm $0x7FFFFFFF  }
tec
execute0_lowered:
.L_overlay_start_1:
0x0: {  	(tag) =	ssettag $0x1  }
0x1: {  	s0 =	rddreg [dreg:$0x0]  }
0x2: {  	s3 =	rddreg [dreg:$0x1]  }
0x3: {  	s1 =	rddreg [dreg:$0x2]  }
0x4: {  	s2 =	rddreg [dreg:$0x3]  }
0x5: {  	s5 =	rddreg [dreg:$0x4];
	s6 =	srdreg.scid  }
0x6: {  	s4 =	simm.s32 $0x0;
	s8 =	stileid.u32;
	s12 =	simm.s32 $0x200  }
0x7: {  	s16 =	simm.s32 $0x1;
	s17 =	simm.s32 $0x5;
	v0 =	vlaneseq.u32;
	s30 =	simm.s32 $0x13200  }
0x8: {  	s31 =	simm.s32 $0x13A00;
	s13 =	simm.s32 $0x15400;
	s14 =	simm.s32 $0x2;
	v6 =	vmul.u32 $0x80, v0  }
0x9: {  	s15 =	simm.s32 $0x6;
	s6 =	sand.u32 $0x1, s6;
	s8 =	sshll.u32 s8, $0x7;
	v3 =	vshrl.u32 v0, $0x3  }
0xa: {  	[smem:$0x7FF] =	sst s4;
	s7 =	ssub.s32 $0x2, s6;
	s6 =	sshll.u32 s6, $0x6;
	v4 =	vmul.u32 $0x8, v3;
	v3 =	vor.u32 $0x1, v6  }
0xb: {  	s11 =	simm.s32 $0x0;
	_ =	strace $0x80000047;
	s10 =	sor.u32 s6, s8;
	[tilespmem:$0x1FF70] =	vst v3;
	v3 =	vor.u32 $0x2, v6  }
0xc: {  	s9 =	sshrl.u32 s7, $0x1;
	s26 =	sadd.s32 s5, s6;
	s0 =	sadd.s32 s0, s10;
	[tilespmem:$0x1FF80] =	vst v3;
	v3 =	vor.u32 $0x3, v6  }
0xd: {  	s6 =	simm.s32 $0x3;
	s3 =	sadd.s32 s3, s10;
	[dreg:$0x7] =	wrdreg s0;
	[tilespmem:$0x1FF90] =	vst v3;
	v3 =	vor.u32 $0x4, v6  }
0xe: {  	s7 =	ssub.s32 s7, s9;
	s25 =	sadd.s32 $0x800, s3;
	[dreg:$0x6] =	wrdreg s3;
	[tilespmem:$0x1FFA0] =	vst v3;
	v3 =	vor.u32 $0x5, v6  }
.Ltmp0:
0xf: {  	vm0 =	vmmov $0xffff;
	v1 =	vand.u32 $0x3, v0;
	s28 =	sadd.s32 $0x1000, s3;
	[dreg:$0x8] =	wrdreg s25;
	[tilespmem:$0x1FFB0] =	vst v3;
	v3 =	vor.u32 $0x6, v6;
	(pc) =	sbr.rel .LBB2_1-.Ltmp0, $4  }
0x10: {  	v2 =	vand.u32 $0x7, v0;
	v5 =	vor.u32 $0x8, v0;
	s9 =	simm.s32 $0x8;
	s3 =	sadd.s32 $0x1800, s3;
	[dreg:$0x9] =	wrdreg s28;
	[tilespmem:$0x1FFC0] =	vst v3;
	v3 =	vor.u32 $0x7, v6  }
0x11: {  	v1 =	vmul.u32 $0x200, v1;
	v15 =	vor.u32 $0xA, v6;
	s0 =	sadd.s32 s8, s26;
	s29 =	smax.u32 s7, $0x1;
	[dreg:$0xa] =	wrdreg s3;
	[tilespmem:$0x1FFD0] =	vst v3;
	v3 =	vor.u32 $0x8, v6  }
0x12: {  	v16 =	vor.u32 $0xB, v6;
	v17 =	vor.u32 $0xC, v6;
	s7 =	simm.s32 $0x7;
	s8 =	simm.s32 $0x4;
	[dreg:$0xb] =	wrdreg s0;
	[tilespmem:$0x1FFE0] =	vst v3;
	v3 =	vor.u32 $0x9, v6  }
0x13: {  	v18 =	vor.u32 $0xD, v6;
	v19 =	vor.u32 $0xE, v6;
	v14 =	vmovc v6;
	v20 =	vor.u32 $0xF, v6;
	[dreg:$0xc] =	wrdreg s29;
	s0 =	simm.s32 $0x14200;
	s3 =	simm.s32 $0x14A00;
	[tilespmem:$0x1FFF0] =	vst v3  }
.LBB2_20:
0x14: {  	s5 =	rddreg [dreg:$0xb];
	s10 =	simm.s32 $0x15200;
	s28 =	simm.s32 $0x9  }
0x15: {  	[hbm4b:s5+s4] =	stream.linear.scatter [tilespmem:s10], [sflag:$0x9], $0x200, $0x38;
	[tilespmem:$0x15C00] =	vst v63  }
0x16: {  	_ =	swait.ge [sflag:s28], $0x200  }
0x17: {  	s11 =	rddreg [dreg:$0xd]  }
0x18: {  	s29 =	rddreg [dreg:$0xc];
	s11 =	sadd.s32 $0x1, s11  }
0x19: {  	p0 =	sne.s32 s11, s29  }
.Ltmp1:
0x1a: {  	_ = 	snop;
	(pc) =	sbr.rel @!p0 .LBB2_21-.Ltmp1, $3  }
0x1b: {  	_ =	sdelay $0x1  }
0x1c: {  	[sflag:s28] =	ssyncset.done $0x0  }
0x1d: {  	[sflag:s28] =	ssyncadd.s32 $0xFFFFFE00  }
.LBB2_1:
0x1e: {  	[dreg:$0xd] =	wrdreg s11  }
0x1f: {  	s5 =	rddreg [dreg:$0x7]  }
0x20: {  	[tilespmem:s4], [sflag:$0x1] =	stream.linear.gather [hbm4b:s5+s4], $0x200, $0x38;
	[tilespmem:$0x15C00] =	vst v63  }
0x21: {  	s23 =	rddreg [dreg:$0x6]  }
0x22: {  	[tilespmem:s12], [sflag:$0x5] =	stream.linear.gather [hbm4b:s23+s4], $0x200, $0x38;
	[tilespmem:$0x15C00] =	vst v63  }
0x23: {  	s24 =	rddreg [dreg:$0x8];
	s10 =	simm.s32 $0x400  }
0x24: {  	[tilespmem:s10], [sflag:$0x5] =	stream.linear.gather [hbm4b:s24+s4], $0x200, $0x38;
	[tilespmem:$0x15C00] =	vst v63  }
0x25: {  	s25 =	rddreg [dreg:$0x9];
	s26 =	simm.s32 $0x600  }
0x26: {  	[tilespmem:s26], [sflag:$0x5] =	stream.linear.gather [hbm4b:s25+s4], $0x200, $0x38;
	[tilespmem:$0x15C00] =	vst v63  }
0x27: {  	s28 =	rddreg [dreg:$0xa];
	s29 =	simm.s32 $0x800  }
0x28: {  	[tilespmem:s29], [sflag:$0x5] =	stream.linear.gather [hbm4b:s28+s4], $0x200, $0x38;
	[tilespmem:$0x15C00] =	vst v63  }
0x29: {  	_ =	swait.ge [sflag:s16], $0x200  }
0x2a: {  	[sflag:s16] =	ssyncset.done $0x0  }
0x2b: {  	[sflag:s16] =	ssyncadd.s32 $0xFFFFFE00  }
0x2c: {  	_ =	swait.ge [sflag:s17], $0x200  }
0x2d: {  	[sflag:s17] =	ssyncset.done $0x0  }
0x2e: {  	[sflag:s17] =	ssyncadd.s32 $0xFFFFFE00  }
0x2f: {  	v3 =	vmov s4;
	_ =	swait.ge [sflag:s17], $0x200  }
0x30: {  	v6 =	vor.u32 s4, v0;
	v3 =	vshrl.u32 v3, $0x2;
	[sflag:s17] =	ssyncset.done $0x0  }
0x31: {  	v6 =	vshrl.u32 v6, $0x2;
	v3 =	vand.u32 $0x3FFFFF80, v3;
	[sflag:s17] =	ssyncadd.s32 $0xFFFFFE00  }
0x32: {  	v6 =	vand.u32 $0x7F, v6;
	v3 =	vadd.s32 v1, v3;
	_ =	swait.ge [sflag:s17], $0x200  }
0x33: {  	v3 =	vor.u32 v6, v3;
	[sflag:s17] =	ssyncset.done $0x0  }
0x34: {  	s5 =	simm.s32 $0x10;
	[sflag:s17] =	ssyncadd.s32 $0xFFFFFE00  }
0x35: {  	v6 =	vmov s5;
	_ =	swait.ge [sflag:s17], $0x200  }
0x36: {  	v7 =	vor.u32 s5, v0;
	v6 =	vshrl.u32 v6, $0x2;
	[sflag:s17] =	ssyncset.done $0x0  }
0x37: {  	v7 =	vshrl.u32 v7, $0x2;
	v6 =	vand.u32 $0x3FFFFF80, v6;
	[sflag:s17] =	ssyncadd.s32 $0xFFFFFE00  }
0x38: {  	v7 =	vand.u32 $0x7F, v7;
	v21 =	vadd.s32 v1, v6;
	v6 =	vld.idx.msk [tilespmem:v3+s12+$0x0], $0xffff  }
0x39: {  	v3 =	vor.u32 v7, v21;
	_ =	sdelay $0x1  }
0x3a: {  	s10 =	simm.s32 $0x20  }
0x3b: {  	s11 =	simm.s32 $0x30;
	s18 =	sand.u32 $0x7F0, s4;
	v7 =	vmov s10  }
.LBB2_2:
0x3c: {  	p0 =	sne.s32 s11, $0x7F0;
	v21 =	vor.u32 s10, v0;
	v7 =	vshrl.u32 v7, $0x2;
	[tilespmem:s18+$0xA00] =	vst v6;
	s19 =	smov.u32 s10;
	s10 =	smov.u32 s11  }
0x3d: {  	v21 =	vshrl.u32 v21, $0x2;
	v7 =	vand.u32 $0x3FFFFF80, v7;
	v6 =	vld.idx.msk [tilespmem:v3+s12+$0x0], $0xffff  }
.Ltmp2:
0x3e: {  	v3 =	vand.u32 $0x7F, v21;
	v7 =	vadd.s32 v1, v7;
	(pc) =	sbr.rel @p0 .LBB2_2-.Ltmp2, $2  }
0x3f: {  	v3 =	vor.u32 v3, v7;
	_ =	sdelay $0x2  }
0x40: {  	s11 =	sadd.s32 $0x10, s11;
	s18 =	sand.u32 $0x7F0, s5;
	s5 =	smov.u32 s19;
	v7 =	vmov s10  }
0x41: {  	_ =	sdelay $0x1  }
0x42: {  	v21 =	vor.u32 s10, v0;
	v7 =	vshrl.u32 v7, $0x2  }
0x43: {  	[tilespmem:s18+$0xA00] =	vst v6;
	v6 =	vshrl.u32 v21, $0x2;
	v7 =	vand.u32 $0x3FFFFF80, v7  }
0x44: {  	v3 =	vld.idx.msk [tilespmem:v3+s12+$0x0], $0xffff;
	v6 =	vand.u32 $0x7F, v6;
	v7 =	vadd.s32 v1, v7  }
0x45: {  	v6 =	vor.u32 v6, v7;
	_ =	sdelay $0x2  }
0x46: {  	s5 =	sand.u32 $0x7F0, s5  }
0x47: {  	[tilespmem:s5+$0xA00] =	vst v3  }
0x48: {  	v3 =	vld.idx.msk [tilespmem:v6+s12+$0x0], $0xffff;
	_ =	sdelay $0x3  }
0x49: {  	s10 =	sand.u32 $0x7F0, s10  }
0x4a: {  	[tilespmem:s10+$0xA00] =	vst v3  }
0x4b: {  	v3 =	vld [tilespmem:$0x0];
	_ =	sdelay $0x4  }
0x4c: {  	v6 =	vshll.u32 v3, $0x1  }
0x4d: {  	v3 =	vand.u32 $0x7, v3;
	v6 =	vand.u32 $0xFFFFFFF0, v6  }
0x4e: {  	v3 =	vor.u32 v3, v6  }
0x4f: {  	v6 =	vperm.xlane v3, v2;
	_ =	sdelay $0x1  }
0x50: {  	v3 =	vperm.xlane v3, v5;
	v6 =	vadd.s32 v4, v6;
	_ =	sdelay $0x1  }
0x51: {  	v3 =	vadd.s32 v4, v3;
	_ =	sdelay $0x1  }
0x52: {  	s11 =	simm.s32 $0x1200;
	s10 =	simm.s32 $0x0  }
0x53: {  	[tilespmem:s11], [sflag:$0x1] =	stream.indirect_vreg.gather [hbm4b:s1+s10], $0x80, v6, vm0, $0xb8;
	[tilespmem:$0x15C00] =	vst v63  }
0x54: {  	s18 =	simm.s32 $0x1A00  }
0x55: {  	[tilespmem:s18], [sflag:$0x1] =	stream.indirect_vreg.gather [hbm4b:s1+s10], $0x80, v3, vm0, $0xb8;
	[tilespmem:$0x15C00] =	vst v63  }
0x56: {  	v3 =	vld [tilespmem:$0xA00];
	_ =	sdelay $0x4  }
0x57: {  	v6 =	vshll.u32 v3, $0x1  }
0x58: {  	v3 =	vand.u32 $0x7, v3;
	v6 =	vand.u32 $0xFFFFFFF0, v6  }
0x59: {  	v3 =	vor.u32 v3, v6  }
0x5a: {  	v6 =	vperm.xlane v3, v2;
	_ =	sdelay $0x1  }
0x5b: {  	v3 =	vperm.xlane v3, v5;
	v6 =	vadd.s32 v4, v6;
	_ =	sdelay $0x1  }
0x5c: {  	v3 =	vadd.s32 v4, v3;
	_ =	sdelay $0x1  }
0x5d: {  	s19 =	simm.s32 $0x5200  }
0x5e: {  	[tilespmem:s19], [sflag:$0x5] =	stream.indirect_vreg.gather [hbm4b:s2+s10], $0x80, v6, vm0, $0xb8;
	[tilespmem:$0x15C00] =	vst v63  }
0x5f: {  	s20 =	simm.s32 $0x5A00  }
0x60: {  	[tilespmem:s20], [sflag:$0x5] =	stream.indirect_vreg.gather [hbm4b:s2+s10], $0x80, v3, vm0, $0xb8;
	[tilespmem:$0x15C00] =	vst v63  }
0x61: {  	v3 =	vld [tilespmem:$0xA10];
	_ =	sdelay $0x4  }
0x62: {  	v6 =	vshll.u32 v3, $0x1  }
0x63: {  	v3 =	vand.u32 $0x7, v3;
	v6 =	vand.u32 $0xFFFFFFF0, v6  }
0x64: {  	v3 =	vor.u32 v3, v6  }
0x65: {  	v6 =	vperm.xlane v3, v2;
	_ =	sdelay $0x1  }
0x66: {  	v3 =	vperm.xlane v3, v5;
	v6 =	vadd.s32 v4, v6;
	_ =	sdelay $0x1  }
0x67: {  	v3 =	vadd.s32 v4, v3;
	_ =	sdelay $0x1  }
0x68: {  	s21 =	simm.s32 $0x6200  }
0x69: {  	[tilespmem:s21], [sflag:$0x5] =	stream.indirect_vreg.gather [hbm4b:s2+s10], $0x80, v6, vm0, $0xb8;
	[tilespmem:$0x15C00] =	vst v63  }
0x6a: {  	s22 =	simm.s32 $0x6A00  }
0x6b: {  	[tilespmem:s22], [sflag:$0x5] =	stream.indirect_vreg.gather [hbm4b:s2+s10], $0x80, v3, vm0, $0xb8;
	[tilespmem:$0x15C00] =	vst v63  }
0x6c: {  	v3 =	vld [tilespmem:$0xA20];
	_ =	sdelay $0x4  }
0x6d: {  	v6 =	vshll.u32 v3, $0x1  }
0x6e: {  	v3 =	vand.u32 $0x7, v3;
	v6 =	vand.u32 $0xFFFFFFF0, v6  }
0x6f: {  	v3 =	vor.u32 v3, v6  }
0x70: {  	v6 =	vperm.xlane v3, v2;
	_ =	sdelay $0x1  }
0x71: {  	v3 =	vperm.xlane v3, v5;
	v6 =	vadd.s32 v4, v6;
	_ =	sdelay $0x1  }
0x72: {  	v3 =	vadd.s32 v4, v3;
	_ =	sdelay $0x1  }
0x73: {  	s23 =	simm.s32 $0x7200  }
0x74: {  	[tilespmem:s23], [sflag:$0x5] =	stream.indirect_vreg.gather [hbm4b:s2+s10], $0x80, v6, vm0, $0xb8;
	[tilespmem:$0x15C00] =	vst v63  }
0x75: {  	s24 =	simm.s32 $0x7A00  }
0x76: {  	[tilespmem:s24], [sflag:$0x5] =	stream.indirect_vreg.gather [hbm4b:s2+s10], $0x80, v3, vm0, $0xb8;
	[tilespmem:$0x15C00] =	vst v63  }
0x77: {  	v3 =	vld [tilespmem:$0xA30];
	_ =	sdelay $0x4  }
0x78: {  	v6 =	vshll.u32 v3, $0x1  }
0x79: {  	v3 =	vand.u32 $0x7, v3;
	v6 =	vand.u32 $0xFFFFFFF0, v6  }
0x7a: {  	v3 =	vor.u32 v3, v6  }
0x7b: {  	v6 =	vperm.xlane v3, v2;
	_ =	sdelay $0x1  }
0x7c: {  	v3 =	vperm.xlane v3, v5;
	v6 =	vadd.s32 v4, v6;
	_ =	sdelay $0x1  }
0x7d: {  	v3 =	vadd.s32 v4, v3;
	_ =	sdelay $0x1  }
0x7e: {  	s25 =	simm.s32 $0x8200  }
0x7f: {  	[tilespmem:s25], [sflag:$0x5] =	stream.indirect_vreg.gather [hbm4b:s2+s10], $0x80, v6, vm0, $0xb8;
	[tilespmem:$0x15C00] =	vst v63  }
0x80: {  	s26 =	simm.s32 $0x8A00  }
0x81: {  	[tilespmem:s26], [sflag:$0x5] =	stream.indirect_vreg.gather [hbm4b:s2+s10], $0x80, v3, vm0, $0xb8;
	[tilespmem:$0x15C00] =	vst v63  }
0x82: {  	v3 =	vld [tilespmem:$0x10];
	_ =	sdelay $0x4  }
0x83: {  	v6 =	vshll.u32 v3, $0x1  }
0x84: {  	v3 =	vand.u32 $0x7, v3;
	v6 =	vand.u32 $0xFFFFFFF0, v6  }
0x85: {  	v3 =	vor.u32 v3, v6  }
0x86: {  	v6 =	vperm.xlane v3, v2;
	_ =	sdelay $0x1  }
0x87: {  	v3 =	vperm.xlane v3, v5;
	v6 =	vadd.s32 v4, v6;
	_ =	sdelay $0x1  }
0x88: {  	v3 =	vadd.s32 v4, v3;
	_ =	sdelay $0x1  }
0x89: {  	s28 =	simm.s32 $0x2200  }
0x8a: {  	[tilespmem:s28], [sflag:$0x2] =	stream.indirect_vreg.gather [hbm4b:s1+s10], $0x80, v6, vm0, $0xb8;
	[tilespmem:$0x15C00] =	vst v63  }
0x8b: {  	s29 =	simm.s32 $0x2A00  }
0x8c: {  	[tilespmem:s29], [sflag:$0x2] =	stream.indirect_vreg.gather [hbm4b:s1+s10], $0x80, v3, vm0, $0xb8;
	[tilespmem:$0x15C00] =	vst v63  }
0x8d: {  	v3 =	vld [tilespmem:$0xA40];
	_ =	sdelay $0x4  }
0x8e: {  	v6 =	vshll.u32 v3, $0x1  }
0x8f: {  	v3 =	vand.u32 $0x7, v3;
	v6 =	vand.u32 $0xFFFFFFF0, v6  }
0x90: {  	v3 =	vor.u32 v3, v6  }
0x91: {  	v6 =	vperm.xlane v3, v2;
	_ =	sdelay $0x1  }
0x92: {  	v3 =	vperm.xlane v3, v5;
	v6 =	vadd.s32 v4, v6;
	_ =	sdelay $0x1  }
0x93: {  	v3 =	vadd.s32 v4, v3;
	_ =	sdelay $0x1  }
0x94: {  	s11 =	simm.s32 $0x9200  }
0x95: {  	[tilespmem:s11], [sflag:$0x6] =	stream.indirect_vreg.gather [hbm4b:s2+s10], $0x80, v6, vm0, $0xb8;
	[tilespmem:$0x15C00] =	vst v63  }
0x96: {  	s18 =	simm.s32 $0x9A00  }
0x97: {  	[tilespmem:s18], [sflag:$0x6] =	stream.indirect_vreg.gather [hbm4b:s2+s10], $0x80, v3, vm0, $0xb8;
	[tilespmem:$0x15C00] =	vst v63  }
0x98: {  	v3 =	vld [tilespmem:$0xA50];
	_ =	sdelay $0x4  }
0x99: {  	v6 =	vshll.u32 v3, $0x1  }
0x9a: {  	v3 =	vand.u32 $0x7, v3;
	v6 =	vand.u32 $0xFFFFFFF0, v6  }
0x9b: {  	v3 =	vor.u32 v3, v6  }
0x9c: {  	v6 =	vperm.xlane v3, v2;
	_ =	sdelay $0x1  }
0x9d: {  	v3 =	vperm.xlane v3, v5;
	v6 =	vadd.s32 v4, v6;
	_ =	sdelay $0x1  }
0x9e: {  	v3 =	vadd.s32 v4, v3;
	_ =	sdelay $0x1  }
0x9f: {  	s19 =	simm.s32 $0xA200  }
0xa0: {  	[tilespmem:s19], [sflag:$0x6] =	stream.indirect_vreg.gather [hbm4b:s2+s10], $0x80, v6, vm0, $0xb8;
	[tilespmem:$0x15C00] =	vst v63  }
0xa1: {  	s20 =	simm.s32 $0xAA00  }
0xa2: {  	[tilespmem:s20], [sflag:$0x6] =	stream.indirect_vreg.gather [hbm4b:s2+s10], $0x80, v3, vm0, $0xb8;
	[tilespmem:$0x15C00] =	vst v63  }
0xa3: {  	v3 =	vld [tilespmem:$0xA60];
	_ =	sdelay $0x4  }
0xa4: {  	v6 =	vshll.u32 v3, $0x1  }
0xa5: {  	v3 =	vand.u32 $0x7, v3;
	v6 =	vand.u32 $0xFFFFFFF0, v6  }
0xa6: {  	v3 =	vor.u32 v3, v6  }
0xa7: {  	v6 =	vperm.xlane v3, v2;
	_ =	sdelay $0x1  }
0xa8: {  	v3 =	vperm.xlane v3, v5;
	v6 =	vadd.s32 v4, v6;
	_ =	sdelay $0x1  }
0xa9: {  	v3 =	vadd.s32 v4, v3;
	_ =	sdelay $0x1  }
0xaa: {  	s21 =	simm.s32 $0xB200  }
0xab: {  	[tilespmem:s21], [sflag:$0x6] =	stream.indirect_vreg.gather [hbm4b:s2+s10], $0x80, v6, vm0, $0xb8;
	[tilespmem:$0x15C00] =	vst v63  }
0xac: {  	s22 =	simm.s32 $0xBA00  }
0xad: {  	[tilespmem:s22], [sflag:$0x6] =	stream.indirect_vreg.gather [hbm4b:s2+s10], $0x80, v3, vm0, $0xb8;
	[tilespmem:$0x15C00] =	vst v63  }
0xae: {  	v3 =	vld [tilespmem:$0xA70];
	_ =	sdelay $0x4  }
0xaf: {  	v6 =	vshll.u32 v3, $0x1  }
0xb0: {  	v3 =	vand.u32 $0x7, v3;
	v6 =	vand.u32 $0xFFFFFFF0, v6  }
0xb1: {  	v3 =	vor.u32 v3, v6  }
0xb2: {  	v6 =	vperm.xlane v3, v2;
	_ =	sdelay $0x1  }
0xb3: {  	v3 =	vperm.xlane v3, v5;
	v6 =	vadd.s32 v4, v6;
	_ =	sdelay $0x1  }
0xb4: {  	v3 =	vadd.s32 v4, v3;
	_ =	sdelay $0x1  }
0xb5: {  	s23 =	simm.s32 $0xC200  }
0xb6: {  	[tilespmem:s23], [sflag:$0x6] =	stream.indirect_vreg.gather [hbm4b:s2+s10], $0x80, v6, vm0, $0xb8;
	[tilespmem:$0x15C00] =	vst v63  }
0xb7: {  	s24 =	simm.s32 $0xCA00  }
0xb8: {  	[tilespmem:s24], [sflag:$0x6] =	stream.indirect_vreg.gather [hbm4b:s2+s10], $0x80, v3, vm0, $0xb8;
	[tilespmem:$0x15C00] =	vst v63  }
0xb9: {  	v3 =	vld [tilespmem:$0x20];
	_ =	sdelay $0x4  }
0xba: {  	v6 =	vshll.u32 v3, $0x1  }
0xbb: {  	v3 =	vand.u32 $0x7, v3;
	v6 =	vand.u32 $0xFFFFFFF0, v6  }
0xbc: {  	v3 =	vor.u32 v3, v6  }
0xbd: {  	v6 =	vperm.xlane v3, v2;
	_ =	sdelay $0x1  }
0xbe: {  	v3 =	vperm.xlane v3, v5;
	v6 =	vadd.s32 v4, v6;
	_ =	sdelay $0x1  }
0xbf: {  	v3 =	vadd.s32 v4, v3;
	_ =	sdelay $0x1  }
0xc0: {  	s25 =	simm.s32 $0x3200  }
0xc1: {  	[tilespmem:s25], [sflag:$0x3] =	stream.indirect_vreg.gather [hbm4b:s1+s10], $0x80, v6, vm0, $0xb8;
	[tilespmem:$0x15C00] =	vst v63  }
0xc2: {  	s26 =	simm.s32 $0x3A00  }
0xc3: {  	[tilespmem:s26], [sflag:$0x3] =	stream.indirect_vreg.gather [hbm4b:s1+s10], $0x80, v3, vm0, $0xb8;
	[tilespmem:$0x15C00] =	vst v63  }
0xc4: {  	v3 =	vld [tilespmem:$0xA80];
	_ =	sdelay $0x4  }
0xc5: {  	v6 =	vshll.u32 v3, $0x1  }
0xc6: {  	v3 =	vand.u32 $0x7, v3;
	v6 =	vand.u32 $0xFFFFFFF0, v6  }
0xc7: {  	v3 =	vor.u32 v3, v6  }
0xc8: {  	v6 =	vperm.xlane v3, v2;
	_ =	sdelay $0x1  }
0xc9: {  	v3 =	vperm.xlane v3, v5;
	v6 =	vadd.s32 v4, v6;
	_ =	sdelay $0x1  }
0xca: {  	v3 =	vadd.s32 v4, v3;
	_ =	sdelay $0x1  }
0xcb: {  	s28 =	simm.s32 $0xD200  }
0xcc: {  	[tilespmem:s28], [sflag:$0x7] =	stream.indirect_vreg.gather [hbm4b:s2+s10], $0x80, v6, vm0, $0xb8;
	[tilespmem:$0x15C00] =	vst v63  }
0xcd: {  	s29 =	simm.s32 $0xDA00  }
0xce: {  	[tilespmem:s29], [sflag:$0x7] =	stream.indirect_vreg.gather [hbm4b:s2+s10], $0x80, v3, vm0, $0xb8;
	[tilespmem:$0x15C00] =	vst v63  }
0xcf: {  	v3 =	vld [tilespmem:$0xA90];
	_ =	sdelay $0x4  }
0xd0: {  	v6 =	vshll.u32 v3, $0x1  }
0xd1: {  	v3 =	vand.u32 $0x7, v3;
	v6 =	vand.u32 $0xFFFFFFF0, v6  }
0xd2: {  	v3 =	vor.u32 v3, v6  }
0xd3: {  	v6 =	vperm.xlane v3, v2;
	_ =	sdelay $0x1  }
0xd4: {  	v3 =	vperm.xlane v3, v5;
	v6 =	vadd.s32 v4, v6;
	_ =	sdelay $0x1  }
0xd5: {  	v3 =	vadd.s32 v4, v3;
	_ =	sdelay $0x1  }
0xd6: {  	s11 =	simm.s32 $0xE200  }
0xd7: {  	[tilespmem:s11], [sflag:$0x7] =	stream.indirect_vreg.gather [hbm4b:s2+s10], $0x80, v6, vm0, $0xb8;
	[tilespmem:$0x15C00] =	vst v63  }
0xd8: {  	s18 =	simm.s32 $0xEA00  }
0xd9: {  	[tilespmem:s18], [sflag:$0x7] =	stream.indirect_vreg.gather [hbm4b:s2+s10], $0x80, v3, vm0, $0xb8;
	[tilespmem:$0x15C00] =	vst v63  }
0xda: {  	v3 =	vld [tilespmem:$0xAA0];
	_ =	sdelay $0x4  }
0xdb: {  	v6 =	vshll.u32 v3, $0x1  }
0xdc: {  	v3 =	vand.u32 $0x7, v3;
	v6 =	vand.u32 $0xFFFFFFF0, v6  }
0xdd: {  	v3 =	vor.u32 v3, v6  }
0xde: {  	v6 =	vperm.xlane v3, v2;
	_ =	sdelay $0x1  }
0xdf: {  	v3 =	vperm.xlane v3, v5;
	v6 =	vadd.s32 v4, v6;
	_ =	sdelay $0x1  }
0xe0: {  	v3 =	vadd.s32 v4, v3;
	_ =	sdelay $0x1  }
0xe1: {  	s19 =	simm.s32 $0xF200  }
0xe2: {  	[tilespmem:s19], [sflag:$0x7] =	stream.indirect_vreg.gather [hbm4b:s2+s10], $0x80, v6, vm0, $0xb8;
	[tilespmem:$0x15C00] =	vst v63  }
0xe3: {  	s20 =	simm.s32 $0xFA00  }
0xe4: {  	[tilespmem:s20], [sflag:$0x7] =	stream.indirect_vreg.gather [hbm4b:s2+s10], $0x80, v3, vm0, $0xb8;
	[tilespmem:$0x15C00] =	vst v63  }
0xe5: {  	v3 =	vld [tilespmem:$0xAB0];
	_ =	sdelay $0x4  }
0xe6: {  	v6 =	vshll.u32 v3, $0x1  }
0xe7: {  	v3 =	vand.u32 $0x7, v3;
	v6 =	vand.u32 $0xFFFFFFF0, v6  }
0xe8: {  	v3 =	vor.u32 v3, v6  }
0xe9: {  	v6 =	vperm.xlane v3, v2;
	_ =	sdelay $0x1  }
0xea: {  	v3 =	vperm.xlane v3, v5;
	v6 =	vadd.s32 v4, v6;
	_ =	sdelay $0x1  }
0xeb: {  	v3 =	vadd.s32 v4, v3;
	_ =	sdelay $0x1  }
0xec: {  	s21 =	simm.s32 $0x10200  }
0xed: {  	[tilespmem:s21], [sflag:$0x7] =	stream.indirect_vreg.gather [hbm4b:s2+s10], $0x80, v6, vm0, $0xb8;
	[tilespmem:$0x15C00] =	vst v63  }
0xee: {  	s22 =	simm.s32 $0x10A00  }
0xef: {  	[tilespmem:s22], [sflag:$0x7] =	stream.indirect_vreg.gather [hbm4b:s2+s10], $0x80, v3, vm0, $0xb8;
	[tilespmem:$0x15C00] =	vst v63  }
0xf0: {  	v3 =	vld [tilespmem:$0x30];
	_ =	sdelay $0x4  }
0xf1: {  	v6 =	vshll.u32 v3, $0x1  }
0xf2: {  	v3 =	vand.u32 $0x7, v3;
	v6 =	vand.u32 $0xFFFFFFF0, v6  }
0xf3: {  	v3 =	vor.u32 v3, v6  }
0xf4: {  	v6 =	vperm.xlane v3, v2;
	_ =	sdelay $0x1  }
0xf5: {  	v3 =	vperm.xlane v3, v5;
	v6 =	vadd.s32 v4, v6;
	_ =	sdelay $0x1  }
0xf6: {  	v3 =	vadd.s32 v4, v3;
	_ =	sdelay $0x1  }
0xf7: {  	s23 =	simm.s32 $0x4200  }
0xf8: {  	[tilespmem:s23], [sflag:$0x4] =	stream.indirect_vreg.gather [hbm4b:s1+s10], $0x80, v6, vm0, $0xb8;
	[tilespmem:$0x15C00] =	vst v63  }
0xf9: {  	s24 =	simm.s32 $0x4A00  }
0xfa: {  	[tilespmem:s24], [sflag:$0x4] =	stream.indirect_vreg.gather [hbm4b:s1+s10], $0x80, v3, vm0, $0xb8;
	[tilespmem:$0x15C00] =	vst v63  }
0xfb: {  	v3 =	vld [tilespmem:$0xAC0];
	_ =	sdelay $0x4  }
0xfc: {  	v6 =	vshll.u32 v3, $0x1  }
0xfd: {  	v3 =	vand.u32 $0x7, v3;
	v6 =	vand.u32 $0xFFFFFFF0, v6  }
0xfe: {  	v3 =	vor.u32 v3, v6  }
0xff: {  	v6 =	vperm.xlane v3, v2;
	_ =	sdelay $0x1  }
0x100: {  	v3 =	vperm.xlane v3, v5;
	v6 =	vadd.s32 v4, v6;
	_ =	sdelay $0x1  }
0x101: {  	v3 =	vadd.s32 v4, v3;
	_ =	sdelay $0x1  }
0x102: {  	s25 =	simm.s32 $0x11200  }
0x103: {  	[tilespmem:s25], [sflag:$0x8] =	stream.indirect_vreg.gather [hbm4b:s2+s10], $0x80, v6, vm0, $0xb8;
	[tilespmem:$0x15C00] =	vst v63  }
0x104: {  	s26 =	simm.s32 $0x11A00  }
0x105: {  	[tilespmem:s26], [sflag:$0x8] =	stream.indirect_vreg.gather [hbm4b:s2+s10], $0x80, v3, vm0, $0xb8;
	[tilespmem:$0x15C00] =	vst v63  }
0x106: {  	v3 =	vld [tilespmem:$0xAD0];
	_ =	sdelay $0x4  }
0x107: {  	v6 =	vshll.u32 v3, $0x1  }
0x108: {  	v3 =	vand.u32 $0x7, v3;
	v6 =	vand.u32 $0xFFFFFFF0, v6  }
0x109: {  	v3 =	vor.u32 v3, v6  }
0x10a: {  	v6 =	vperm.xlane v3, v2;
	_ =	sdelay $0x1  }
0x10b: {  	v3 =	vperm.xlane v3, v5;
	v6 =	vadd.s32 v4, v6;
	_ =	sdelay $0x1  }
0x10c: {  	v3 =	vadd.s32 v4, v3;
	_ =	sdelay $0x1  }
0x10d: {  	s28 =	simm.s32 $0x12200  }
0x10e: {  	[tilespmem:s28], [sflag:$0x8] =	stream.indirect_vreg.gather [hbm4b:s2+s10], $0x80, v6, vm0, $0xb8;
	[tilespmem:$0x15C00] =	vst v63  }
0x10f: {  	s29 =	simm.s32 $0x12A00  }
0x110: {  	[tilespmem:s29], [sflag:$0x8] =	stream.indirect_vreg.gather [hbm4b:s2+s10], $0x80, v3, vm0, $0xb8;
	[tilespmem:$0x15C00] =	vst v63  }
0x111: {  	v3 =	vld [tilespmem:$0xAE0];
	_ =	sdelay $0x4  }
0x112: {  	v6 =	vshll.u32 v3, $0x1  }
0x113: {  	v3 =	vand.u32 $0x7, v3;
	v6 =	vand.u32 $0xFFFFFFF0, v6  }
0x114: {  	v3 =	vor.u32 v3, v6  }
0x115: {  	v6 =	vperm.xlane v3, v2;
	_ =	sdelay $0x1  }
0x116: {  	v3 =	vperm.xlane v3, v5;
	v6 =	vadd.s32 v4, v6;
	_ =	sdelay $0x1  }
0x117: {  	v3 =	vadd.s32 v4, v3;
	_ =	sdelay $0x2  }
0x118: {  	[tilespmem:s30], [sflag:$0x8] =	stream.indirect_vreg.gather [hbm4b:s2+s10], $0x80, v6, vm0, $0xb8;
	[tilespmem:$0x15C00] =	vst v63  }
0x119: {  	_ = 	snop  }
0x11a: {  	[tilespmem:s31], [sflag:$0x8] =	stream.indirect_vreg.gather [hbm4b:s2+s10], $0x80, v3, vm0, $0xb8;
	[tilespmem:$0x15C00] =	vst v63  }
0x11b: {  	v3 =	vld [tilespmem:$0xAF0];
	_ =	sdelay $0x4  }
0x11c: {  	v6 =	vshll.u32 v3, $0x1  }
0x11d: {  	v3 =	vand.u32 $0x7, v3;
	v6 =	vand.u32 $0xFFFFFFF0, v6  }
0x11e: {  	v3 =	vor.u32 v3, v6  }
0x11f: {  	v6 =	vperm.xlane v3, v2;
	_ =	sdelay $0x1  }
0x120: {  	v3 =	vperm.xlane v3, v5;
	v6 =	vadd.s32 v4, v6;
	_ =	sdelay $0x1  }
0x121: {  	v3 =	vadd.s32 v4, v3;
	_ =	sdelay $0x2  }
0x122: {  	[tilespmem:s0], [sflag:$0x8] =	stream.indirect_vreg.gather [hbm4b:s2+s10], $0x80, v6, vm0, $0xb8;
	[tilespmem:$0x15C00] =	vst v63  }
0x123: {  	s11 =	simm.s32 $0x0  }
0x124: {  	[tilespmem:s3], [sflag:$0x8] =	stream.indirect_vreg.gather [hbm4b:s2+s10], $0x80, v3, vm0, $0xb8;
	[tilespmem:$0x15C00] =	vst v63  }
.LBB2_4:
0x125: {  	_ =	swait.ge [sflag:s16], $0x1000  }
0x126: {  	p0 =	por $0x0, $0x0;
	s5 =	simm.s32 $0x1;
	[sflag:s16] =	ssyncset.done $0x0  }
0x127: {  	s5 =	simm.s32 @!p0 $0x0;
	[sflag:s16] =	ssyncadd.s32 $0xFFFFF000  }
0x128: {  	s5 =	sshll.u32 s5, $0x9;
	_ =	swait.ge [sflag:s17], $0x4000  }
0x129: {  	s21 =	sadd.s32 $0x0, s5;
	[sflag:s17] =	ssyncset.done $0x0  }
0x12a: {  	s5 =	sadd.s32 $0x80, s21;
	s18 =	sor.u32 $0x470, s21;
	[sflag:s17] =	ssyncadd.s32 $0xFFFFC000  }
0x12b: {  	s19 =	sadd.s32 $0x100, s21;
	s28 =	sor.u32 $0x470, s5;
	v21 =	vld [tilespmem:s18+$0x5200]  }
0x12c: {  	s29 =	sor.u32 $0x470, s19;
	v22 =	vld [tilespmem:s28+$0x5200]  }
0x12d: {  	s20 =	sor.u32 $0x460, s21;
	v23 =	vld [tilespmem:s29+$0x5200]  }
0x12e: {  	s22 =	sor.u32 $0x460, s5;
	v24 =	vld [tilespmem:s20+$0x5200]  }
0x12f: {  	s23 =	sor.u32 $0x460, s19;
	v25 =	vld [tilespmem:s22+$0x5200]  }
0x130: {  	s24 =	sor.u32 $0x450, s21;
	v26 =	vld [tilespmem:s23+$0x5200]  }
0x131: {  	s25 =	sor.u32 $0x450, s5;
	v27 =	vld [tilespmem:s24+$0x5200]  }
0x132: {  	s26 =	sor.u32 $0x450, s19;
	v28 =	vld [tilespmem:s25+$0x5200]  }
0x133: {  	s28 =	sor.u32 $0x440, s21;
	v29 =	vld [tilespmem:s26+$0x5200]  }
0x134: {  	s29 =	sor.u32 $0x440, s5;
	v30 =	vld [tilespmem:s28+$0x5200]  }
0x135: {  	s20 =	sor.u32 $0x440, s19;
	v31 =	vld [tilespmem:s29+$0x5200]  }
0x136: {  	s22 =	sor.u32 $0x430, s21;
	v32 =	vld [tilespmem:s20+$0x5200]  }
0x137: {  	s23 =	sor.u32 $0x430, s5;
	v33 =	vld [tilespmem:s22+$0x5200]  }
0x138: {  	s24 =	sor.u32 $0x430, s19;
	v34 =	vld [tilespmem:s23+$0x5200]  }
0x139: {  	s25 =	sor.u32 $0x420, s21;
	v35 =	vld [tilespmem:s24+$0x5200]  }
0x13a: {  	s26 =	sor.u32 $0x420, s5;
	v36 =	vld [tilespmem:s25+$0x5200]  }
0x13b: {  	v37 =	vld [tilespmem:s26+$0x5200];
	s28 =	sor.u32 $0x420, s19  }
0x13c: {  	s29 =	sor.u32 $0x410, s21;
	v38 =	vld [tilespmem:s28+$0x5200]  }
0x13d: {  	s20 =	sor.u32 $0x410, s5;
	v39 =	vld [tilespmem:s29+$0x5200]  }
0x13e: {  	s22 =	sor.u32 $0x410, s19;
	v40 =	vld [tilespmem:s20+$0x5200]  }
0x13f: {  	s23 =	sor.u32 $0x400, s21;
	v41 =	vld [tilespmem:s22+$0x5200]  }
0x140: {  	s5 =	sor.u32 $0x400, s5;
	v42 =	vld [tilespmem:s23+$0x5200]  }
0x141: {  	s24 =	sand.u32 $0x3800, s10;
	s25 =	sand.u32 $0x200, s10;
	s26 =	sor.u32 $0x400, s19;
	v43 =	vld [tilespmem:s5+$0x5200]  }
0x142: {  	s23 =	sor.u32 s25, s24;
	v44 =	vld [tilespmem:s26+$0x5200]  }
0x143: {  	v45 =	vld [tilespmem:s23+$0x5270]  }
0x144: {  	v46 =	vld [tilespmem:s23+$0x52F0]  }
0x145: {  	v47 =	vld [tilespmem:s23+$0x5370]  }
0x146: {  	v48 =	vld [tilespmem:s23+$0x5260]  }
0x147: {  	v49 =	vld [tilespmem:s23+$0x52E0]  }
0x148: {  	v50 =	vld [tilespmem:s23+$0x5360]  }
0x149: {  	v51 =	vld [tilespmem:s23+$0x5250]  }
0x14a: {  	v52 =	vld [tilespmem:s23+$0x52D0]  }
0x14b: {  	v53 =	vld [tilespmem:s23+$0x5350]  }
0x14c: {  	v54 =	vld [tilespmem:s23+$0x5240]  }
0x14d: {  	v55 =	vld [tilespmem:s23+$0x52C0]  }
0x14e: {  	v56 =	vld [tilespmem:s23+$0x5340]  }
0x14f: {  	v57 =	vld [tilespmem:s23+$0x5230]  }
0x150: {  	v58 =	vld [tilespmem:s23+$0x52B0]  }
0x151: {  	v59 =	vld [tilespmem:s23+$0x5330]  }
0x152: {  	v61 =	vld [tilespmem:s23+$0x5220]  }
0x153: {  	v62 =	vld [tilespmem:s23+$0x52A0]  }
0x154: {  	v63 =	vld [tilespmem:s23+$0x5210]  }
0x155: {  	v3 =	vld [tilespmem:s23+$0x5290]  }
0x156: {  	s28 =	sand.u32 $0x800, s10;
	s29 =	sand.u32 $0x380, s10;
	v6 =	vld [tilespmem:s23+$0x5200]  }
0x157: {  	s18 =	simm.s32 $0x400;
	s22 =	sor.u32 s29, s28;
	v7 =	vld [tilespmem:s23+$0x5280]  }
0x158: {  	s19 =	simm.s32 $0x0;
	s5 =	simm.s32 $0x0;
	s20 =	simm.s32 $0x0;
	v60 =	vld [tilespmem:s22+$0x1200]  }
.LBB2_5:
0x159: {  	p1 =	sne.s32 s18, $0x3C00;
	v8 =	vld [tilespmem:s23+$0x5300]  }
0x15a: {  	v9 =	vld [tilespmem:s23+$0x5380]  }
0x15b: {  	v10 =	vld [tilespmem:s23+$0x5310]  }
0x15c: {  	v11 =	vld [tilespmem:s23+$0x5390]  }
0x15d: {  	v12 =	vld [tilespmem:s23+$0x5320]  }
0x15e: {  	v13 =	vld [tilespmem:s23+$0x53A0]  }
0x15f: {  	v6 =	vadd.f32 v7, v6;
	v7 =	vadd.f32 v9, v8;
	v8 =	vld [tilespmem:s23+$0x53B0]  }
0x160: {  	v3 =	vadd.f32 v3, v63;
	v9 =	vld [tilespmem:s22+$0x1210]  }
0x161: {  	v6 =	vadd.f32 v7, v6;
	v7 =	vadd.f32 v11, v10;
	v10 =	vld [tilespmem:s23+$0x53C0]  }
0x162: {  	v61 =	vadd.f32 v62, v61;
	v11 =	vld [tilespmem:s22+$0x1220]  }
0x163: {  	v6 =	vmul.f32 v6, v60;
	v3 =	vadd.f32 v7, v3;
	v7 =	vadd.f32 v13, v12;
	v12 =	vld [tilespmem:s23+$0x53D0]  }
0x164: {  	v57 =	vadd.f32 v58, v57;
	v13 =	vld [tilespmem:s22+$0x1230];
	v8 =	vadd.f32 v8, v59  }
0x165: {  	v6 =	vadd.f32 $0.0e+00, v6;
	v3 =	vmul.f32 v3, v9;
	v7 =	vadd.f32 v7, v61;
	v9 =	vld [tilespmem:s23+$0x53E0]  }
0x166: {  	v54 =	vadd.f32 v55, v54;
	v58 =	vld [tilespmem:s22+$0x1240];
	v10 =	vadd.f32 v10, v56  }
0x167: {  	s21 =	sadd.s32 $0x180, s21;
	v3 =	vadd.f32 v3, v6;
	v6 =	vmul.f32 v7, v11;
	v7 =	vadd.f32 v8, v57;
	v8 =	vld [tilespmem:s23+$0x53F0]  }
0x168: {  	v51 =	vadd.f32 v52, v51;
	s23 =	sor.u32 $0x400, s21;
	v11 =	vld [tilespmem:s22+$0x1250];
	v12 =	vadd.f32 v12, v53  }
0x169: {  	v3 =	vadd.f32 v6, v3;
	v6 =	vmul.f32 v7, v13;
	v7 =	vadd.f32 v10, v54;
	v10 =	vld [tilespmem:s23+$0x5200]  }
0x16a: {  	v48 =	vadd.f32 v49, v48;
	s23 =	sor.u32 $0x410, s21;
	v13 =	vld [tilespmem:s22+$0x1260];
	v9 =	vadd.f32 v9, v50  }
0x16b: {  	v3 =	vadd.f32 v6, v3;
	v6 =	vmul.f32 v7, v58;
	v7 =	vadd.f32 v12, v51;
	v12 =	vld [tilespmem:s23+$0x5200]  }
0x16c: {  	v45 =	vadd.f32 v46, v45;
	s23 =	sor.u32 $0x420, s21;
	v49 =	vld [tilespmem:s22+$0x1270];
	v8 =	vadd.f32 v8, v47  }
0x16d: {  	v3 =	vadd.f32 v6, v3;
	v6 =	vmul.f32 v7, v11;
	v7 =	vadd.f32 v9, v48;
	v9 =	vld [tilespmem:s23+$0x5200]  }
0x16e: {  	v42 =	vadd.f32 v43, v42;
	s23 =	sor.u32 $0x430, s21;
	v11 =	vld [tilespmem:s22+$0x1600];
	v10 =	vadd.f32 v10, v44  }
0x16f: {  	v3 =	vadd.f32 v6, v3;
	v6 =	vmul.f32 v7, v13;
	v7 =	vadd.f32 v8, v45;
	v8 =	vld [tilespmem:s23+$0x5200]  }
0x170: {  	v39 =	vadd.f32 v40, v39;
	s23 =	sor.u32 $0x440, s21;
	v13 =	vld [tilespmem:s22+$0x1610];
	v12 =	vadd.f32 v12, v41  }
0x171: {  	v3 =	vadd.f32 v6, v3;
	v6 =	vmul.f32 v7, v49;
	v7 =	vadd.f32 v10, v42;
	v10 =	vld [tilespmem:s23+$0x5200]  }
0x172: {  	v36 =	vadd.f32 v37, v36;
	s23 =	sor.u32 $0x450, s21;
	v40 =	vld [tilespmem:s22+$0x1620];
	v9 =	vadd.f32 v9, v38  }
0x173: {  	v3 =	vadd.f32 v6, v3;
	v6 =	vmul.f32 v7, v11;
	v7 =	vadd.f32 v12, v39;
	v11 =	vld [tilespmem:s23+$0x5200]  }
0x174: {  	v33 =	vadd.f32 v34, v33;
	s23 =	sor.u32 $0x460, s21;
	v12 =	vld [tilespmem:s22+$0x1630];
	v8 =	vadd.f32 v8, v35  }
0x175: {  	v3 =	vadd.f32 v6, v3;
	v6 =	vmul.f32 v7, v13;
	v7 =	vadd.f32 v9, v36;
	v9 =	vld [tilespmem:s23+$0x5200]  }
0x176: {  	v30 =	vadd.f32 v31, v30;
	s21 =	sor.u32 $0x470, s21;
	v13 =	vld [tilespmem:s22+$0x1640];
	v10 =	vadd.f32 v10, v32  }
0x177: {  	v3 =	vadd.f32 v6, v3;
	v6 =	vmul.f32 v7, v40;
	v7 =	vadd.f32 v8, v33;
	v8 =	vld [tilespmem:s21+$0x5200]  }
0x178: {  	v27 =	vadd.f32 v28, v27;
	v31 =	vld [tilespmem:s22+$0x1650];
	v11 =	vadd.f32 v11, v29  }
0x179: {  	v3 =	vadd.f32 v6, v3;
	v6 =	vmul.f32 v7, v12;
	v7 =	vadd.f32 v10, v30  }
0x17a: {  	v12 =	vadd.f32 v25, v24;
	v10 =	vld [tilespmem:s22+$0x1660];
	v9 =	vadd.f32 v9, v26  }
0x17b: {  	v3 =	vadd.f32 v6, v3;
	v6 =	vmul.f32 v7, v13;
	v7 =	vadd.f32 v11, v27  }
0x17c: {  	v13 =	vadd.f32 v22, v21;
	v11 =	vld [tilespmem:s22+$0x1670];
	v8 =	vadd.f32 v8, v23  }
0x17d: {  	v3 =	vadd.f32 v6, v3;
	v6 =	vmul.f32 v7, v31;
	v7 =	vadd.f32 v9, v12;
	_ =	sdelay $0x1  }
0x17e: {  	v3 =	vadd.f32 v6, v3;
	v6 =	vmul.f32 v7, v10;
	v7 =	vadd.f32 v8, v13;
	_ =	sdelay $0x1  }
0x17f: {  	p0 =	por !p0, !p0;
	s21 =	simm.s32 $0x1;
	v3 =	vadd.f32 v6, v3;
	v6 =	vmul.f32 v7, v11  }
0x180: {  	s21 =	simm.s32 @!p0 $0x0  }
0x181: {  	s21 =	sshll.u32 s21, $0x9;
	v3 =	vadd.f32 v6, v3  }
0x182: {  	s21 =	sadd.s32 s21, s18;
	s22 =	sshra.s32 s5, $0x2  }
0x183: {  	s23 =	sadd.s32 $0x80, s21;
	s24 =	sor.u32 $0x470, s21;
	[tilespmem:s22+$0x15400] =	vst v3  }
0x184: {  	s22 =	sadd.s32 $0x100, s21;
	v21 =	vld [tilespmem:s24+$0x5200];
	s24 =	sor.u32 $0x470, s23  }
0x185: {  	v22 =	vld [tilespmem:s24+$0x5200];
	s24 =	sor.u32 $0x470, s22  }
0x186: {  	s25 =	sor.u32 $0x460, s21;
	v23 =	vld [tilespmem:s24+$0x5200]  }
0x187: {  	s24 =	sor.u32 $0x460, s23;
	v24 =	vld [tilespmem:s25+$0x5200]  }
0x188: {  	v25 =	vld [tilespmem:s24+$0x5200];
	s24 =	sor.u32 $0x460, s22  }
0x189: {  	s25 =	sor.u32 $0x450, s21;
	v26 =	vld [tilespmem:s24+$0x5200]  }
0x18a: {  	s24 =	sor.u32 $0x450, s23;
	v27 =	vld [tilespmem:s25+$0x5200]  }
0x18b: {  	v28 =	vld [tilespmem:s24+$0x5200];
	s24 =	sor.u32 $0x450, s22  }
0x18c: {  	s25 =	sor.u32 $0x440, s21;
	v29 =	vld [tilespmem:s24+$0x5200]  }
0x18d: {  	s24 =	sor.u32 $0x440, s23;
	v30 =	vld [tilespmem:s25+$0x5200]  }
0x18e: {  	v31 =	vld [tilespmem:s24+$0x5200];
	s24 =	sor.u32 $0x440, s22  }
0x18f: {  	s25 =	sor.u32 $0x430, s21;
	v32 =	vld [tilespmem:s24+$0x5200]  }
0x190: {  	s24 =	sor.u32 $0x430, s23;
	v33 =	vld [tilespmem:s25+$0x5200]  }
0x191: {  	v34 =	vld [tilespmem:s24+$0x5200];
	s24 =	sor.u32 $0x430, s22  }
0x192: {  	s25 =	sor.u32 $0x420, s21;
	v35 =	vld [tilespmem:s24+$0x5200]  }
0x193: {  	s24 =	sor.u32 $0x420, s23;
	v36 =	vld [tilespmem:s25+$0x5200]  }
0x194: {  	v37 =	vld [tilespmem:s24+$0x5200];
	s24 =	sor.u32 $0x420, s22  }
0x195: {  	s25 =	sor.u32 $0x410, s21;
	v38 =	vld [tilespmem:s24+$0x5200]  }
0x196: {  	s24 =	sor.u32 $0x410, s23;
	v39 =	vld [tilespmem:s25+$0x5200]  }
0x197: {  	v40 =	vld [tilespmem:s24+$0x5200];
	s24 =	sor.u32 $0x410, s22  }
0x198: {  	s25 =	sor.u32 $0x400, s21;
	v41 =	vld [tilespmem:s24+$0x5200]  }
0x199: {  	s5 =	sadd.s32 $0x200, s5;
	s23 =	sor.u32 $0x400, s23;
	v42 =	vld [tilespmem:s25+$0x5200]  }
0x19a: {  	s22 =	sor.u32 $0x400, s22;
	s24 =	sand.u32 $0x3800, s18;
	s25 =	sand.u32 $0x200, s5;
	v43 =	vld [tilespmem:s23+$0x5200]  }
0x19b: {  	s23 =	sor.u32 s25, s24;
	v44 =	vld [tilespmem:s22+$0x5200]  }
0x19c: {  	v45 =	vld [tilespmem:s23+$0x5270]  }
0x19d: {  	v46 =	vld [tilespmem:s23+$0x52F0]  }
0x19e: {  	v47 =	vld [tilespmem:s23+$0x5370]  }
0x19f: {  	v48 =	vld [tilespmem:s23+$0x5260]  }
0x1a0: {  	v49 =	vld [tilespmem:s23+$0x52E0]  }
0x1a1: {  	v50 =	vld [tilespmem:s23+$0x5360]  }
0x1a2: {  	v51 =	vld [tilespmem:s23+$0x5250]  }
0x1a3: {  	v52 =	vld [tilespmem:s23+$0x52D0]  }
0x1a4: {  	v53 =	vld [tilespmem:s23+$0x5350]  }
0x1a5: {  	v54 =	vld [tilespmem:s23+$0x5240]  }
0x1a6: {  	v55 =	vld [tilespmem:s23+$0x52C0]  }
0x1a7: {  	v56 =	vld [tilespmem:s23+$0x5340]  }
0x1a8: {  	s19 =	sadd.s32 $0x80, s19;
	s20 =	sadd.s32 $0x100, s20;
	v57 =	vld [tilespmem:s23+$0x5230]  }
0x1a9: {  	s24 =	sand.u32 $0x380, s19;
	s22 =	sand.u32 $0x800, s20;
	v58 =	vld [tilespmem:s23+$0x52B0]  }
0x1aa: {  	s22 =	sor.u32 s24, s22;
	v59 =	vld [tilespmem:s23+$0x5330]  }
0x1ab: {  	v60 =	vld [tilespmem:s22+$0x1200]  }
0x1ac: {  	v61 =	vld [tilespmem:s23+$0x5220]  }
.Ltmp3:
0x1ad: {  	v62 =	vld [tilespmem:s23+$0x52A0];
	(pc) =	sbr.rel @p1 .LBB2_5-.Ltmp3, $4  }
0x1ae: {  	v63 =	vld [tilespmem:s23+$0x5210]  }
0x1af: {  	v3 =	vld [tilespmem:s23+$0x5290]  }
0x1b0: {  	v6 =	vld [tilespmem:s23+$0x5200]  }
0x1b1: {  	s18 =	sadd.s32 $0x400, s18;
	v7 =	vld [tilespmem:s23+$0x5280]  }
0x1b2: {  	v8 =	vld [tilespmem:s23+$0x5300]  }
0x1b3: {  	v9 =	vld [tilespmem:s23+$0x5380]  }
0x1b4: {  	v10 =	vld [tilespmem:s23+$0x5310]  }
0x1b5: {  	v11 =	vld [tilespmem:s23+$0x5390]  }
0x1b6: {  	v12 =	vld [tilespmem:s23+$0x5320]  }
0x1b7: {  	v13 =	vld [tilespmem:s23+$0x53A0]  }
0x1b8: {  	v6 =	vadd.f32 v7, v6;
	v7 =	vadd.f32 v9, v8;
	v8 =	vld [tilespmem:s23+$0x53B0]  }
0x1b9: {  	v3 =	vadd.f32 v3, v63;
	v9 =	vld [tilespmem:s22+$0x1210]  }
0x1ba: {  	v6 =	vadd.f32 v7, v6;
	v7 =	vadd.f32 v11, v10;
	v10 =	vld [tilespmem:s23+$0x53C0]  }
0x1bb: {  	v11 =	vadd.f32 v62, v61;
	v61 =	vld [tilespmem:s22+$0x1220]  }
0x1bc: {  	v6 =	vmul.f32 v6, v60;
	v3 =	vadd.f32 v7, v3;
	v7 =	vadd.f32 v13, v12;
	v12 =	vld [tilespmem:s23+$0x53D0]  }
0x1bd: {  	v13 =	vadd.f32 v58, v57;
	v57 =	vld [tilespmem:s22+$0x1230];
	v8 =	vadd.f32 v8, v59  }
0x1be: {  	v60 =	vld [tilespmem:s23+$0x53E0];
	v3 =	vmul.f32 v3, v9;
	v6 =	vadd.f32 $0.0e+00, v6;
	v7 =	vadd.f32 v7, v11  }
0x1bf: {  	v63 =	vld [tilespmem:s22+$0x1240];
	v62 =	vadd.f32 v55, v54;
	v10 =	vadd.f32 v10, v56  }
0x1c0: {  	s18 =	sadd.s32 $0x180, s21;
	v55 =	vld [tilespmem:s23+$0x53F0];
	v3 =	vadd.f32 v3, v6;
	v6 =	vmul.f32 v7, v61;
	v7 =	vadd.f32 v8, v13  }
0x1c1: {  	s19 =	sor.u32 $0x400, s18;
	v56 =	vld [tilespmem:s22+$0x1250];
	v13 =	vadd.f32 v52, v51;
	v12 =	vadd.f32 v12, v53  }
0x1c2: {  	v3 =	vadd.f32 v6, v3;
	v6 =	vmul.f32 v7, v57;
	v7 =	vadd.f32 v10, v62;
	v57 =	vld [tilespmem:s19+$0x5200]  }
0x1c3: {  	s21 =	sor.u32 $0x410, s18;
	v58 =	vadd.f32 v49, v48;
	v59 =	vld [tilespmem:s22+$0x1260];
	v9 =	vadd.f32 v60, v50  }
0x1c4: {  	v3 =	vadd.f32 v6, v3;
	v6 =	vmul.f32 v7, v63;
	v7 =	vadd.f32 v12, v13;
	v12 =	vld [tilespmem:s21+$0x5200]  }
0x1c5: {  	s23 =	sor.u32 $0x420, s18;
	v8 =	vadd.f32 v55, v47;
	v60 =	vld [tilespmem:s22+$0x1270];
	v13 =	vadd.f32 v46, v45  }
0x1c6: {  	v61 =	vld [tilespmem:s23+$0x5200];
	v3 =	vadd.f32 v6, v3;
	v6 =	vmul.f32 v7, v56;
	v7 =	vadd.f32 v9, v58  }
0x1c7: {  	s24 =	sor.u32 $0x430, s18;
	v62 =	vadd.f32 v43, v42;
	v63 =	vld [tilespmem:s22+$0x1600];
	v10 =	vadd.f32 v57, v44  }
0x1c8: {  	v46 =	vld [tilespmem:s24+$0x5200];
	v3 =	vadd.f32 v6, v3;
	v6 =	vmul.f32 v7, v59;
	v7 =	vadd.f32 v8, v13  }
0x1c9: {  	s25 =	sor.u32 $0x440, s18;
	v47 =	vld [tilespmem:s22+$0x1610];
	v13 =	vadd.f32 v40, v39;
	v12 =	vadd.f32 v12, v41  }
0x1ca: {  	v48 =	vld [tilespmem:s25+$0x5200];
	v3 =	vadd.f32 v6, v3;
	v6 =	vmul.f32 v7, v60;
	v7 =	vadd.f32 v10, v62  }
0x1cb: {  	s26 =	sor.u32 $0x450, s18;
	v49 =	vadd.f32 v37, v36;
	v50 =	vld [tilespmem:s22+$0x1620];
	v9 =	vadd.f32 v61, v38  }
0x1cc: {  	v3 =	vadd.f32 v6, v3;
	v6 =	vmul.f32 v7, v63;
	v7 =	vadd.f32 v12, v13;
	v12 =	vld [tilespmem:s26+$0x5200]  }
0x1cd: {  	s28 =	sor.u32 $0x460, s18;
	v51 =	vld [tilespmem:s22+$0x1630];
	v8 =	vadd.f32 v46, v35;
	v13 =	vadd.f32 v34, v33  }
0x1ce: {  	v52 =	vld [tilespmem:s28+$0x5200];
	v3 =	vadd.f32 v6, v3;
	v6 =	vmul.f32 v7, v47;
	v7 =	vadd.f32 v9, v49  }
0x1cf: {  	v54 =	vld [tilespmem:s22+$0x1640];
	s18 =	sor.u32 $0x470, s18;
	v53 =	vadd.f32 v31, v30;
	v10 =	vadd.f32 v48, v32  }
0x1d0: {  	v55 =	vld [tilespmem:s18+$0x5200];
	v3 =	vadd.f32 v6, v3;
	v6 =	vmul.f32 v7, v50;
	v7 =	vadd.f32 v8, v13  }
0x1d1: {  	v56 =	vld [tilespmem:s22+$0x1650];
	v13 =	vadd.f32 v28, v27;
	v12 =	vadd.f32 v12, v29  }
0x1d2: {  	v3 =	vadd.f32 v6, v3;
	v6 =	vmul.f32 v7, v51;
	v7 =	vadd.f32 v10, v53  }
0x1d3: {  	v58 =	vld [tilespmem:s22+$0x1660];
	v57 =	vadd.f32 v25, v24;
	v9 =	vadd.f32 v52, v26  }
0x1d4: {  	v3 =	vadd.f32 v6, v3;
	v6 =	vmul.f32 v7, v54;
	v7 =	vadd.f32 v12, v13  }
0x1d5: {  	v8 =	vadd.f32 v55, v23;
	v12 =	vadd.f32 v22, v21;
	v13 =	vld [tilespmem:s22+$0x1670]  }
0x1d6: {  	v3 =	vadd.f32 v6, v3;
	v6 =	vmul.f32 v7, v56;
	v7 =	vadd.f32 v9, v57;
	_ =	sdelay $0x1  }
0x1d7: {  	v3 =	vadd.f32 v6, v3;
	v6 =	vmul.f32 v7, v58;
	v7 =	vadd.f32 v8, v12;
	_ =	sdelay $0x1  }
0x1d8: {  	v3 =	vadd.f32 v6, v3;
	v6 =	vmul.f32 v7, v13;
	_ =	sdelay $0x1  }
0x1d9: {  	v3 =	vadd.f32 v6, v3;
	v6 =	vld [tilespmem:$0x1FF70];
	_ =	sdelay $0x1  }
0x1da: {  	v7 =	vld [tilespmem:$0x1FF80];
	_ =	sdelay $0x1  }
0x1db: {  	s5 =	sshra.s32 s5, $0x2  }
0x1dc: {  	[tilespmem:s5+$0x15400] =	vst v3  }
0x1dd: {  	v3 =	vld.idx.msk [tilespmem:v14+s13+$0x0], $0xffff;
	_ =	sdelay $0x1  }
0x1de: {  	v6 =	vld.idx.msk [tilespmem:v6+s13+$0x0], $0xffff;
	_ =	sdelay $0x1  }
0x1df: {  	v7 =	vld.idx.msk [tilespmem:v7+s13+$0x0], $0xffff  }
0x1e0: {  	v59 =	vld [tilespmem:$0x1FF90];
	v3 =	vadd.f32 $0.0e+00, v3;
	_ =	sdelay $0x1  }
0x1e1: {  	v3 =	vadd.f32 v6, v3;
	v6 =	vld [tilespmem:$0x1FFA0];
	_ =	sdelay $0x1  }
0x1e2: {  	v3 =	vadd.f32 v7, v3;
	v7 =	vld [tilespmem:$0x1FFB0];
	_ =	sdelay $0x3  }
0x1e3: {  	v8 =	vld.idx.msk [tilespmem:v59+s13+$0x0], $0xffff;
	_ =	sdelay $0x1  }
0x1e4: {  	v6 =	vld.idx.msk [tilespmem:v6+s13+$0x0], $0xffff;
	_ =	sdelay $0x1  }
0x1e5: {  	v7 =	vld.idx.msk [tilespmem:v7+s13+$0x0], $0xffff  }
0x1e6: {  	v60 =	vld [tilespmem:$0x1FFC0];
	v3 =	vadd.f32 v8, v3;
	_ =	sdelay $0x1  }
0x1e7: {  	v3 =	vadd.f32 v6, v3;
	v6 =	vld [tilespmem:$0x1FFD0];
	_ =	sdelay $0x1  }
0x1e8: {  	v3 =	vadd.f32 v7, v3;
	v7 =	vld [tilespmem:$0x1FFE0];
	_ =	sdelay $0x1  }
0x1e9: {  	v61 =	vld [tilespmem:$0x1FFF0];
	_ =	sdelay $0x1  }
0x1ea: {  	v8 =	vld.idx.msk [tilespmem:v60+s13+$0x0], $0xffff;
	_ =	sdelay $0x1  }
0x1eb: {  	v6 =	vld.idx.msk [tilespmem:v6+s13+$0x0], $0xffff;
	_ =	sdelay $0x1  }
0x1ec: {  	v7 =	vld.idx.msk [tilespmem:v7+s13+$0x0], $0xffff  }
0x1ed: {  	v3 =	vadd.f32 v8, v3  }
0x1ee: {  	v8 =	vld.idx.msk [tilespmem:v61+s13+$0x0], $0xffff  }
0x1ef: {  	v3 =	vadd.f32 v6, v3  }
0x1f0: {  	v6 =	vld.idx.msk [tilespmem:v15+s13+$0x0], $0xffff  }
0x1f1: {  	v3 =	vadd.f32 v7, v3  }
0x1f2: {  	v7 =	vld.idx.msk [tilespmem:v16+s13+$0x0], $0xffff  }
0x1f3: {  	v3 =	vadd.f32 v8, v3  }
0x1f4: {  	v62 =	vld.idx.msk [tilespmem:v17+s13+$0x0], $0xffff  }
0x1f5: {  	v3 =	vadd.f32 v6, v3  }
0x1f6: {  	v6 =	vld.idx.msk [tilespmem:v18+s13+$0x0], $0xffff  }
0x1f7: {  	v3 =	vadd.f32 v7, v3  }
0x1f8: {  	v7 =	vld.idx.msk [tilespmem:v19+s13+$0x0], $0xffff  }
0x1f9: {  	v3 =	vadd.f32 v62, v3  }
0x1fa: {  	v63 =	vld.idx.msk [tilespmem:v20+s13+$0x0], $0xffff  }
0x1fb: {  	v3 =	vadd.f32 v6, v3;
	_ =	sdelay $0x1  }
0x1fc: {  	v3 =	vadd.f32 v7, v3  }
0x1fd: {  	p0 =	seq.s32 s11, $0x7  }
.Ltmp4:
0x1fe: {  	v3 =	vadd.f32 v63, v3;
	(pc) =	sbr.rel @p0 .LBB2_8-.Ltmp4, $4  }
0x1ff: {  	_ = 	snop  }
0x200: {  	s29 =	sshll.u32 s11, $0x6;
	v3 =	vmul.f32 $2.500000000e-01, v3  }
0x201: {  	s18 =	sand.u32 $0x3FFFFFC0, s29  }
0x202: {  	s5 =	sshll.u32 s11, $0x2;
	[tilespmem:s18+$0x15200] =	vst v3  }
0x203: {  	s19 =	sadd.s32 $0x4, s5  }
0x204: {  	s20 =	sshll.u32 s19, $0x4  }
0x205: {  	s20 =	sand.u32 $0x3C0, s20  }
0x206: {  	v3 =	vld [tilespmem:s20+$0x0];
	_ =	sdelay $0x4  }
0x207: {  	v6 =	vshll.u32 v3, $0x1  }
0x208: {  	v3 =	vand.u32 $0x7, v3;
	v6 =	vand.u32 $0xFFFFFFF0, v6  }
0x209: {  	v3 =	vor.u32 v3, v6  }
0x20a: {  	v6 =	vperm.xlane v3, v2;
	_ =	sdelay $0x1  }
0x20b: {  	v3 =	vperm.xlane v3, v5;
	v6 =	vadd.s32 v4, v6;
	_ =	sdelay $0x1  }
0x20c: {  	v3 =	vadd.s32 v4, v3;
	_ =	sdelay $0x1  }
0x20d: {  	s28 =	simm.s32 $0x1200;
	s19 =	sshll.u32 s19, $0x6  }
0x20e: {  	[tilespmem:s28], [sflag:$0x1] =	stream.indirect_vreg.gather [hbm4b:s1+s4], $0x80, v6, vm0, $0xb8;
	[tilespmem:$0x15C00] =	vst v63  }
0x20f: {  	s29 =	simm.s32 $0x1A00;
	s19 =	sand.u32 $0x3FFFFFC0, s19  }
0x210: {  	[tilespmem:s29], [sflag:$0x1] =	stream.indirect_vreg.gather [hbm4b:s1+s4], $0x80, v3, vm0, $0xb8;
	[tilespmem:$0x15C00] =	vst v63  }
0x211: {  	v3 =	vld [tilespmem:s19+$0xA00];
	_ =	sdelay $0x4  }
0x212: {  	v6 =	vshll.u32 v3, $0x1  }
0x213: {  	v3 =	vand.u32 $0x7, v3;
	v6 =	vand.u32 $0xFFFFFFF0, v6  }
0x214: {  	v3 =	vor.u32 v3, v6  }
0x215: {  	v6 =	vperm.xlane v3, v2;
	_ =	sdelay $0x1  }
0x216: {  	v3 =	vperm.xlane v3, v5;
	v6 =	vadd.s32 v4, v6;
	_ =	sdelay $0x1  }
0x217: {  	v3 =	vadd.s32 v4, v3;
	_ =	sdelay $0x1  }
0x218: {  	s21 =	simm.s32 $0x5200  }
0x219: {  	[tilespmem:s21], [sflag:$0x5] =	stream.indirect_vreg.gather [hbm4b:s2+s4], $0x80, v6, vm0, $0xb8;
	[tilespmem:$0x15C00] =	vst v63  }
0x21a: {  	s22 =	simm.s32 $0x5A00  }
0x21b: {  	[tilespmem:s22], [sflag:$0x5] =	stream.indirect_vreg.gather [hbm4b:s2+s4], $0x80, v3, vm0, $0xb8;
	[tilespmem:$0x15C00] =	vst v63  }
0x21c: {  	v3 =	vld [tilespmem:s19+$0xA10];
	_ =	sdelay $0x4  }
0x21d: {  	v6 =	vshll.u32 v3, $0x1  }
0x21e: {  	v3 =	vand.u32 $0x7, v3;
	v6 =	vand.u32 $0xFFFFFFF0, v6  }
0x21f: {  	v3 =	vor.u32 v3, v6  }
0x220: {  	v6 =	vperm.xlane v3, v2;
	_ =	sdelay $0x1  }
0x221: {  	v3 =	vperm.xlane v3, v5;
	v6 =	vadd.s32 v4, v6;
	_ =	sdelay $0x1  }
0x222: {  	v3 =	vadd.s32 v4, v3;
	_ =	sdelay $0x1  }
0x223: {  	s23 =	simm.s32 $0x6200  }
0x224: {  	[tilespmem:s23], [sflag:$0x5] =	stream.indirect_vreg.gather [hbm4b:s2+s4], $0x80, v6, vm0, $0xb8;
	[tilespmem:$0x15C00] =	vst v63  }
0x225: {  	s24 =	simm.s32 $0x6A00  }
0x226: {  	[tilespmem:s24], [sflag:$0x5] =	stream.indirect_vreg.gather [hbm4b:s2+s4], $0x80, v3, vm0, $0xb8;
	[tilespmem:$0x15C00] =	vst v63  }
0x227: {  	v3 =	vld [tilespmem:s19+$0xA20];
	_ =	sdelay $0x4  }
0x228: {  	v6 =	vshll.u32 v3, $0x1  }
0x229: {  	v3 =	vand.u32 $0x7, v3;
	v6 =	vand.u32 $0xFFFFFFF0, v6  }
0x22a: {  	v3 =	vor.u32 v3, v6  }
0x22b: {  	v6 =	vperm.xlane v3, v2;
	_ =	sdelay $0x1  }
0x22c: {  	v3 =	vperm.xlane v3, v5;
	v6 =	vadd.s32 v4, v6;
	_ =	sdelay $0x1  }
0x22d: {  	v3 =	vadd.s32 v4, v3;
	_ =	sdelay $0x1  }
0x22e: {  	s25 =	simm.s32 $0x7200  }
0x22f: {  	[tilespmem:s25], [sflag:$0x5] =	stream.indirect_vreg.gather [hbm4b:s2+s4], $0x80, v6, vm0, $0xb8;
	[tilespmem:$0x15C00] =	vst v63  }
0x230: {  	s26 =	simm.s32 $0x7A00  }
0x231: {  	[tilespmem:s26], [sflag:$0x5] =	stream.indirect_vreg.gather [hbm4b:s2+s4], $0x80, v3, vm0, $0xb8;
	[tilespmem:$0x15C00] =	vst v63  }
0x232: {  	v3 =	vld [tilespmem:s19+$0xA30];
	_ =	sdelay $0x4  }
0x233: {  	v6 =	vshll.u32 v3, $0x1  }
0x234: {  	v3 =	vand.u32 $0x7, v3;
	v6 =	vand.u32 $0xFFFFFFF0, v6  }
0x235: {  	v3 =	vor.u32 v3, v6  }
0x236: {  	v6 =	vperm.xlane v3, v2;
	_ =	sdelay $0x1  }
0x237: {  	v3 =	vperm.xlane v3, v5;
	v6 =	vadd.s32 v4, v6;
	_ =	sdelay $0x1  }
0x238: {  	v3 =	vadd.s32 v4, v3;
	_ =	sdelay $0x1  }
0x239: {  	s28 =	simm.s32 $0x8200  }
0x23a: {  	[tilespmem:s28], [sflag:$0x5] =	stream.indirect_vreg.gather [hbm4b:s2+s4], $0x80, v6, vm0, $0xb8;
	[tilespmem:$0x15C00] =	vst v63  }
0x23b: {  	s29 =	simm.s32 $0x8A00  }
0x23c: {  	[tilespmem:s29], [sflag:$0x5] =	stream.indirect_vreg.gather [hbm4b:s2+s4], $0x80, v3, vm0, $0xb8;
	[tilespmem:$0x15C00] =	vst v63  }
.LBB2_8:
0x23d: {  	_ =	swait.ge [sflag:s14], $0x1000  }
0x23e: {  	p1 =	por $0x0, $0x0;
	s19 =	simm.s32 $0x1;
	[sflag:s14] =	ssyncset.done $0x0  }
0x23f: {  	s19 =	simm.s32 @!p1 $0x0;
	[sflag:s14] =	ssyncadd.s32 $0xFFFFF000  }
0x240: {  	s19 =	sshll.u32 s19, $0x9;
	_ =	swait.ge [sflag:s15], $0x4000  }
0x241: {  	s23 =	sadd.s32 $0x0, s19;
	[sflag:s15] =	ssyncset.done $0x0  }
0x242: {  	s19 =	sor.u32 $0x4400, s23;
	s20 =	sadd.s32 $0x80, s23;
	[sflag:s15] =	ssyncadd.s32 $0xFFFFC000  }
0x243: {  	s26 =	sadd.s32 $0x100, s23;
	s21 =	sor.u32 $0x4400, s20;
	v21 =	vld [tilespmem:s19+$0x5270]  }
0x244: {  	s22 =	sor.u32 $0x4400, s26;
	v22 =	vld [tilespmem:s21+$0x5270]  }
0x245: {  	v23 =	vld [tilespmem:s22+$0x5270]  }
0x246: {  	v24 =	vld [tilespmem:s19+$0x5260]  }
0x247: {  	v25 =	vld [tilespmem:s21+$0x5260]  }
0x248: {  	v26 =	vld [tilespmem:s22+$0x5260]  }
0x249: {  	v27 =	vld [tilespmem:s19+$0x5250]  }
0x24a: {  	v28 =	vld [tilespmem:s21+$0x5250]  }
0x24b: {  	v29 =	vld [tilespmem:s22+$0x5250]  }
0x24c: {  	v30 =	vld [tilespmem:s19+$0x5240]  }
0x24d: {  	v31 =	vld [tilespmem:s21+$0x5240]  }
0x24e: {  	v32 =	vld [tilespmem:s22+$0x5240]  }
0x24f: {  	v33 =	vld [tilespmem:s19+$0x5230]  }
0x250: {  	v34 =	vld [tilespmem:s21+$0x5230]  }
0x251: {  	v35 =	vld [tilespmem:s22+$0x5230]  }
0x252: {  	v36 =	vld [tilespmem:s19+$0x5220]  }
0x253: {  	v37 =	vld [tilespmem:s21+$0x5220]  }
0x254: {  	v38 =	vld [tilespmem:s22+$0x5220]  }
0x255: {  	v39 =	vld [tilespmem:s19+$0x5210]  }
0x256: {  	v40 =	vld [tilespmem:s21+$0x5210]  }
0x257: {  	v41 =	vld [tilespmem:s22+$0x5210]  }
0x258: {  	s20 =	simm.s32 $0x0;
	v42 =	vld [tilespmem:s19+$0x5200]  }
0x259: {  	s28 =	sand.u32 $0x3800, s20;
	s24 =	sand.u32 $0x200, s20;
	v43 =	vld [tilespmem:s21+$0x5200]  }
0x25a: {  	v44 =	vld [tilespmem:s22+$0x5200];
	s24 =	sor.u32 s24, s28  }
0x25b: {  	v45 =	vld [tilespmem:s24+$0x9270]  }
0x25c: {  	v46 =	vld [tilespmem:s24+$0x92F0]  }
0x25d: {  	v47 =	vld [tilespmem:s24+$0x9370]  }
0x25e: {  	v48 =	vld [tilespmem:s24+$0x9260]  }
0x25f: {  	v49 =	vld [tilespmem:s24+$0x92E0]  }
0x260: {  	v50 =	vld [tilespmem:s24+$0x9360]  }
0x261: {  	v51 =	vld [tilespmem:s24+$0x9250]  }
0x262: {  	v52 =	vld [tilespmem:s24+$0x92D0]  }
0x263: {  	v53 =	vld [tilespmem:s24+$0x9350]  }
0x264: {  	v54 =	vld [tilespmem:s24+$0x9240]  }
0x265: {  	v55 =	vld [tilespmem:s24+$0x92C0]  }
0x266: {  	v56 =	vld [tilespmem:s24+$0x9340]  }
0x267: {  	v57 =	vld [tilespmem:s24+$0x9230]  }
0x268: {  	s25 =	sand.u32 $0x800, s20;
	s29 =	sand.u32 $0x380, s20;
	v58 =	vld [tilespmem:s24+$0x92B0]  }
0x269: {  	s26 =	sor.u32 s29, s25;
	v59 =	vld [tilespmem:s24+$0x9330]  }
0x26a: {  	v60 =	vld [tilespmem:s26+$0x2200]  }
0x26b: {  	v61 =	vld [tilespmem:s24+$0x9220]  }
0x26c: {  	v62 =	vld [tilespmem:s24+$0x92A0]  }
0x26d: {  	v63 =	vld [tilespmem:s24+$0x9210]  }
0x26e: {  	v3 =	vld [tilespmem:s24+$0x9290]  }
0x26f: {  	v6 =	vld [tilespmem:s24+$0x9200]  }
0x270: {  	s21 =	simm.s32 $0x400;
	s19 =	simm.s32 $0x0;
	s22 =	simm.s32 $0x0;
	v7 =	vld [tilespmem:s24+$0x9280]  }
.LBB2_9:
0x271: {  	p2 =	sne.s32 s21, $0x3C00;
	v8 =	vld [tilespmem:s24+$0x9300]  }
0x272: {  	v9 =	vld [tilespmem:s24+$0x9380]  }
0x273: {  	v10 =	vld [tilespmem:s24+$0x9310]  }
0x274: {  	v11 =	vld [tilespmem:s24+$0x9390]  }
0x275: {  	v12 =	vld [tilespmem:s24+$0x9320]  }
0x276: {  	v13 =	vld [tilespmem:s24+$0x93A0]  }
0x277: {  	v6 =	vadd.f32 v7, v6;
	v7 =	vadd.f32 v9, v8;
	v8 =	vld [tilespmem:s24+$0x93B0]  }
0x278: {  	v3 =	vadd.f32 v3, v63;
	v9 =	vld [tilespmem:s26+$0x2210]  }
0x279: {  	v6 =	vadd.f32 v7, v6;
	v7 =	vadd.f32 v11, v10;
	v10 =	vld [tilespmem:s24+$0x93C0]  }
0x27a: {  	v61 =	vadd.f32 v62, v61;
	v11 =	vld [tilespmem:s26+$0x2220]  }
0x27b: {  	v6 =	vmul.f32 v6, v60;
	v3 =	vadd.f32 v7, v3;
	v7 =	vadd.f32 v13, v12;
	v12 =	vld [tilespmem:s24+$0x93D0]  }
0x27c: {  	v57 =	vadd.f32 v58, v57;
	v13 =	vld [tilespmem:s26+$0x2230];
	v8 =	vadd.f32 v8, v59  }
0x27d: {  	v6 =	vadd.f32 $0.0e+00, v6;
	v3 =	vmul.f32 v3, v9;
	v7 =	vadd.f32 v7, v61;
	v9 =	vld [tilespmem:s24+$0x93E0]  }
0x27e: {  	v54 =	vadd.f32 v55, v54;
	v58 =	vld [tilespmem:s26+$0x2240];
	v10 =	vadd.f32 v10, v56  }
0x27f: {  	s23 =	sadd.s32 $0x180, s23;
	v3 =	vadd.f32 v3, v6;
	v6 =	vmul.f32 v7, v11;
	v7 =	vadd.f32 v8, v57;
	v8 =	vld [tilespmem:s24+$0x93F0]  }
0x280: {  	v51 =	vadd.f32 v52, v51;
	s23 =	sor.u32 $0x4400, s23;
	v11 =	vld [tilespmem:s26+$0x2250];
	v12 =	vadd.f32 v12, v53  }
0x281: {  	v3 =	vadd.f32 v6, v3;
	v6 =	vmul.f32 v7, v13;
	v7 =	vadd.f32 v10, v54;
	v10 =	vld [tilespmem:s23+$0x5200]  }
0x282: {  	v48 =	vadd.f32 v49, v48;
	v13 =	vld [tilespmem:s26+$0x2260];
	v9 =	vadd.f32 v9, v50  }
0x283: {  	v3 =	vadd.f32 v6, v3;
	v6 =	vmul.f32 v7, v58;
	v7 =	vadd.f32 v12, v51;
	v12 =	vld [tilespmem:s23+$0x5210]  }
0x284: {  	v45 =	vadd.f32 v46, v45;
	s24 =	sor.u32 s25, s20;
	v49 =	vld [tilespmem:s26+$0x2270];
	v8 =	vadd.f32 v8, v47  }
0x285: {  	s24 =	sor.u32 $0x1400, s24;
	v3 =	vadd.f32 v6, v3;
	v6 =	vmul.f32 v7, v11;
	v7 =	vadd.f32 v9, v48;
	v9 =	vld [tilespmem:s23+$0x5220]  }
0x286: {  	v42 =	vadd.f32 v43, v42;
	v11 =	vld [tilespmem:s24+$0x1200];
	v10 =	vadd.f32 v10, v44  }
0x287: {  	v3 =	vadd.f32 v6, v3;
	v6 =	vmul.f32 v7, v13;
	v7 =	vadd.f32 v8, v45;
	v8 =	vld [tilespmem:s23+$0x5230]  }
0x288: {  	v39 =	vadd.f32 v40, v39;
	v13 =	vld [tilespmem:s24+$0x1210];
	v12 =	vadd.f32 v12, v41  }
0x289: {  	v3 =	vadd.f32 v6, v3;
	v6 =	vmul.f32 v7, v49;
	v7 =	vadd.f32 v10, v42;
	v10 =	vld [tilespmem:s23+$0x5240]  }
0x28a: {  	v36 =	vadd.f32 v37, v36;
	v40 =	vld [tilespmem:s24+$0x1220];
	v9 =	vadd.f32 v9, v38  }
0x28b: {  	v3 =	vadd.f32 v6, v3;
	v6 =	vmul.f32 v7, v11;
	v7 =	vadd.f32 v12, v39;
	v11 =	vld [tilespmem:s23+$0x5250]  }
0x28c: {  	v33 =	vadd.f32 v34, v33;
	v12 =	vld [tilespmem:s24+$0x1230];
	v8 =	vadd.f32 v8, v35  }
0x28d: {  	v3 =	vadd.f32 v6, v3;
	v6 =	vmul.f32 v7, v13;
	v7 =	vadd.f32 v9, v36;
	v9 =	vld [tilespmem:s23+$0x5260]  }
0x28e: {  	v30 =	vadd.f32 v31, v30;
	v13 =	vld [tilespmem:s24+$0x1240];
	v10 =	vadd.f32 v10, v32  }
0x28f: {  	v3 =	vadd.f32 v6, v3;
	v6 =	vmul.f32 v7, v40;
	v7 =	vadd.f32 v8, v33;
	v8 =	vld [tilespmem:s23+$0x5270]  }
0x290: {  	v27 =	vadd.f32 v28, v27;
	v31 =	vld [tilespmem:s24+$0x1250];
	v11 =	vadd.f32 v11, v29  }
0x291: {  	v3 =	vadd.f32 v6, v3;
	v6 =	vmul.f32 v7, v12;
	v7 =	vadd.f32 v10, v30  }
0x292: {  	v12 =	vadd.f32 v25, v24;
	v10 =	vld [tilespmem:s24+$0x1260];
	v9 =	vadd.f32 v9, v26  }
0x293: {  	v3 =	vadd.f32 v6, v3;
	v6 =	vmul.f32 v7, v13;
	v7 =	vadd.f32 v11, v27  }
0x294: {  	v13 =	vadd.f32 v22, v21;
	v11 =	vld [tilespmem:s24+$0x1270];
	v8 =	vadd.f32 v8, v23  }
0x295: {  	v3 =	vadd.f32 v6, v3;
	v6 =	vmul.f32 v7, v31;
	v7 =	vadd.f32 v9, v12;
	_ =	sdelay $0x1  }
0x296: {  	v3 =	vadd.f32 v6, v3;
	v6 =	vmul.f32 v7, v10;
	v7 =	vadd.f32 v8, v13;
	_ =	sdelay $0x1  }
0x297: {  	p1 =	por !p1, !p1;
	s23 =	simm.s32 $0x1;
	v3 =	vadd.f32 v6, v3;
	v6 =	vmul.f32 v7, v11  }
0x298: {  	s23 =	simm.s32 @!p1 $0x0  }
0x299: {  	s23 =	sshll.u32 s23, $0x9;
	v3 =	vadd.f32 v6, v3  }
0x29a: {  	s23 =	sadd.s32 s23, s21;
	s24 =	sshra.s32 s19, $0x2  }
0x29b: {  	s25 =	sor.u32 $0x4400, s23;
	s26 =	sadd.s32 $0x80, s23;
	[tilespmem:s24+$0x15400] =	vst v3  }
0x29c: {  	s24 =	sor.u32 $0x4400, s26;
	s26 =	sadd.s32 $0x100, s23;
	v21 =	vld [tilespmem:s25+$0x5270]  }
0x29d: {  	s26 =	sor.u32 $0x4400, s26;
	v22 =	vld [tilespmem:s24+$0x5270]  }
0x29e: {  	v23 =	vld [tilespmem:s26+$0x5270]  }
0x29f: {  	v24 =	vld [tilespmem:s25+$0x5260]  }
0x2a0: {  	v25 =	vld [tilespmem:s24+$0x5260]  }
0x2a1: {  	v26 =	vld [tilespmem:s26+$0x5260]  }
0x2a2: {  	v27 =	vld [tilespmem:s25+$0x5250]  }
0x2a3: {  	v28 =	vld [tilespmem:s24+$0x5250]  }
0x2a4: {  	v29 =	vld [tilespmem:s26+$0x5250]  }
0x2a5: {  	v30 =	vld [tilespmem:s25+$0x5240]  }
0x2a6: {  	v31 =	vld [tilespmem:s24+$0x5240]  }
0x2a7: {  	v32 =	vld [tilespmem:s26+$0x5240]  }
0x2a8: {  	v33 =	vld [tilespmem:s25+$0x5230]  }
0x2a9: {  	v34 =	vld [tilespmem:s24+$0x5230]  }
0x2aa: {  	v35 =	vld [tilespmem:s26+$0x5230]  }
0x2ab: {  	v36 =	vld [tilespmem:s25+$0x5220]  }
0x2ac: {  	v37 =	vld [tilespmem:s24+$0x5220]  }
0x2ad: {  	v38 =	vld [tilespmem:s26+$0x5220]  }
0x2ae: {  	v39 =	vld [tilespmem:s25+$0x5210]  }
0x2af: {  	v40 =	vld [tilespmem:s24+$0x5210]  }
0x2b0: {  	v41 =	vld [tilespmem:s26+$0x5210]  }
0x2b1: {  	s19 =	sadd.s32 $0x200, s19;
	v42 =	vld [tilespmem:s25+$0x5200]  }
0x2b2: {  	s28 =	sand.u32 $0x200, s19;
	s25 =	sand.u32 $0x3800, s21;
	v43 =	vld [tilespmem:s24+$0x5200]  }
0x2b3: {  	s24 =	sor.u32 s28, s25;
	v44 =	vld [tilespmem:s26+$0x5200]  }
0x2b4: {  	v45 =	vld [tilespmem:s24+$0x9270]  }
0x2b5: {  	v46 =	vld [tilespmem:s24+$0x92F0]  }
0x2b6: {  	v47 =	vld [tilespmem:s24+$0x9370]  }
0x2b7: {  	v48 =	vld [tilespmem:s24+$0x9260]  }
0x2b8: {  	v49 =	vld [tilespmem:s24+$0x92E0]  }
0x2b9: {  	v50 =	vld [tilespmem:s24+$0x9360]  }
0x2ba: {  	v51 =	vld [tilespmem:s24+$0x9250]  }
0x2bb: {  	v52 =	vld [tilespmem:s24+$0x92D0]  }
0x2bc: {  	v53 =	vld [tilespmem:s24+$0x9350]  }
0x2bd: {  	v54 =	vld [tilespmem:s24+$0x9240]  }
0x2be: {  	v55 =	vld [tilespmem:s24+$0x92C0]  }
0x2bf: {  	v56 =	vld [tilespmem:s24+$0x9340]  }
0x2c0: {  	s22 =	sadd.s32 $0x100, s22;
	s20 =	sadd.s32 $0x80, s20;
	v57 =	vld [tilespmem:s24+$0x9230]  }
0x2c1: {  	s25 =	sand.u32 $0x800, s22;
	s26 =	sand.u32 $0x380, s20;
	v58 =	vld [tilespmem:s24+$0x92B0]  }
0x2c2: {  	s26 =	sor.u32 s26, s25;
	v59 =	vld [tilespmem:s24+$0x9330]  }
0x2c3: {  	v60 =	vld [tilespmem:s26+$0x2200]  }
0x2c4: {  	v61 =	vld [tilespmem:s24+$0x9220]  }
.Ltmp5:
0x2c5: {  	v62 =	vld [tilespmem:s24+$0x92A0];
	(pc) =	sbr.rel @p2 .LBB2_9-.Ltmp5, $4  }
0x2c6: {  	v63 =	vld [tilespmem:s24+$0x9210]  }
0x2c7: {  	v3 =	vld [tilespmem:s24+$0x9290]  }
0x2c8: {  	v6 =	vld [tilespmem:s24+$0x9200]  }
0x2c9: {  	s21 =	sadd.s32 $0x400, s21;
	v7 =	vld [tilespmem:s24+$0x9280]  }
0x2ca: {  	v8 =	vld [tilespmem:s24+$0x9300]  }
0x2cb: {  	v9 =	vld [tilespmem:s24+$0x9380]  }
0x2cc: {  	v10 =	vld [tilespmem:s24+$0x9310]  }
0x2cd: {  	v11 =	vld [tilespmem:s24+$0x9390]  }
0x2ce: {  	v12 =	vld [tilespmem:s24+$0x9320]  }
0x2cf: {  	v13 =	vld [tilespmem:s24+$0x93A0]  }
0x2d0: {  	v6 =	vadd.f32 v7, v6;
	v7 =	vadd.f32 v9, v8;
	v8 =	vld [tilespmem:s24+$0x93B0]  }
0x2d1: {  	v3 =	vadd.f32 v3, v63;
	v9 =	vld [tilespmem:s26+$0x2210]  }
0x2d2: {  	v6 =	vadd.f32 v7, v6;
	v7 =	vadd.f32 v11, v10;
	v10 =	vld [tilespmem:s24+$0x93C0]  }
0x2d3: {  	v11 =	vadd.f32 v62, v61;
	v61 =	vld [tilespmem:s26+$0x2220]  }
0x2d4: {  	v6 =	vmul.f32 v6, v60;
	v3 =	vadd.f32 v7, v3;
	v7 =	vadd.f32 v13, v12;
	v12 =	vld [tilespmem:s24+$0x93D0]  }
0x2d5: {  	v13 =	vadd.f32 v58, v57;
	v57 =	vld [tilespmem:s26+$0x2230];
	v8 =	vadd.f32 v8, v59  }
0x2d6: {  	v60 =	vld [tilespmem:s24+$0x93E0];
	v3 =	vmul.f32 v3, v9;
	v6 =	vadd.f32 $0.0e+00, v6;
	v7 =	vadd.f32 v7, v11  }
0x2d7: {  	v63 =	vld [tilespmem:s26+$0x2240];
	v62 =	vadd.f32 v55, v54;
	v10 =	vadd.f32 v10, v56  }
0x2d8: {  	s21 =	sadd.s32 $0x180, s23;
	v55 =	vld [tilespmem:s24+$0x93F0];
	v3 =	vadd.f32 v3, v6;
	v6 =	vmul.f32 v7, v61;
	v7 =	vadd.f32 v8, v13  }
0x2d9: {  	s21 =	sor.u32 $0x4400, s21;
	v56 =	vld [tilespmem:s26+$0x2250];
	v13 =	vadd.f32 v52, v51;
	v12 =	vadd.f32 v12, v53  }
0x2da: {  	v3 =	vadd.f32 v6, v3;
	v6 =	vmul.f32 v7, v57;
	v7 =	vadd.f32 v10, v62;
	v57 =	vld [tilespmem:s21+$0x5200]  }
0x2db: {  	v58 =	vadd.f32 v49, v48;
	v59 =	vld [tilespmem:s26+$0x2260];
	v9 =	vadd.f32 v60, v50  }
0x2dc: {  	v3 =	vadd.f32 v6, v3;
	v6 =	vmul.f32 v7, v63;
	v7 =	vadd.f32 v12, v13;
	v12 =	vld [tilespmem:s21+$0x5210]  }
0x2dd: {  	s20 =	sor.u32 s25, s20;
	v8 =	vadd.f32 v55, v47;
	v60 =	vld [tilespmem:s26+$0x2270];
	v13 =	vadd.f32 v46, v45  }
0x2de: {  	s20 =	sor.u32 $0x1400, s20;
	v61 =	vld [tilespmem:s21+$0x5220];
	v3 =	vadd.f32 v6, v3;
	v6 =	vmul.f32 v7, v56;
	v7 =	vadd.f32 v9, v58  }
0x2df: {  	v62 =	vadd.f32 v43, v42;
	v63 =	vld [tilespmem:s20+$0x1200];
	v10 =	vadd.f32 v57, v44  }
0x2e0: {  	v46 =	vld [tilespmem:s21+$0x5230];
	v3 =	vadd.f32 v6, v3;
	v6 =	vmul.f32 v7, v59;
	v7 =	vadd.f32 v8, v13  }
0x2e1: {  	v47 =	vld [tilespmem:s20+$0x1210];
	v13 =	vadd.f32 v40, v39;
	v12 =	vadd.f32 v12, v41  }
0x2e2: {  	v48 =	vld [tilespmem:s21+$0x5240];
	v3 =	vadd.f32 v6, v3;
	v6 =	vmul.f32 v7, v60;
	v7 =	vadd.f32 v10, v62  }
0x2e3: {  	v49 =	vadd.f32 v37, v36;
	v50 =	vld [tilespmem:s20+$0x1220];
	v9 =	vadd.f32 v61, v38  }
0x2e4: {  	v3 =	vadd.f32 v6, v3;
	v6 =	vmul.f32 v7, v63;
	v7 =	vadd.f32 v12, v13;
	v12 =	vld [tilespmem:s21+$0x5250]  }
0x2e5: {  	v51 =	vld [tilespmem:s20+$0x1230];
	v8 =	vadd.f32 v46, v35;
	v13 =	vadd.f32 v34, v33  }
0x2e6: {  	v52 =	vld [tilespmem:s21+$0x5260];
	v3 =	vadd.f32 v6, v3;
	v6 =	vmul.f32 v7, v47;
	v7 =	vadd.f32 v9, v49  }
0x2e7: {  	v54 =	vld [tilespmem:s20+$0x1240];
	v53 =	vadd.f32 v31, v30;
	v10 =	vadd.f32 v48, v32  }
0x2e8: {  	v55 =	vld [tilespmem:s21+$0x5270];
	v3 =	vadd.f32 v6, v3;
	v6 =	vmul.f32 v7, v50;
	v7 =	vadd.f32 v8, v13  }
0x2e9: {  	v56 =	vld [tilespmem:s20+$0x1250];
	v13 =	vadd.f32 v28, v27;
	v12 =	vadd.f32 v12, v29  }
0x2ea: {  	v3 =	vadd.f32 v6, v3;
	v6 =	vmul.f32 v7, v51;
	v7 =	vadd.f32 v10, v53  }
0x2eb: {  	v58 =	vld [tilespmem:s20+$0x1260];
	v57 =	vadd.f32 v25, v24;
	v9 =	vadd.f32 v52, v26  }
0x2ec: {  	v3 =	vadd.f32 v6, v3;
	v6 =	vmul.f32 v7, v54;
	v7 =	vadd.f32 v12, v13  }
0x2ed: {  	v8 =	vadd.f32 v55, v23;
	v12 =	vadd.f32 v22, v21;
	v13 =	vld [tilespmem:s20+$0x1270]  }
0x2ee: {  	v3 =	vadd.f32 v6, v3;
	v6 =	vmul.f32 v7, v56;
	v7 =	vadd.f32 v9, v57;
	_ =	sdelay $0x1  }
0x2ef: {  	v3 =	vadd.f32 v6, v3;
	v6 =	vmul.f32 v7, v58;
	v7 =	vadd.f32 v8, v12;
	_ =	sdelay $0x1  }
0x2f0: {  	v3 =	vadd.f32 v6, v3;
	v6 =	vmul.f32 v7, v13;
	_ =	sdelay $0x1  }
0x2f1: {  	v3 =	vadd.f32 v6, v3;
	v6 =	vld [tilespmem:$0x1FF70];
	_ =	sdelay $0x1  }
0x2f2: {  	v7 =	vld [tilespmem:$0x1FF80];
	_ =	sdelay $0x1  }
0x2f3: {  	s19 =	sshra.s32 s19, $0x2  }
0x2f4: {  	[tilespmem:s19+$0x15400] =	vst v3  }
0x2f5: {  	v3 =	vld.idx.msk [tilespmem:v14+s13+$0x0], $0xffff;
	_ =	sdelay $0x1  }
0x2f6: {  	v6 =	vld.idx.msk [tilespmem:v6+s13+$0x0], $0xffff;
	_ =	sdelay $0x1  }
0x2f7: {  	v7 =	vld.idx.msk [tilespmem:v7+s13+$0x0], $0xffff  }
0x2f8: {  	v59 =	vld [tilespmem:$0x1FF90];
	v3 =	vadd.f32 $0.0e+00, v3;
	_ =	sdelay $0x1  }
0x2f9: {  	v3 =	vadd.f32 v6, v3;
	v6 =	vld [tilespmem:$0x1FFA0];
	_ =	sdelay $0x1  }
0x2fa: {  	v3 =	vadd.f32 v7, v3;
	v7 =	vld [tilespmem:$0x1FFB0];
	_ =	sdelay $0x3  }
0x2fb: {  	v8 =	vld.idx.msk [tilespmem:v59+s13+$0x0], $0xffff;
	_ =	sdelay $0x1  }
0x2fc: {  	v6 =	vld.idx.msk [tilespmem:v6+s13+$0x0], $0xffff;
	_ =	sdelay $0x1  }
0x2fd: {  	v7 =	vld.idx.msk [tilespmem:v7+s13+$0x0], $0xffff  }
0x2fe: {  	v60 =	vld [tilespmem:$0x1FFC0];
	v3 =	vadd.f32 v8, v3;
	_ =	sdelay $0x1  }
0x2ff: {  	v3 =	vadd.f32 v6, v3;
	v6 =	vld [tilespmem:$0x1FFD0];
	_ =	sdelay $0x1  }
0x300: {  	v3 =	vadd.f32 v7, v3;
	v7 =	vld [tilespmem:$0x1FFE0];
	_ =	sdelay $0x1  }
0x301: {  	v61 =	vld [tilespmem:$0x1FFF0];
	_ =	sdelay $0x1  }
0x302: {  	v8 =	vld.idx.msk [tilespmem:v60+s13+$0x0], $0xffff;
	_ =	sdelay $0x1  }
0x303: {  	v6 =	vld.idx.msk [tilespmem:v6+s13+$0x0], $0xffff;
	_ =	sdelay $0x1  }
0x304: {  	v7 =	vld.idx.msk [tilespmem:v7+s13+$0x0], $0xffff  }
0x305: {  	v3 =	vadd.f32 v8, v3  }
0x306: {  	v8 =	vld.idx.msk [tilespmem:v61+s13+$0x0], $0xffff  }
0x307: {  	v3 =	vadd.f32 v6, v3  }
0x308: {  	v6 =	vld.idx.msk [tilespmem:v15+s13+$0x0], $0xffff  }
0x309: {  	v3 =	vadd.f32 v7, v3  }
0x30a: {  	v7 =	vld.idx.msk [tilespmem:v16+s13+$0x0], $0xffff  }
0x30b: {  	v3 =	vadd.f32 v8, v3  }
0x30c: {  	v62 =	vld.idx.msk [tilespmem:v17+s13+$0x0], $0xffff  }
0x30d: {  	v3 =	vadd.f32 v6, v3  }
0x30e: {  	v6 =	vld.idx.msk [tilespmem:v18+s13+$0x0], $0xffff  }
0x30f: {  	v3 =	vadd.f32 v7, v3  }
0x310: {  	v7 =	vld.idx.msk [tilespmem:v19+s13+$0x0], $0xffff  }
0x311: {  	v3 =	vadd.f32 v62, v3  }
0x312: {  	v63 =	vld.idx.msk [tilespmem:v20+s13+$0x0], $0xffff  }
0x313: {  	v3 =	vadd.f32 v6, v3;
	_ =	sdelay $0x1  }
0x314: {  	v3 =	vadd.f32 v7, v3;
	_ =	sdelay $0x1  }
.Ltmp6:
0x315: {  	v3 =	vadd.f32 v63, v3;
	(pc) =	sbr.rel @p0 .LBB2_12-.Ltmp6, $3  }
0x316: {  	_ = 	snop  }
0x317: {  	v3 =	vmul.f32 $2.500000000e-01, v3;
	_ =	sdelay $0x1  }
0x318: {  	[tilespmem:s18+$0x15210] =	vst v3  }
0x319: {  	s19 =	sadd.s32 $0x5, s5  }
0x31a: {  	s20 =	sshll.u32 s19, $0x4  }
0x31b: {  	s20 =	sand.u32 $0x3D0, s20  }
0x31c: {  	v3 =	vld [tilespmem:s20+$0x0];
	_ =	sdelay $0x4  }
0x31d: {  	v6 =	vshll.u32 v3, $0x1  }
0x31e: {  	v3 =	vand.u32 $0x7, v3;
	v6 =	vand.u32 $0xFFFFFFF0, v6  }
0x31f: {  	v3 =	vor.u32 v3, v6  }
0x320: {  	v6 =	vperm.xlane v3, v2;
	_ =	sdelay $0x1  }
0x321: {  	v3 =	vperm.xlane v3, v5;
	v6 =	vadd.s32 v4, v6;
	_ =	sdelay $0x1  }
0x322: {  	v3 =	vadd.s32 v4, v3;
	_ =	sdelay $0x1  }
0x323: {  	s28 =	simm.s32 $0x2200;
	s19 =	sshll.u32 s19, $0x6  }
0x324: {  	[tilespmem:s28], [sflag:$0x2] =	stream.indirect_vreg.gather [hbm4b:s1+s4], $0x80, v6, vm0, $0xb8;
	[tilespmem:$0x15C00] =	vst v63  }
0x325: {  	s29 =	simm.s32 $0x2A00;
	s19 =	sand.u32 $0xF00, s19  }
0x326: {  	[tilespmem:s29], [sflag:$0x2] =	stream.indirect_vreg.gather [hbm4b:s1+s4], $0x80, v3, vm0, $0xb8;
	[tilespmem:$0x15C00] =	vst v63  }
0x327: {  	v3 =	vld [tilespmem:s19+$0xA40];
	_ =	sdelay $0x4  }
0x328: {  	v6 =	vshll.u32 v3, $0x1  }
0x329: {  	v3 =	vand.u32 $0x7, v3;
	v6 =	vand.u32 $0xFFFFFFF0, v6  }
0x32a: {  	v3 =	vor.u32 v3, v6  }
0x32b: {  	v6 =	vperm.xlane v3, v2;
	_ =	sdelay $0x1  }
0x32c: {  	v3 =	vperm.xlane v3, v5;
	v6 =	vadd.s32 v4, v6;
	_ =	sdelay $0x1  }
0x32d: {  	v3 =	vadd.s32 v4, v3;
	_ =	sdelay $0x1  }
0x32e: {  	s21 =	simm.s32 $0x9200  }
0x32f: {  	[tilespmem:s21], [sflag:$0x6] =	stream.indirect_vreg.gather [hbm4b:s2+s4], $0x80, v6, vm0, $0xb8;
	[tilespmem:$0x15C00] =	vst v63  }
0x330: {  	s22 =	simm.s32 $0x9A00  }
0x331: {  	[tilespmem:s22], [sflag:$0x6] =	stream.indirect_vreg.gather [hbm4b:s2+s4], $0x80, v3, vm0, $0xb8;
	[tilespmem:$0x15C00] =	vst v63  }
0x332: {  	v3 =	vld [tilespmem:s19+$0xA50];
	_ =	sdelay $0x4  }
0x333: {  	v6 =	vshll.u32 v3, $0x1  }
0x334: {  	v3 =	vand.u32 $0x7, v3;
	v6 =	vand.u32 $0xFFFFFFF0, v6  }
0x335: {  	v3 =	vor.u32 v3, v6  }
0x336: {  	v6 =	vperm.xlane v3, v2;
	_ =	sdelay $0x1  }
0x337: {  	v3 =	vperm.xlane v3, v5;
	v6 =	vadd.s32 v4, v6;
	_ =	sdelay $0x1  }
0x338: {  	v3 =	vadd.s32 v4, v3;
	_ =	sdelay $0x1  }
0x339: {  	s23 =	simm.s32 $0xA200  }
0x33a: {  	[tilespmem:s23], [sflag:$0x6] =	stream.indirect_vreg.gather [hbm4b:s2+s4], $0x80, v6, vm0, $0xb8;
	[tilespmem:$0x15C00] =	vst v63  }
0x33b: {  	s24 =	simm.s32 $0xAA00  }
0x33c: {  	[tilespmem:s24], [sflag:$0x6] =	stream.indirect_vreg.gather [hbm4b:s2+s4], $0x80, v3, vm0, $0xb8;
	[tilespmem:$0x15C00] =	vst v63  }
0x33d: {  	v3 =	vld [tilespmem:s19+$0xA60];
	_ =	sdelay $0x4  }
0x33e: {  	v6 =	vshll.u32 v3, $0x1  }
0x33f: {  	v3 =	vand.u32 $0x7, v3;
	v6 =	vand.u32 $0xFFFFFFF0, v6  }
0x340: {  	v3 =	vor.u32 v3, v6  }
0x341: {  	v6 =	vperm.xlane v3, v2;
	_ =	sdelay $0x1  }
0x342: {  	v3 =	vperm.xlane v3, v5;
	v6 =	vadd.s32 v4, v6;
	_ =	sdelay $0x1  }
0x343: {  	v3 =	vadd.s32 v4, v3;
	_ =	sdelay $0x1  }
0x344: {  	s25 =	simm.s32 $0xB200  }
0x345: {  	[tilespmem:s25], [sflag:$0x6] =	stream.indirect_vreg.gather [hbm4b:s2+s4], $0x80, v6, vm0, $0xb8;
	[tilespmem:$0x15C00] =	vst v63  }
0x346: {  	s26 =	simm.s32 $0xBA00  }
0x347: {  	[tilespmem:s26], [sflag:$0x6] =	stream.indirect_vreg.gather [hbm4b:s2+s4], $0x80, v3, vm0, $0xb8;
	[tilespmem:$0x15C00] =	vst v63  }
0x348: {  	v3 =	vld [tilespmem:s19+$0xA70];
	_ =	sdelay $0x4  }
0x349: {  	v6 =	vshll.u32 v3, $0x1  }
0x34a: {  	v3 =	vand.u32 $0x7, v3;
	v6 =	vand.u32 $0xFFFFFFF0, v6  }
0x34b: {  	v3 =	vor.u32 v3, v6  }
0x34c: {  	v6 =	vperm.xlane v3, v2;
	_ =	sdelay $0x1  }
0x34d: {  	v3 =	vperm.xlane v3, v5;
	v6 =	vadd.s32 v4, v6;
	_ =	sdelay $0x1  }
0x34e: {  	v3 =	vadd.s32 v4, v3;
	_ =	sdelay $0x1  }
0x34f: {  	s28 =	simm.s32 $0xC200  }
0x350: {  	[tilespmem:s28], [sflag:$0x6] =	stream.indirect_vreg.gather [hbm4b:s2+s4], $0x80, v6, vm0, $0xb8;
	[tilespmem:$0x15C00] =	vst v63  }
0x351: {  	s29 =	simm.s32 $0xCA00  }
0x352: {  	[tilespmem:s29], [sflag:$0x6] =	stream.indirect_vreg.gather [hbm4b:s2+s4], $0x80, v3, vm0, $0xb8;
	[tilespmem:$0x15C00] =	vst v63  }
.LBB2_12:
0x353: {  	_ =	swait.ge [sflag:s6], $0x1000  }
0x354: {  	p1 =	por $0x0, $0x0;
	s19 =	simm.s32 $0x1;
	[sflag:s6] =	ssyncset.done $0x0  }
0x355: {  	s19 =	simm.s32 @!p1 $0x0;
	[sflag:s6] =	ssyncadd.s32 $0xFFFFF000  }
0x356: {  	s19 =	sshll.u32 s19, $0x9;
	_ =	swait.ge [sflag:s7], $0x4000  }
0x357: {  	s23 =	sadd.s32 $0x0, s19;
	[sflag:s7] =	ssyncset.done $0x0  }
0x358: {  	s19 =	sor.u32 $0x8400, s23;
	s20 =	sadd.s32 $0x80, s23;
	[sflag:s7] =	ssyncadd.s32 $0xFFFFC000  }
0x359: {  	s26 =	sadd.s32 $0x100, s23;
	s21 =	sor.u32 $0x8400, s20;
	v21 =	vld [tilespmem:s19+$0x5270]  }
0x35a: {  	s22 =	sor.u32 $0x8400, s26;
	v22 =	vld [tilespmem:s21+$0x5270]  }
0x35b: {  	v23 =	vld [tilespmem:s22+$0x5270]  }
0x35c: {  	v24 =	vld [tilespmem:s19+$0x5260]  }
0x35d: {  	v25 =	vld [tilespmem:s21+$0x5260]  }
0x35e: {  	v26 =	vld [tilespmem:s22+$0x5260]  }
0x35f: {  	v27 =	vld [tilespmem:s19+$0x5250]  }
0x360: {  	v28 =	vld [tilespmem:s21+$0x5250]  }
0x361: {  	v29 =	vld [tilespmem:s22+$0x5250]  }
0x362: {  	v30 =	vld [tilespmem:s19+$0x5240]  }
0x363: {  	v31 =	vld [tilespmem:s21+$0x5240]  }
0x364: {  	v32 =	vld [tilespmem:s22+$0x5240]  }
0x365: {  	v33 =	vld [tilespmem:s19+$0x5230]  }
0x366: {  	v34 =	vld [tilespmem:s21+$0x5230]  }
0x367: {  	v35 =	vld [tilespmem:s22+$0x5230]  }
0x368: {  	v36 =	vld [tilespmem:s19+$0x5220]  }
0x369: {  	v37 =	vld [tilespmem:s21+$0x5220]  }
0x36a: {  	v38 =	vld [tilespmem:s22+$0x5220]  }
0x36b: {  	v39 =	vld [tilespmem:s19+$0x5210]  }
0x36c: {  	v40 =	vld [tilespmem:s21+$0x5210]  }
0x36d: {  	v41 =	vld [tilespmem:s22+$0x5210]  }
0x36e: {  	s20 =	simm.s32 $0x0;
	v42 =	vld [tilespmem:s19+$0x5200]  }
0x36f: {  	s28 =	sand.u32 $0x3800, s20;
	s24 =	sand.u32 $0x200, s20;
	v43 =	vld [tilespmem:s21+$0x5200]  }
0x370: {  	v44 =	vld [tilespmem:s22+$0x5200];
	s24 =	sor.u32 s24, s28  }
0x371: {  	v45 =	vld [tilespmem:s24+$0xD270]  }
0x372: {  	v46 =	vld [tilespmem:s24+$0xD2F0]  }
0x373: {  	v47 =	vld [tilespmem:s24+$0xD370]  }
0x374: {  	v48 =	vld [tilespmem:s24+$0xD260]  }
0x375: {  	v49 =	vld [tilespmem:s24+$0xD2E0]  }
0x376: {  	v50 =	vld [tilespmem:s24+$0xD360]  }
0x377: {  	v51 =	vld [tilespmem:s24+$0xD250]  }
0x378: {  	v52 =	vld [tilespmem:s24+$0xD2D0]  }
0x379: {  	v53 =	vld [tilespmem:s24+$0xD350]  }
0x37a: {  	v54 =	vld [tilespmem:s24+$0xD240]  }
0x37b: {  	v55 =	vld [tilespmem:s24+$0xD2C0]  }
0x37c: {  	v56 =	vld [tilespmem:s24+$0xD340]  }
0x37d: {  	v57 =	vld [tilespmem:s24+$0xD230]  }
0x37e: {  	s25 =	sand.u32 $0x800, s20;
	s29 =	sand.u32 $0x380, s20;
	v58 =	vld [tilespmem:s24+$0xD2B0]  }
0x37f: {  	s26 =	sor.u32 s29, s25;
	v59 =	vld [tilespmem:s24+$0xD330]  }
0x380: {  	v60 =	vld [tilespmem:s26+$0x3200]  }
0x381: {  	v61 =	vld [tilespmem:s24+$0xD220]  }
0x382: {  	v62 =	vld [tilespmem:s24+$0xD2A0]  }
0x383: {  	v63 =	vld [tilespmem:s24+$0xD210]  }
0x384: {  	v3 =	vld [tilespmem:s24+$0xD290]  }
0x385: {  	v6 =	vld [tilespmem:s24+$0xD200]  }
0x386: {  	s21 =	simm.s32 $0x400;
	s19 =	simm.s32 $0x0;
	s22 =	simm.s32 $0x0;
	v7 =	vld [tilespmem:s24+$0xD280]  }
.LBB2_13:
0x387: {  	p2 =	sne.s32 s21, $0x3C00;
	v8 =	vld [tilespmem:s24+$0xD300]  }
0x388: {  	v9 =	vld [tilespmem:s24+$0xD380]  }
0x389: {  	v10 =	vld [tilespmem:s24+$0xD310]  }
0x38a: {  	v11 =	vld [tilespmem:s24+$0xD390]  }
0x38b: {  	v12 =	vld [tilespmem:s24+$0xD320]  }
0x38c: {  	v13 =	vld [tilespmem:s24+$0xD3A0]  }
0x38d: {  	v6 =	vadd.f32 v7, v6;
	v7 =	vadd.f32 v9, v8;
	v8 =	vld [tilespmem:s24+$0xD3B0]  }
0x38e: {  	v3 =	vadd.f32 v3, v63;
	v9 =	vld [tilespmem:s26+$0x3210]  }
0x38f: {  	v6 =	vadd.f32 v7, v6;
	v7 =	vadd.f32 v11, v10;
	v10 =	vld [tilespmem:s24+$0xD3C0]  }
0x390: {  	v61 =	vadd.f32 v62, v61;
	v11 =	vld [tilespmem:s26+$0x3220]  }
0x391: {  	v6 =	vmul.f32 v6, v60;
	v3 =	vadd.f32 v7, v3;
	v7 =	vadd.f32 v13, v12;
	v12 =	vld [tilespmem:s24+$0xD3D0]  }
0x392: {  	v57 =	vadd.f32 v58, v57;
	v13 =	vld [tilespmem:s26+$0x3230];
	v8 =	vadd.f32 v8, v59  }
0x393: {  	v6 =	vadd.f32 $0.0e+00, v6;
	v3 =	vmul.f32 v3, v9;
	v7 =	vadd.f32 v7, v61;
	v9 =	vld [tilespmem:s24+$0xD3E0]  }
0x394: {  	v54 =	vadd.f32 v55, v54;
	v58 =	vld [tilespmem:s26+$0x3240];
	v10 =	vadd.f32 v10, v56  }
0x395: {  	s23 =	sadd.s32 $0x180, s23;
	v3 =	vadd.f32 v3, v6;
	v6 =	vmul.f32 v7, v11;
	v7 =	vadd.f32 v8, v57;
	v8 =	vld [tilespmem:s24+$0xD3F0]  }
0x396: {  	v51 =	vadd.f32 v52, v51;
	s23 =	sor.u32 $0x8400, s23;
	v11 =	vld [tilespmem:s26+$0x3250];
	v12 =	vadd.f32 v12, v53  }
0x397: {  	v3 =	vadd.f32 v6, v3;
	v6 =	vmul.f32 v7, v13;
	v7 =	vadd.f32 v10, v54;
	v10 =	vld [tilespmem:s23+$0x5200]  }
0x398: {  	v48 =	vadd.f32 v49, v48;
	v13 =	vld [tilespmem:s26+$0x3260];
	v9 =	vadd.f32 v9, v50  }
0x399: {  	v3 =	vadd.f32 v6, v3;
	v6 =	vmul.f32 v7, v58;
	v7 =	vadd.f32 v12, v51;
	v12 =	vld [tilespmem:s23+$0x5210]  }
0x39a: {  	v45 =	vadd.f32 v46, v45;
	s24 =	sor.u32 s25, s20;
	v49 =	vld [tilespmem:s26+$0x3270];
	v8 =	vadd.f32 v8, v47  }
0x39b: {  	s24 =	sor.u32 $0x2400, s24;
	v3 =	vadd.f32 v6, v3;
	v6 =	vmul.f32 v7, v11;
	v7 =	vadd.f32 v9, v48;
	v9 =	vld [tilespmem:s23+$0x5220]  }
0x39c: {  	v42 =	vadd.f32 v43, v42;
	v11 =	vld [tilespmem:s24+$0x1200];
	v10 =	vadd.f32 v10, v44  }
0x39d: {  	v3 =	vadd.f32 v6, v3;
	v6 =	vmul.f32 v7, v13;
	v7 =	vadd.f32 v8, v45;
	v8 =	vld [tilespmem:s23+$0x5230]  }
0x39e: {  	v39 =	vadd.f32 v40, v39;
	v13 =	vld [tilespmem:s24+$0x1210];
	v12 =	vadd.f32 v12, v41  }
0x39f: {  	v3 =	vadd.f32 v6, v3;
	v6 =	vmul.f32 v7, v49;
	v7 =	vadd.f32 v10, v42;
	v10 =	vld [tilespmem:s23+$0x5240]  }
0x3a0: {  	v36 =	vadd.f32 v37, v36;
	v40 =	vld [tilespmem:s24+$0x1220];
	v9 =	vadd.f32 v9, v38  }
0x3a1: {  	v3 =	vadd.f32 v6, v3;
	v6 =	vmul.f32 v7, v11;
	v7 =	vadd.f32 v12, v39;
	v11 =	vld [tilespmem:s23+$0x5250]  }
0x3a2: {  	v33 =	vadd.f32 v34, v33;
	v12 =	vld [tilespmem:s24+$0x1230];
	v8 =	vadd.f32 v8, v35  }
0x3a3: {  	v3 =	vadd.f32 v6, v3;
	v6 =	vmul.f32 v7, v13;
	v7 =	vadd.f32 v9, v36;
	v9 =	vld [tilespmem:s23+$0x5260]  }
0x3a4: {  	v30 =	vadd.f32 v31, v30;
	v13 =	vld [tilespmem:s24+$0x1240];
	v10 =	vadd.f32 v10, v32  }
0x3a5: {  	v3 =	vadd.f32 v6, v3;
	v6 =	vmul.f32 v7, v40;
	v7 =	vadd.f32 v8, v33;
	v8 =	vld [tilespmem:s23+$0x5270]  }
0x3a6: {  	v27 =	vadd.f32 v28, v27;
	v31 =	vld [tilespmem:s24+$0x1250];
	v11 =	vadd.f32 v11, v29  }
0x3a7: {  	v3 =	vadd.f32 v6, v3;
	v6 =	vmul.f32 v7, v12;
	v7 =	vadd.f32 v10, v30  }
0x3a8: {  	v12 =	vadd.f32 v25, v24;
	v10 =	vld [tilespmem:s24+$0x1260];
	v9 =	vadd.f32 v9, v26  }
0x3a9: {  	v3 =	vadd.f32 v6, v3;
	v6 =	vmul.f32 v7, v13;
	v7 =	vadd.f32 v11, v27  }
0x3aa: {  	v13 =	vadd.f32 v22, v21;
	v11 =	vld [tilespmem:s24+$0x1270];
	v8 =	vadd.f32 v8, v23  }
0x3ab: {  	v3 =	vadd.f32 v6, v3;
	v6 =	vmul.f32 v7, v31;
	v7 =	vadd.f32 v9, v12;
	_ =	sdelay $0x1  }
0x3ac: {  	v3 =	vadd.f32 v6, v3;
	v6 =	vmul.f32 v7, v10;
	v7 =	vadd.f32 v8, v13;
	_ =	sdelay $0x1  }
0x3ad: {  	p1 =	por !p1, !p1;
	s23 =	simm.s32 $0x1;
	v3 =	vadd.f32 v6, v3;
	v6 =	vmul.f32 v7, v11  }
0x3ae: {  	s23 =	simm.s32 @!p1 $0x0  }
0x3af: {  	s23 =	sshll.u32 s23, $0x9;
	v3 =	vadd.f32 v6, v3  }
0x3b0: {  	s23 =	sadd.s32 s23, s21;
	s24 =	sshra.s32 s19, $0x2  }
0x3b1: {  	s25 =	sor.u32 $0x8400, s23;
	s26 =	sadd.s32 $0x80, s23;
	[tilespmem:s24+$0x15400] =	vst v3  }
0x3b2: {  	s24 =	sor.u32 $0x8400, s26;
	s26 =	sadd.s32 $0x100, s23;
	v21 =	vld [tilespmem:s25+$0x5270]  }
0x3b3: {  	s26 =	sor.u32 $0x8400, s26;
	v22 =	vld [tilespmem:s24+$0x5270]  }
0x3b4: {  	v23 =	vld [tilespmem:s26+$0x5270]  }
0x3b5: {  	v24 =	vld [tilespmem:s25+$0x5260]  }
0x3b6: {  	v25 =	vld [tilespmem:s24+$0x5260]  }
0x3b7: {  	v26 =	vld [tilespmem:s26+$0x5260]  }
0x3b8: {  	v27 =	vld [tilespmem:s25+$0x5250]  }
0x3b9: {  	v28 =	vld [tilespmem:s24+$0x5250]  }
0x3ba: {  	v29 =	vld [tilespmem:s26+$0x5250]  }
0x3bb: {  	v30 =	vld [tilespmem:s25+$0x5240]  }
0x3bc: {  	v31 =	vld [tilespmem:s24+$0x5240]  }
0x3bd: {  	v32 =	vld [tilespmem:s26+$0x5240]  }
0x3be: {  	v33 =	vld [tilespmem:s25+$0x5230]  }
0x3bf: {  	v34 =	vld [tilespmem:s24+$0x5230]  }
0x3c0: {  	v35 =	vld [tilespmem:s26+$0x5230]  }
0x3c1: {  	v36 =	vld [tilespmem:s25+$0x5220]  }
0x3c2: {  	v37 =	vld [tilespmem:s24+$0x5220]  }
0x3c3: {  	v38 =	vld [tilespmem:s26+$0x5220]  }
0x3c4: {  	v39 =	vld [tilespmem:s25+$0x5210]  }
0x3c5: {  	v40 =	vld [tilespmem:s24+$0x5210]  }
0x3c6: {  	v41 =	vld [tilespmem:s26+$0x5210]  }
0x3c7: {  	s19 =	sadd.s32 $0x200, s19;
	v42 =	vld [tilespmem:s25+$0x5200]  }
0x3c8: {  	s28 =	sand.u32 $0x200, s19;
	s25 =	sand.u32 $0x3800, s21;
	v43 =	vld [tilespmem:s24+$0x5200]  }
0x3c9: {  	s24 =	sor.u32 s28, s25;
	v44 =	vld [tilespmem:s26+$0x5200]  }
0x3ca: {  	v45 =	vld [tilespmem:s24+$0xD270]  }
0x3cb: {  	v46 =	vld [tilespmem:s24+$0xD2F0]  }
0x3cc: {  	v47 =	vld [tilespmem:s24+$0xD370]  }
0x3cd: {  	v48 =	vld [tilespmem:s24+$0xD260]  }
0x3ce: {  	v49 =	vld [tilespmem:s24+$0xD2E0]  }
0x3cf: {  	v50 =	vld [tilespmem:s24+$0xD360]  }
0x3d0: {  	v51 =	vld [tilespmem:s24+$0xD250]  }
0x3d1: {  	v52 =	vld [tilespmem:s24+$0xD2D0]  }
0x3d2: {  	v53 =	vld [tilespmem:s24+$0xD350]  }
0x3d3: {  	v54 =	vld [tilespmem:s24+$0xD240]  }
0x3d4: {  	v55 =	vld [tilespmem:s24+$0xD2C0]  }
0x3d5: {  	v56 =	vld [tilespmem:s24+$0xD340]  }
0x3d6: {  	s22 =	sadd.s32 $0x100, s22;
	s20 =	sadd.s32 $0x80, s20;
	v57 =	vld [tilespmem:s24+$0xD230]  }
0x3d7: {  	s25 =	sand.u32 $0x800, s22;
	s26 =	sand.u32 $0x380, s20;
	v58 =	vld [tilespmem:s24+$0xD2B0]  }
0x3d8: {  	s26 =	sor.u32 s26, s25;
	v59 =	vld [tilespmem:s24+$0xD330]  }
0x3d9: {  	v60 =	vld [tilespmem:s26+$0x3200]  }
0x3da: {  	v61 =	vld [tilespmem:s24+$0xD220]  }
.Ltmp7:
0x3db: {  	v62 =	vld [tilespmem:s24+$0xD2A0];
	(pc) =	sbr.rel @p2 .LBB2_13-.Ltmp7, $4  }
0x3dc: {  	v63 =	vld [tilespmem:s24+$0xD210]  }
0x3dd: {  	v3 =	vld [tilespmem:s24+$0xD290]  }
0x3de: {  	v6 =	vld [tilespmem:s24+$0xD200]  }
0x3df: {  	s21 =	sadd.s32 $0x400, s21;
	v7 =	vld [tilespmem:s24+$0xD280]  }
0x3e0: {  	v8 =	vld [tilespmem:s24+$0xD300]  }
0x3e1: {  	v9 =	vld [tilespmem:s24+$0xD380]  }
0x3e2: {  	v10 =	vld [tilespmem:s24+$0xD310]  }
0x3e3: {  	v11 =	vld [tilespmem:s24+$0xD390]  }
0x3e4: {  	v12 =	vld [tilespmem:s24+$0xD320]  }
0x3e5: {  	v13 =	vld [tilespmem:s24+$0xD3A0]  }
0x3e6: {  	v6 =	vadd.f32 v7, v6;
	v7 =	vadd.f32 v9, v8;
	v8 =	vld [tilespmem:s24+$0xD3B0]  }
0x3e7: {  	v3 =	vadd.f32 v3, v63;
	v9 =	vld [tilespmem:s26+$0x3210]  }
0x3e8: {  	v6 =	vadd.f32 v7, v6;
	v7 =	vadd.f32 v11, v10;
	v10 =	vld [tilespmem:s24+$0xD3C0]  }
0x3e9: {  	v11 =	vadd.f32 v62, v61;
	v61 =	vld [tilespmem:s26+$0x3220]  }
0x3ea: {  	v6 =	vmul.f32 v6, v60;
	v3 =	vadd.f32 v7, v3;
	v7 =	vadd.f32 v13, v12;
	v12 =	vld [tilespmem:s24+$0xD3D0]  }
0x3eb: {  	v13 =	vadd.f32 v58, v57;
	v57 =	vld [tilespmem:s26+$0x3230];
	v8 =	vadd.f32 v8, v59  }
0x3ec: {  	v60 =	vld [tilespmem:s24+$0xD3E0];
	v3 =	vmul.f32 v3, v9;
	v6 =	vadd.f32 $0.0e+00, v6;
	v7 =	vadd.f32 v7, v11  }
0x3ed: {  	v63 =	vld [tilespmem:s26+$0x3240];
	v62 =	vadd.f32 v55, v54;
	v10 =	vadd.f32 v10, v56  }
0x3ee: {  	s21 =	sadd.s32 $0x180, s23;
	v55 =	vld [tilespmem:s24+$0xD3F0];
	v3 =	vadd.f32 v3, v6;
	v6 =	vmul.f32 v7, v61;
	v7 =	vadd.f32 v8, v13  }
0x3ef: {  	s21 =	sor.u32 $0x8400, s21;
	v56 =	vld [tilespmem:s26+$0x3250];
	v13 =	vadd.f32 v52, v51;
	v12 =	vadd.f32 v12, v53  }
0x3f0: {  	v3 =	vadd.f32 v6, v3;
	v6 =	vmul.f32 v7, v57;
	v7 =	vadd.f32 v10, v62;
	v57 =	vld [tilespmem:s21+$0x5200]  }
0x3f1: {  	v58 =	vadd.f32 v49, v48;
	v59 =	vld [tilespmem:s26+$0x3260];
	v9 =	vadd.f32 v60, v50  }
0x3f2: {  	v3 =	vadd.f32 v6, v3;
	v6 =	vmul.f32 v7, v63;
	v7 =	vadd.f32 v12, v13;
	v12 =	vld [tilespmem:s21+$0x5210]  }
0x3f3: {  	s20 =	sor.u32 s25, s20;
	v8 =	vadd.f32 v55, v47;
	v60 =	vld [tilespmem:s26+$0x3270];
	v13 =	vadd.f32 v46, v45  }
0x3f4: {  	s20 =	sor.u32 $0x2400, s20;
	v61 =	vld [tilespmem:s21+$0x5220];
	v3 =	vadd.f32 v6, v3;
	v6 =	vmul.f32 v7, v56;
	v7 =	vadd.f32 v9, v58  }
0x3f5: {  	v62 =	vadd.f32 v43, v42;
	v63 =	vld [tilespmem:s20+$0x1200];
	v10 =	vadd.f32 v57, v44  }
0x3f6: {  	v46 =	vld [tilespmem:s21+$0x5230];
	v3 =	vadd.f32 v6, v3;
	v6 =	vmul.f32 v7, v59;
	v7 =	vadd.f32 v8, v13  }
0x3f7: {  	v47 =	vld [tilespmem:s20+$0x1210];
	v13 =	vadd.f32 v40, v39;
	v12 =	vadd.f32 v12, v41  }
0x3f8: {  	v48 =	vld [tilespmem:s21+$0x5240];
	v3 =	vadd.f32 v6, v3;
	v6 =	vmul.f32 v7, v60;
	v7 =	vadd.f32 v10, v62  }
0x3f9: {  	v49 =	vadd.f32 v37, v36;
	v50 =	vld [tilespmem:s20+$0x1220];
	v9 =	vadd.f32 v61, v38  }
0x3fa: {  	v3 =	vadd.f32 v6, v3;
	v6 =	vmul.f32 v7, v63;
	v7 =	vadd.f32 v12, v13;
	v12 =	vld [tilespmem:s21+$0x5250]  }
0x3fb: {  	v51 =	vld [tilespmem:s20+$0x1230];
	v8 =	vadd.f32 v46, v35;
	v13 =	vadd.f32 v34, v33  }
0x3fc: {  	v52 =	vld [tilespmem:s21+$0x5260];
	v3 =	vadd.f32 v6, v3;
	v6 =	vmul.f32 v7, v47;
	v7 =	vadd.f32 v9, v49  }
0x3fd: {  	v54 =	vld [tilespmem:s20+$0x1240];
	v53 =	vadd.f32 v31, v30;
	v10 =	vadd.f32 v48, v32  }
0x3fe: {  	v55 =	vld [tilespmem:s21+$0x5270];
	v3 =	vadd.f32 v6, v3;
	v6 =	vmul.f32 v7, v50;
	v7 =	vadd.f32 v8, v13  }
0x3ff: {  	v56 =	vld [tilespmem:s20+$0x1250];
	v13 =	vadd.f32 v28, v27;
	v12 =	vadd.f32 v12, v29  }
0x400: {  	v3 =	vadd.f32 v6, v3;
	v6 =	vmul.f32 v7, v51;
	v7 =	vadd.f32 v10, v53  }
0x401: {  	v58 =	vld [tilespmem:s20+$0x1260];
	v57 =	vadd.f32 v25, v24;
	v9 =	vadd.f32 v52, v26  }
0x402: {  	v3 =	vadd.f32 v6, v3;
	v6 =	vmul.f32 v7, v54;
	v7 =	vadd.f32 v12, v13  }
0x403: {  	v8 =	vadd.f32 v55, v23;
	v12 =	vadd.f32 v22, v21;
	v13 =	vld [tilespmem:s20+$0x1270]  }
0x404: {  	v3 =	vadd.f32 v6, v3;
	v6 =	vmul.f32 v7, v56;
	v7 =	vadd.f32 v9, v57;
	_ =	sdelay $0x1  }
0x405: {  	v3 =	vadd.f32 v6, v3;
	v6 =	vmul.f32 v7, v58;
	v7 =	vadd.f32 v8, v12;
	_ =	sdelay $0x1  }
0x406: {  	v3 =	vadd.f32 v6, v3;
	v6 =	vmul.f32 v7, v13;
	_ =	sdelay $0x1  }
0x407: {  	v3 =	vadd.f32 v6, v3;
	v6 =	vld [tilespmem:$0x1FF70];
	_ =	sdelay $0x1  }
0x408: {  	v7 =	vld [tilespmem:$0x1FF80];
	_ =	sdelay $0x1  }
0x409: {  	s19 =	sshra.s32 s19, $0x2  }
0x40a: {  	[tilespmem:s19+$0x15400] =	vst v3  }
0x40b: {  	v3 =	vld.idx.msk [tilespmem:v14+s13+$0x0], $0xffff;
	_ =	sdelay $0x1  }
0x40c: {  	v6 =	vld.idx.msk [tilespmem:v6+s13+$0x0], $0xffff;
	_ =	sdelay $0x1  }
0x40d: {  	v7 =	vld.idx.msk [tilespmem:v7+s13+$0x0], $0xffff  }
0x40e: {  	v59 =	vld [tilespmem:$0x1FF90];
	v3 =	vadd.f32 $0.0e+00, v3;
	_ =	sdelay $0x1  }
0x40f: {  	v3 =	vadd.f32 v6, v3;
	v6 =	vld [tilespmem:$0x1FFA0];
	_ =	sdelay $0x1  }
0x410: {  	v3 =	vadd.f32 v7, v3;
	v7 =	vld [tilespmem:$0x1FFB0];
	_ =	sdelay $0x3  }
0x411: {  	v8 =	vld.idx.msk [tilespmem:v59+s13+$0x0], $0xffff;
	_ =	sdelay $0x1  }
0x412: {  	v6 =	vld.idx.msk [tilespmem:v6+s13+$0x0], $0xffff;
	_ =	sdelay $0x1  }
0x413: {  	v7 =	vld.idx.msk [tilespmem:v7+s13+$0x0], $0xffff  }
0x414: {  	v60 =	vld [tilespmem:$0x1FFC0];
	v3 =	vadd.f32 v8, v3;
	_ =	sdelay $0x1  }
0x415: {  	v3 =	vadd.f32 v6, v3;
	v6 =	vld [tilespmem:$0x1FFD0];
	_ =	sdelay $0x1  }
0x416: {  	v3 =	vadd.f32 v7, v3;
	v7 =	vld [tilespmem:$0x1FFE0];
	_ =	sdelay $0x1  }
0x417: {  	v61 =	vld [tilespmem:$0x1FFF0];
	_ =	sdelay $0x1  }
0x418: {  	v8 =	vld.idx.msk [tilespmem:v60+s13+$0x0], $0xffff;
	_ =	sdelay $0x1  }
0x419: {  	v6 =	vld.idx.msk [tilespmem:v6+s13+$0x0], $0xffff;
	_ =	sdelay $0x1  }
0x41a: {  	v7 =	vld.idx.msk [tilespmem:v7+s13+$0x0], $0xffff  }
0x41b: {  	v3 =	vadd.f32 v8, v3  }
0x41c: {  	v8 =	vld.idx.msk [tilespmem:v61+s13+$0x0], $0xffff  }
0x41d: {  	v3 =	vadd.f32 v6, v3  }
0x41e: {  	v6 =	vld.idx.msk [tilespmem:v15+s13+$0x0], $0xffff  }
0x41f: {  	v3 =	vadd.f32 v7, v3  }
0x420: {  	v7 =	vld.idx.msk [tilespmem:v16+s13+$0x0], $0xffff  }
0x421: {  	v3 =	vadd.f32 v8, v3  }
0x422: {  	v62 =	vld.idx.msk [tilespmem:v17+s13+$0x0], $0xffff  }
0x423: {  	v3 =	vadd.f32 v6, v3  }
0x424: {  	v6 =	vld.idx.msk [tilespmem:v18+s13+$0x0], $0xffff  }
0x425: {  	v3 =	vadd.f32 v7, v3  }
0x426: {  	v7 =	vld.idx.msk [tilespmem:v19+s13+$0x0], $0xffff  }
0x427: {  	v3 =	vadd.f32 v62, v3  }
0x428: {  	v63 =	vld.idx.msk [tilespmem:v20+s13+$0x0], $0xffff  }
0x429: {  	v3 =	vadd.f32 v6, v3;
	_ =	sdelay $0x1  }
0x42a: {  	v3 =	vadd.f32 v7, v3;
	_ =	sdelay $0x1  }
.Ltmp8:
0x42b: {  	v3 =	vadd.f32 v63, v3;
	(pc) =	sbr.rel @p0 .LBB2_16-.Ltmp8, $3  }
0x42c: {  	_ = 	snop  }
0x42d: {  	v3 =	vmul.f32 $2.500000000e-01, v3;
	_ =	sdelay $0x1  }
0x42e: {  	[tilespmem:s18+$0x15220] =	vst v3  }
0x42f: {  	s19 =	sadd.s32 $0x6, s5  }
0x430: {  	s20 =	sshll.u32 s19, $0x4  }
0x431: {  	s20 =	sand.u32 $0x3E0, s20  }
0x432: {  	v3 =	vld [tilespmem:s20+$0x0];
	_ =	sdelay $0x4  }
0x433: {  	v6 =	vshll.u32 v3, $0x1  }
0x434: {  	v3 =	vand.u32 $0x7, v3;
	v6 =	vand.u32 $0xFFFFFFF0, v6  }
0x435: {  	v3 =	vor.u32 v3, v6  }
0x436: {  	v6 =	vperm.xlane v3, v2;
	_ =	sdelay $0x1  }
0x437: {  	v3 =	vperm.xlane v3, v5;
	v6 =	vadd.s32 v4, v6;
	_ =	sdelay $0x1  }
0x438: {  	v3 =	vadd.s32 v4, v3;
	_ =	sdelay $0x1  }
0x439: {  	s28 =	simm.s32 $0x3200;
	s19 =	sshll.u32 s19, $0x6  }
0x43a: {  	[tilespmem:s28], [sflag:$0x3] =	stream.indirect_vreg.gather [hbm4b:s1+s4], $0x80, v6, vm0, $0xb8;
	[tilespmem:$0x15C00] =	vst v63  }
0x43b: {  	s29 =	simm.s32 $0x3A00;
	s19 =	sand.u32 $0x3FFFFFC0, s19  }
0x43c: {  	[tilespmem:s29], [sflag:$0x3] =	stream.indirect_vreg.gather [hbm4b:s1+s4], $0x80, v3, vm0, $0xb8;
	[tilespmem:$0x15C00] =	vst v63  }
0x43d: {  	v3 =	vld [tilespmem:s19+$0xA00];
	_ =	sdelay $0x4  }
0x43e: {  	v6 =	vshll.u32 v3, $0x1  }
0x43f: {  	v3 =	vand.u32 $0x7, v3;
	v6 =	vand.u32 $0xFFFFFFF0, v6  }
0x440: {  	v3 =	vor.u32 v3, v6  }
0x441: {  	v6 =	vperm.xlane v3, v2;
	_ =	sdelay $0x1  }
0x442: {  	v3 =	vperm.xlane v3, v5;
	v6 =	vadd.s32 v4, v6;
	_ =	sdelay $0x1  }
0x443: {  	v3 =	vadd.s32 v4, v3;
	_ =	sdelay $0x1  }
0x444: {  	s21 =	simm.s32 $0xD200  }
0x445: {  	[tilespmem:s21], [sflag:$0x7] =	stream.indirect_vreg.gather [hbm4b:s2+s4], $0x80, v6, vm0, $0xb8;
	[tilespmem:$0x15C00] =	vst v63  }
0x446: {  	s22 =	simm.s32 $0xDA00  }
0x447: {  	[tilespmem:s22], [sflag:$0x7] =	stream.indirect_vreg.gather [hbm4b:s2+s4], $0x80, v3, vm0, $0xb8;
	[tilespmem:$0x15C00] =	vst v63  }
0x448: {  	v3 =	vld [tilespmem:s19+$0xA10];
	_ =	sdelay $0x4  }
0x449: {  	v6 =	vshll.u32 v3, $0x1  }
0x44a: {  	v3 =	vand.u32 $0x7, v3;
	v6 =	vand.u32 $0xFFFFFFF0, v6  }
0x44b: {  	v3 =	vor.u32 v3, v6  }
0x44c: {  	v6 =	vperm.xlane v3, v2;
	_ =	sdelay $0x1  }
0x44d: {  	v3 =	vperm.xlane v3, v5;
	v6 =	vadd.s32 v4, v6;
	_ =	sdelay $0x1  }
0x44e: {  	v3 =	vadd.s32 v4, v3;
	_ =	sdelay $0x1  }
0x44f: {  	s23 =	simm.s32 $0xE200  }
0x450: {  	[tilespmem:s23], [sflag:$0x7] =	stream.indirect_vreg.gather [hbm4b:s2+s4], $0x80, v6, vm0, $0xb8;
	[tilespmem:$0x15C00] =	vst v63  }
0x451: {  	s24 =	simm.s32 $0xEA00  }
0x452: {  	[tilespmem:s24], [sflag:$0x7] =	stream.indirect_vreg.gather [hbm4b:s2+s4], $0x80, v3, vm0, $0xb8;
	[tilespmem:$0x15C00] =	vst v63  }
0x453: {  	v3 =	vld [tilespmem:s19+$0xA20];
	_ =	sdelay $0x4  }
0x454: {  	v6 =	vshll.u32 v3, $0x1  }
0x455: {  	v3 =	vand.u32 $0x7, v3;
	v6 =	vand.u32 $0xFFFFFFF0, v6  }
0x456: {  	v3 =	vor.u32 v3, v6  }
0x457: {  	v6 =	vperm.xlane v3, v2;
	_ =	sdelay $0x1  }
0x458: {  	v3 =	vperm.xlane v3, v5;
	v6 =	vadd.s32 v4, v6;
	_ =	sdelay $0x1  }
0x459: {  	v3 =	vadd.s32 v4, v3;
	_ =	sdelay $0x1  }
0x45a: {  	s25 =	simm.s32 $0xF200  }
0x45b: {  	[tilespmem:s25], [sflag:$0x7] =	stream.indirect_vreg.gather [hbm4b:s2+s4], $0x80, v6, vm0, $0xb8;
	[tilespmem:$0x15C00] =	vst v63  }
0x45c: {  	s26 =	simm.s32 $0xFA00  }
0x45d: {  	[tilespmem:s26], [sflag:$0x7] =	stream.indirect_vreg.gather [hbm4b:s2+s4], $0x80, v3, vm0, $0xb8;
	[tilespmem:$0x15C00] =	vst v63  }
0x45e: {  	v3 =	vld [tilespmem:s19+$0xA30];
	_ =	sdelay $0x4  }
0x45f: {  	v6 =	vshll.u32 v3, $0x1  }
0x460: {  	v3 =	vand.u32 $0x7, v3;
	v6 =	vand.u32 $0xFFFFFFF0, v6  }
0x461: {  	v3 =	vor.u32 v3, v6  }
0x462: {  	v6 =	vperm.xlane v3, v2;
	_ =	sdelay $0x1  }
0x463: {  	v3 =	vperm.xlane v3, v5;
	v6 =	vadd.s32 v4, v6;
	_ =	sdelay $0x1  }
0x464: {  	v3 =	vadd.s32 v4, v3;
	_ =	sdelay $0x1  }
0x465: {  	s28 =	simm.s32 $0x10200  }
0x466: {  	[tilespmem:s28], [sflag:$0x7] =	stream.indirect_vreg.gather [hbm4b:s2+s4], $0x80, v6, vm0, $0xb8;
	[tilespmem:$0x15C00] =	vst v63  }
0x467: {  	s29 =	simm.s32 $0x10A00  }
0x468: {  	[tilespmem:s29], [sflag:$0x7] =	stream.indirect_vreg.gather [hbm4b:s2+s4], $0x80, v3, vm0, $0xb8;
	[tilespmem:$0x15C00] =	vst v63  }
.LBB2_16:
0x469: {  	_ =	swait.ge [sflag:s8], $0x1000  }
0x46a: {  	p1 =	por $0x0, $0x0;
	s19 =	simm.s32 $0x1;
	[sflag:s8] =	ssyncset.done $0x0  }
0x46b: {  	s19 =	simm.s32 @!p1 $0x0;
	[sflag:s8] =	ssyncadd.s32 $0xFFFFF000  }
0x46c: {  	s19 =	sshll.u32 s19, $0x9;
	_ =	swait.ge [sflag:s9], $0x4000  }
0x46d: {  	s23 =	sadd.s32 $0x0, s19;
	[sflag:s9] =	ssyncset.done $0x0  }
0x46e: {  	s19 =	sor.u32 $0xC400, s23;
	s20 =	sadd.s32 $0x80, s23;
	[sflag:s9] =	ssyncadd.s32 $0xFFFFC000  }
0x46f: {  	s26 =	sadd.s32 $0x100, s23;
	s21 =	sor.u32 $0xC400, s20;
	v21 =	vld [tilespmem:s19+$0x5270]  }
0x470: {  	s22 =	sor.u32 $0xC400, s26;
	v22 =	vld [tilespmem:s21+$0x5270]  }
0x471: {  	v23 =	vld [tilespmem:s22+$0x5270]  }
0x472: {  	v24 =	vld [tilespmem:s19+$0x5260]  }
0x473: {  	v25 =	vld [tilespmem:s21+$0x5260]  }
0x474: {  	v26 =	vld [tilespmem:s22+$0x5260]  }
0x475: {  	v27 =	vld [tilespmem:s19+$0x5250]  }
0x476: {  	v28 =	vld [tilespmem:s21+$0x5250]  }
0x477: {  	v29 =	vld [tilespmem:s22+$0x5250]  }
0x478: {  	v30 =	vld [tilespmem:s19+$0x5240]  }
0x479: {  	v31 =	vld [tilespmem:s21+$0x5240]  }
0x47a: {  	v32 =	vld [tilespmem:s22+$0x5240]  }
0x47b: {  	v33 =	vld [tilespmem:s19+$0x5230]  }
0x47c: {  	v34 =	vld [tilespmem:s21+$0x5230]  }
0x47d: {  	v35 =	vld [tilespmem:s22+$0x5230]  }
0x47e: {  	v36 =	vld [tilespmem:s19+$0x5220]  }
0x47f: {  	v37 =	vld [tilespmem:s21+$0x5220]  }
0x480: {  	v38 =	vld [tilespmem:s22+$0x5220]  }
0x481: {  	v39 =	vld [tilespmem:s19+$0x5210]  }
0x482: {  	v40 =	vld [tilespmem:s21+$0x5210]  }
0x483: {  	s20 =	simm.s32 $0x0;
	v41 =	vld [tilespmem:s22+$0x5210]  }
0x484: {  	s24 =	sand.u32 $0x3800, s20;
	s25 =	sand.u32 $0x200, s20;
	v42 =	vld [tilespmem:s19+$0x5200]  }
0x485: {  	v43 =	vld [tilespmem:s21+$0x5200];
	s28 =	sor.u32 s25, s24  }
0x486: {  	v44 =	vld [tilespmem:s22+$0x5200];
	s24 =	sadd.s32 $0x5200, s28  }
0x487: {  	v45 =	vld [tilespmem:s24+$0xC070]  }
0x488: {  	v46 =	vld [tilespmem:s24+$0xC0F0]  }
0x489: {  	v47 =	vld [tilespmem:s24+$0xC170]  }
0x48a: {  	v48 =	vld [tilespmem:s24+$0xC060]  }
0x48b: {  	v49 =	vld [tilespmem:s24+$0xC0E0]  }
0x48c: {  	v50 =	vld [tilespmem:s24+$0xC160]  }
0x48d: {  	v51 =	vld [tilespmem:s24+$0xC050]  }
0x48e: {  	v52 =	vld [tilespmem:s24+$0xC0D0]  }
0x48f: {  	v53 =	vld [tilespmem:s24+$0xC150]  }
0x490: {  	v54 =	vld [tilespmem:s24+$0xC040]  }
0x491: {  	v55 =	vld [tilespmem:s24+$0xC0C0]  }
0x492: {  	v56 =	vld [tilespmem:s24+$0xC140]  }
0x493: {  	v57 =	vld [tilespmem:s24+$0xC030]  }
0x494: {  	s29 =	sand.u32 $0x380, s20;
	s25 =	sand.u32 $0x800, s20;
	v58 =	vld [tilespmem:s24+$0xC0B0]  }
0x495: {  	s26 =	sor.u32 s29, s25;
	v59 =	vld [tilespmem:s24+$0xC130]  }
0x496: {  	v60 =	vld [tilespmem:s26+$0x4200]  }
0x497: {  	v61 =	vld [tilespmem:s24+$0xC020]  }
0x498: {  	v62 =	vld [tilespmem:s24+$0xC0A0]  }
0x499: {  	v63 =	vld [tilespmem:s24+$0xC010]  }
0x49a: {  	v3 =	vld [tilespmem:s24+$0xC090]  }
0x49b: {  	s21 =	simm.s32 $0x400;
	s19 =	simm.s32 $0x0;
	s22 =	simm.s32 $0x0;
	v6 =	vld [tilespmem:s24+$0xC000]  }
.LBB2_17:
0x49c: {  	p2 =	sne.s32 s21, $0x3C00;
	v7 =	vld [tilespmem:s24+$0xC080]  }
0x49d: {  	v8 =	vld [tilespmem:s24+$0xC100]  }
0x49e: {  	v9 =	vld [tilespmem:s24+$0xC180]  }
0x49f: {  	v10 =	vld [tilespmem:s24+$0xC110]  }
0x4a0: {  	v11 =	vld [tilespmem:s24+$0xC190]  }
0x4a1: {  	v12 =	vld [tilespmem:s24+$0xC120]  }
0x4a2: {  	v13 =	vld [tilespmem:s24+$0xC1A0]  }
0x4a3: {  	v6 =	vadd.f32 v7, v6;
	v7 =	vadd.f32 v9, v8;
	v8 =	vld [tilespmem:s24+$0xC1B0]  }
0x4a4: {  	v3 =	vadd.f32 v3, v63;
	v9 =	vld [tilespmem:s26+$0x4210]  }
0x4a5: {  	v6 =	vadd.f32 v7, v6;
	v7 =	vadd.f32 v11, v10;
	v10 =	vld [tilespmem:s24+$0xC1C0]  }
0x4a6: {  	v61 =	vadd.f32 v62, v61;
	v11 =	vld [tilespmem:s26+$0x4220]  }
0x4a7: {  	v6 =	vmul.f32 v6, v60;
	v3 =	vadd.f32 v7, v3;
	v7 =	vadd.f32 v13, v12;
	v12 =	vld [tilespmem:s24+$0xC1D0]  }
0x4a8: {  	v57 =	vadd.f32 v58, v57;
	v13 =	vld [tilespmem:s26+$0x4230];
	v8 =	vadd.f32 v8, v59  }
0x4a9: {  	v6 =	vadd.f32 $0.0e+00, v6;
	v3 =	vmul.f32 v3, v9;
	v7 =	vadd.f32 v7, v61;
	v9 =	vld [tilespmem:s24+$0xC1E0]  }
0x4aa: {  	v54 =	vadd.f32 v55, v54;
	v58 =	vld [tilespmem:s26+$0x4240];
	v10 =	vadd.f32 v10, v56  }
0x4ab: {  	s23 =	sadd.s32 $0x180, s23;
	v3 =	vadd.f32 v3, v6;
	v6 =	vmul.f32 v7, v11;
	v7 =	vadd.f32 v8, v57;
	v8 =	vld [tilespmem:s24+$0xC1F0]  }
0x4ac: {  	v51 =	vadd.f32 v52, v51;
	s23 =	sor.u32 $0xC400, s23;
	v11 =	vld [tilespmem:s26+$0x4250];
	v12 =	vadd.f32 v12, v53  }
0x4ad: {  	v3 =	vadd.f32 v6, v3;
	v6 =	vmul.f32 v7, v13;
	v7 =	vadd.f32 v10, v54;
	v10 =	vld [tilespmem:s23+$0x5200]  }
0x4ae: {  	v48 =	vadd.f32 v49, v48;
	v13 =	vld [tilespmem:s26+$0x4260];
	v9 =	vadd.f32 v9, v50  }
0x4af: {  	v3 =	vadd.f32 v6, v3;
	v6 =	vmul.f32 v7, v58;
	v7 =	vadd.f32 v12, v51;
	v12 =	vld [tilespmem:s23+$0x5210]  }
0x4b0: {  	v45 =	vadd.f32 v46, v45;
	s24 =	sor.u32 s25, s20;
	v49 =	vld [tilespmem:s26+$0x4270];
	v8 =	vadd.f32 v8, v47  }
0x4b1: {  	s24 =	sor.u32 $0x3400, s24;
	v3 =	vadd.f32 v6, v3;
	v6 =	vmul.f32 v7, v11;
	v7 =	vadd.f32 v9, v48;
	v9 =	vld [tilespmem:s23+$0x5220]  }
0x4b2: {  	v42 =	vadd.f32 v43, v42;
	v11 =	vld [tilespmem:s24+$0x1200];
	v10 =	vadd.f32 v10, v44  }
0x4b3: {  	v3 =	vadd.f32 v6, v3;
	v6 =	vmul.f32 v7, v13;
	v7 =	vadd.f32 v8, v45;
	v8 =	vld [tilespmem:s23+$0x5230]  }
0x4b4: {  	v39 =	vadd.f32 v40, v39;
	v13 =	vld [tilespmem:s24+$0x1210];
	v12 =	vadd.f32 v12, v41  }
0x4b5: {  	v3 =	vadd.f32 v6, v3;
	v6 =	vmul.f32 v7, v49;
	v7 =	vadd.f32 v10, v42;
	v10 =	vld [tilespmem:s23+$0x5240]  }
0x4b6: {  	v36 =	vadd.f32 v37, v36;
	v40 =	vld [tilespmem:s24+$0x1220];
	v9 =	vadd.f32 v9, v38  }
0x4b7: {  	v3 =	vadd.f32 v6, v3;
	v6 =	vmul.f32 v7, v11;
	v7 =	vadd.f32 v12, v39;
	v11 =	vld [tilespmem:s23+$0x5250]  }
0x4b8: {  	v33 =	vadd.f32 v34, v33;
	v12 =	vld [tilespmem:s24+$0x1230];
	v8 =	vadd.f32 v8, v35  }
0x4b9: {  	v3 =	vadd.f32 v6, v3;
	v6 =	vmul.f32 v7, v13;
	v7 =	vadd.f32 v9, v36;
	v9 =	vld [tilespmem:s23+$0x5260]  }
0x4ba: {  	v30 =	vadd.f32 v31, v30;
	v13 =	vld [tilespmem:s24+$0x1240];
	v10 =	vadd.f32 v10, v32  }
0x4bb: {  	v3 =	vadd.f32 v6, v3;
	v6 =	vmul.f32 v7, v40;
	v7 =	vadd.f32 v8, v33;
	v8 =	vld [tilespmem:s23+$0x5270]  }
0x4bc: {  	v27 =	vadd.f32 v28, v27;
	v31 =	vld [tilespmem:s24+$0x1250];
	v11 =	vadd.f32 v11, v29  }
0x4bd: {  	v3 =	vadd.f32 v6, v3;
	v6 =	vmul.f32 v7, v12;
	v7 =	vadd.f32 v10, v30  }
0x4be: {  	v12 =	vadd.f32 v25, v24;
	v10 =	vld [tilespmem:s24+$0x1260];
	v9 =	vadd.f32 v9, v26  }
0x4bf: {  	v3 =	vadd.f32 v6, v3;
	v6 =	vmul.f32 v7, v13;
	v7 =	vadd.f32 v11, v27  }
0x4c0: {  	v13 =	vadd.f32 v22, v21;
	v11 =	vld [tilespmem:s24+$0x1270];
	v8 =	vadd.f32 v8, v23  }
0x4c1: {  	v3 =	vadd.f32 v6, v3;
	v6 =	vmul.f32 v7, v31;
	v7 =	vadd.f32 v9, v12;
	_ =	sdelay $0x1  }
0x4c2: {  	v3 =	vadd.f32 v6, v3;
	v6 =	vmul.f32 v7, v10;
	v7 =	vadd.f32 v8, v13;
	_ =	sdelay $0x1  }
0x4c3: {  	p1 =	por !p1, !p1;
	s23 =	simm.s32 $0x1;
	v3 =	vadd.f32 v6, v3;
	v6 =	vmul.f32 v7, v11  }
0x4c4: {  	s23 =	simm.s32 @!p1 $0x0  }
0x4c5: {  	s23 =	sshll.u32 s23, $0x9;
	v3 =	vadd.f32 v6, v3  }
0x4c6: {  	s23 =	sadd.s32 s23, s21;
	s24 =	sshra.s32 s19, $0x2  }
0x4c7: {  	s25 =	sor.u32 $0xC400, s23;
	s26 =	sadd.s32 $0x80, s23;
	[tilespmem:s24+$0x15400] =	vst v3  }
0x4c8: {  	s24 =	sor.u32 $0xC400, s26;
	s26 =	sadd.s32 $0x100, s23;
	v21 =	vld [tilespmem:s25+$0x5270]  }
0x4c9: {  	s26 =	sor.u32 $0xC400, s26;
	v22 =	vld [tilespmem:s24+$0x5270]  }
0x4ca: {  	v23 =	vld [tilespmem:s26+$0x5270]  }
0x4cb: {  	v24 =	vld [tilespmem:s25+$0x5260]  }
0x4cc: {  	v25 =	vld [tilespmem:s24+$0x5260]  }
0x4cd: {  	v26 =	vld [tilespmem:s26+$0x5260]  }
0x4ce: {  	v27 =	vld [tilespmem:s25+$0x5250]  }
0x4cf: {  	v28 =	vld [tilespmem:s24+$0x5250]  }
0x4d0: {  	v29 =	vld [tilespmem:s26+$0x5250]  }
0x4d1: {  	v30 =	vld [tilespmem:s25+$0x5240]  }
0x4d2: {  	v31 =	vld [tilespmem:s24+$0x5240]  }
0x4d3: {  	v32 =	vld [tilespmem:s26+$0x5240]  }
0x4d4: {  	v33 =	vld [tilespmem:s25+$0x5230]  }
0x4d5: {  	v34 =	vld [tilespmem:s24+$0x5230]  }
0x4d6: {  	v35 =	vld [tilespmem:s26+$0x5230]  }
0x4d7: {  	v36 =	vld [tilespmem:s25+$0x5220]  }
0x4d8: {  	v37 =	vld [tilespmem:s24+$0x5220]  }
0x4d9: {  	v38 =	vld [tilespmem:s26+$0x5220]  }
0x4da: {  	v39 =	vld [tilespmem:s25+$0x5210]  }
0x4db: {  	v40 =	vld [tilespmem:s24+$0x5210]  }
0x4dc: {  	s19 =	sadd.s32 $0x200, s19;
	v41 =	vld [tilespmem:s26+$0x5210]  }
0x4dd: {  	s28 =	sand.u32 $0x3800, s21;
	s29 =	sand.u32 $0x200, s19;
	v42 =	vld [tilespmem:s25+$0x5200]  }
0x4de: {  	s25 =	sor.u32 s29, s28;
	v43 =	vld [tilespmem:s24+$0x5200]  }
0x4df: {  	s24 =	sadd.s32 $0x5200, s25;
	v44 =	vld [tilespmem:s26+$0x5200]  }
0x4e0: {  	v45 =	vld [tilespmem:s24+$0xC070]  }
0x4e1: {  	v46 =	vld [tilespmem:s24+$0xC0F0]  }
0x4e2: {  	v47 =	vld [tilespmem:s24+$0xC170]  }
0x4e3: {  	v48 =	vld [tilespmem:s24+$0xC060]  }
0x4e4: {  	v49 =	vld [tilespmem:s24+$0xC0E0]  }
0x4e5: {  	v50 =	vld [tilespmem:s24+$0xC160]  }
0x4e6: {  	v51 =	vld [tilespmem:s24+$0xC050]  }
0x4e7: {  	v52 =	vld [tilespmem:s24+$0xC0D0]  }
0x4e8: {  	v53 =	vld [tilespmem:s24+$0xC150]  }
0x4e9: {  	v54 =	vld [tilespmem:s24+$0xC040]  }
0x4ea: {  	v55 =	vld [tilespmem:s24+$0xC0C0]  }
0x4eb: {  	v56 =	vld [tilespmem:s24+$0xC140]  }
0x4ec: {  	s22 =	sadd.s32 $0x100, s22;
	s20 =	sadd.s32 $0x80, s20;
	v57 =	vld [tilespmem:s24+$0xC030]  }
0x4ed: {  	s25 =	sand.u32 $0x800, s22;
	s26 =	sand.u32 $0x380, s20;
	v58 =	vld [tilespmem:s24+$0xC0B0]  }
0x4ee: {  	s26 =	sor.u32 s26, s25;
	v59 =	vld [tilespmem:s24+$0xC130]  }
0x4ef: {  	v60 =	vld [tilespmem:s26+$0x4200]  }
.Ltmp9:
0x4f0: {  	v61 =	vld [tilespmem:s24+$0xC020];
	(pc) =	sbr.rel @p2 .LBB2_17-.Ltmp9, $4  }
0x4f1: {  	v62 =	vld [tilespmem:s24+$0xC0A0]  }
0x4f2: {  	v63 =	vld [tilespmem:s24+$0xC010]  }
0x4f3: {  	v3 =	vld [tilespmem:s24+$0xC090]  }
0x4f4: {  	s21 =	sadd.s32 $0x400, s21;
	v6 =	vld [tilespmem:s24+$0xC000]  }
0x4f5: {  	v7 =	vld [tilespmem:s24+$0xC080]  }
0x4f6: {  	v8 =	vld [tilespmem:s24+$0xC100]  }
0x4f7: {  	v9 =	vld [tilespmem:s24+$0xC180]  }
0x4f8: {  	v10 =	vld [tilespmem:s24+$0xC110]  }
0x4f9: {  	v11 =	vld [tilespmem:s24+$0xC190]  }
0x4fa: {  	v12 =	vld [tilespmem:s24+$0xC120]  }
0x4fb: {  	v13 =	vld [tilespmem:s24+$0xC1A0]  }
0x4fc: {  	v6 =	vadd.f32 v7, v6;
	v7 =	vadd.f32 v9, v8;
	v8 =	vld [tilespmem:s24+$0xC1B0]  }
0x4fd: {  	v3 =	vadd.f32 v3, v63;
	v9 =	vld [tilespmem:s26+$0x4210]  }
0x4fe: {  	v6 =	vadd.f32 v7, v6;
	v7 =	vadd.f32 v11, v10;
	v10 =	vld [tilespmem:s24+$0xC1C0]  }
0x4ff: {  	v11 =	vadd.f32 v62, v61;
	v61 =	vld [tilespmem:s26+$0x4220]  }
0x500: {  	v6 =	vmul.f32 v6, v60;
	v3 =	vadd.f32 v7, v3;
	v7 =	vadd.f32 v13, v12;
	v12 =	vld [tilespmem:s24+$0xC1D0]  }
0x501: {  	v13 =	vadd.f32 v58, v57;
	v57 =	vld [tilespmem:s26+$0x4230];
	v8 =	vadd.f32 v8, v59  }
0x502: {  	v60 =	vld [tilespmem:s24+$0xC1E0];
	v3 =	vmul.f32 v3, v9;
	v6 =	vadd.f32 $0.0e+00, v6;
	v7 =	vadd.f32 v7, v11  }
0x503: {  	v63 =	vld [tilespmem:s26+$0x4240];
	v62 =	vadd.f32 v55, v54;
	v10 =	vadd.f32 v10, v56  }
0x504: {  	s21 =	sadd.s32 $0x180, s23;
	v55 =	vld [tilespmem:s24+$0xC1F0];
	v3 =	vadd.f32 v3, v6;
	v6 =	vmul.f32 v7, v61;
	v7 =	vadd.f32 v8, v13  }
0x505: {  	s21 =	sor.u32 $0xC400, s21;
	v56 =	vld [tilespmem:s26+$0x4250];
	v13 =	vadd.f32 v52, v51;
	v12 =	vadd.f32 v12, v53  }
0x506: {  	v3 =	vadd.f32 v6, v3;
	v6 =	vmul.f32 v7, v57;
	v7 =	vadd.f32 v10, v62;
	v57 =	vld [tilespmem:s21+$0x5200]  }
0x507: {  	v58 =	vadd.f32 v49, v48;
	v59 =	vld [tilespmem:s26+$0x4260];
	v9 =	vadd.f32 v60, v50  }
0x508: {  	v3 =	vadd.f32 v6, v3;
	v6 =	vmul.f32 v7, v63;
	v7 =	vadd.f32 v12, v13;
	v12 =	vld [tilespmem:s21+$0x5210]  }
0x509: {  	s20 =	sor.u32 s25, s20;
	v8 =	vadd.f32 v55, v47;
	v60 =	vld [tilespmem:s26+$0x4270];
	v13 =	vadd.f32 v46, v45  }
0x50a: {  	s20 =	sor.u32 $0x3400, s20;
	v61 =	vld [tilespmem:s21+$0x5220];
	v3 =	vadd.f32 v6, v3;
	v6 =	vmul.f32 v7, v56;
	v7 =	vadd.f32 v9, v58  }
0x50b: {  	v62 =	vadd.f32 v43, v42;
	v63 =	vld [tilespmem:s20+$0x1200];
	v10 =	vadd.f32 v57, v44  }
0x50c: {  	v46 =	vld [tilespmem:s21+$0x5230];
	v3 =	vadd.f32 v6, v3;
	v6 =	vmul.f32 v7, v59;
	v7 =	vadd.f32 v8, v13  }
0x50d: {  	v47 =	vld [tilespmem:s20+$0x1210];
	v13 =	vadd.f32 v40, v39;
	v12 =	vadd.f32 v12, v41  }
0x50e: {  	v48 =	vld [tilespmem:s21+$0x5240];
	v3 =	vadd.f32 v6, v3;
	v6 =	vmul.f32 v7, v60;
	v7 =	vadd.f32 v10, v62  }
0x50f: {  	v49 =	vadd.f32 v37, v36;
	v50 =	vld [tilespmem:s20+$0x1220];
	v9 =	vadd.f32 v61, v38  }
0x510: {  	v3 =	vadd.f32 v6, v3;
	v6 =	vmul.f32 v7, v63;
	v7 =	vadd.f32 v12, v13;
	v12 =	vld [tilespmem:s21+$0x5250]  }
0x511: {  	v51 =	vld [tilespmem:s20+$0x1230];
	v8 =	vadd.f32 v46, v35;
	v13 =	vadd.f32 v34, v33  }
0x512: {  	v52 =	vld [tilespmem:s21+$0x5260];
	v3 =	vadd.f32 v6, v3;
	v6 =	vmul.f32 v7, v47;
	v7 =	vadd.f32 v9, v49  }
0x513: {  	v54 =	vld [tilespmem:s20+$0x1240];
	v53 =	vadd.f32 v31, v30;
	v10 =	vadd.f32 v48, v32  }
0x514: {  	v55 =	vld [tilespmem:s21+$0x5270];
	v3 =	vadd.f32 v6, v3;
	v6 =	vmul.f32 v7, v50;
	v7 =	vadd.f32 v8, v13  }
0x515: {  	v56 =	vld [tilespmem:s20+$0x1250];
	v13 =	vadd.f32 v28, v27;
	v12 =	vadd.f32 v12, v29  }
0x516: {  	v3 =	vadd.f32 v6, v3;
	v6 =	vmul.f32 v7, v51;
	v7 =	vadd.f32 v10, v53  }
0x517: {  	v58 =	vld [tilespmem:s20+$0x1260];
	v57 =	vadd.f32 v25, v24;
	v9 =	vadd.f32 v52, v26  }
0x518: {  	v3 =	vadd.f32 v6, v3;
	v6 =	vmul.f32 v7, v54;
	v7 =	vadd.f32 v12, v13  }
0x519: {  	v8 =	vadd.f32 v55, v23;
	v12 =	vadd.f32 v22, v21;
	v13 =	vld [tilespmem:s20+$0x1270]  }
0x51a: {  	v3 =	vadd.f32 v6, v3;
	v6 =	vmul.f32 v7, v56;
	v7 =	vadd.f32 v9, v57;
	_ =	sdelay $0x1  }
0x51b: {  	v3 =	vadd.f32 v6, v3;
	v6 =	vmul.f32 v7, v58;
	v7 =	vadd.f32 v8, v12;
	_ =	sdelay $0x1  }
0x51c: {  	v3 =	vadd.f32 v6, v3;
	v6 =	vmul.f32 v7, v13;
	_ =	sdelay $0x1  }
0x51d: {  	v3 =	vadd.f32 v6, v3;
	v6 =	vld [tilespmem:$0x1FF70];
	_ =	sdelay $0x1  }
0x51e: {  	v7 =	vld [tilespmem:$0x1FF80];
	_ =	sdelay $0x1  }
0x51f: {  	s19 =	sshra.s32 s19, $0x2  }
0x520: {  	[tilespmem:s19+$0x15400] =	vst v3  }
0x521: {  	v3 =	vld.idx.msk [tilespmem:v14+s13+$0x0], $0xffff;
	_ =	sdelay $0x1  }
0x522: {  	v6 =	vld.idx.msk [tilespmem:v6+s13+$0x0], $0xffff;
	_ =	sdelay $0x1  }
0x523: {  	v7 =	vld.idx.msk [tilespmem:v7+s13+$0x0], $0xffff  }
0x524: {  	v59 =	vld [tilespmem:$0x1FF90];
	v3 =	vadd.f32 $0.0e+00, v3;
	_ =	sdelay $0x1  }
0x525: {  	v3 =	vadd.f32 v6, v3;
	v6 =	vld [tilespmem:$0x1FFA0];
	_ =	sdelay $0x1  }
0x526: {  	v3 =	vadd.f32 v7, v3;
	v7 =	vld [tilespmem:$0x1FFB0];
	_ =	sdelay $0x3  }
0x527: {  	v8 =	vld.idx.msk [tilespmem:v59+s13+$0x0], $0xffff;
	_ =	sdelay $0x1  }
0x528: {  	v6 =	vld.idx.msk [tilespmem:v6+s13+$0x0], $0xffff;
	_ =	sdelay $0x1  }
0x529: {  	v7 =	vld.idx.msk [tilespmem:v7+s13+$0x0], $0xffff  }
0x52a: {  	v60 =	vld [tilespmem:$0x1FFC0];
	v3 =	vadd.f32 v8, v3;
	_ =	sdelay $0x1  }
0x52b: {  	v3 =	vadd.f32 v6, v3;
	v6 =	vld [tilespmem:$0x1FFD0];
	_ =	sdelay $0x1  }
0x52c: {  	v3 =	vadd.f32 v7, v3;
	v7 =	vld [tilespmem:$0x1FFE0];
	_ =	sdelay $0x1  }
0x52d: {  	v61 =	vld [tilespmem:$0x1FFF0];
	_ =	sdelay $0x1  }
0x52e: {  	v8 =	vld.idx.msk [tilespmem:v60+s13+$0x0], $0xffff;
	_ =	sdelay $0x1  }
0x52f: {  	v6 =	vld.idx.msk [tilespmem:v6+s13+$0x0], $0xffff;
	_ =	sdelay $0x1  }
0x530: {  	v7 =	vld.idx.msk [tilespmem:v7+s13+$0x0], $0xffff  }
0x531: {  	v3 =	vadd.f32 v8, v3  }
0x532: {  	v8 =	vld.idx.msk [tilespmem:v61+s13+$0x0], $0xffff  }
0x533: {  	v3 =	vadd.f32 v6, v3  }
0x534: {  	v6 =	vld.idx.msk [tilespmem:v15+s13+$0x0], $0xffff  }
0x535: {  	v3 =	vadd.f32 v7, v3  }
0x536: {  	v7 =	vld.idx.msk [tilespmem:v16+s13+$0x0], $0xffff  }
0x537: {  	v3 =	vadd.f32 v8, v3  }
0x538: {  	v62 =	vld.idx.msk [tilespmem:v17+s13+$0x0], $0xffff  }
0x539: {  	v3 =	vadd.f32 v6, v3  }
0x53a: {  	v6 =	vld.idx.msk [tilespmem:v18+s13+$0x0], $0xffff  }
0x53b: {  	v3 =	vadd.f32 v7, v3  }
0x53c: {  	v7 =	vld.idx.msk [tilespmem:v19+s13+$0x0], $0xffff  }
0x53d: {  	v3 =	vadd.f32 v62, v3  }
0x53e: {  	v63 =	vld.idx.msk [tilespmem:v20+s13+$0x0], $0xffff  }
0x53f: {  	v3 =	vadd.f32 v6, v3;
	_ =	sdelay $0x1  }
0x540: {  	v3 =	vadd.f32 v7, v3;
	_ =	sdelay $0x1  }
.Ltmp10:
0x541: {  	v3 =	vadd.f32 v63, v3;
	(pc) =	sbr.rel @p0 .LBB2_20-.Ltmp10, $3  }
0x542: {  	_ = 	snop  }
0x543: {  	v3 =	vmul.f32 $2.500000000e-01, v3;
	_ =	sdelay $0x1  }
0x544: {  	[tilespmem:s18+$0x15230] =	vst v3  }
0x545: {  	s5 =	sadd.s32 $0x7, s5  }
0x546: {  	s18 =	sshll.u32 s5, $0x4  }
0x547: {  	s18 =	sand.u32 $0x3F0, s18  }
0x548: {  	v3 =	vld [tilespmem:s18+$0x0];
	_ =	sdelay $0x4  }
0x549: {  	v6 =	vshll.u32 v3, $0x1  }
0x54a: {  	v3 =	vand.u32 $0x7, v3;
	v6 =	vand.u32 $0xFFFFFFF0, v6  }
0x54b: {  	v3 =	vor.u32 v3, v6  }
0x54c: {  	v6 =	vperm.xlane v3, v2;
	_ =	sdelay $0x1  }
0x54d: {  	v3 =	vperm.xlane v3, v5;
	v6 =	vadd.s32 v4, v6;
	_ =	sdelay $0x1  }
0x54e: {  	v3 =	vadd.s32 v4, v3;
	_ =	sdelay $0x1  }
0x54f: {  	s23 =	simm.s32 $0x4200;
	s5 =	sshll.u32 s5, $0x6  }
0x550: {  	[tilespmem:s23], [sflag:$0x4] =	stream.indirect_vreg.gather [hbm4b:s1+s4], $0x80, v6, vm0, $0xb8;
	[tilespmem:$0x15C00] =	vst v63  }
0x551: {  	s24 =	simm.s32 $0x4A00;
	s5 =	sand.u32 $0xF80, s5  }
0x552: {  	[tilespmem:s24], [sflag:$0x4] =	stream.indirect_vreg.gather [hbm4b:s1+s4], $0x80, v3, vm0, $0xb8;
	[tilespmem:$0x15C00] =	vst v63  }
0x553: {  	v3 =	vld [tilespmem:s5+$0xA40];
	_ =	sdelay $0x4  }
0x554: {  	v6 =	vshll.u32 v3, $0x1  }
0x555: {  	v3 =	vand.u32 $0x7, v3;
	v6 =	vand.u32 $0xFFFFFFF0, v6  }
0x556: {  	v3 =	vor.u32 v3, v6  }
0x557: {  	v6 =	vperm.xlane v3, v2;
	_ =	sdelay $0x1  }
0x558: {  	v3 =	vperm.xlane v3, v5;
	v6 =	vadd.s32 v4, v6;
	_ =	sdelay $0x1  }
0x559: {  	v3 =	vadd.s32 v4, v3;
	_ =	sdelay $0x1  }
0x55a: {  	s25 =	simm.s32 $0x11200  }
0x55b: {  	[tilespmem:s25], [sflag:$0x8] =	stream.indirect_vreg.gather [hbm4b:s2+s4], $0x80, v6, vm0, $0xb8;
	[tilespmem:$0x15C00] =	vst v63  }
0x55c: {  	s26 =	simm.s32 $0x11A00  }
0x55d: {  	[tilespmem:s26], [sflag:$0x8] =	stream.indirect_vreg.gather [hbm4b:s2+s4], $0x80, v3, vm0, $0xb8;
	[tilespmem:$0x15C00] =	vst v63  }
0x55e: {  	v3 =	vld [tilespmem:s5+$0xA50];
	_ =	sdelay $0x4  }
0x55f: {  	v6 =	vshll.u32 v3, $0x1  }
0x560: {  	v3 =	vand.u32 $0x7, v3;
	v6 =	vand.u32 $0xFFFFFFF0, v6  }
0x561: {  	v3 =	vor.u32 v3, v6  }
0x562: {  	v6 =	vperm.xlane v3, v2;
	_ =	sdelay $0x1  }
0x563: {  	v3 =	vperm.xlane v3, v5;
	v6 =	vadd.s32 v4, v6;
	_ =	sdelay $0x1  }
0x564: {  	v3 =	vadd.s32 v4, v3;
	_ =	sdelay $0x1  }
0x565: {  	s28 =	simm.s32 $0x12200  }
0x566: {  	[tilespmem:s28], [sflag:$0x8] =	stream.indirect_vreg.gather [hbm4b:s2+s4], $0x80, v6, vm0, $0xb8;
	[tilespmem:$0x15C00] =	vst v63  }
0x567: {  	s29 =	simm.s32 $0x12A00  }
0x568: {  	[tilespmem:s29], [sflag:$0x8] =	stream.indirect_vreg.gather [hbm4b:s2+s4], $0x80, v3, vm0, $0xb8;
	[tilespmem:$0x15C00] =	vst v63  }
0x569: {  	v3 =	vld [tilespmem:s5+$0xA60];
	_ =	sdelay $0x4  }
0x56a: {  	v6 =	vshll.u32 v3, $0x1  }
0x56b: {  	v3 =	vand.u32 $0x7, v3;
	v6 =	vand.u32 $0xFFFFFFF0, v6  }
0x56c: {  	v3 =	vor.u32 v3, v6  }
0x56d: {  	v6 =	vperm.xlane v3, v2;
	_ =	sdelay $0x1  }
0x56e: {  	v3 =	vperm.xlane v3, v5;
	v6 =	vadd.s32 v4, v6;
	_ =	sdelay $0x1  }
0x56f: {  	v3 =	vadd.s32 v4, v3;
	_ =	sdelay $0x2  }
0x570: {  	[tilespmem:s30], [sflag:$0x8] =	stream.indirect_vreg.gather [hbm4b:s2+s4], $0x80, v6, vm0, $0xb8;
	[tilespmem:$0x15C00] =	vst v63  }
0x571: {  	_ = 	snop  }
0x572: {  	[tilespmem:s31], [sflag:$0x8] =	stream.indirect_vreg.gather [hbm4b:s2+s4], $0x80, v3, vm0, $0xb8;
	[tilespmem:$0x15C00] =	vst v63  }
0x573: {  	v3 =	vld [tilespmem:s5+$0xA70];
	_ =	sdelay $0x4  }
0x574: {  	v6 =	vshll.u32 v3, $0x1  }
0x575: {  	v3 =	vand.u32 $0x7, v3;
	v6 =	vand.u32 $0xFFFFFFF0, v6  }
0x576: {  	v3 =	vor.u32 v3, v6  }
0x577: {  	v6 =	vperm.xlane v3, v2;
	_ =	sdelay $0x1  }
0x578: {  	v3 =	vperm.xlane v3, v5;
	v6 =	vadd.s32 v4, v6;
	_ =	sdelay $0x1  }
0x579: {  	v3 =	vadd.s32 v4, v3  }
.Ltmp11:
0x57a: {  	_ = 	snop;
	(pc) =	sbr.rel .LBB2_4-.Ltmp11, $4  }
0x57b: {  	_ = 	snop  }
0x57c: {  	[tilespmem:s0], [sflag:$0x8] =	stream.indirect_vreg.gather [hbm4b:s2+s4], $0x80, v6, vm0, $0xb8;
	[tilespmem:$0x15C00] =	vst v63  }
0x57d: {  	s11 =	sadd.s32 $0x1, s11  }
0x57e: {  	[tilespmem:s3], [sflag:$0x8] =	stream.indirect_vreg.gather [hbm4b:s2+s4], $0x80, v3, vm0, $0xb8;
	[tilespmem:$0x15C00] =	vst v63  }
.LBB2_21:
0x57f: {  	_ =	sfence.sel $0x180000  }
0x580: {  	[bflag:$0x0] =	sbarrier.arrive $0xFFFF  }
0x581: {  	_ =	strace $0x90000047  }
0x582: {  	s0 =	stileid.u32;
	[bflag:$0x2] =	sbarrier.arrive $0xFFFF  }
0x583: {  	p0 =	sne.s32 s0, $0x0;
	s0 =	rddreg [dreg:$0x5]  }
0x584: {  	s0 =	sadd.s32 @!p0 $0x100000, s0  }
0x585: {  	[sflag:s0] =	ssyncadd.tile.s32 @!p0 $0x1;
	_ =	shalt  }
.Lfunc_end2:
_tile_overlayer_lowered:
.L_overlay_start_2:
0x586: {  	(tag) =	ssettag $0x2  }
0x587: {  	s0 =	rddreg [dreg:$0x0];
	s2 =	stileid.u32  }
0x588: {  	s1 =	rddreg [dreg:$0x1];
	p0 =	sne.s32 s2, $0x0  }
0x589: {  	s3 =	rddreg [dreg:$0x2];
	[bflag:$0x3] =	sbarrier.arrive $0xFFFF;
	s2 =	simm.s32 @!p0 $0x1C09  }
0x58a: {  	[timem:s3], [sflag:s2] =	dma.local @!p0 [hbm:s0], s1  }
0x58b: {  	s0 =	simm.s32 @!p0 $0x9  }
0x58c: {  	_ =	swait.ge @!p0 [sflag:s0], s1  }
0x58d: {  	s1 =	ssub.s32 @!p0 $0x0, s1;
	[sflag:s0] =	ssyncset.done @!p0 $0x0  }
0x58e: {  	[sflag:s0] =	ssyncadd.s32 @!p0 s1  }
0x58f: {  	[bflag:$0x3] =	sbarrier.arrive $0xFFFF  }
0x590: {  	_ =	shalt  }

</sc_bundles>
